<compile_context>
chip_gen: v7x
topology: tpu7x:2x2x1
jax: 0.10.2.dev20260603
libtpu: 0.0.44.dev20260713+nightly
codegen_flags: <defaults>
</compile_context>

<pallas_src>
import jax
import jax.numpy as jnp
from jax import lax
from jax.experimental import pallas as pl
from jax.experimental.pallas import tpu as pltpu
from jax.experimental.pallas import tpu_sc as plsc

N = 10000
E = 320000
H = 128
ED = 16
G = 64

NC = 2
NS = 16
NW = NC * NS
EPW = E // NW
CH = 80
NCHUNK = EPW // CH
RPS = 632
NPAD = NS * RPS


def _precompute_body(ns_ref, w1mn_ref, gs_ref, w1mg_ref, b1m_ref,
                     w1ug_ref, b1u_ref, p_ref, cm_ref, cu_ref):
    p_ref[...] = jnp.dot(ns_ref[...], w1mn_ref[...],
                         preferred_element_type=jnp.float32)
    g = gs_ref[...]
    cm_ref[...] = jnp.dot(g, w1mg_ref[...],
                          preferred_element_type=jnp.float32) + b1m_ref[...]
    cu_ref[...] = jnp.dot(g, w1ug_ref[...],
                          preferred_element_type=jnp.float32) + b1u_ref[...]


def _precompute(ns, w1mn, gs, w1mg, b1m, w1ug, b1u):
    return pl.pallas_call(
        _precompute_body,
        out_shape=[
            jax.ShapeDtypeStruct((N, H), jnp.float32),
            jax.ShapeDtypeStruct((1, H), jnp.float32),
            jax.ShapeDtypeStruct((1, H), jnp.float32),
        ],
    )(ns, w1mn, gs, w1mg, b1m, w1ug, b1u)


_QBLK = 1600


def _q_body(es_ref, w1me_ref, cm_ref, q_ref):
    q_ref[...] = jnp.dot(es_ref[...], w1me_ref[...],
                         preferred_element_type=jnp.float32) + cm_ref[...]


def _q_kernel(es, w1me, cm):
    grid = (E // _QBLK,)
    return pl.pallas_call(
        _q_body,
        grid=grid,
        in_specs=[
            pl.BlockSpec((_QBLK, ED), lambda i: (i, 0)),
            pl.BlockSpec((ED, H), lambda i: (0, 0)),
            pl.BlockSpec((1, H), lambda i: (0, 0)),
        ],
        out_specs=pl.BlockSpec((_QBLK, H), lambda i: (i, 0)),
        out_shape=jax.ShapeDtypeStruct((E, H), jnp.float32),
    )(es, w1me, cm)


def _sc_body(p_hbm, q_hbm, src_hbm, dst_hbm,
             s_out, deg_out,
             src0, src1, src2, dst0, dst1, dst2, hb0, hb1, hb2,
             ones_v, dbuf, s_sh, deg_sh,
             semq, semsi, semdi, semg, sems, semd):
    c = lax.axis_index("c")
    s = lax.axis_index("s")
    wid = s * NC + c
    row0 = pl.multiple_of(s * RPS, 8)
    SV = (src0, src1, src2)
    DV = (dst0, dst1, dst2)
    HB = (hb0, hb1, hb2)

    def zero_row(r, cc):
        for cb in range(H // 16):
            hb0[r, pl.ds(cb * 16, 16)] = jnp.zeros((16,), jnp.float32)
        return cc

    lax.fori_loop(0, CH, zero_row, 0)
    for k in range(640 // 16):
        dbuf[pl.ds(k * 16, 16)] = jnp.zeros((16,), jnp.float32)
    for k in range(128 // 16):
        ones_v[pl.ds(k * 16, 16)] = jnp.ones((16,), jnp.float32)
    off = 0
    for ln in (CH,) * (RPS // CH) + (RPS % CH,):
        pltpu.sync_copy(hb0.at[pl.ds(0, ln)],
                        s_sh.at[pl.ds(row0 + off, ln)])
        off += ln
    pltpu.sync_copy(dbuf.at[pl.ds(0, RPS)], deg_sh.at[pl.ds(row0, RPS)])
    plsc.subcore_barrier()

    def q_start(j, b):
        base = pl.multiple_of(wid * EPW + j * CH, 16)
        pltpu.async_copy(q_hbm.at[pl.ds(base, CH)], HB[b], semq.at[b])
        pltpu.async_copy(src_hbm.at[pl.ds(base, CH)], SV[b], semsi.at[b])
        pltpu.async_copy(dst_hbm.at[pl.ds(base, CH)], DV[b], semdi.at[b])

    def q_wait(b):
        pltpu.make_async_copy(q_hbm.at[pl.ds(0, CH)], HB[b],
                              semq.at[b]).wait()
        pltpu.make_async_copy(src_hbm.at[pl.ds(0, CH)], SV[b],
                              semsi.at[b]).wait()
        pltpu.make_async_copy(dst_hbm.at[pl.ds(0, CH)], DV[b],
                              semdi.at[b]).wait()

    def g_start(b):
        pltpu.async_copy(p_hbm.at[SV[b]], HB[b], semg.at[b], add=True)

    def g_wait(b):
        pltpu.make_async_copy(p_hbm.at[SV[b]], HB[b], semg.at[b]).wait()

    def combine(b):
        buf = HB[b]

        @plsc.parallel_loop(0, CH, step=1, unroll=4)
        def _(r):
            for cb in range(H // 16):
                sl = pl.ds(cb * 16, 16)
                buf[r, sl] = jnp.maximum(buf[r, sl], 0.0)

    def s_start(b):
        pltpu.async_copy(HB[b], s_sh.at[DV[b]], sems.at[b], add=True)
        pltpu.async_copy(ones_v.at[pl.ds(0, CH)], deg_sh.at[DV[b]],
                         semd.at[b], add=True)

    def s_wait(b):
        pltpu.make_async_copy(HB[b], s_sh.at[DV[b]], sems.at[b]).wait()
        pltpu.make_async_copy(ones_v.at[pl.ds(0, CH)], deg_sh.at[DV[b]],
                              semd.at[b]).wait()

    def step(j, r, g_prefetch=True, q_prefetch=True, wait_m=True):
        p, n, m = r, (r + 1) % 3, (r + 2) % 3
        if g_prefetch:
            q_wait(n)
            g_start(n)
        g_wait(p)
        combine(p)
        s_start(p)
        if wait_m:
            s_wait(m)
        if q_prefetch:
            q_start(j + 2, m)

    q_start(0, 0)
    q_wait(0)
    g_start(0)
    q_start(1, 1)
    step(0, 0, wait_m=False)
    step(1, 1)
    step(2, 2)

    def triple(i, cc):
        j0 = i * 3
        step(j0, 0)
        step(j0 + 1, 1)
        step(j0 + 2, 2)
        return cc

    lax.fori_loop(1, (NCHUNK - 2) // 3, triple, 0)
    step(NCHUNK - 2, 0, q_prefetch=False)
    step(NCHUNK - 1, 1, g_prefetch=False, q_prefetch=False)
    s_wait(1)
    plsc.subcore_barrier()

    off = 0
    for ln in (CH,) * (RPS // CH) + (RPS % CH,):
        pltpu.sync_copy(s_sh.at[pl.ds(row0 + off, ln)],
                        hb0.at[pl.ds(0, ln)])
        pltpu.sync_copy(hb0.at[pl.ds(0, ln)],
                        s_out.at[c, pl.ds(row0 + off, ln)])
        off += ln
    pltpu.sync_copy(deg_sh.at[pl.ds(row0, RPS)], dbuf.at[pl.ds(0, RPS)])
    dout0 = pl.multiple_of(c * NPAD + row0, 8)
    pltpu.sync_copy(dbuf.at[pl.ds(0, RPS)], deg_out.at[pl.ds(dout0, RPS)])


def _sc_scatter(p, q, src, dst):
    mesh = plsc.VectorSubcoreMesh(core_axis_name="c", subcore_axis_name="s")
    fn = pl.kernel(
        _sc_body,
        out_type=[
            jax.ShapeDtypeStruct((NC, NPAD, H), jnp.float32),
            jax.ShapeDtypeStruct((NC * NPAD,), jnp.float32),
        ],
        mesh=mesh,
        scratch_types=(
            [pltpu.VMEM((CH,), jnp.int32)] * 6
            + [pltpu.VMEM((CH, H), jnp.float32)] * 3
            + [pltpu.VMEM((128,), jnp.float32),
               pltpu.VMEM((640,), jnp.float32),
               pltpu.VMEM_SHARED((NPAD, H), jnp.float32),
               pltpu.VMEM_SHARED((NPAD,), jnp.float32)]
            + [pltpu.SemaphoreType.DMA((3,))] * 6
        ),
    )
    return fn(p, q, src, dst)


_BBLK = 2000


def _final_body(s_ref, deg_ref, ns_ref, w2m_ref,
                b2m_ref, w1un_ref, w1ua_ref, cu_ref, w2u_ref, b2u_ref,
                gamma_ref, beta_ref, out_ref):
    s_sum = s_ref[0] + s_ref[1]
    deg = deg_ref[0, 0] + deg_ref[1, 0]
    aggsum = jnp.dot(s_sum, w2m_ref[...],
                     preferred_element_type=jnp.float32) + deg * b2m_ref[...]
    agg = aggsum / jnp.maximum(deg, 1.0)
    ns = ns_ref[...]
    u = jnp.dot(ns, w1un_ref[...], preferred_element_type=jnp.float32)
    u += jnp.dot(agg, w1ua_ref[...], preferred_element_type=jnp.float32)
    u = jnp.maximum(u + cu_ref[...], 0.0)
    delta = jnp.dot(u, w2u_ref[...],
                    preferred_element_type=jnp.float32) + b2u_ref[...]
    x = ns + delta
    mu = jnp.mean(x, axis=-1, keepdims=True)
    xc = x - mu
    var = jnp.mean(xc * xc, axis=-1, keepdims=True)
    out_ref[...] = xc * lax.rsqrt(var + 1e-5) * gamma_ref[...] + beta_ref[...]


def _finalize(s_parts, degr, ns, w2m, b2m, w1un, w1ua, cu, w2u, b2u,
              gamma, beta):
    grid = (N // _BBLK,)
    full = lambda shape: pl.BlockSpec(shape, lambda i: tuple(0 for _ in shape))
    return pl.pallas_call(
        _final_body,
        grid=grid,
        in_specs=[
            pl.BlockSpec((NC, _BBLK, H), lambda i: (0, i, 0)),
            pl.BlockSpec((NC, 1, _BBLK, 1), lambda i: (0, i, 0, 0)),
            pl.BlockSpec((_BBLK, H), lambda i: (i, 0)),
            full((H, H)),
            full((1, H)),
            full((H, H)),
            full((H, H)),
            full((1, H)),
            full((H, H)),
            full((1, H)),
            full((1, H)),
            full((1, H)),
        ],
        out_specs=pl.BlockSpec((_BBLK, H), lambda i: (i, 0)),
        out_shape=jax.ShapeDtypeStruct((N, H), jnp.float32),
    )(s_parts, degr, ns, w2m, b2m, w1un, w1ua, cu, w2u, b2u, gamma, beta)


def kernel(node_state, edge_index, edge_state, global_state,
           W1m, b1m, W2m, b2m, W1u, b1u, W2u, b2u, gamma, beta):
    src = edge_index[0]
    dst = edge_index[1]
    w1mn, w1me, w1mg = W1m[:H], W1m[H:H + ED], W1m[H + ED:]
    w1un, w1ua, w1ug = W1u[:H], W1u[H:2 * H], W1u[2 * H:]
    gs = global_state.reshape(1, G)
    b1ur = b1u.reshape(1, H)

    b1mr = b1m.reshape(1, H)

    p, cm, cu = _precompute(node_state, w1mn, gs, w1mg, b1mr, w1ug, b1ur)
    q = _q_kernel(edge_state, w1me, cm)
    s_parts, deg_parts = _sc_scatter(p, q, src, dst)
    degr = deg_parts.reshape(NC, NPAD)[:, :N].reshape(NC, N // _BBLK, _BBLK, 1)
    return _finalize(s_parts, degr, node_state, W2m, b2m.reshape(1, H),
                     w1un, w1ua, cu, W2u, b2u.reshape(1, H),
                     gamma.reshape(1, H), beta.reshape(1, H))

# --- scband reference (transcript-rebuilt; emitter-appended) ---
"""Pipeline reference for scband-edge-message-passing-layer-180388626631 (READ-ONLY COPY).

The authoritative reference and input builder live on the scoring server;
editing this copy changes nothing except your own understanding.
"""

import jax, jax.numpy as jnp
import numpy as np

N = 10000
E = 320000
H = 128
ED = 16
G = 64


def _init_linear(key, in_dim, out_dim):
    k1, k2 = jax.random.split(key)
    bound = 1.0 / np.sqrt(in_dim)
    W = jax.random.uniform(k1, (in_dim, out_dim), minval=-bound, maxval=bound, dtype=jnp.float32)
    b = jax.random.uniform(k2, (out_dim,), minval=-bound, maxval=bound, dtype=jnp.float32)
    return W, b


def setup_inputs(seed: int = 0) -> dict:
    key = jax.random.key(seed)
    ks = jax.random.split(key, 10)
    node_state = jax.random.normal(ks[0], (N, H), dtype=jnp.float32)
    edge_index = jax.random.randint(ks[1], (2, E), 0, N, dtype=jnp.int32)
    edge_state = jax.random.normal(ks[2], (E, ED), dtype=jnp.float32)
    global_state = jax.random.normal(ks[3], (G,), dtype=jnp.float32)
    W1m, b1m = _init_linear(ks[4], H + ED + G, H)
    W2m, b2m = _init_linear(ks[5], H, H)
    W1u, b1u = _init_linear(ks[6], H + H + G, H)
    W2u, b2u = _init_linear(ks[7], H, H)
    gamma = jnp.ones((H,), dtype=jnp.float32)
    beta = jnp.zeros((H,), dtype=jnp.float32)
    return {
        "node_state": node_state,
        "edge_index": edge_index,
        "edge_state": edge_state,
        "global_state": global_state,
        "W1m": W1m, "b1m": b1m, "W2m": W2m, "b2m": b2m,
        "W1u": W1u, "b1u": b1u, "W2u": W2u, "b2u": b2u,
        "gamma": gamma, "beta": beta,
    }


def reference(node_state, edge_index, edge_state, global_state,
              W1m, b1m, W2m, b2m, W1u, b1u, W2u, b2u, gamma, beta):
    src = edge_index[0]
    dst = edge_index[1]
    num_nodes = node_state.shape[0]
    num_edges = edge_state.shape[0]
    hidden_dim = node_state.shape[1]
    # message MLP: Linear -> ReLU -> Linear
    global_edges = jnp.broadcast_to(global_state[None, :], (num_edges, global_state.shape[0]))
    message_input = jnp.concatenate([node_state[src], edge_state, global_edges], axis=-1)
    h = jax.nn.relu(message_input @ W1m + b1m)
    messages = h @ W2m + b2m
    # scatter-add aggregation by dst
    aggregated = jnp.zeros((num_nodes, hidden_dim), dtype=node_state.dtype).at[dst].add(messages)
    degree = jnp.zeros((num_nodes, 1), dtype=node_state.dtype).at[dst].add(
        jnp.ones((num_edges, 1), dtype=node_state.dtype))
    aggregated = aggregated / jnp.maximum(degree, 1.0)
    # update MLP
    global_nodes = jnp.broadcast_to(global_state[None, :], (num_nodes, global_state.shape[0]))
    update_input = jnp.concatenate([node_state, aggregated, global_nodes], axis=-1)
    h2 = jax.nn.relu(update_input @ W1u + b1u)
    delta = h2 @ W2u + b2u
    # residual + LayerNorm
    x = node_state + delta
    mu = jnp.mean(x, axis=-1, keepdims=True)
    var = jnp.var(x, axis=-1, keepdims=True)
    out = (x - mu) / jnp.sqrt(var + 1e-5) * gamma + beta
    return out

if __name__ == "__main__":
    import jax
    _d = setup_inputs()
    print(jax.jit(kernel)(*tuple(_d.values())))

</pallas_src>

<mosaic_0001>
#map = affine_map<(d0, d1) -> (0, 0)>
#map1 = affine_map<(d0, d1) -> (0)>
#map2 = affine_map<(d0, d1) -> (0, 0, 0)>
module attributes {stable_mosaic.version = 14 : i64} {
  func.func @_sc_body(%arg0: i32, %arg1: i32, %arg2: memref<10000x128xf32, #tpu.memory_space<hbm>>, %arg3: memref<320000x128xf32, #tpu.memory_space<hbm>>, %arg4: memref<320000xi32, #tpu.memory_space<hbm>>, %arg5: memref<320000xi32, #tpu.memory_space<hbm>>, %arg6: memref<2x10112x128xf32, #tpu.memory_space<hbm>>, %arg7: memref<20224xf32, #tpu.memory_space<hbm>>, %arg8: memref<80xi32, #tpu.memory_space<vmem>>, %arg9: memref<80xi32, #tpu.memory_space<vmem>>, %arg10: memref<80xi32, #tpu.memory_space<vmem>>, %arg11: memref<80xi32, #tpu.memory_space<vmem>>, %arg12: memref<80xi32, #tpu.memory_space<vmem>>, %arg13: memref<80xi32, #tpu.memory_space<vmem>>, %arg14: memref<80x128xf32, #tpu.memory_space<vmem>>, %arg15: memref<80x128xf32, #tpu.memory_space<vmem>>, %arg16: memref<80x128xf32, #tpu.memory_space<vmem>>, %arg17: memref<128xf32, #tpu.memory_space<vmem>>, %arg18: memref<640xf32, #tpu.memory_space<vmem>>, %arg19: memref<10112x128xf32, #tpu.memory_space<vmem_shared>>, %arg20: memref<10112xf32, #tpu.memory_space<vmem_shared>>, %arg21: memref<3x!tpu.dma_semaphore, #tpu.memory_space<semaphore_mem>>, %arg22: memref<3x!tpu.dma_semaphore, #tpu.memory_space<semaphore_mem>>, %arg23: memref<3x!tpu.dma_semaphore, #tpu.memory_space<semaphore_mem>>, %arg24: memref<3x!tpu.dma_semaphore, #tpu.memory_space<semaphore_mem>>, %arg25: memref<3x!tpu.dma_semaphore, #tpu.memory_space<semaphore_mem>>, %arg26: memref<3x!tpu.dma_semaphore, #tpu.memory_space<semaphore_mem>>) attributes {dimension_semantics = [#tpu.dimension_semantics<core_parallel>, #tpu.dimension_semantics<subcore_parallel>], iteration_bounds = array<i64: 2, 16>, scalar_prefetch = 0 : i64, scratch_operands = 19 : i64, tpu.core_type = #tpu.core_type<sc_vector_subcore>, window_params = [{transform_indices = #map}, {transform_indices = #map}, {transform_indices = #map1}, {transform_indices = #map1}, {transform_indices = #map2}, {transform_indices = #map1}]} {
    %mul3A = arith.constant 2 : i32
    %mul3A_0 = arith.muli %arg1, %mul3A : i32
    %add3A = arith.addi %mul3A_0, %arg0 : i32
    %mul3A_1 = arith.constant 632 : i32
    %mul3A_2 = arith.muli %arg1, %mul3A_1 : i32
    %multiple_of3A = tpu.assume_multiple %mul3A_2, 8 : i32
    %scan3A = arith.constant 0 : i32
    %scan3A_3 = arith.constant 0 : i32
    %scan3A_4 = arith.constant 80 : i32
    %scan3A_5 = arith.addi %scan3A_3, %scan3A_4 : i32
    %scan3A_6 = arith.constant 1 : i32
    scf.for %scan3A_780 = %scan3A_3 to %scan3A_5 step %scan3A_6  : i32 {
      %broadcast_in_dim3A_781 = arith.constant 0.000000e+00 : f32
      %broadcast_in_dim3A_782 = vector.broadcast %broadcast_in_dim3A_781 : f32 to vector<16xf32>
      %swap3A_783 = arith.index_cast %scan3A_780 : i32 to index
      %swap3A_784 = arith.constant 0 : index
      %swap3A_785 = tpu.vector_load %arg14[%swap3A_783, %swap3A_784] {strides = array<i32>} : memref<80x128xf32, #tpu.memory_space<vmem>>, vector<1x16xf32>,
      %swap3A_786 = vector.shape_cast %swap3A_785 : vector<1x16xf32> to vector<16xf32>
      %swap3A_787 = vector.shape_cast %broadcast_in_dim3A_782 : vector<16xf32> to vector<1x16xf32>
      tpu.vector_store %arg14[%swap3A_783, %swap3A_784], %swap3A_787 {strides = array<i32>} : memref<80x128xf32, #tpu.memory_space<vmem>>, vector<1x16xf32>,
      %broadcast_in_dim3A_788 = arith.constant 0.000000e+00 : f32
      %broadcast_in_dim3A_789 = vector.broadcast %broadcast_in_dim3A_788 : f32 to vector<16xf32>
      %swap3A_790 = arith.index_cast %scan3A_780 : i32 to index
      %swap3A_791 = arith.constant 16 : index
      %swap3A_792 = tpu.vector_load %arg14[%swap3A_790, %swap3A_791] {strides = array<i32>} : memref<80x128xf32, #tpu.memory_space<vmem>>, vector<1x16xf32>,
      %swap3A_793 = vector.shape_cast %swap3A_792 : vector<1x16xf32> to vector<16xf32>
      %swap3A_794 = vector.shape_cast %broadcast_in_dim3A_789 : vector<16xf32> to vector<1x16xf32>
      tpu.vector_store %arg14[%swap3A_790, %swap3A_791], %swap3A_794 {strides = array<i32>} : memref<80x128xf32, #tpu.memory_space<vmem>>, vector<1x16xf32>,
      %broadcast_in_dim3A_795 = arith.constant 0.000000e+00 : f32
      %broadcast_in_dim3A_796 = vector.broadcast %broadcast_in_dim3A_795 : f32 to vector<16xf32>
      %swap3A_797 = arith.index_cast %scan3A_780 : i32 to index
      %swap3A_798 = arith.constant 32 : index
      %swap3A_799 = tpu.vector_load %arg14[%swap3A_797, %swap3A_798] {strides = array<i32>} : memref<80x128xf32, #tpu.memory_space<vmem>>, vector<1x16xf32>,
      %swap3A_800 = vector.shape_cast %swap3A_799 : vector<1x16xf32> to vector<16xf32>
      %swap3A_801 = vector.shape_cast %broadcast_in_dim3A_796 : vector<16xf32> to vector<1x16xf32>
      tpu.vector_store %arg14[%swap3A_797, %swap3A_798], %swap3A_801 {strides = array<i32>} : memref<80x128xf32, #tpu.memory_space<vmem>>, vector<1x16xf32>,
      %broadcast_in_dim3A_802 = arith.constant 0.000000e+00 : f32
      %broadcast_in_dim3A_803 = vector.broadcast %broadcast_in_dim3A_802 : f32 to vector<16xf32>
      %swap3A_804 = arith.index_cast %scan3A_780 : i32 to index
      %swap3A_805 = arith.constant 48 : index
      %swap3A_806 = tpu.vector_load %arg14[%swap3A_804, %swap3A_805] {strides = array<i32>} : memref<80x128xf32, #tpu.memory_space<vmem>>, vector<1x16xf32>,
      %swap3A_807 = vector.shape_cast %swap3A_806 : vector<1x16xf32> to vector<16xf32>
      %swap3A_808 = vector.shape_cast %broadcast_in_dim3A_803 : vector<16xf32> to vector<1x16xf32>
      tpu.vector_store %arg14[%swap3A_804, %swap3A_805], %swap3A_808 {strides = array<i32>} : memref<80x128xf32, #tpu.memory_space<vmem>>, vector<1x16xf32>,
      %broadcast_in_dim3A_809 = arith.constant 0.000000e+00 : f32
      %broadcast_in_dim3A_810 = vector.broadcast %broadcast_in_dim3A_809 : f32 to vector<16xf32>
      %swap3A_811 = arith.index_cast %scan3A_780 : i32 to index
      %swap3A_812 = arith.constant 64 : index
      %swap3A_813 = tpu.vector_load %arg14[%swap3A_811, %swap3A_812] {strides = array<i32>} : memref<80x128xf32, #tpu.memory_space<vmem>>, vector<1x16xf32>,
      %swap3A_814 = vector.shape_cast %swap3A_813 : vector<1x16xf32> to vector<16xf32>
      %swap3A_815 = vector.shape_cast %broadcast_in_dim3A_810 : vector<16xf32> to vector<1x16xf32>
      tpu.vector_store %arg14[%swap3A_811, %swap3A_812], %swap3A_815 {strides = array<i32>} : memref<80x128xf32, #tpu.memory_space<vmem>>, vector<1x16xf32>,
      %broadcast_in_dim3A_816 = arith.constant 0.000000e+00 : f32
      %broadcast_in_dim3A_817 = vector.broadcast %broadcast_in_dim3A_816 : f32 to vector<16xf32>
      %swap3A_818 = arith.index_cast %scan3A_780 : i32 to index
      %swap3A_819 = arith.constant 80 : index
      %swap3A_820 = tpu.vector_load %arg14[%swap3A_818, %swap3A_819] {strides = array<i32>} : memref<80x128xf32, #tpu.memory_space<vmem>>, vector<1x16xf32>,
      %swap3A_821 = vector.shape_cast %swap3A_820 : vector<1x16xf32> to vector<16xf32>
      %swap3A_822 = vector.shape_cast %broadcast_in_dim3A_817 : vector<16xf32> to vector<1x16xf32>
      tpu.vector_store %arg14[%swap3A_818, %swap3A_819], %swap3A_822 {strides = array<i32>} : memref<80x128xf32, #tpu.memory_space<vmem>>, vector<1x16xf32>,
      %broadcast_in_dim3A_823 = arith.constant 0.000000e+00 : f32
      %broadcast_in_dim3A_824 = vector.broadcast %broadcast_in_dim3A_823 : f32 to vector<16xf32>
      %swap3A_825 = arith.index_cast %scan3A_780 : i32 to index
      %swap3A_826 = arith.constant 96 : index
      %swap3A_827 = tpu.vector_load %arg14[%swap3A_825, %swap3A_826] {strides = array<i32>} : memref<80x128xf32, #tpu.memory_space<vmem>>, vector<1x16xf32>,
      %swap3A_828 = vector.shape_cast %swap3A_827 : vector<1x16xf32> to vector<16xf32>
      %swap3A_829 = vector.shape_cast %broadcast_in_dim3A_824 : vector<16xf32> to vector<1x16xf32>
      tpu.vector_store %arg14[%swap3A_825, %swap3A_826], %swap3A_829 {strides = array<i32>} : memref<80x128xf32, #tpu.memory_space<vmem>>, vector<1x16xf32>,
      %broadcast_in_dim3A_830 = arith.constant 0.000000e+00 : f32
      %broadcast_in_dim3A_831 = vector.broadcast %broadcast_in_dim3A_830 : f32 to vector<16xf32>
      %swap3A_832 = arith.index_cast %scan3A_780 : i32 to index
      %swap3A_833 = arith.constant 112 : index
      %swap3A_834 = tpu.vector_load %arg14[%swap3A_832, %swap3A_833] {strides = array<i32>} : memref<80x128xf32, #tpu.memory_space<vmem>>, vector<1x16xf32>,
      %swap3A_835 = vector.shape_cast %swap3A_834 : vector<1x16xf32> to vector<16xf32>
      %swap3A_836 = vector.shape_cast %broadcast_in_dim3A_831 : vector<16xf32> to vector<1x16xf32>
      tpu.vector_store %arg14[%swap3A_832, %swap3A_833], %swap3A_836 {strides = array<i32>} : memref<80x128xf32, #tpu.memory_space<vmem>>, vector<1x16xf32>,
    }
    %scan3A_7 = arith.constant 80 : i32
    %broadcast_in_dim3A = arith.constant 0.000000e+00 : f32
    %broadcast_in_dim3A_8 = vector.broadcast %broadcast_in_dim3A : f32 to vector<16xf32>
    %swap3A = arith.constant 0 : index
    %swap3A_9 = tpu.vector_load %arg18[%swap3A] {strides = array<i32>} : memref<640xf32, #tpu.memory_space<vmem>>, vector<16xf32>,
    %swap3A_10 = vector.shape_cast %swap3A_9 : vector<16xf32> to vector<16xf32>
    %swap3A_11 = vector.shape_cast %broadcast_in_dim3A_8 : vector<16xf32> to vector<16xf32>
    tpu.vector_store %arg18[%swap3A], %swap3A_11 {strides = array<i32>} : memref<640xf32, #tpu.memory_space<vmem>>, vector<16xf32>,
    %broadcast_in_dim3A_12 = arith.constant 0.000000e+00 : f32
    %broadcast_in_dim3A_13 = vector.broadcast %broadcast_in_dim3A_12 : f32 to vector<16xf32>
    %swap3A_14 = arith.constant 16 : index
    %swap3A_15 = tpu.vector_load %arg18[%swap3A_14] {strides = array<i32>} : memref<640xf32, #tpu.memory_space<vmem>>, vector<16xf32>,
    %swap3A_16 = vector.shape_cast %swap3A_15 : vector<16xf32> to vector<16xf32>
    %swap3A_17 = vector.shape_cast %broadcast_in_dim3A_13 : vector<16xf32> to vector<16xf32>
    tpu.vector_store %arg18[%swap3A_14], %swap3A_17 {strides = array<i32>} : memref<640xf32, #tpu.memory_space<vmem>>, vector<16xf32>,
    %broadcast_in_dim3A_18 = arith.constant 0.000000e+00 : f32
    %broadcast_in_dim3A_19 = vector.broadcast %broadcast_in_dim3A_18 : f32 to vector<16xf32>
    %swap3A_20 = arith.constant 32 : index
    %swap3A_21 = tpu.vector_load %arg18[%swap3A_20] {strides = array<i32>} : memref<640xf32, #tpu.memory_space<vmem>>, vector<16xf32>,
    %swap3A_22 = vector.shape_cast %swap3A_21 : vector<16xf32> to vector<16xf32>
    %swap3A_23 = vector.shape_cast %broadcast_in_dim3A_19 : vector<16xf32> to vector<16xf32>
    tpu.vector_store %arg18[%swap3A_20], %swap3A_23 {strides = array<i32>} : memref<640xf32, #tpu.memory_space<vmem>>, vector<16xf32>,
    %broadcast_in_dim3A_24 = arith.constant 0.000000e+00 : f32
    %broadcast_in_dim3A_25 = vector.broadcast %broadcast_in_dim3A_24 : f32 to vector<16xf32>
    %swap3A_26 = arith.constant 48 : index
    %swap3A_27 = tpu.vector_load %arg18[%swap3A_26] {strides = array<i32>} : memref<640xf32, #tpu.memory_space<vmem>>, vector<16xf32>,
    %swap3A_28 = vector.shape_cast %swap3A_27 : vector<16xf32> to vector<16xf32>
    %swap3A_29 = vector.shape_cast %broadcast_in_dim3A_25 : vector<16xf32> to vector<16xf32>
    tpu.vector_store %arg18[%swap3A_26], %swap3A_29 {strides = array<i32>} : memref<640xf32, #tpu.memory_space<vmem>>, vector<16xf32>,
    %broadcast_in_dim3A_30 = arith.constant 0.000000e+00 : f32
    %broadcast_in_dim3A_31 = vector.broadcast %broadcast_in_dim3A_30 : f32 to vector<16xf32>
    %swap3A_32 = arith.constant 64 : index
    %swap3A_33 = tpu.vector_load %arg18[%swap3A_32] {strides = array<i32>} : memref<640xf32, #tpu.memory_space<vmem>>, vector<16xf32>,
    %swap3A_34 = vector.shape_cast %swap3A_33 : vector<16xf32> to vector<16xf32>
    %swap3A_35 = vector.shape_cast %broadcast_in_dim3A_31 : vector<16xf32> to vector<16xf32>
    tpu.vector_store %arg18[%swap3A_32], %swap3A_35 {strides = array<i32>} : memref<640xf32, #tpu.memory_space<vmem>>, vector<16xf32>,
    %broadcast_in_dim3A_36 = arith.constant 0.000000e+00 : f32
    %broadcast_in_dim3A_37 = vector.broadcast %broadcast_in_dim3A_36 : f32 to vector<16xf32>
    %swap3A_38 = arith.constant 80 : index
    %swap3A_39 = tpu.vector_load %arg18[%swap3A_38] {strides = array<i32>} : memref<640xf32, #tpu.memory_space<vmem>>, vector<16xf32>,
    %swap3A_40 = vector.shape_cast %swap3A_39 : vector<16xf32> to vector<16xf32>
    %swap3A_41 = vector.shape_cast %broadcast_in_dim3A_37 : vector<16xf32> to vector<16xf32>
    tpu.vector_store %arg18[%swap3A_38], %swap3A_41 {strides = array<i32>} : memref<640xf32, #tpu.memory_space<vmem>>, vector<16xf32>,
    %broadcast_in_dim3A_42 = arith.constant 0.000000e+00 : f32
    %broadcast_in_dim3A_43 = vector.broadcast %broadcast_in_dim3A_42 : f32 to vector<16xf32>
    %swap3A_44 = arith.constant 96 : index
    %swap3A_45 = tpu.vector_load %arg18[%swap3A_44] {strides = array<i32>} : memref<640xf32, #tpu.memory_space<vmem>>, vector<16xf32>,
    %swap3A_46 = vector.shape_cast %swap3A_45 : vector<16xf32> to vector<16xf32>
    %swap3A_47 = vector.shape_cast %broadcast_in_dim3A_43 : vector<16xf32> to vector<16xf32>
    tpu.vector_store %arg18[%swap3A_44], %swap3A_47 {strides = array<i32>} : memref<640xf32, #tpu.memory_space<vmem>>, vector<16xf32>,
    %broadcast_in_dim3A_48 = arith.constant 0.000000e+00 : f32
    %broadcast_in_dim3A_49 = vector.broadcast %broadcast_in_dim3A_48 : f32 to vector<16xf32>
    %swap3A_50 = arith.constant 112 : index
    %swap3A_51 = tpu.vector_load %arg18[%swap3A_50] {strides = array<i32>} : memref<640xf32, #tpu.memory_space<vmem>>, vector<16xf32>,
    %swap3A_52 = vector.shape_cast %swap3A_51 : vector<16xf32> to vector<16xf32>
    %swap3A_53 = vector.shape_cast %broadcast_in_dim3A_49 : vector<16xf32> to vector<16xf32>
    tpu.vector_store %arg18[%swap3A_50], %swap3A_53 {strides = array<i32>} : memref<640xf32, #tpu.memory_space<vmem>>, vector<16xf32>,
    %broadcast_in_dim3A_54 = arith.constant 0.000000e+00 : f32
    %broadcast_in_dim3A_55 = vector.broadcast %broadcast_in_dim3A_54 : f32 to vector<16xf32>
    %swap3A_56 = arith.constant 128 : index
    %swap3A_57 = tpu.vector_load %arg18[%swap3A_56] {strides = array<i32>} : memref<640xf32, #tpu.memory_space<vmem>>, vector<16xf32>,
    %swap3A_58 = vector.shape_cast %swap3A_57 : vector<16xf32> to vector<16xf32>
    %swap3A_59 = vector.shape_cast %broadcast_in_dim3A_55 : vector<16xf32> to vector<16xf32>
    tpu.vector_store %arg18[%swap3A_56], %swap3A_59 {strides = array<i32>} : memref<640xf32, #tpu.memory_space<vmem>>, vector<16xf32>,
    %broadcast_in_dim3A_60 = arith.constant 0.000000e+00 : f32
    %broadcast_in_dim3A_61 = vector.broadcast %broadcast_in_dim3A_60 : f32 to vector<16xf32>
    %swap3A_62 = arith.constant 144 : index
    %swap3A_63 = tpu.vector_load %arg18[%swap3A_62] {strides = array<i32>} : memref<640xf32, #tpu.memory_space<vmem>>, vector<16xf32>,
    %swap3A_64 = vector.shape_cast %swap3A_63 : vector<16xf32> to vector<16xf32>
    %swap3A_65 = vector.shape_cast %broadcast_in_dim3A_61 : vector<16xf32> to vector<16xf32>
    tpu.vector_store %arg18[%swap3A_62], %swap3A_65 {strides = array<i32>} : memref<640xf32, #tpu.memory_space<vmem>>, vector<16xf32>,
    %broadcast_in_dim3A_66 = arith.constant 0.000000e+00 : f32
    %broadcast_in_dim3A_67 = vector.broadcast %broadcast_in_dim3A_66 : f32 to vector<16xf32>
    %swap3A_68 = arith.constant 160 : index
    %swap3A_69 = tpu.vector_load %arg18[%swap3A_68] {strides = array<i32>} : memref<640xf32, #tpu.memory_space<vmem>>, vector<16xf32>,
    %swap3A_70 = vector.shape_cast %swap3A_69 : vector<16xf32> to vector<16xf32>
    %swap3A_71 = vector.shape_cast %broadcast_in_dim3A_67 : vector<16xf32> to vector<16xf32>
    tpu.vector_store %arg18[%swap3A_68], %swap3A_71 {strides = array<i32>} : memref<640xf32, #tpu.memory_space<vmem>>, vector<16xf32>,
    %broadcast_in_dim3A_72 = arith.constant 0.000000e+00 : f32
    %broadcast_in_dim3A_73 = vector.broadcast %broadcast_in_dim3A_72 : f32 to vector<16xf32>
    %swap3A_74 = arith.constant 176 : index
    %swap3A_75 = tpu.vector_load %arg18[%swap3A_74] {strides = array<i32>} : memref<640xf32, #tpu.memory_space<vmem>>, vector<16xf32>,
    %swap3A_76 = vector.shape_cast %swap3A_75 : vector<16xf32> to vector<16xf32>
    %swap3A_77 = vector.shape_cast %broadcast_in_dim3A_73 : vector<16xf32> to vector<16xf32>
    tpu.vector_store %arg18[%swap3A_74], %swap3A_77 {strides = array<i32>} : memref<640xf32, #tpu.memory_space<vmem>>, vector<16xf32>,
    %broadcast_in_dim3A_78 = arith.constant 0.000000e+00 : f32
    %broadcast_in_dim3A_79 = vector.broadcast %broadcast_in_dim3A_78 : f32 to vector<16xf32>
    %swap3A_80 = arith.constant 192 : index
    %swap3A_81 = tpu.vector_load %arg18[%swap3A_80] {strides = array<i32>} : memref<640xf32, #tpu.memory_space<vmem>>, vector<16xf32>,
    %swap3A_82 = vector.shape_cast %swap3A_81 : vector<16xf32> to vector<16xf32>
    %swap3A_83 = vector.shape_cast %broadcast_in_dim3A_79 : vector<16xf32> to vector<16xf32>
    tpu.vector_store %arg18[%swap3A_80], %swap3A_83 {strides = array<i32>} : memref<640xf32, #tpu.memory_space<vmem>>, vector<16xf32>,
    %broadcast_in_dim3A_84 = arith.constant 0.000000e+00 : f32
    %broadcast_in_dim3A_85 = vector.broadcast %broadcast_in_dim3A_84 : f32 to vector<16xf32>
    %swap3A_86 = arith.constant 208 : index
    %swap3A_87 = tpu.vector_load %arg18[%swap3A_86] {strides = array<i32>} : memref<640xf32, #tpu.memory_space<vmem>>, vector<16xf32>,
    %swap3A_88 = vector.shape_cast %swap3A_87 : vector<16xf32> to vector<16xf32>
    %swap3A_89 = vector.shape_cast %broadcast_in_dim3A_85 : vector<16xf32> to vector<16xf32>
    tpu.vector_store %arg18[%swap3A_86], %swap3A_89 {strides = array<i32>} : memref<640xf32, #tpu.memory_space<vmem>>, vector<16xf32>,
    %broadcast_in_dim3A_90 = arith.constant 0.000000e+00 : f32
    %broadcast_in_dim3A_91 = vector.broadcast %broadcast_in_dim3A_90 : f32 to vector<16xf32>
    %swap3A_92 = arith.constant 224 : index
    %swap3A_93 = tpu.vector_load %arg18[%swap3A_92] {strides = array<i32>} : memref<640xf32, #tpu.memory_space<vmem>>, vector<16xf32>,
    %swap3A_94 = vector.shape_cast %swap3A_93 : vector<16xf32> to vector<16xf32>
    %swap3A_95 = vector.shape_cast %broadcast_in_dim3A_91 : vector<16xf32> to vector<16xf32>
    tpu.vector_store %arg18[%swap3A_92], %swap3A_95 {strides = array<i32>} : memref<640xf32, #tpu.memory_space<vmem>>, vector<16xf32>,
    %broadcast_in_dim3A_96 = arith.constant 0.000000e+00 : f32
    %broadcast_in_dim3A_97 = vector.broadcast %broadcast_in_dim3A_96 : f32 to vector<16xf32>
    %swap3A_98 = arith.constant 240 : index
    %swap3A_99 = tpu.vector_load %arg18[%swap3A_98] {strides = array<i32>} : memref<640xf32, #tpu.memory_space<vmem>>, vector<16xf32>,
    %swap3A_100 = vector.shape_cast %swap3A_99 : vector<16xf32> to vector<16xf32>
    %swap3A_101 = vector.shape_cast %broadcast_in_dim3A_97 : vector<16xf32> to vector<16xf32>
    tpu.vector_store %arg18[%swap3A_98], %swap3A_101 {strides = array<i32>} : memref<640xf32, #tpu.memory_space<vmem>>, vector<16xf32>,
    %broadcast_in_dim3A_102 = arith.constant 0.000000e+00 : f32
    %broadcast_in_dim3A_103 = vector.broadcast %broadcast_in_dim3A_102 : f32 to vector<16xf32>
    %swap3A_104 = arith.constant 256 : index
    %swap3A_105 = tpu.vector_load %arg18[%swap3A_104] {strides = array<i32>} : memref<640xf32, #tpu.memory_space<vmem>>, vector<16xf32>,
    %swap3A_106 = vector.shape_cast %swap3A_105 : vector<16xf32> to vector<16xf32>
    %swap3A_107 = vector.shape_cast %broadcast_in_dim3A_103 : vector<16xf32> to vector<16xf32>
    tpu.vector_store %arg18[%swap3A_104], %swap3A_107 {strides = array<i32>} : memref<640xf32, #tpu.memory_space<vmem>>, vector<16xf32>,
    %broadcast_in_dim3A_108 = arith.constant 0.000000e+00 : f32
    %broadcast_in_dim3A_109 = vector.broadcast %broadcast_in_dim3A_108 : f32 to vector<16xf32>
    %swap3A_110 = arith.constant 272 : index
    %swap3A_111 = tpu.vector_load %arg18[%swap3A_110] {strides = array<i32>} : memref<640xf32, #tpu.memory_space<vmem>>, vector<16xf32>,
    %swap3A_112 = vector.shape_cast %swap3A_111 : vector<16xf32> to vector<16xf32>
    %swap3A_113 = vector.shape_cast %broadcast_in_dim3A_109 : vector<16xf32> to vector<16xf32>
    tpu.vector_store %arg18[%swap3A_110], %swap3A_113 {strides = array<i32>} : memref<640xf32, #tpu.memory_space<vmem>>, vector<16xf32>,
    %broadcast_in_dim3A_114 = arith.constant 0.000000e+00 : f32
    %broadcast_in_dim3A_115 = vector.broadcast %broadcast_in_dim3A_114 : f32 to vector<16xf32>
    %swap3A_116 = arith.constant 288 : index
    %swap3A_117 = tpu.vector_load %arg18[%swap3A_116] {strides = array<i32>} : memref<640xf32, #tpu.memory_space<vmem>>, vector<16xf32>,
    %swap3A_118 = vector.shape_cast %swap3A_117 : vector<16xf32> to vector<16xf32>
    %swap3A_119 = vector.shape_cast %broadcast_in_dim3A_115 : vector<16xf32> to vector<16xf32>
    tpu.vector_store %arg18[%swap3A_116], %swap3A_119 {strides = array<i32>} : memref<640xf32, #tpu.memory_space<vmem>>, vector<16xf32>,
    %broadcast_in_dim3A_120 = arith.constant 0.000000e+00 : f32
    %broadcast_in_dim3A_121 = vector.broadcast %broadcast_in_dim3A_120 : f32 to vector<16xf32>
    %swap3A_122 = arith.constant 304 : index
    %swap3A_123 = tpu.vector_load %arg18[%swap3A_122] {strides = array<i32>} : memref<640xf32, #tpu.memory_space<vmem>>, vector<16xf32>,
    %swap3A_124 = vector.shape_cast %swap3A_123 : vector<16xf32> to vector<16xf32>
    %swap3A_125 = vector.shape_cast %broadcast_in_dim3A_121 : vector<16xf32> to vector<16xf32>
    tpu.vector_store %arg18[%swap3A_122], %swap3A_125 {strides = array<i32>} : memref<640xf32, #tpu.memory_space<vmem>>, vector<16xf32>,
    %broadcast_in_dim3A_126 = arith.constant 0.000000e+00 : f32
    %broadcast_in_dim3A_127 = vector.broadcast %broadcast_in_dim3A_126 : f32 to vector<16xf32>
    %swap3A_128 = arith.constant 320 : index
    %swap3A_129 = tpu.vector_load %arg18[%swap3A_128] {strides = array<i32>} : memref<640xf32, #tpu.memory_space<vmem>>, vector<16xf32>,
    %swap3A_130 = vector.shape_cast %swap3A_129 : vector<16xf32> to vector<16xf32>
    %swap3A_131 = vector.shape_cast %broadcast_in_dim3A_127 : vector<16xf32> to vector<16xf32>
    tpu.vector_store %arg18[%swap3A_128], %swap3A_131 {strides = array<i32>} : memref<640xf32, #tpu.memory_space<vmem>>, vector<16xf32>,
    %broadcast_in_dim3A_132 = arith.constant 0.000000e+00 : f32
    %broadcast_in_dim3A_133 = vector.broadcast %broadcast_in_dim3A_132 : f32 to vector<16xf32>
    %swap3A_134 = arith.constant 336 : index
    %swap3A_135 = tpu.vector_load %arg18[%swap3A_134] {strides = array<i32>} : memref<640xf32, #tpu.memory_space<vmem>>, vector<16xf32>,
    %swap3A_136 = vector.shape_cast %swap3A_135 : vector<16xf32> to vector<16xf32>
    %swap3A_137 = vector.shape_cast %broadcast_in_dim3A_133 : vector<16xf32> to vector<16xf32>
    tpu.vector_store %arg18[%swap3A_134], %swap3A_137 {strides = array<i32>} : memref<640xf32, #tpu.memory_space<vmem>>, vector<16xf32>,
    %broadcast_in_dim3A_138 = arith.constant 0.000000e+00 : f32
    %broadcast_in_dim3A_139 = vector.broadcast %broadcast_in_dim3A_138 : f32 to vector<16xf32>
    %swap3A_140 = arith.constant 352 : index
    %swap3A_141 = tpu.vector_load %arg18[%swap3A_140] {strides = array<i32>} : memref<640xf32, #tpu.memory_space<vmem>>, vector<16xf32>,
    %swap3A_142 = vector.shape_cast %swap3A_141 : vector<16xf32> to vector<16xf32>
    %swap3A_143 = vector.shape_cast %broadcast_in_dim3A_139 : vector<16xf32> to vector<16xf32>
    tpu.vector_store %arg18[%swap3A_140], %swap3A_143 {strides = array<i32>} : memref<640xf32, #tpu.memory_space<vmem>>, vector<16xf32>,
    %broadcast_in_dim3A_144 = arith.constant 0.000000e+00 : f32
    %broadcast_in_dim3A_145 = vector.broadcast %broadcast_in_dim3A_144 : f32 to vector<16xf32>
    %swap3A_146 = arith.constant 368 : index
    %swap3A_147 = tpu.vector_load %arg18[%swap3A_146] {strides = array<i32>} : memref<640xf32, #tpu.memory_space<vmem>>, vector<16xf32>,
    %swap3A_148 = vector.shape_cast %swap3A_147 : vector<16xf32> to vector<16xf32>
    %swap3A_149 = vector.shape_cast %broadcast_in_dim3A_145 : vector<16xf32> to vector<16xf32>
    tpu.vector_store %arg18[%swap3A_146], %swap3A_149 {strides = array<i32>} : memref<640xf32, #tpu.memory_space<vmem>>, vector<16xf32>,
    %broadcast_in_dim3A_150 = arith.constant 0.000000e+00 : f32
    %broadcast_in_dim3A_151 = vector.broadcast %broadcast_in_dim3A_150 : f32 to vector<16xf32>
    %swap3A_152 = arith.constant 384 : index
    %swap3A_153 = tpu.vector_load %arg18[%swap3A_152] {strides = array<i32>} : memref<640xf32, #tpu.memory_space<vmem>>, vector<16xf32>,
    %swap3A_154 = vector.shape_cast %swap3A_153 : vector<16xf32> to vector<16xf32>
    %swap3A_155 = vector.shape_cast %broadcast_in_dim3A_151 : vector<16xf32> to vector<16xf32>
    tpu.vector_store %arg18[%swap3A_152], %swap3A_155 {strides = array<i32>} : memref<640xf32, #tpu.memory_space<vmem>>, vector<16xf32>,
    %broadcast_in_dim3A_156 = arith.constant 0.000000e+00 : f32
    %broadcast_in_dim3A_157 = vector.broadcast %broadcast_in_dim3A_156 : f32 to vector<16xf32>
    %swap3A_158 = arith.constant 400 : index
    %swap3A_159 = tpu.vector_load %arg18[%swap3A_158] {strides = array<i32>} : memref<640xf32, #tpu.memory_space<vmem>>, vector<16xf32>,
    %swap3A_160 = vector.shape_cast %swap3A_159 : vector<16xf32> to vector<16xf32>
    %swap3A_161 = vector.shape_cast %broadcast_in_dim3A_157 : vector<16xf32> to vector<16xf32>
    tpu.vector_store %arg18[%swap3A_158], %swap3A_161 {strides = array<i32>} : memref<640xf32, #tpu.memory_space<vmem>>, vector<16xf32>,
    %broadcast_in_dim3A_162 = arith.constant 0.000000e+00 : f32
    %broadcast_in_dim3A_163 = vector.broadcast %broadcast_in_dim3A_162 : f32 to vector<16xf32>
    %swap3A_164 = arith.constant 416 : index
    %swap3A_165 = tpu.vector_load %arg18[%swap3A_164] {strides = array<i32>} : memref<640xf32, #tpu.memory_space<vmem>>, vector<16xf32>,
    %swap3A_166 = vector.shape_cast %swap3A_165 : vector<16xf32> to vector<16xf32>
    %swap3A_167 = vector.shape_cast %broadcast_in_dim3A_163 : vector<16xf32> to vector<16xf32>
    tpu.vector_store %arg18[%swap3A_164], %swap3A_167 {strides = array<i32>} : memref<640xf32, #tpu.memory_space<vmem>>, vector<16xf32>,
    %broadcast_in_dim3A_168 = arith.constant 0.000000e+00 : f32
    %broadcast_in_dim3A_169 = vector.broadcast %broadcast_in_dim3A_168 : f32 to vector<16xf32>
    %swap3A_170 = arith.constant 432 : index
    %swap3A_171 = tpu.vector_load %arg18[%swap3A_170] {strides = array<i32>} : memref<640xf32, #tpu.memory_space<vmem>>, vector<16xf32>,
    %swap3A_172 = vector.shape_cast %swap3A_171 : vector<16xf32> to vector<16xf32>
    %swap3A_173 = vector.shape_cast %broadcast_in_dim3A_169 : vector<16xf32> to vector<16xf32>
    tpu.vector_store %arg18[%swap3A_170], %swap3A_173 {strides = array<i32>} : memref<640xf32, #tpu.memory_space<vmem>>, vector<16xf32>,
    %broadcast_in_dim3A_174 = arith.constant 0.000000e+00 : f32
    %broadcast_in_dim3A_175 = vector.broadcast %broadcast_in_dim3A_174 : f32 to vector<16xf32>
    %swap3A_176 = arith.constant 448 : index
    %swap3A_177 = tpu.vector_load %arg18[%swap3A_176] {strides = array<i32>} : memref<640xf32, #tpu.memory_space<vmem>>, vector<16xf32>,
    %swap3A_178 = vector.shape_cast %swap3A_177 : vector<16xf32> to vector<16xf32>
    %swap3A_179 = vector.shape_cast %broadcast_in_dim3A_175 : vector<16xf32> to vector<16xf32>
    tpu.vector_store %arg18[%swap3A_176], %swap3A_179 {strides = array<i32>} : memref<640xf32, #tpu.memory_space<vmem>>, vector<16xf32>,
    %broadcast_in_dim3A_180 = arith.constant 0.000000e+00 : f32
    %broadcast_in_dim3A_181 = vector.broadcast %broadcast_in_dim3A_180 : f32 to vector<16xf32>
    %swap3A_182 = arith.constant 464 : index
    %swap3A_183 = tpu.vector_load %arg18[%swap3A_182] {strides = array<i32>} : memref<640xf32, #tpu.memory_space<vmem>>, vector<16xf32>,
    %swap3A_184 = vector.shape_cast %swap3A_183 : vector<16xf32> to vector<16xf32>
    %swap3A_185 = vector.shape_cast %broadcast_in_dim3A_181 : vector<16xf32> to vector<16xf32>
    tpu.vector_store %arg18[%swap3A_182], %swap3A_185 {strides = array<i32>} : memref<640xf32, #tpu.memory_space<vmem>>, vector<16xf32>,
    %broadcast_in_dim3A_186 = arith.constant 0.000000e+00 : f32
    %broadcast_in_dim3A_187 = vector.broadcast %broadcast_in_dim3A_186 : f32 to vector<16xf32>
    %swap3A_188 = arith.constant 480 : index
    %swap3A_189 = tpu.vector_load %arg18[%swap3A_188] {strides = array<i32>} : memref<640xf32, #tpu.memory_space<vmem>>, vector<16xf32>,
    %swap3A_190 = vector.shape_cast %swap3A_189 : vector<16xf32> to vector<16xf32>
    %swap3A_191 = vector.shape_cast %broadcast_in_dim3A_187 : vector<16xf32> to vector<16xf32>
    tpu.vector_store %arg18[%swap3A_188], %swap3A_191 {strides = array<i32>} : memref<640xf32, #tpu.memory_space<vmem>>, vector<16xf32>,
    %broadcast_in_dim3A_192 = arith.constant 0.000000e+00 : f32
    %broadcast_in_dim3A_193 = vector.broadcast %broadcast_in_dim3A_192 : f32 to vector<16xf32>
    %swap3A_194 = arith.constant 496 : index
    %swap3A_195 = tpu.vector_load %arg18[%swap3A_194] {strides = array<i32>} : memref<640xf32, #tpu.memory_space<vmem>>, vector<16xf32>,
    %swap3A_196 = vector.shape_cast %swap3A_195 : vector<16xf32> to vector<16xf32>
    %swap3A_197 = vector.shape_cast %broadcast_in_dim3A_193 : vector<16xf32> to vector<16xf32>
    tpu.vector_store %arg18[%swap3A_194], %swap3A_197 {strides = array<i32>} : memref<640xf32, #tpu.memory_space<vmem>>, vector<16xf32>,
    %broadcast_in_dim3A_198 = arith.constant 0.000000e+00 : f32
    %broadcast_in_dim3A_199 = vector.broadcast %broadcast_in_dim3A_198 : f32 to vector<16xf32>
    %swap3A_200 = arith.constant 512 : index
    %swap3A_201 = tpu.vector_load %arg18[%swap3A_200] {strides = array<i32>} : memref<640xf32, #tpu.memory_space<vmem>>, vector<16xf32>,
    %swap3A_202 = vector.shape_cast %swap3A_201 : vector<16xf32> to vector<16xf32>
    %swap3A_203 = vector.shape_cast %broadcast_in_dim3A_199 : vector<16xf32> to vector<16xf32>
    tpu.vector_store %arg18[%swap3A_200], %swap3A_203 {strides = array<i32>} : memref<640xf32, #tpu.memory_space<vmem>>, vector<16xf32>,
    %broadcast_in_dim3A_204 = arith.constant 0.000000e+00 : f32
    %broadcast_in_dim3A_205 = vector.broadcast %broadcast_in_dim3A_204 : f32 to vector<16xf32>
    %swap3A_206 = arith.constant 528 : index
    %swap3A_207 = tpu.vector_load %arg18[%swap3A_206] {strides = array<i32>} : memref<640xf32, #tpu.memory_space<vmem>>, vector<16xf32>,
    %swap3A_208 = vector.shape_cast %swap3A_207 : vector<16xf32> to vector<16xf32>
    %swap3A_209 = vector.shape_cast %broadcast_in_dim3A_205 : vector<16xf32> to vector<16xf32>
    tpu.vector_store %arg18[%swap3A_206], %swap3A_209 {strides = array<i32>} : memref<640xf32, #tpu.memory_space<vmem>>, vector<16xf32>,
    %broadcast_in_dim3A_210 = arith.constant 0.000000e+00 : f32
    %broadcast_in_dim3A_211 = vector.broadcast %broadcast_in_dim3A_210 : f32 to vector<16xf32>
    %swap3A_212 = arith.constant 544 : index
    %swap3A_213 = tpu.vector_load %arg18[%swap3A_212] {strides = array<i32>} : memref<640xf32, #tpu.memory_space<vmem>>, vector<16xf32>,
    %swap3A_214 = vector.shape_cast %swap3A_213 : vector<16xf32> to vector<16xf32>
    %swap3A_215 = vector.shape_cast %broadcast_in_dim3A_211 : vector<16xf32> to vector<16xf32>
    tpu.vector_store %arg18[%swap3A_212], %swap3A_215 {strides = array<i32>} : memref<640xf32, #tpu.memory_space<vmem>>, vector<16xf32>,
    %broadcast_in_dim3A_216 = arith.constant 0.000000e+00 : f32
    %broadcast_in_dim3A_217 = vector.broadcast %broadcast_in_dim3A_216 : f32 to vector<16xf32>
    %swap3A_218 = arith.constant 560 : index
    %swap3A_219 = tpu.vector_load %arg18[%swap3A_218] {strides = array<i32>} : memref<640xf32, #tpu.memory_space<vmem>>, vector<16xf32>,
    %swap3A_220 = vector.shape_cast %swap3A_219 : vector<16xf32> to vector<16xf32>
    %swap3A_221 = vector.shape_cast %broadcast_in_dim3A_217 : vector<16xf32> to vector<16xf32>
    tpu.vector_store %arg18[%swap3A_218], %swap3A_221 {strides = array<i32>} : memref<640xf32, #tpu.memory_space<vmem>>, vector<16xf32>,
    %broadcast_in_dim3A_222 = arith.constant 0.000000e+00 : f32
    %broadcast_in_dim3A_223 = vector.broadcast %broadcast_in_dim3A_222 : f32 to vector<16xf32>
    %swap3A_224 = arith.constant 576 : index
    %swap3A_225 = tpu.vector_load %arg18[%swap3A_224] {strides = array<i32>} : memref<640xf32, #tpu.memory_space<vmem>>, vector<16xf32>,
    %swap3A_226 = vector.shape_cast %swap3A_225 : vector<16xf32> to vector<16xf32>
    %swap3A_227 = vector.shape_cast %broadcast_in_dim3A_223 : vector<16xf32> to vector<16xf32>
    tpu.vector_store %arg18[%swap3A_224], %swap3A_227 {strides = array<i32>} : memref<640xf32, #tpu.memory_space<vmem>>, vector<16xf32>,
    %broadcast_in_dim3A_228 = arith.constant 0.000000e+00 : f32
    %broadcast_in_dim3A_229 = vector.broadcast %broadcast_in_dim3A_228 : f32 to vector<16xf32>
    %swap3A_230 = arith.constant 592 : index
    %swap3A_231 = tpu.vector_load %arg18[%swap3A_230] {strides = array<i32>} : memref<640xf32, #tpu.memory_space<vmem>>, vector<16xf32>,
    %swap3A_232 = vector.shape_cast %swap3A_231 : vector<16xf32> to vector<16xf32>
    %swap3A_233 = vector.shape_cast %broadcast_in_dim3A_229 : vector<16xf32> to vector<16xf32>
    tpu.vector_store %arg18[%swap3A_230], %swap3A_233 {strides = array<i32>} : memref<640xf32, #tpu.memory_space<vmem>>, vector<16xf32>,
    %broadcast_in_dim3A_234 = arith.constant 0.000000e+00 : f32
    %broadcast_in_dim3A_235 = vector.broadcast %broadcast_in_dim3A_234 : f32 to vector<16xf32>
    %swap3A_236 = arith.constant 608 : index
    %swap3A_237 = tpu.vector_load %arg18[%swap3A_236] {strides = array<i32>} : memref<640xf32, #tpu.memory_space<vmem>>, vector<16xf32>,
    %swap3A_238 = vector.shape_cast %swap3A_237 : vector<16xf32> to vector<16xf32>
    %swap3A_239 = vector.shape_cast %broadcast_in_dim3A_235 : vector<16xf32> to vector<16xf32>
    tpu.vector_store %arg18[%swap3A_236], %swap3A_239 {strides = array<i32>} : memref<640xf32, #tpu.memory_space<vmem>>, vector<16xf32>,
    %broadcast_in_dim3A_240 = arith.constant 0.000000e+00 : f32
    %broadcast_in_dim3A_241 = vector.broadcast %broadcast_in_dim3A_240 : f32 to vector<16xf32>
    %swap3A_242 = arith.constant 624 : index
    %swap3A_243 = tpu.vector_load %arg18[%swap3A_242] {strides = array<i32>} : memref<640xf32, #tpu.memory_space<vmem>>, vector<16xf32>,
    %swap3A_244 = vector.shape_cast %swap3A_243 : vector<16xf32> to vector<16xf32>
    %swap3A_245 = vector.shape_cast %broadcast_in_dim3A_241 : vector<16xf32> to vector<16xf32>
    tpu.vector_store %arg18[%swap3A_242], %swap3A_245 {strides = array<i32>} : memref<640xf32, #tpu.memory_space<vmem>>, vector<16xf32>,
    %broadcast_in_dim3A_246 = arith.constant 1.000000e+00 : f32
    %broadcast_in_dim3A_247 = vector.broadcast %broadcast_in_dim3A_246 : f32 to vector<16xf32>
    %swap3A_248 = arith.constant 0 : index
    %swap3A_249 = tpu.vector_load %arg17[%swap3A_248] {strides = array<i32>} : memref<128xf32, #tpu.memory_space<vmem>>, vector<16xf32>,
    %swap3A_250 = vector.shape_cast %swap3A_249 : vector<16xf32> to vector<16xf32>
    %swap3A_251 = vector.shape_cast %broadcast_in_dim3A_247 : vector<16xf32> to vector<16xf32>
    tpu.vector_store %arg17[%swap3A_248], %swap3A_251 {strides = array<i32>} : memref<128xf32, #tpu.memory_space<vmem>>, vector<16xf32>,
    %broadcast_in_dim3A_252 = arith.constant 1.000000e+00 : f32
    %broadcast_in_dim3A_253 = vector.broadcast %broadcast_in_dim3A_252 : f32 to vector<16xf32>
    %swap3A_254 = arith.constant 16 : index
    %swap3A_255 = tpu.vector_load %arg17[%swap3A_254] {strides = array<i32>} : memref<128xf32, #tpu.memory_space<vmem>>, vector<16xf32>,
    %swap3A_256 = vector.shape_cast %swap3A_255 : vector<16xf32> to vector<16xf32>
    %swap3A_257 = vector.shape_cast %broadcast_in_dim3A_253 : vector<16xf32> to vector<16xf32>
    tpu.vector_store %arg17[%swap3A_254], %swap3A_257 {strides = array<i32>} : memref<128xf32, #tpu.memory_space<vmem>>, vector<16xf32>,
    %broadcast_in_dim3A_258 = arith.constant 1.000000e+00 : f32
    %broadcast_in_dim3A_259 = vector.broadcast %broadcast_in_dim3A_258 : f32 to vector<16xf32>
    %swap3A_260 = arith.constant 32 : index
    %swap3A_261 = tpu.vector_load %arg17[%swap3A_260] {strides = array<i32>} : memref<128xf32, #tpu.memory_space<vmem>>, vector<16xf32>,
    %swap3A_262 = vector.shape_cast %swap3A_261 : vector<16xf32> to vector<16xf32>
    %swap3A_263 = vector.shape_cast %broadcast_in_dim3A_259 : vector<16xf32> to vector<16xf32>
    tpu.vector_store %arg17[%swap3A_260], %swap3A_263 {strides = array<i32>} : memref<128xf32, #tpu.memory_space<vmem>>, vector<16xf32>,
    %broadcast_in_dim3A_264 = arith.constant 1.000000e+00 : f32
    %broadcast_in_dim3A_265 = vector.broadcast %broadcast_in_dim3A_264 : f32 to vector<16xf32>
    %swap3A_266 = arith.constant 48 : index
    %swap3A_267 = tpu.vector_load %arg17[%swap3A_266] {strides = array<i32>} : memref<128xf32, #tpu.memory_space<vmem>>, vector<16xf32>,
    %swap3A_268 = vector.shape_cast %swap3A_267 : vector<16xf32> to vector<16xf32>
    %swap3A_269 = vector.shape_cast %broadcast_in_dim3A_265 : vector<16xf32> to vector<16xf32>
    tpu.vector_store %arg17[%swap3A_266], %swap3A_269 {strides = array<i32>} : memref<128xf32, #tpu.memory_space<vmem>>, vector<16xf32>,
    %broadcast_in_dim3A_270 = arith.constant 1.000000e+00 : f32
    %broadcast_in_dim3A_271 = vector.broadcast %broadcast_in_dim3A_270 : f32 to vector<16xf32>
    %swap3A_272 = arith.constant 64 : index
    %swap3A_273 = tpu.vector_load %arg17[%swap3A_272] {strides = array<i32>} : memref<128xf32, #tpu.memory_space<vmem>>, vector<16xf32>,
    %swap3A_274 = vector.shape_cast %swap3A_273 : vector<16xf32> to vector<16xf32>
    %swap3A_275 = vector.shape_cast %broadcast_in_dim3A_271 : vector<16xf32> to vector<16xf32>
    tpu.vector_store %arg17[%swap3A_272], %swap3A_275 {strides = array<i32>} : memref<128xf32, #tpu.memory_space<vmem>>, vector<16xf32>,
    %broadcast_in_dim3A_276 = arith.constant 1.000000e+00 : f32
    %broadcast_in_dim3A_277 = vector.broadcast %broadcast_in_dim3A_276 : f32 to vector<16xf32>
    %swap3A_278 = arith.constant 80 : index
    %swap3A_279 = tpu.vector_load %arg17[%swap3A_278] {strides = array<i32>} : memref<128xf32, #tpu.memory_space<vmem>>, vector<16xf32>,
    %swap3A_280 = vector.shape_cast %swap3A_279 : vector<16xf32> to vector<16xf32>
    %swap3A_281 = vector.shape_cast %broadcast_in_dim3A_277 : vector<16xf32> to vector<16xf32>
    tpu.vector_store %arg17[%swap3A_278], %swap3A_281 {strides = array<i32>} : memref<128xf32, #tpu.memory_space<vmem>>, vector<16xf32>,
    %broadcast_in_dim3A_282 = arith.constant 1.000000e+00 : f32
    %broadcast_in_dim3A_283 = vector.broadcast %broadcast_in_dim3A_282 : f32 to vector<16xf32>
    %swap3A_284 = arith.constant 96 : index
    %swap3A_285 = tpu.vector_load %arg17[%swap3A_284] {strides = array<i32>} : memref<128xf32, #tpu.memory_space<vmem>>, vector<16xf32>,
    %swap3A_286 = vector.shape_cast %swap3A_285 : vector<16xf32> to vector<16xf32>
    %swap3A_287 = vector.shape_cast %broadcast_in_dim3A_283 : vector<16xf32> to vector<16xf32>
    tpu.vector_store %arg17[%swap3A_284], %swap3A_287 {strides = array<i32>} : memref<128xf32, #tpu.memory_space<vmem>>, vector<16xf32>,
    %broadcast_in_dim3A_288 = arith.constant 1.000000e+00 : f32
    %broadcast_in_dim3A_289 = vector.broadcast %broadcast_in_dim3A_288 : f32 to vector<16xf32>
    %swap3A_290 = arith.constant 112 : index
    %swap3A_291 = tpu.vector_load %arg17[%swap3A_290] {strides = array<i32>} : memref<128xf32, #tpu.memory_space<vmem>>, vector<16xf32>,
    %swap3A_292 = vector.shape_cast %swap3A_291 : vector<16xf32> to vector<16xf32>
    %swap3A_293 = vector.shape_cast %broadcast_in_dim3A_289 : vector<16xf32> to vector<16xf32>
    tpu.vector_store %arg17[%swap3A_290], %swap3A_293 {strides = array<i32>} : memref<128xf32, #tpu.memory_space<vmem>>, vector<16xf32>,
    %add3A_294 = arith.constant 0 : i32
    %add3A_295 = arith.addi %multiple_of3A, %add3A_294 : i32
    "tpu.region"() ({
      %run_scoped3A = tpu.sem_alloc : memref<!tpu.dma_semaphore, #tpu.memory_space<semaphore_mem>>
      %dma_start3A_780 = arith.constant 0 : i32
      %dma_start3A_781 = arith.constant 0 : i32
      %dma_start3A_782 = tpu.memref_slice %arg14[%dma_start3A_780, %dma_start3A_781] : memref<80x128xf32, #tpu.memory_space<vmem>> -> memref<80x128xf32, #tpu.memory_space<vmem>>
      %dma_start3A_783 = arith.constant 0 : i32
      %dma_start3A_784 = tpu.memref_slice %arg19[%add3A_295, %dma_start3A_783] : memref<10112x128xf32, #tpu.memory_space<vmem_shared>> -> memref<80x128xf32, #tpu.memory_space<vmem_shared>>
      %dma_start3A_785 = arith.constant 0 : i32
      %dma_start3A_786 = tpu.memref_slice %arg19[%add3A_295, %dma_start3A_785] : memref<10112x128xf32, #tpu.memory_space<vmem_shared>> -> memref<80x128xf32, #tpu.memory_space<vmem_shared>>
      %dma_start3A_787 = arith.constant 0 : i32
      %dma_start3A_788 = arith.constant 0 : i32
      %dma_start3A_789 = tpu.memref_slice %arg14[%dma_start3A_787, %dma_start3A_788] : memref<80x128xf32, #tpu.memory_space<vmem>> -> memref<80x128xf32, #tpu.memory_space<vmem>>
      tpu.enqueue_dma source(%dma_start3A_789 : memref<80x128xf32, #tpu.memory_space<vmem>>) target(%dma_start3A_786 : memref<80x128xf32, #tpu.memory_space<vmem_shared>>) target_semaphore(%run_scoped3A : memref<!tpu.dma_semaphore, #tpu.memory_space<semaphore_mem>>)
      %dma_wait3A_790 = arith.constant 0 : i32
      %dma_wait3A_791 = arith.constant 0 : i32
      %dma_wait3A_792 = tpu.memref_slice %arg14[%dma_wait3A_790, %dma_wait3A_791] : memref<80x128xf32, #tpu.memory_space<vmem>> -> memref<80x128xf32, #tpu.memory_space<vmem>>
      %dma_wait3A_793 = arith.constant 0 : i32
      %dma_wait3A_794 = tpu.memref_slice %arg19[%add3A_295, %dma_wait3A_793] : memref<10112x128xf32, #tpu.memory_space<vmem_shared>> -> memref<80x128xf32, #tpu.memory_space<vmem_shared>>
      %dma_wait3A_795 = arith.constant 0 : i32
      %dma_wait3A_796 = tpu.memref_slice %arg19[%add3A_295, %dma_wait3A_795] : memref<10112x128xf32, #tpu.memory_space<vmem_shared>> -> memref<80x128xf32, #tpu.memory_space<vmem_shared>>
      %dma_wait3A_797 = arith.constant 0 : i32
      %dma_wait3A_798 = arith.constant 0 : i32
      %dma_wait3A_799 = tpu.memref_slice %arg14[%dma_wait3A_797, %dma_wait3A_798] : memref<80x128xf32, #tpu.memory_space<vmem>> -> memref<80x128xf32, #tpu.memory_space<vmem>>
      tpu.wait_dma2 semaphore(%run_scoped3A : memref<!tpu.dma_semaphore, #tpu.memory_space<semaphore_mem>>) src(%dma_wait3A_799 : memref<80x128xf32, #tpu.memory_space<vmem>>) dst(%dma_wait3A_796 : memref<80x128xf32, #tpu.memory_space<vmem_shared>>)
      tpu.yield
    }) : () -> ()
    %add3A_296 = arith.constant 80 : i32
    %add3A_297 = arith.addi %multiple_of3A, %add3A_296 : i32
    "tpu.region"() ({
      %run_scoped3A = tpu.sem_alloc : memref<!tpu.dma_semaphore, #tpu.memory_space<semaphore_mem>>
      %dma_start3A_780 = arith.constant 0 : i32
      %dma_start3A_781 = arith.constant 0 : i32
      %dma_start3A_782 = tpu.memref_slice %arg14[%dma_start3A_780, %dma_start3A_781] : memref<80x128xf32, #tpu.memory_space<vmem>> -> memref<80x128xf32, #tpu.memory_space<vmem>>
      %dma_start3A_783 = arith.constant 0 : i32
      %dma_start3A_784 = tpu.memref_slice %arg19[%add3A_297, %dma_start3A_783] : memref<10112x128xf32, #tpu.memory_space<vmem_shared>> -> memref<80x128xf32, #tpu.memory_space<vmem_shared>>
      %dma_start3A_785 = arith.constant 0 : i32
      %dma_start3A_786 = tpu.memref_slice %arg19[%add3A_297, %dma_start3A_785] : memref<10112x128xf32, #tpu.memory_space<vmem_shared>> -> memref<80x128xf32, #tpu.memory_space<vmem_shared>>
      %dma_start3A_787 = arith.constant 0 : i32
      %dma_start3A_788 = arith.constant 0 : i32
      %dma_start3A_789 = tpu.memref_slice %arg14[%dma_start3A_787, %dma_start3A_788] : memref<80x128xf32, #tpu.memory_space<vmem>> -> memref<80x128xf32, #tpu.memory_space<vmem>>
      tpu.enqueue_dma source(%dma_start3A_789 : memref<80x128xf32, #tpu.memory_space<vmem>>) target(%dma_start3A_786 : memref<80x128xf32, #tpu.memory_space<vmem_shared>>) target_semaphore(%run_scoped3A : memref<!tpu.dma_semaphore, #tpu.memory_space<semaphore_mem>>)
      %dma_wait3A_790 = arith.constant 0 : i32
      %dma_wait3A_791 = arith.constant 0 : i32
      %dma_wait3A_792 = tpu.memref_slice %arg14[%dma_wait3A_790, %dma_wait3A_791] : memref<80x128xf32, #tpu.memory_space<vmem>> -> memref<80x128xf32, #tpu.memory_space<vmem>>
      %dma_wait3A_793 = arith.constant 0 : i32
      %dma_wait3A_794 = tpu.memref_slice %arg19[%add3A_297, %dma_wait3A_793] : memref<10112x128xf32, #tpu.memory_space<vmem_shared>> -> memref<80x128xf32, #tpu.memory_space<vmem_shared>>
      %dma_wait3A_795 = arith.constant 0 : i32
      %dma_wait3A_796 = tpu.memref_slice %arg19[%add3A_297, %dma_wait3A_795] : memref<10112x128xf32, #tpu.memory_space<vmem_shared>> -> memref<80x128xf32, #tpu.memory_space<vmem_shared>>
      %dma_wait3A_797 = arith.constant 0 : i32
      %dma_wait3A_798 = arith.constant 0 : i32
      %dma_wait3A_799 = tpu.memref_slice %arg14[%dma_wait3A_797, %dma_wait3A_798] : memref<80x128xf32, #tpu.memory_space<vmem>> -> memref<80x128xf32, #tpu.memory_space<vmem>>
      tpu.wait_dma2 semaphore(%run_scoped3A : memref<!tpu.dma_semaphore, #tpu.memory_space<semaphore_mem>>) src(%dma_wait3A_799 : memref<80x128xf32, #tpu.memory_space<vmem>>) dst(%dma_wait3A_796 : memref<80x128xf32, #tpu.memory_space<vmem_shared>>)
      tpu.yield
    }) : () -> ()
    %add3A_298 = arith.constant 160 : i32
    %add3A_299 = arith.addi %multiple_of3A, %add3A_298 : i32
    "tpu.region"() ({
      %run_scoped3A = tpu.sem_alloc : memref<!tpu.dma_semaphore, #tpu.memory_space<semaphore_mem>>
      %dma_start3A_780 = arith.constant 0 : i32
      %dma_start3A_781 = arith.constant 0 : i32
      %dma_start3A_782 = tpu.memref_slice %arg14[%dma_start3A_780, %dma_start3A_781] : memref<80x128xf32, #tpu.memory_space<vmem>> -> memref<80x128xf32, #tpu.memory_space<vmem>>
      %dma_start3A_783 = arith.constant 0 : i32
      %dma_start3A_784 = tpu.memref_slice %arg19[%add3A_299, %dma_start3A_783] : memref<10112x128xf32, #tpu.memory_space<vmem_shared>> -> memref<80x128xf32, #tpu.memory_space<vmem_shared>>
      %dma_start3A_785 = arith.constant 0 : i32
      %dma_start3A_786 = tpu.memref_slice %arg19[%add3A_299, %dma_start3A_785] : memref<10112x128xf32, #tpu.memory_space<vmem_shared>> -> memref<80x128xf32, #tpu.memory_space<vmem_shared>>
      %dma_start3A_787 = arith.constant 0 : i32
      %dma_start3A_788 = arith.constant 0 : i32
      %dma_start3A_789 = tpu.memref_slice %arg14[%dma_start3A_787, %dma_start3A_788] : memref<80x128xf32, #tpu.memory_space<vmem>> -> memref<80x128xf32, #tpu.memory_space<vmem>>
      tpu.enqueue_dma source(%dma_start3A_789 : memref<80x128xf32, #tpu.memory_space<vmem>>) target(%dma_start3A_786 : memref<80x128xf32, #tpu.memory_space<vmem_shared>>) target_semaphore(%run_scoped3A : memref<!tpu.dma_semaphore, #tpu.memory_space<semaphore_mem>>)
      %dma_wait3A_790 = arith.constant 0 : i32
      %dma_wait3A_791 = arith.constant 0 : i32
      %dma_wait3A_792 = tpu.memref_slice %arg14[%dma_wait3A_790, %dma_wait3A_791] : memref<80x128xf32, #tpu.memory_space<vmem>> -> memref<80x128xf32, #tpu.memory_space<vmem>>
      %dma_wait3A_793 = arith.constant 0 : i32
      %dma_wait3A_794 = tpu.memref_slice %arg19[%add3A_299, %dma_wait3A_793] : memref<10112x128xf32, #tpu.memory_space<vmem_shared>> -> memref<80x128xf32, #tpu.memory_space<vmem_shared>>
      %dma_wait3A_795 = arith.constant 0 : i32
      %dma_wait3A_796 = tpu.memref_slice %arg19[%add3A_299, %dma_wait3A_795] : memref<10112x128xf32, #tpu.memory_space<vmem_shared>> -> memref<80x128xf32, #tpu.memory_space<vmem_shared>>
      %dma_wait3A_797 = arith.constant 0 : i32
      %dma_wait3A_798 = arith.constant 0 : i32
      %dma_wait3A_799 = tpu.memref_slice %arg14[%dma_wait3A_797, %dma_wait3A_798] : memref<80x128xf32, #tpu.memory_space<vmem>> -> memref<80x128xf32, #tpu.memory_space<vmem>>
      tpu.wait_dma2 semaphore(%run_scoped3A : memref<!tpu.dma_semaphore, #tpu.memory_space<semaphore_mem>>) src(%dma_wait3A_799 : memref<80x128xf32, #tpu.memory_space<vmem>>) dst(%dma_wait3A_796 : memref<80x128xf32, #tpu.memory_space<vmem_shared>>)
      tpu.yield
    }) : () -> ()
    %add3A_300 = arith.constant 240 : i32
    %add3A_301 = arith.addi %multiple_of3A, %add3A_300 : i32
    "tpu.region"() ({
      %run_scoped3A = tpu.sem_alloc : memref<!tpu.dma_semaphore, #tpu.memory_space<semaphore_mem>>
      %dma_start3A_780 = arith.constant 0 : i32
      %dma_start3A_781 = arith.constant 0 : i32
      %dma_start3A_782 = tpu.memref_slice %arg14[%dma_start3A_780, %dma_start3A_781] : memref<80x128xf32, #tpu.memory_space<vmem>> -> memref<80x128xf32, #tpu.memory_space<vmem>>
      %dma_start3A_783 = arith.constant 0 : i32
      %dma_start3A_784 = tpu.memref_slice %arg19[%add3A_301, %dma_start3A_783] : memref<10112x128xf32, #tpu.memory_space<vmem_shared>> -> memref<80x128xf32, #tpu.memory_space<vmem_shared>>
      %dma_start3A_785 = arith.constant 0 : i32
      %dma_start3A_786 = tpu.memref_slice %arg19[%add3A_301, %dma_start3A_785] : memref<10112x128xf32, #tpu.memory_space<vmem_shared>> -> memref<80x128xf32, #tpu.memory_space<vmem_shared>>
      %dma_start3A_787 = arith.constant 0 : i32
      %dma_start3A_788 = arith.constant 0 : i32
      %dma_start3A_789 = tpu.memref_slice %arg14[%dma_start3A_787, %dma_start3A_788] : memref<80x128xf32, #tpu.memory_space<vmem>> -> memref<80x128xf32, #tpu.memory_space<vmem>>
      tpu.enqueue_dma source(%dma_start3A_789 : memref<80x128xf32, #tpu.memory_space<vmem>>) target(%dma_start3A_786 : memref<80x128xf32, #tpu.memory_space<vmem_shared>>) target_semaphore(%run_scoped3A : memref<!tpu.dma_semaphore, #tpu.memory_space<semaphore_mem>>)
      %dma_wait3A_790 = arith.constant 0 : i32
      %dma_wait3A_791 = arith.constant 0 : i32
      %dma_wait3A_792 = tpu.memref_slice %arg14[%dma_wait3A_790, %dma_wait3A_791] : memref<80x128xf32, #tpu.memory_space<vmem>> -> memref<80x128xf32, #tpu.memory_space<vmem>>
      %dma_wait3A_793 = arith.constant 0 : i32
      %dma_wait3A_794 = tpu.memref_slice %arg19[%add3A_301, %dma_wait3A_793] : memref<10112x128xf32, #tpu.memory_space<vmem_shared>> -> memref<80x128xf32, #tpu.memory_space<vmem_shared>>
      %dma_wait3A_795 = arith.constant 0 : i32
      %dma_wait3A_796 = tpu.memref_slice %arg19[%add3A_301, %dma_wait3A_795] : memref<10112x128xf32, #tpu.memory_space<vmem_shared>> -> memref<80x128xf32, #tpu.memory_space<vmem_shared>>
      %dma_wait3A_797 = arith.constant 0 : i32
      %dma_wait3A_798 = arith.constant 0 : i32
      %dma_wait3A_799 = tpu.memref_slice %arg14[%dma_wait3A_797, %dma_wait3A_798] : memref<80x128xf32, #tpu.memory_space<vmem>> -> memref<80x128xf32, #tpu.memory_space<vmem>>
      tpu.wait_dma2 semaphore(%run_scoped3A : memref<!tpu.dma_semaphore, #tpu.memory_space<semaphore_mem>>) src(%dma_wait3A_799 : memref<80x128xf32, #tpu.memory_space<vmem>>) dst(%dma_wait3A_796 : memref<80x128xf32, #tpu.memory_space<vmem_shared>>)
      tpu.yield
    }) : () -> ()
    %add3A_302 = arith.constant 320 : i32
    %add3A_303 = arith.addi %multiple_of3A, %add3A_302 : i32
    "tpu.region"() ({
      %run_scoped3A = tpu.sem_alloc : memref<!tpu.dma_semaphore, #tpu.memory_space<semaphore_mem>>
      %dma_start3A_780 = arith.constant 0 : i32
      %dma_start3A_781 = arith.constant 0 : i32
      %dma_start3A_782 = tpu.memref_slice %arg14[%dma_start3A_780, %dma_start3A_781] : memref<80x128xf32, #tpu.memory_space<vmem>> -> memref<80x128xf32, #tpu.memory_space<vmem>>
      %dma_start3A_783 = arith.constant 0 : i32
      %dma_start3A_784 = tpu.memref_slice %arg19[%add3A_303, %dma_start3A_783] : memref<10112x128xf32, #tpu.memory_space<vmem_shared>> -> memref<80x128xf32, #tpu.memory_space<vmem_shared>>
      %dma_start3A_785 = arith.constant 0 : i32
      %dma_start3A_786 = tpu.memref_slice %arg19[%add3A_303, %dma_start3A_785] : memref<10112x128xf32, #tpu.memory_space<vmem_shared>> -> memref<80x128xf32, #tpu.memory_space<vmem_shared>>
      %dma_start3A_787 = arith.constant 0 : i32
      %dma_start3A_788 = arith.constant 0 : i32
      %dma_start3A_789 = tpu.memref_slice %arg14[%dma_start3A_787, %dma_start3A_788] : memref<80x128xf32, #tpu.memory_space<vmem>> -> memref<80x128xf32, #tpu.memory_space<vmem>>
      tpu.enqueue_dma source(%dma_start3A_789 : memref<80x128xf32, #tpu.memory_space<vmem>>) target(%dma_start3A_786 : memref<80x128xf32, #tpu.memory_space<vmem_shared>>) target_semaphore(%run_scoped3A : memref<!tpu.dma_semaphore, #tpu.memory_space<semaphore_mem>>)
      %dma_wait3A_790 = arith.constant 0 : i32
      %dma_wait3A_791 = arith.constant 0 : i32
      %dma_wait3A_792 = tpu.memref_slice %arg14[%dma_wait3A_790, %dma_wait3A_791] : memref<80x128xf32, #tpu.memory_space<vmem>> -> memref<80x128xf32, #tpu.memory_space<vmem>>
      %dma_wait3A_793 = arith.constant 0 : i32
      %dma_wait3A_794 = tpu.memref_slice %arg19[%add3A_303, %dma_wait3A_793] : memref<10112x128xf32, #tpu.memory_space<vmem_shared>> -> memref<80x128xf32, #tpu.memory_space<vmem_shared>>
      %dma_wait3A_795 = arith.constant 0 : i32
      %dma_wait3A_796 = tpu.memref_slice %arg19[%add3A_303, %dma_wait3A_795] : memref<10112x128xf32, #tpu.memory_space<vmem_shared>> -> memref<80x128xf32, #tpu.memory_space<vmem_shared>>
      %dma_wait3A_797 = arith.constant 0 : i32
      %dma_wait3A_798 = arith.constant 0 : i32
      %dma_wait3A_799 = tpu.memref_slice %arg14[%dma_wait3A_797, %dma_wait3A_798] : memref<80x128xf32, #tpu.memory_space<vmem>> -> memref<80x128xf32, #tpu.memory_space<vmem>>
      tpu.wait_dma2 semaphore(%run_scoped3A : memref<!tpu.dma_semaphore, #tpu.memory_space<semaphore_mem>>) src(%dma_wait3A_799 : memref<80x128xf32, #tpu.memory_space<vmem>>) dst(%dma_wait3A_796 : memref<80x128xf32, #tpu.memory_space<vmem_shared>>)
      tpu.yield
    }) : () -> ()
    %add3A_304 = arith.constant 400 : i32
    %add3A_305 = arith.addi %multiple_of3A, %add3A_304 : i32
    "tpu.region"() ({
      %run_scoped3A = tpu.sem_alloc : memref<!tpu.dma_semaphore, #tpu.memory_space<semaphore_mem>>
      %dma_start3A_780 = arith.constant 0 : i32
      %dma_start3A_781 = arith.constant 0 : i32
      %dma_start3A_782 = tpu.memref_slice %arg14[%dma_start3A_780, %dma_start3A_781] : memref<80x128xf32, #tpu.memory_space<vmem>> -> memref<80x128xf32, #tpu.memory_space<vmem>>
      %dma_start3A_783 = arith.constant 0 : i32
      %dma_start3A_784 = tpu.memref_slice %arg19[%add3A_305, %dma_start3A_783] : memref<10112x128xf32, #tpu.memory_space<vmem_shared>> -> memref<80x128xf32, #tpu.memory_space<vmem_shared>>
      %dma_start3A_785 = arith.constant 0 : i32
      %dma_start3A_786 = tpu.memref_slice %arg19[%add3A_305, %dma_start3A_785] : memref<10112x128xf32, #tpu.memory_space<vmem_shared>> -> memref<80x128xf32, #tpu.memory_space<vmem_shared>>
      %dma_start3A_787 = arith.constant 0 : i32
      %dma_start3A_788 = arith.constant 0 : i32
      %dma_start3A_789 = tpu.memref_slice %arg14[%dma_start3A_787, %dma_start3A_788] : memref<80x128xf32, #tpu.memory_space<vmem>> -> memref<80x128xf32, #tpu.memory_space<vmem>>
      tpu.enqueue_dma source(%dma_start3A_789 : memref<80x128xf32, #tpu.memory_space<vmem>>) target(%dma_start3A_786 : memref<80x128xf32, #tpu.memory_space<vmem_shared>>) target_semaphore(%run_scoped3A : memref<!tpu.dma_semaphore, #tpu.memory_space<semaphore_mem>>)
      %dma_wait3A_790 = arith.constant 0 : i32
      %dma_wait3A_791 = arith.constant 0 : i32
      %dma_wait3A_792 = tpu.memref_slice %arg14[%dma_wait3A_790, %dma_wait3A_791] : memref<80x128xf32, #tpu.memory_space<vmem>> -> memref<80x128xf32, #tpu.memory_space<vmem>>
      %dma_wait3A_793 = arith.constant 0 : i32
      %dma_wait3A_794 = tpu.memref_slice %arg19[%add3A_305, %dma_wait3A_793] : memref<10112x128xf32, #tpu.memory_space<vmem_shared>> -> memref<80x128xf32, #tpu.memory_space<vmem_shared>>
      %dma_wait3A_795 = arith.constant 0 : i32
      %dma_wait3A_796 = tpu.memref_slice %arg19[%add3A_305, %dma_wait3A_795] : memref<10112x128xf32, #tpu.memory_space<vmem_shared>> -> memref<80x128xf32, #tpu.memory_space<vmem_shared>>
      %dma_wait3A_797 = arith.constant 0 : i32
      %dma_wait3A_798 = arith.constant 0 : i32
      %dma_wait3A_799 = tpu.memref_slice %arg14[%dma_wait3A_797, %dma_wait3A_798] : memref<80x128xf32, #tpu.memory_space<vmem>> -> memref<80x128xf32, #tpu.memory_space<vmem>>
      tpu.wait_dma2 semaphore(%run_scoped3A : memref<!tpu.dma_semaphore, #tpu.memory_space<semaphore_mem>>) src(%dma_wait3A_799 : memref<80x128xf32, #tpu.memory_space<vmem>>) dst(%dma_wait3A_796 : memref<80x128xf32, #tpu.memory_space<vmem_shared>>)
      tpu.yield
    }) : () -> ()
    %add3A_306 = arith.constant 480 : i32
    %add3A_307 = arith.addi %multiple_of3A, %add3A_306 : i32
    "tpu.region"() ({
      %run_scoped3A = tpu.sem_alloc : memref<!tpu.dma_semaphore, #tpu.memory_space<semaphore_mem>>
      %dma_start3A_780 = arith.constant 0 : i32
      %dma_start3A_781 = arith.constant 0 : i32
      %dma_start3A_782 = tpu.memref_slice %arg14[%dma_start3A_780, %dma_start3A_781] : memref<80x128xf32, #tpu.memory_space<vmem>> -> memref<80x128xf32, #tpu.memory_space<vmem>>
      %dma_start3A_783 = arith.constant 0 : i32
      %dma_start3A_784 = tpu.memref_slice %arg19[%add3A_307, %dma_start3A_783] : memref<10112x128xf32, #tpu.memory_space<vmem_shared>> -> memref<80x128xf32, #tpu.memory_space<vmem_shared>>
      %dma_start3A_785 = arith.constant 0 : i32
      %dma_start3A_786 = tpu.memref_slice %arg19[%add3A_307, %dma_start3A_785] : memref<10112x128xf32, #tpu.memory_space<vmem_shared>> -> memref<80x128xf32, #tpu.memory_space<vmem_shared>>
      %dma_start3A_787 = arith.constant 0 : i32
      %dma_start3A_788 = arith.constant 0 : i32
      %dma_start3A_789 = tpu.memref_slice %arg14[%dma_start3A_787, %dma_start3A_788] : memref<80x128xf32, #tpu.memory_space<vmem>> -> memref<80x128xf32, #tpu.memory_space<vmem>>
      tpu.enqueue_dma source(%dma_start3A_789 : memref<80x128xf32, #tpu.memory_space<vmem>>) target(%dma_start3A_786 : memref<80x128xf32, #tpu.memory_space<vmem_shared>>) target_semaphore(%run_scoped3A : memref<!tpu.dma_semaphore, #tpu.memory_space<semaphore_mem>>)
      %dma_wait3A_790 = arith.constant 0 : i32
      %dma_wait3A_791 = arith.constant 0 : i32
      %dma_wait3A_792 = tpu.memref_slice %arg14[%dma_wait3A_790, %dma_wait3A_791] : memref<80x128xf32, #tpu.memory_space<vmem>> -> memref<80x128xf32, #tpu.memory_space<vmem>>
      %dma_wait3A_793 = arith.constant 0 : i32
      %dma_wait3A_794 = tpu.memref_slice %arg19[%add3A_307, %dma_wait3A_793] : memref<10112x128xf32, #tpu.memory_space<vmem_shared>> -> memref<80x128xf32, #tpu.memory_space<vmem_shared>>
      %dma_wait3A_795 = arith.constant 0 : i32
      %dma_wait3A_796 = tpu.memref_slice %arg19[%add3A_307, %dma_wait3A_795] : memref<10112x128xf32, #tpu.memory_space<vmem_shared>> -> memref<80x128xf32, #tpu.memory_space<vmem_shared>>
      %dma_wait3A_797 = arith.constant 0 : i32
      %dma_wait3A_798 = arith.constant 0 : i32
      %dma_wait3A_799 = tpu.memref_slice %arg14[%dma_wait3A_797, %dma_wait3A_798] : memref<80x128xf32, #tpu.memory_space<vmem>> -> memref<80x128xf32, #tpu.memory_space<vmem>>
      tpu.wait_dma2 semaphore(%run_scoped3A : memref<!tpu.dma_semaphore, #tpu.memory_space<semaphore_mem>>) src(%dma_wait3A_799 : memref<80x128xf32, #tpu.memory_space<vmem>>) dst(%dma_wait3A_796 : memref<80x128xf32, #tpu.memory_space<vmem_shared>>)
      tpu.yield
    }) : () -> ()
    %add3A_308 = arith.constant 560 : i32
    %add3A_309 = arith.addi %multiple_of3A, %add3A_308 : i32
    "tpu.region"() ({
      %run_scoped3A = tpu.sem_alloc : memref<!tpu.dma_semaphore, #tpu.memory_space<semaphore_mem>>
      %dma_start3A_780 = arith.constant 0 : i32
      %dma_start3A_781 = arith.constant 0 : i32
      %dma_start3A_782 = tpu.memref_slice %arg14[%dma_start3A_780, %dma_start3A_781] : memref<80x128xf32, #tpu.memory_space<vmem>> -> memref<72x128xf32, #tpu.memory_space<vmem>>
      %dma_start3A_783 = arith.constant 0 : i32
      %dma_start3A_784 = tpu.memref_slice %arg19[%add3A_309, %dma_start3A_783] : memref<10112x128xf32, #tpu.memory_space<vmem_shared>> -> memref<72x128xf32, #tpu.memory_space<vmem_shared>>
      %dma_start3A_785 = arith.constant 0 : i32
      %dma_start3A_786 = tpu.memref_slice %arg19[%add3A_309, %dma_start3A_785] : memref<10112x128xf32, #tpu.memory_space<vmem_shared>> -> memref<72x128xf32, #tpu.memory_space<vmem_shared>>
      %dma_start3A_787 = arith.constant 0 : i32
      %dma_start3A_788 = arith.constant 0 : i32
      %dma_start3A_789 = tpu.memref_slice %arg14[%dma_start3A_787, %dma_start3A_788] : memref<80x128xf32, #tpu.memory_space<vmem>> -> memref<72x128xf32, #tpu.memory_space<vmem>>
      tpu.enqueue_dma source(%dma_start3A_789 : memref<72x128xf32, #tpu.memory_space<vmem>>) target(%dma_start3A_786 : memref<72x128xf32, #tpu.memory_space<vmem_shared>>) target_semaphore(%run_scoped3A : memref<!tpu.dma_semaphore, #tpu.memory_space<semaphore_mem>>)
      %dma_wait3A_790 = arith.constant 0 : i32
      %dma_wait3A_791 = arith.constant 0 : i32
      %dma_wait3A_792 = tpu.memref_slice %arg14[%dma_wait3A_790, %dma_wait3A_791] : memref<80x128xf32, #tpu.memory_space<vmem>> -> memref<72x128xf32, #tpu.memory_space<vmem>>
      %dma_wait3A_793 = arith.constant 0 : i32
      %dma_wait3A_794 = tpu.memref_slice %arg19[%add3A_309, %dma_wait3A_793] : memref<10112x128xf32, #tpu.memory_space<vmem_shared>> -> memref<72x128xf32, #tpu.memory_space<vmem_shared>>
      %dma_wait3A_795 = arith.constant 0 : i32
      %dma_wait3A_796 = tpu.memref_slice %arg19[%add3A_309, %dma_wait3A_795] : memref<10112x128xf32, #tpu.memory_space<vmem_shared>> -> memref<72x128xf32, #tpu.memory_space<vmem_shared>>
      %dma_wait3A_797 = arith.constant 0 : i32
      %dma_wait3A_798 = arith.constant 0 : i32
      %dma_wait3A_799 = tpu.memref_slice %arg14[%dma_wait3A_797, %dma_wait3A_798] : memref<80x128xf32, #tpu.memory_space<vmem>> -> memref<72x128xf32, #tpu.memory_space<vmem>>
      tpu.wait_dma2 semaphore(%run_scoped3A : memref<!tpu.dma_semaphore, #tpu.memory_space<semaphore_mem>>) src(%dma_wait3A_799 : memref<72x128xf32, #tpu.memory_space<vmem>>) dst(%dma_wait3A_796 : memref<72x128xf32, #tpu.memory_space<vmem_shared>>)
      tpu.yield
    }) : () -> ()
    "tpu.region"() ({
      %run_scoped3A = tpu.sem_alloc : memref<!tpu.dma_semaphore, #tpu.memory_space<semaphore_mem>>
      %dma_start3A_780 = arith.constant 0 : i32
      %dma_start3A_781 = tpu.memref_slice %arg18[%dma_start3A_780] : memref<640xf32, #tpu.memory_space<vmem>> -> memref<632xf32, #tpu.memory_space<vmem>>
      %dma_start3A_782 = tpu.memref_slice %arg20[%multiple_of3A] : memref<10112xf32, #tpu.memory_space<vmem_shared>> -> memref<632xf32, #tpu.memory_space<vmem_shared>>
      %dma_start3A_783 = tpu.memref_slice %arg20[%multiple_of3A] : memref<10112xf32, #tpu.memory_space<vmem_shared>> -> memref<632xf32, #tpu.memory_space<vmem_shared>>
      %dma_start3A_784 = arith.constant 0 : i32
      %dma_start3A_785 = tpu.memref_slice %arg18[%dma_start3A_784] : memref<640xf32, #tpu.memory_space<vmem>> -> memref<632xf32, #tpu.memory_space<vmem>>
      tpu.enqueue_dma source(%dma_start3A_785 : memref<632xf32, #tpu.memory_space<vmem>>) target(%dma_start3A_783 : memref<632xf32, #tpu.memory_space<vmem_shared>>) target_semaphore(%run_scoped3A : memref<!tpu.dma_semaphore, #tpu.memory_space<semaphore_mem>>)
      %dma_wait3A_786 = arith.constant 0 : i32
      %dma_wait3A_787 = tpu.memref_slice %arg18[%dma_wait3A_786] : memref<640xf32, #tpu.memory_space<vmem>> -> memref<632xf32, #tpu.memory_space<vmem>>
      %dma_wait3A_788 = tpu.memref_slice %arg20[%multiple_of3A] : memref<10112xf32, #tpu.memory_space<vmem_shared>> -> memref<632xf32, #tpu.memory_space<vmem_shared>>
      %dma_wait3A_789 = tpu.memref_slice %arg20[%multiple_of3A] : memref<10112xf32, #tpu.memory_space<vmem_shared>> -> memref<632xf32, #tpu.memory_space<vmem_shared>>
      %dma_wait3A_790 = arith.constant 0 : i32
      %dma_wait3A_791 = tpu.memref_slice %arg18[%dma_wait3A_790] : memref<640xf32, #tpu.memory_space<vmem>> -> memref<632xf32, #tpu.memory_space<vmem>>
      tpu.wait_dma2 semaphore(%run_scoped3A : memref<!tpu.dma_semaphore, #tpu.memory_space<semaphore_mem>>) src(%dma_wait3A_791 : memref<632xf32, #tpu.memory_space<vmem>>) dst(%dma_wait3A_789 : memref<632xf32, #tpu.memory_space<vmem_shared>>)
      tpu.yield
    }) : () -> ()
    %barrier3A = arith.constant 0 : index
    tpu.barrier barrier_id(%barrier3A)
    %mul3A_310 = arith.constant 10000 : i32
    %mul3A_311 = arith.muli %add3A, %mul3A_310 : i32
    %add3A_312 = arith.constant 0 : i32
    %add3A_313 = arith.addi %mul3A_311, %add3A_312 : i32
    %multiple_of3A_314 = tpu.assume_multiple %add3A_313, 16 : i32
    %dma_start3A = arith.constant 0 : i32
    %dma_start3A_315 = arith.constant 0 : i32
    %dma_start3A_316 = tpu.memref_slice %arg3[%multiple_of3A_314, %dma_start3A_315] : memref<320000x128xf32, #tpu.memory_space<hbm>> -> memref<80x128xf32, #tpu.memory_space<hbm>>
    %dma_start3A_317 = tpu.memref_slice %arg21[%dma_start3A] : memref<3x!tpu.dma_semaphore, #tpu.memory_space<semaphore_mem>> -> memref<1x!tpu.dma_semaphore, #tpu.memory_space<semaphore_mem>>
    %dma_start3A_318 = tpu.memref_squeeze %dma_start3A_317 : memref<1x!tpu.dma_semaphore, #tpu.memory_space<semaphore_mem>> -> memref<!tpu.dma_semaphore, #tpu.memory_space<semaphore_mem>>
    %dma_start3A_319 = arith.constant 0 : i32
    %dma_start3A_320 = tpu.memref_slice %arg3[%multiple_of3A_314, %dma_start3A_319] : memref<320000x128xf32, #tpu.memory_space<hbm>> -> memref<80x128xf32, #tpu.memory_space<hbm>>
    tpu.enqueue_dma source(%dma_start3A_320 : memref<80x128xf32, #tpu.memory_space<hbm>>) target(%arg14 : memref<80x128xf32, #tpu.memory_space<vmem>>) target_semaphore(%dma_start3A_318 : memref<!tpu.dma_semaphore, #tpu.memory_space<semaphore_mem>>)
    %dma_start3A_321 = arith.constant 0 : i32
    %dma_start3A_322 = tpu.memref_slice %arg4[%multiple_of3A_314] : memref<320000xi32, #tpu.memory_space<hbm>> -> memref<80xi32, #tpu.memory_space<hbm>>
    %dma_start3A_323 = tpu.memref_slice %arg22[%dma_start3A_321] : memref<3x!tpu.dma_semaphore, #tpu.memory_space<semaphore_mem>> -> memref<1x!tpu.dma_semaphore, #tpu.memory_space<semaphore_mem>>
    %dma_start3A_324 = tpu.memref_squeeze %dma_start3A_323 : memref<1x!tpu.dma_semaphore, #tpu.memory_space<semaphore_mem>> -> memref<!tpu.dma_semaphore, #tpu.memory_space<semaphore_mem>>
    %dma_start3A_325 = tpu.memref_slice %arg4[%multiple_of3A_314] : memref<320000xi32, #tpu.memory_space<hbm>> -> memref<80xi32, #tpu.memory_space<hbm>>
    tpu.enqueue_dma source(%dma_start3A_325 : memref<80xi32, #tpu.memory_space<hbm>>) target(%arg8 : memref<80xi32, #tpu.memory_space<vmem>>) target_semaphore(%dma_start3A_324 : memref<!tpu.dma_semaphore, #tpu.memory_space<semaphore_mem>>)
    %dma_start3A_326 = arith.constant 0 : i32
    %dma_start3A_327 = tpu.memref_slice %arg5[%multiple_of3A_314] : memref<320000xi32, #tpu.memory_space<hbm>> -> memref<80xi32, #tpu.memory_space<hbm>>
    %dma_start3A_328 = tpu.memref_slice %arg23[%dma_start3A_326] : memref<3x!tpu.dma_semaphore, #tpu.memory_space<semaphore_mem>> -> memref<1x!tpu.dma_semaphore, #tpu.memory_space<semaphore_mem>>
    %dma_start3A_329 = tpu.memref_squeeze %dma_start3A_328 : memref<1x!tpu.dma_semaphore, #tpu.memory_space<semaphore_mem>> -> memref<!tpu.dma_semaphore, #tpu.memory_space<semaphore_mem>>
    %dma_start3A_330 = tpu.memref_slice %arg5[%multiple_of3A_314] : memref<320000xi32, #tpu.memory_space<hbm>> -> memref<80xi32, #tpu.memory_space<hbm>>
    tpu.enqueue_dma source(%dma_start3A_330 : memref<80xi32, #tpu.memory_space<hbm>>) target(%arg11 : memref<80xi32, #tpu.memory_space<vmem>>) target_semaphore(%dma_start3A_329 : memref<!tpu.dma_semaphore, #tpu.memory_space<semaphore_mem>>)
    %dma_wait3A = arith.constant 0 : i32
    %dma_wait3A_331 = arith.constant 0 : i32
    %dma_wait3A_332 = arith.constant 0 : i32
    %dma_wait3A_333 = tpu.memref_slice %arg3[%dma_wait3A_331, %dma_wait3A_332] : memref<320000x128xf32, #tpu.memory_space<hbm>> -> memref<80x128xf32, #tpu.memory_space<hbm>>
    %dma_wait3A_334 = tpu.memref_slice %arg21[%dma_wait3A] : memref<3x!tpu.dma_semaphore, #tpu.memory_space<semaphore_mem>> -> memref<1x!tpu.dma_semaphore, #tpu.memory_space<semaphore_mem>>
    %dma_wait3A_335 = tpu.memref_squeeze %dma_wait3A_334 : memref<1x!tpu.dma_semaphore, #tpu.memory_space<semaphore_mem>> -> memref<!tpu.dma_semaphore, #tpu.memory_space<semaphore_mem>>
    %dma_wait3A_336 = arith.constant 0 : i32
    %dma_wait3A_337 = arith.constant 0 : i32
    %dma_wait3A_338 = tpu.memref_slice %arg3[%dma_wait3A_336, %dma_wait3A_337] : memref<320000x128xf32, #tpu.memory_space<hbm>> -> memref<80x128xf32, #tpu.memory_space<hbm>>
    tpu.wait_dma2 semaphore(%dma_wait3A_335 : memref<!tpu.dma_semaphore, #tpu.memory_space<semaphore_mem>>) src(%dma_wait3A_338 : memref<80x128xf32, #tpu.memory_space<hbm>>) dst(%arg14 : memref<80x128xf32, #tpu.memory_space<vmem>>)
    %dma_wait3A_339 = arith.constant 0 : i32
    %dma_wait3A_340 = arith.constant 0 : i32
    %dma_wait3A_341 = tpu.memref_slice %arg4[%dma_wait3A_340] : memref<320000xi32, #tpu.memory_space<hbm>> -> memref<80xi32, #tpu.memory_space<hbm>>
    %dma_wait3A_342 = tpu.memref_slice %arg22[%dma_wait3A_339] : memref<3x!tpu.dma_semaphore, #tpu.memory_space<semaphore_mem>> -> memref<1x!tpu.dma_semaphore, #tpu.memory_space<semaphore_mem>>
    %dma_wait3A_343 = tpu.memref_squeeze %dma_wait3A_342 : memref<1x!tpu.dma_semaphore, #tpu.memory_space<semaphore_mem>> -> memref<!tpu.dma_semaphore, #tpu.memory_space<semaphore_mem>>
    %dma_wait3A_344 = arith.constant 0 : i32
    %dma_wait3A_345 = tpu.memref_slice %arg4[%dma_wait3A_344] : memref<320000xi32, #tpu.memory_space<hbm>> -> memref<80xi32, #tpu.memory_space<hbm>>
    tpu.wait_dma2 semaphore(%dma_wait3A_343 : memref<!tpu.dma_semaphore, #tpu.memory_space<semaphore_mem>>) src(%dma_wait3A_345 : memref<80xi32, #tpu.memory_space<hbm>>) dst(%arg8 : memref<80xi32, #tpu.memory_space<vmem>>)
    %dma_wait3A_346 = arith.constant 0 : i32
    %dma_wait3A_347 = arith.constant 0 : i32
    %dma_wait3A_348 = tpu.memref_slice %arg5[%dma_wait3A_347] : memref<320000xi32, #tpu.memory_space<hbm>> -> memref<80xi32, #tpu.memory_space<hbm>>
    %dma_wait3A_349 = tpu.memref_slice %arg23[%dma_wait3A_346] : memref<3x!tpu.dma_semaphore, #tpu.memory_space<semaphore_mem>> -> memref<1x!tpu.dma_semaphore, #tpu.memory_space<semaphore_mem>>
    %dma_wait3A_350 = tpu.memref_squeeze %dma_wait3A_349 : memref<1x!tpu.dma_semaphore, #tpu.memory_space<semaphore_mem>> -> memref<!tpu.dma_semaphore, #tpu.memory_space<semaphore_mem>>
    %dma_wait3A_351 = arith.constant 0 : i32
    %dma_wait3A_352 = tpu.memref_slice %arg5[%dma_wait3A_351] : memref<320000xi32, #tpu.memory_space<hbm>> -> memref<80xi32, #tpu.memory_space<hbm>>
    tpu.wait_dma2 semaphore(%dma_wait3A_350 : memref<!tpu.dma_semaphore, #tpu.memory_space<semaphore_mem>>) src(%dma_wait3A_352 : memref<80xi32, #tpu.memory_space<hbm>>) dst(%arg11 : memref<80xi32, #tpu.memory_space<vmem>>)
    %dma_start3A_353 = arith.constant 0 : i32
    %dma_start3A_354 = arith.constant 0 : i32
    %dma_start3A_355 = arith.constant 0 : i32
    %dma_start3A_356 = tpu.memref_slice %arg2[%dma_start3A_354, %dma_start3A_355] : memref<10000x128xf32, #tpu.memory_space<hbm>> -> memref<10000x128xf32, #tpu.memory_space<hbm>>
    %dma_start3A_357 = tpu.memref_slice %arg24[%dma_start3A_353] : memref<3x!tpu.dma_semaphore, #tpu.memory_space<semaphore_mem>> -> memref<1x!tpu.dma_semaphore, #tpu.memory_space<semaphore_mem>>
    %dma_start3A_358 = tpu.memref_squeeze %dma_start3A_357 : memref<1x!tpu.dma_semaphore, #tpu.memory_space<semaphore_mem>> -> memref<!tpu.dma_semaphore, #tpu.memory_space<semaphore_mem>>
    tpu.enqueue_indirect_dma source(%dma_start3A_356 : memref<10000x128xf32, #tpu.memory_space<hbm>>) target(%arg14 : memref<80x128xf32, #tpu.memory_space<vmem>>) offsets(%arg8 : memref<80xi32, #tpu.memory_space<vmem>>) semaphore(%dma_start3A_358 : memref<!tpu.dma_semaphore, #tpu.memory_space<semaphore_mem>>) {add = true}
    %mul3A_359 = arith.constant 10000 : i32
    %mul3A_360 = arith.muli %add3A, %mul3A_359 : i32
    %add3A_361 = arith.constant 80 : i32
    %add3A_362 = arith.addi %mul3A_360, %add3A_361 : i32
    %multiple_of3A_363 = tpu.assume_multiple %add3A_362, 16 : i32
    %dma_start3A_364 = arith.constant 1 : i32
    %dma_start3A_365 = arith.constant 0 : i32
    %dma_start3A_366 = tpu.memref_slice %arg3[%multiple_of3A_363, %dma_start3A_365] : memref<320000x128xf32, #tpu.memory_space<hbm>> -> memref<80x128xf32, #tpu.memory_space<hbm>>
    %dma_start3A_367 = tpu.memref_slice %arg21[%dma_start3A_364] : memref<3x!tpu.dma_semaphore, #tpu.memory_space<semaphore_mem>> -> memref<1x!tpu.dma_semaphore, #tpu.memory_space<semaphore_mem>>
    %dma_start3A_368 = tpu.memref_squeeze %dma_start3A_367 : memref<1x!tpu.dma_semaphore, #tpu.memory_space<semaphore_mem>> -> memref<!tpu.dma_semaphore, #tpu.memory_space<semaphore_mem>>
    %dma_start3A_369 = arith.constant 0 : i32
    %dma_start3A_370 = tpu.memref_slice %arg3[%multiple_of3A_363, %dma_start3A_369] : memref<320000x128xf32, #tpu.memory_space<hbm>> -> memref<80x128xf32, #tpu.memory_space<hbm>>
    tpu.enqueue_dma source(%dma_start3A_370 : memref<80x128xf32, #tpu.memory_space<hbm>>) target(%arg15 : memref<80x128xf32, #tpu.memory_space<vmem>>) target_semaphore(%dma_start3A_368 : memref<!tpu.dma_semaphore, #tpu.memory_space<semaphore_mem>>)
    %dma_start3A_371 = arith.constant 1 : i32
    %dma_start3A_372 = tpu.memref_slice %arg4[%multiple_of3A_363] : memref<320000xi32, #tpu.memory_space<hbm>> -> memref<80xi32, #tpu.memory_space<hbm>>
    %dma_start3A_373 = tpu.memref_slice %arg22[%dma_start3A_371] : memref<3x!tpu.dma_semaphore, #tpu.memory_space<semaphore_mem>> -> memref<1x!tpu.dma_semaphore, #tpu.memory_space<semaphore_mem>>
    %dma_start3A_374 = tpu.memref_squeeze %dma_start3A_373 : memref<1x!tpu.dma_semaphore, #tpu.memory_space<semaphore_mem>> -> memref<!tpu.dma_semaphore, #tpu.memory_space<semaphore_mem>>
    %dma_start3A_375 = tpu.memref_slice %arg4[%multiple_of3A_363] : memref<320000xi32, #tpu.memory_space<hbm>> -> memref<80xi32, #tpu.memory_space<hbm>>
    tpu.enqueue_dma source(%dma_start3A_375 : memref<80xi32, #tpu.memory_space<hbm>>) target(%arg9 : memref<80xi32, #tpu.memory_space<vmem>>) target_semaphore(%dma_start3A_374 : memref<!tpu.dma_semaphore, #tpu.memory_space<semaphore_mem>>)
    %dma_start3A_376 = arith.constant 1 : i32
    %dma_start3A_377 = tpu.memref_slice %arg5[%multiple_of3A_363] : memref<320000xi32, #tpu.memory_space<hbm>> -> memref<80xi32, #tpu.memory_space<hbm>>
    %dma_start3A_378 = tpu.memref_slice %arg23[%dma_start3A_376] : memref<3x!tpu.dma_semaphore, #tpu.memory_space<semaphore_mem>> -> memref<1x!tpu.dma_semaphore, #tpu.memory_space<semaphore_mem>>
    %dma_start3A_379 = tpu.memref_squeeze %dma_start3A_378 : memref<1x!tpu.dma_semaphore, #tpu.memory_space<semaphore_mem>> -> memref<!tpu.dma_semaphore, #tpu.memory_space<semaphore_mem>>
    %dma_start3A_380 = tpu.memref_slice %arg5[%multiple_of3A_363] : memref<320000xi32, #tpu.memory_space<hbm>> -> memref<80xi32, #tpu.memory_space<hbm>>
    tpu.enqueue_dma source(%dma_start3A_380 : memref<80xi32, #tpu.memory_space<hbm>>) target(%arg12 : memref<80xi32, #tpu.memory_space<vmem>>) target_semaphore(%dma_start3A_379 : memref<!tpu.dma_semaphore, #tpu.memory_space<semaphore_mem>>)
    %dma_wait3A_381 = arith.constant 1 : i32
    %dma_wait3A_382 = arith.constant 0 : i32
    %dma_wait3A_383 = arith.constant 0 : i32
    %dma_wait3A_384 = tpu.memref_slice %arg3[%dma_wait3A_382, %dma_wait3A_383] : memref<320000x128xf32, #tpu.memory_space<hbm>> -> memref<80x128xf32, #tpu.memory_space<hbm>>
    %dma_wait3A_385 = tpu.memref_slice %arg21[%dma_wait3A_381] : memref<3x!tpu.dma_semaphore, #tpu.memory_space<semaphore_mem>> -> memref<1x!tpu.dma_semaphore, #tpu.memory_space<semaphore_mem>>
    %dma_wait3A_386 = tpu.memref_squeeze %dma_wait3A_385 : memref<1x!tpu.dma_semaphore, #tpu.memory_space<semaphore_mem>> -> memref<!tpu.dma_semaphore, #tpu.memory_space<semaphore_mem>>
    %dma_wait3A_387 = arith.constant 0 : i32
    %dma_wait3A_388 = arith.constant 0 : i32
    %dma_wait3A_389 = tpu.memref_slice %arg3[%dma_wait3A_387, %dma_wait3A_388] : memref<320000x128xf32, #tpu.memory_space<hbm>> -> memref<80x128xf32, #tpu.memory_space<hbm>>
    tpu.wait_dma2 semaphore(%dma_wait3A_386 : memref<!tpu.dma_semaphore, #tpu.memory_space<semaphore_mem>>) src(%dma_wait3A_389 : memref<80x128xf32, #tpu.memory_space<hbm>>) dst(%arg15 : memref<80x128xf32, #tpu.memory_space<vmem>>)
    %dma_wait3A_390 = arith.constant 1 : i32
    %dma_wait3A_391 = arith.constant 0 : i32
    %dma_wait3A_392 = tpu.memref_slice %arg4[%dma_wait3A_391] : memref<320000xi32, #tpu.memory_space<hbm>> -> memref<80xi32, #tpu.memory_space<hbm>>
    %dma_wait3A_393 = tpu.memref_slice %arg22[%dma_wait3A_390] : memref<3x!tpu.dma_semaphore, #tpu.memory_space<semaphore_mem>> -> memref<1x!tpu.dma_semaphore, #tpu.memory_space<semaphore_mem>>
    %dma_wait3A_394 = tpu.memref_squeeze %dma_wait3A_393 : memref<1x!tpu.dma_semaphore, #tpu.memory_space<semaphore_mem>> -> memref<!tpu.dma_semaphore, #tpu.memory_space<semaphore_mem>>
    %dma_wait3A_395 = arith.constant 0 : i32
    %dma_wait3A_396 = tpu.memref_slice %arg4[%dma_wait3A_395] : memref<320000xi32, #tpu.memory_space<hbm>> -> memref<80xi32, #tpu.memory_space<hbm>>
    tpu.wait_dma2 semaphore(%dma_wait3A_394 : memref<!tpu.dma_semaphore, #tpu.memory_space<semaphore_mem>>) src(%dma_wait3A_396 : memref<80xi32, #tpu.memory_space<hbm>>) dst(%arg9 : memref<80xi32, #tpu.memory_space<vmem>>)
    %dma_wait3A_397 = arith.constant 1 : i32
    %dma_wait3A_398 = arith.constant 0 : i32
    %dma_wait3A_399 = tpu.memref_slice %arg5[%dma_wait3A_398] : memref<320000xi32, #tpu.memory_space<hbm>> -> memref<80xi32, #tpu.memory_space<hbm>>
    %dma_wait3A_400 = tpu.memref_slice %arg23[%dma_wait3A_397] : memref<3x!tpu.dma_semaphore, #tpu.memory_space<semaphore_mem>> -> memref<1x!tpu.dma_semaphore, #tpu.memory_space<semaphore_mem>>
    %dma_wait3A_401 = tpu.memref_squeeze %dma_wait3A_400 : memref<1x!tpu.dma_semaphore, #tpu.memory_space<semaphore_mem>> -> memref<!tpu.dma_semaphore, #tpu.memory_space<semaphore_mem>>
    %dma_wait3A_402 = arith.constant 0 : i32
    %dma_wait3A_403 = tpu.memref_slice %arg5[%dma_wait3A_402] : memref<320000xi32, #tpu.memory_space<hbm>> -> memref<80xi32, #tpu.memory_space<hbm>>
    tpu.wait_dma2 semaphore(%dma_wait3A_401 : memref<!tpu.dma_semaphore, #tpu.memory_space<semaphore_mem>>) src(%dma_wait3A_403 : memref<80xi32, #tpu.memory_space<hbm>>) dst(%arg12 : memref<80xi32, #tpu.memory_space<vmem>>)
    %dma_start3A_404 = arith.constant 1 : i32
    %dma_start3A_405 = arith.constant 0 : i32
    %dma_start3A_406 = arith.constant 0 : i32
    %dma_start3A_407 = tpu.memref_slice %arg2[%dma_start3A_405, %dma_start3A_406] : memref<10000x128xf32, #tpu.memory_space<hbm>> -> memref<10000x128xf32, #tpu.memory_space<hbm>>
    %dma_start3A_408 = tpu.memref_slice %arg24[%dma_start3A_404] : memref<3x!tpu.dma_semaphore, #tpu.memory_space<semaphore_mem>> -> memref<1x!tpu.dma_semaphore, #tpu.memory_space<semaphore_mem>>
    %dma_start3A_409 = tpu.memref_squeeze %dma_start3A_408 : memref<1x!tpu.dma_semaphore, #tpu.memory_space<semaphore_mem>> -> memref<!tpu.dma_semaphore, #tpu.memory_space<semaphore_mem>>
    tpu.enqueue_indirect_dma source(%dma_start3A_407 : memref<10000x128xf32, #tpu.memory_space<hbm>>) target(%arg15 : memref<80x128xf32, #tpu.memory_space<vmem>>) offsets(%arg9 : memref<80xi32, #tpu.memory_space<vmem>>) semaphore(%dma_start3A_409 : memref<!tpu.dma_semaphore, #tpu.memory_space<semaphore_mem>>) {add = true}
    %dma_wait3A_410 = arith.constant 0 : i32
    %dma_wait3A_411 = arith.constant 0 : i32
    %dma_wait3A_412 = arith.constant 0 : i32
    %dma_wait3A_413 = tpu.memref_slice %arg2[%dma_wait3A_411, %dma_wait3A_412] : memref<10000x128xf32, #tpu.memory_space<hbm>> -> memref<10000x128xf32, #tpu.memory_space<hbm>>
    %dma_wait3A_414 = tpu.memref_slice %arg24[%dma_wait3A_410] : memref<3x!tpu.dma_semaphore, #tpu.memory_space<semaphore_mem>> -> memref<1x!tpu.dma_semaphore, #tpu.memory_space<semaphore_mem>>
    %dma_wait3A_415 = tpu.memref_squeeze %dma_wait3A_414 : memref<1x!tpu.dma_semaphore, #tpu.memory_space<semaphore_mem>> -> memref<!tpu.dma_semaphore, #tpu.memory_space<semaphore_mem>>
    tpu.wait_indirect_dma semaphore(%dma_wait3A_415 : memref<!tpu.dma_semaphore, #tpu.memory_space<semaphore_mem>>) src(%dma_wait3A_413 : memref<10000x128xf32, #tpu.memory_space<hbm>>) dst(%arg14 : memref<80x128xf32, #tpu.memory_space<vmem>>)
    %parallel_loop3A = arith.constant 0 : i32
    %parallel_loop3A_416 = arith.constant 80 : i32
    %parallel_loop3A_417 = arith.constant 1 : i32
    scf.for %parallel_loop3A_780 = %parallel_loop3A to %parallel_loop3A_416 step %parallel_loop3A_417  : i32 {
      %parallel_loop3A_781 = arith.index_cast %parallel_loop3A_780 : i32 to index
      %parallel_loop3A_782 = arith.constant 0 : index
      %parallel_loop3A_783 = tpu.vector_load %arg14[%parallel_loop3A_781, %parallel_loop3A_782] {strides = array<i32>} : memref<80x128xf32, #tpu.memory_space<vmem>>, vector<1x16xf32>,
      %parallel_loop3A_784 = vector.shape_cast %parallel_loop3A_783 : vector<1x16xf32> to vector<16xf32>
      %parallel_loop3A_785 = arith.constant 0.000000e+00 : f32
      %parallel_loop3A_786 = vector.broadcast %parallel_loop3A_785 : f32 to vector<16xf32>
      %parallel_loop3A_787 = arith.maximumf %parallel_loop3A_784, %parallel_loop3A_786 : vector<16xf32>
      %parallel_loop3A_788 = arith.index_cast %parallel_loop3A_780 : i32 to index
      %parallel_loop3A_789 = arith.constant 0 : index
      %parallel_loop3A_790 = tpu.vector_load %arg14[%parallel_loop3A_788, %parallel_loop3A_789] {strides = array<i32>} : memref<80x128xf32, #tpu.memory_space<vmem>>, vector<1x16xf32>,
      %parallel_loop3A_791 = vector.shape_cast %parallel_loop3A_790 : vector<1x16xf32> to vector<16xf32>
      %parallel_loop3A_792 = vector.shape_cast %parallel_loop3A_787 : vector<16xf32> to vector<1x16xf32>
      tpu.vector_store %arg14[%parallel_loop3A_788, %parallel_loop3A_789], %parallel_loop3A_792 {strides = array<i32>} : memref<80x128xf32, #tpu.memory_space<vmem>>, vector<1x16xf32>,
      %parallel_loop3A_793 = arith.index_cast %parallel_loop3A_780 : i32 to index
      %parallel_loop3A_794 = arith.constant 16 : index
      %parallel_loop3A_795 = tpu.vector_load %arg14[%parallel_loop3A_793, %parallel_loop3A_794] {strides = array<i32>} : memref<80x128xf32, #tpu.memory_space<vmem>>, vector<1x16xf32>,
      %parallel_loop3A_796 = vector.shape_cast %parallel_loop3A_795 : vector<1x16xf32> to vector<16xf32>
      %parallel_loop3A_797 = arith.constant 0.000000e+00 : f32
      %parallel_loop3A_798 = vector.broadcast %parallel_loop3A_797 : f32 to vector<16xf32>
      %parallel_loop3A_799 = arith.maximumf %parallel_loop3A_796, %parallel_loop3A_798 : vector<16xf32>
      %parallel_loop3A_800 = arith.index_cast %parallel_loop3A_780 : i32 to index
      %parallel_loop3A_801 = arith.constant 16 : index
      %parallel_loop3A_802 = tpu.vector_load %arg14[%parallel_loop3A_800, %parallel_loop3A_801] {strides = array<i32>} : memref<80x128xf32, #tpu.memory_space<vmem>>, vector<1x16xf32>,
      %parallel_loop3A_803 = vector.shape_cast %parallel_loop3A_802 : vector<1x16xf32> to vector<16xf32>
      %parallel_loop3A_804 = vector.shape_cast %parallel_loop3A_799 : vector<16xf32> to vector<1x16xf32>
      tpu.vector_store %arg14[%parallel_loop3A_800, %parallel_loop3A_801], %parallel_loop3A_804 {strides = array<i32>} : memref<80x128xf32, #tpu.memory_space<vmem>>, vector<1x16xf32>,
      %parallel_loop3A_805 = arith.index_cast %parallel_loop3A_780 : i32 to index
      %parallel_loop3A_806 = arith.constant 32 : index
      %parallel_loop3A_807 = tpu.vector_load %arg14[%parallel_loop3A_805, %parallel_loop3A_806] {strides = array<i32>} : memref<80x128xf32, #tpu.memory_space<vmem>>, vector<1x16xf32>,
      %parallel_loop3A_808 = vector.shape_cast %parallel_loop3A_807 : vector<1x16xf32> to vector<16xf32>
      %parallel_loop3A_809 = arith.constant 0.000000e+00 : f32
      %parallel_loop3A_810 = vector.broadcast %parallel_loop3A_809 : f32 to vector<16xf32>
      %parallel_loop3A_811 = arith.maximumf %parallel_loop3A_808, %parallel_loop3A_810 : vector<16xf32>
      %parallel_loop3A_812 = arith.index_cast %parallel_loop3A_780 : i32 to index
      %parallel_loop3A_813 = arith.constant 32 : index
      %parallel_loop3A_814 = tpu.vector_load %arg14[%parallel_loop3A_812, %parallel_loop3A_813] {strides = array<i32>} : memref<80x128xf32, #tpu.memory_space<vmem>>, vector<1x16xf32>,
      %parallel_loop3A_815 = vector.shape_cast %parallel_loop3A_814 : vector<1x16xf32> to vector<16xf32>
      %parallel_loop3A_816 = vector.shape_cast %parallel_loop3A_811 : vector<16xf32> to vector<1x16xf32>
      tpu.vector_store %arg14[%parallel_loop3A_812, %parallel_loop3A_813], %parallel_loop3A_816 {strides = array<i32>} : memref<80x128xf32, #tpu.memory_space<vmem>>, vector<1x16xf32>,
      %parallel_loop3A_817 = arith.index_cast %parallel_loop3A_780 : i32 to index
      %parallel_loop3A_818 = arith.constant 48 : index
      %parallel_loop3A_819 = tpu.vector_load %arg14[%parallel_loop3A_817, %parallel_loop3A_818] {strides = array<i32>} : memref<80x128xf32, #tpu.memory_space<vmem>>, vector<1x16xf32>,
      %parallel_loop3A_820 = vector.shape_cast %parallel_loop3A_819 : vector<1x16xf32> to vector<16xf32>
      %parallel_loop3A_821 = arith.constant 0.000000e+00 : f32
      %parallel_loop3A_822 = vector.broadcast %parallel_loop3A_821 : f32 to vector<16xf32>
      %parallel_loop3A_823 = arith.maximumf %parallel_loop3A_820, %parallel_loop3A_822 : vector<16xf32>
      %parallel_loop3A_824 = arith.index_cast %parallel_loop3A_780 : i32 to index
      %parallel_loop3A_825 = arith.constant 48 : index
      %parallel_loop3A_826 = tpu.vector_load %arg14[%parallel_loop3A_824, %parallel_loop3A_825] {strides = array<i32>} : memref<80x128xf32, #tpu.memory_space<vmem>>, vector<1x16xf32>,
      %parallel_loop3A_827 = vector.shape_cast %parallel_loop3A_826 : vector<1x16xf32> to vector<16xf32>
      %parallel_loop3A_828 = vector.shape_cast %parallel_loop3A_823 : vector<16xf32> to vector<1x16xf32>
      tpu.vector_store %arg14[%parallel_loop3A_824, %parallel_loop3A_825], %parallel_loop3A_828 {strides = array<i32>} : memref<80x128xf32, #tpu.memory_space<vmem>>, vector<1x16xf32>,
      %parallel_loop3A_829 = arith.index_cast %parallel_loop3A_780 : i32 to index
      %parallel_loop3A_830 = arith.constant 64 : index
      %parallel_loop3A_831 = tpu.vector_load %arg14[%parallel_loop3A_829, %parallel_loop3A_830] {strides = array<i32>} : memref<80x128xf32, #tpu.memory_space<vmem>>, vector<1x16xf32>,
      %parallel_loop3A_832 = vector.shape_cast %parallel_loop3A_831 : vector<1x16xf32> to vector<16xf32>
      %parallel_loop3A_833 = arith.constant 0.000000e+00 : f32
      %parallel_loop3A_834 = vector.broadcast %parallel_loop3A_833 : f32 to vector<16xf32>
      %parallel_loop3A_835 = arith.maximumf %parallel_loop3A_832, %parallel_loop3A_834 : vector<16xf32>
      %parallel_loop3A_836 = arith.index_cast %parallel_loop3A_780 : i32 to index
      %parallel_loop3A_837 = arith.constant 64 : index
      %parallel_loop3A_838 = tpu.vector_load %arg14[%parallel_loop3A_836, %parallel_loop3A_837] {strides = array<i32>} : memref<80x128xf32, #tpu.memory_space<vmem>>, vector<1x16xf32>,
      %parallel_loop3A_839 = vector.shape_cast %parallel_loop3A_838 : vector<1x16xf32> to vector<16xf32>
      %parallel_loop3A_840 = vector.shape_cast %parallel_loop3A_835 : vector<16xf32> to vector<1x16xf32>
      tpu.vector_store %arg14[%parallel_loop3A_836, %parallel_loop3A_837], %parallel_loop3A_840 {strides = array<i32>} : memref<80x128xf32, #tpu.memory_space<vmem>>, vector<1x16xf32>,
      %parallel_loop3A_841 = arith.index_cast %parallel_loop3A_780 : i32 to index
      %parallel_loop3A_842 = arith.constant 80 : index
      %parallel_loop3A_843 = tpu.vector_load %arg14[%parallel_loop3A_841, %parallel_loop3A_842] {strides = array<i32>} : memref<80x128xf32, #tpu.memory_space<vmem>>, vector<1x16xf32>,
      %parallel_loop3A_844 = vector.shape_cast %parallel_loop3A_843 : vector<1x16xf32> to vector<16xf32>
      %parallel_loop3A_845 = arith.constant 0.000000e+00 : f32
      %parallel_loop3A_846 = vector.broadcast %parallel_loop3A_845 : f32 to vector<16xf32>
      %parallel_loop3A_847 = arith.maximumf %parallel_loop3A_844, %parallel_loop3A_846 : vector<16xf32>
      %parallel_loop3A_848 = arith.index_cast %parallel_loop3A_780 : i32 to index
      %parallel_loop3A_849 = arith.constant 80 : index
      %parallel_loop3A_850 = tpu.vector_load %arg14[%parallel_loop3A_848, %parallel_loop3A_849] {strides = array<i32>} : memref<80x128xf32, #tpu.memory_space<vmem>>, vector<1x16xf32>,
      %parallel_loop3A_851 = vector.shape_cast %parallel_loop3A_850 : vector<1x16xf32> to vector<16xf32>
      %parallel_loop3A_852 = vector.shape_cast %parallel_loop3A_847 : vector<16xf32> to vector<1x16xf32>
      tpu.vector_store %arg14[%parallel_loop3A_848, %parallel_loop3A_849], %parallel_loop3A_852 {strides = array<i32>} : memref<80x128xf32, #tpu.memory_space<vmem>>, vector<1x16xf32>,
      %parallel_loop3A_853 = arith.index_cast %parallel_loop3A_780 : i32 to index
      %parallel_loop3A_854 = arith.constant 96 : index
      %parallel_loop3A_855 = tpu.vector_load %arg14[%parallel_loop3A_853, %parallel_loop3A_854] {strides = array<i32>} : memref<80x128xf32, #tpu.memory_space<vmem>>, vector<1x16xf32>,
      %parallel_loop3A_856 = vector.shape_cast %parallel_loop3A_855 : vector<1x16xf32> to vector<16xf32>
      %parallel_loop3A_857 = arith.constant 0.000000e+00 : f32
      %parallel_loop3A_858 = vector.broadcast %parallel_loop3A_857 : f32 to vector<16xf32>
      %parallel_loop3A_859 = arith.maximumf %parallel_loop3A_856, %parallel_loop3A_858 : vector<16xf32>
      %parallel_loop3A_860 = arith.index_cast %parallel_loop3A_780 : i32 to index
      %parallel_loop3A_861 = arith.constant 96 : index
      %parallel_loop3A_862 = tpu.vector_load %arg14[%parallel_loop3A_860, %parallel_loop3A_861] {strides = array<i32>} : memref<80x128xf32, #tpu.memory_space<vmem>>, vector<1x16xf32>,
      %parallel_loop3A_863 = vector.shape_cast %parallel_loop3A_862 : vector<1x16xf32> to vector<16xf32>
      %parallel_loop3A_864 = vector.shape_cast %parallel_loop3A_859 : vector<16xf32> to vector<1x16xf32>
      tpu.vector_store %arg14[%parallel_loop3A_860, %parallel_loop3A_861], %parallel_loop3A_864 {strides = array<i32>} : memref<80x128xf32, #tpu.memory_space<vmem>>, vector<1x16xf32>,
      %parallel_loop3A_865 = arith.index_cast %parallel_loop3A_780 : i32 to index
      %parallel_loop3A_866 = arith.constant 112 : index
      %parallel_loop3A_867 = tpu.vector_load %arg14[%parallel_loop3A_865, %parallel_loop3A_866] {strides = array<i32>} : memref<80x128xf32, #tpu.memory_space<vmem>>, vector<1x16xf32>,
      %parallel_loop3A_868 = vector.shape_cast %parallel_loop3A_867 : vector<1x16xf32> to vector<16xf32>
      %parallel_loop3A_869 = arith.constant 0.000000e+00 : f32
      %parallel_loop3A_870 = vector.broadcast %parallel_loop3A_869 : f32 to vector<16xf32>
      %parallel_loop3A_871 = arith.maximumf %parallel_loop3A_868, %parallel_loop3A_870 : vector<16xf32>
      %parallel_loop3A_872 = arith.index_cast %parallel_loop3A_780 : i32 to index
      %parallel_loop3A_873 = arith.constant 112 : index
      %parallel_loop3A_874 = tpu.vector_load %arg14[%parallel_loop3A_872, %parallel_loop3A_873] {strides = array<i32>} : memref<80x128xf32, #tpu.memory_space<vmem>>, vector<1x16xf32>,
      %parallel_loop3A_875 = vector.shape_cast %parallel_loop3A_874 : vector<1x16xf32> to vector<16xf32>
      %parallel_loop3A_876 = vector.shape_cast %parallel_loop3A_871 : vector<16xf32> to vector<1x16xf32>
      tpu.vector_store %arg14[%parallel_loop3A_872, %parallel_loop3A_873], %parallel_loop3A_876 {strides = array<i32>} : memref<80x128xf32, #tpu.memory_space<vmem>>, vector<1x16xf32>,
    } {sc.loop_unroll_factor = 4 : i64, sc.parallel_access}
    %dma_start3A_418 = arith.constant 0 : i32
    %dma_start3A_419 = arith.constant 0 : i32
    %dma_start3A_420 = arith.constant 0 : i32
    %dma_start3A_421 = tpu.memref_slice %arg19[%dma_start3A_419, %dma_start3A_420] : memref<10112x128xf32, #tpu.memory_space<vmem_shared>> -> memref<10112x128xf32, #tpu.memory_space<vmem_shared>>
    %dma_start3A_422 = tpu.memref_slice %arg25[%dma_start3A_418] : memref<3x!tpu.dma_semaphore, #tpu.memory_space<semaphore_mem>> -> memref<1x!tpu.dma_semaphore, #tpu.memory_space<semaphore_mem>>
    %dma_start3A_423 = tpu.memref_squeeze %dma_start3A_422 : memref<1x!tpu.dma_semaphore, #tpu.memory_space<semaphore_mem>> -> memref<!tpu.dma_semaphore, #tpu.memory_space<semaphore_mem>>
    tpu.enqueue_indirect_dma source(%arg14 : memref<80x128xf32, #tpu.memory_space<vmem>>) target(%dma_start3A_421 : memref<10112x128xf32, #tpu.memory_space<vmem_shared>>) offsets(%arg11 : memref<80xi32, #tpu.memory_space<vmem>>) semaphore(%dma_start3A_423 : memref<!tpu.dma_semaphore, #tpu.memory_space<semaphore_mem>>) {add = true}
    %dma_start3A_424 = arith.constant 0 : i32
    %dma_start3A_425 = arith.constant 0 : i32
    %dma_start3A_426 = tpu.memref_slice %arg17[%dma_start3A_425] : memref<128xf32, #tpu.memory_space<vmem>> -> memref<80xf32, #tpu.memory_space<vmem>>
    %dma_start3A_427 = arith.constant 0 : i32
    %dma_start3A_428 = tpu.memref_slice %arg20[%dma_start3A_427] : memref<10112xf32, #tpu.memory_space<vmem_shared>> -> memref<10112xf32, #tpu.memory_space<vmem_shared>>
    %dma_start3A_429 = tpu.memref_slice %arg26[%dma_start3A_424] : memref<3x!tpu.dma_semaphore, #tpu.memory_space<semaphore_mem>> -> memref<1x!tpu.dma_semaphore, #tpu.memory_space<semaphore_mem>>
    %dma_start3A_430 = tpu.memref_squeeze %dma_start3A_429 : memref<1x!tpu.dma_semaphore, #tpu.memory_space<semaphore_mem>> -> memref<!tpu.dma_semaphore, #tpu.memory_space<semaphore_mem>>
    tpu.enqueue_indirect_dma source(%dma_start3A_426 : memref<80xf32, #tpu.memory_space<vmem>>) target(%dma_start3A_428 : memref<10112xf32, #tpu.memory_space<vmem_shared>>) offsets(%arg11 : memref<80xi32, #tpu.memory_space<vmem>>) semaphore(%dma_start3A_430 : memref<!tpu.dma_semaphore, #tpu.memory_space<semaphore_mem>>) {add = true}
    %mul3A_431 = arith.constant 10000 : i32
    %mul3A_432 = arith.muli %add3A, %mul3A_431 : i32
    %add3A_433 = arith.constant 160 : i32
    %add3A_434 = arith.addi %mul3A_432, %add3A_433 : i32
    %multiple_of3A_435 = tpu.assume_multiple %add3A_434, 16 : i32
    %dma_start3A_436 = arith.constant 2 : i32
    %dma_start3A_437 = arith.constant 0 : i32
    %dma_start3A_438 = tpu.memref_slice %arg3[%multiple_of3A_435, %dma_start3A_437] : memref<320000x128xf32, #tpu.memory_space<hbm>> -> memref<80x128xf32, #tpu.memory_space<hbm>>
    %dma_start3A_439 = tpu.memref_slice %arg21[%dma_start3A_436] : memref<3x!tpu.dma_semaphore, #tpu.memory_space<semaphore_mem>> -> memref<1x!tpu.dma_semaphore, #tpu.memory_space<semaphore_mem>>
    %dma_start3A_440 = tpu.memref_squeeze %dma_start3A_439 : memref<1x!tpu.dma_semaphore, #tpu.memory_space<semaphore_mem>> -> memref<!tpu.dma_semaphore, #tpu.memory_space<semaphore_mem>>
    %dma_start3A_441 = arith.constant 0 : i32
    %dma_start3A_442 = tpu.memref_slice %arg3[%multiple_of3A_435, %dma_start3A_441] : memref<320000x128xf32, #tpu.memory_space<hbm>> -> memref<80x128xf32, #tpu.memory_space<hbm>>
    tpu.enqueue_dma source(%dma_start3A_442 : memref<80x128xf32, #tpu.memory_space<hbm>>) target(%arg16 : memref<80x128xf32, #tpu.memory_space<vmem>>) target_semaphore(%dma_start3A_440 : memref<!tpu.dma_semaphore, #tpu.memory_space<semaphore_mem>>)
    %dma_start3A_443 = arith.constant 2 : i32
    %dma_start3A_444 = tpu.memref_slice %arg4[%multiple_of3A_435] : memref<320000xi32, #tpu.memory_space<hbm>> -> memref<80xi32, #tpu.memory_space<hbm>>
    %dma_start3A_445 = tpu.memref_slice %arg22[%dma_start3A_443] : memref<3x!tpu.dma_semaphore, #tpu.memory_space<semaphore_mem>> -> memref<1x!tpu.dma_semaphore, #tpu.memory_space<semaphore_mem>>
    %dma_start3A_446 = tpu.memref_squeeze %dma_start3A_445 : memref<1x!tpu.dma_semaphore, #tpu.memory_space<semaphore_mem>> -> memref<!tpu.dma_semaphore, #tpu.memory_space<semaphore_mem>>
    %dma_start3A_447 = tpu.memref_slice %arg4[%multiple_of3A_435] : memref<320000xi32, #tpu.memory_space<hbm>> -> memref<80xi32, #tpu.memory_space<hbm>>
    tpu.enqueue_dma source(%dma_start3A_447 : memref<80xi32, #tpu.memory_space<hbm>>) target(%arg10 : memref<80xi32, #tpu.memory_space<vmem>>) target_semaphore(%dma_start3A_446 : memref<!tpu.dma_semaphore, #tpu.memory_space<semaphore_mem>>)
    %dma_start3A_448 = arith.constant 2 : i32
    %dma_start3A_449 = tpu.memref_slice %arg5[%multiple_of3A_435] : memref<320000xi32, #tpu.memory_space<hbm>> -> memref<80xi32, #tpu.memory_space<hbm>>
    %dma_start3A_450 = tpu.memref_slice %arg23[%dma_start3A_448] : memref<3x!tpu.dma_semaphore, #tpu.memory_space<semaphore_mem>> -> memref<1x!tpu.dma_semaphore, #tpu.memory_space<semaphore_mem>>
    %dma_start3A_451 = tpu.memref_squeeze %dma_start3A_450 : memref<1x!tpu.dma_semaphore, #tpu.memory_space<semaphore_mem>> -> memref<!tpu.dma_semaphore, #tpu.memory_space<semaphore_mem>>
    %dma_start3A_452 = tpu.memref_slice %arg5[%multiple_of3A_435] : memref<320000xi32, #tpu.memory_space<hbm>> -> memref<80xi32, #tpu.memory_space<hbm>>
    tpu.enqueue_dma source(%dma_start3A_452 : memref<80xi32, #tpu.memory_space<hbm>>) target(%arg13 : memref<80xi32, #tpu.memory_space<vmem>>) target_semaphore(%dma_start3A_451 : memref<!tpu.dma_semaphore, #tpu.memory_space<semaphore_mem>>)
    %dma_wait3A_453 = arith.constant 2 : i32
    %dma_wait3A_454 = arith.constant 0 : i32
    %dma_wait3A_455 = arith.constant 0 : i32
    %dma_wait3A_456 = tpu.memref_slice %arg3[%dma_wait3A_454, %dma_wait3A_455] : memref<320000x128xf32, #tpu.memory_space<hbm>> -> memref<80x128xf32, #tpu.memory_space<hbm>>
    %dma_wait3A_457 = tpu.memref_slice %arg21[%dma_wait3A_453] : memref<3x!tpu.dma_semaphore, #tpu.memory_space<semaphore_mem>> -> memref<1x!tpu.dma_semaphore, #tpu.memory_space<semaphore_mem>>
    %dma_wait3A_458 = tpu.memref_squeeze %dma_wait3A_457 : memref<1x!tpu.dma_semaphore, #tpu.memory_space<semaphore_mem>> -> memref<!tpu.dma_semaphore, #tpu.memory_space<semaphore_mem>>
    %dma_wait3A_459 = arith.constant 0 : i32
    %dma_wait3A_460 = arith.constant 0 : i32
    %dma_wait3A_461 = tpu.memref_slice %arg3[%dma_wait3A_459, %dma_wait3A_460] : memref<320000x128xf32, #tpu.memory_space<hbm>> -> memref<80x128xf32, #tpu.memory_space<hbm>>
    tpu.wait_dma2 semaphore(%dma_wait3A_458 : memref<!tpu.dma_semaphore, #tpu.memory_space<semaphore_mem>>) src(%dma_wait3A_461 : memref<80x128xf32, #tpu.memory_space<hbm>>) dst(%arg16 : memref<80x128xf32, #tpu.memory_space<vmem>>)
    %dma_wait3A_462 = arith.constant 2 : i32
    %dma_wait3A_463 = arith.constant 0 : i32
    %dma_wait3A_464 = tpu.memref_slice %arg4[%dma_wait3A_463] : memref<320000xi32, #tpu.memory_space<hbm>> -> memref<80xi32, #tpu.memory_space<hbm>>
    %dma_wait3A_465 = tpu.memref_slice %arg22[%dma_wait3A_462] : memref<3x!tpu.dma_semaphore, #tpu.memory_space<semaphore_mem>> -> memref<1x!tpu.dma_semaphore, #tpu.memory_space<semaphore_mem>>
    %dma_wait3A_466 = tpu.memref_squeeze %dma_wait3A_465 : memref<1x!tpu.dma_semaphore, #tpu.memory_space<semaphore_mem>> -> memref<!tpu.dma_semaphore, #tpu.memory_space<semaphore_mem>>
    %dma_wait3A_467 = arith.constant 0 : i32
    %dma_wait3A_468 = tpu.memref_slice %arg4[%dma_wait3A_467] : memref<320000xi32, #tpu.memory_space<hbm>> -> memref<80xi32, #tpu.memory_space<hbm>>
    tpu.wait_dma2 semaphore(%dma_wait3A_466 : memref<!tpu.dma_semaphore, #tpu.memory_space<semaphore_mem>>) src(%dma_wait3A_468 : memref<80xi32, #tpu.memory_space<hbm>>) dst(%arg10 : memref<80xi32, #tpu.memory_space<vmem>>)
    %dma_wait3A_469 = arith.constant 2 : i32
    %dma_wait3A_470 = arith.constant 0 : i32
    %dma_wait3A_471 = tpu.memref_slice %arg5[%dma_wait3A_470] : memref<320000xi32, #tpu.memory_space<hbm>> -> memref<80xi32, #tpu.memory_space<hbm>>
    %dma_wait3A_472 = tpu.memref_slice %arg23[%dma_wait3A_469] : memref<3x!tpu.dma_semaphore, #tpu.memory_space<semaphore_mem>> -> memref<1x!tpu.dma_semaphore, #tpu.memory_space<semaphore_mem>>
    %dma_wait3A_473 = tpu.memref_squeeze %dma_wait3A_472 : memref<1x!tpu.dma_semaphore, #tpu.memory_space<semaphore_mem>> -> memref<!tpu.dma_semaphore, #tpu.memory_space<semaphore_mem>>
    %dma_wait3A_474 = arith.constant 0 : i32
    %dma_wait3A_475 = tpu.memref_slice %arg5[%dma_wait3A_474] : memref<320000xi32, #tpu.memory_space<hbm>> -> memref<80xi32, #tpu.memory_space<hbm>>
    tpu.wait_dma2 semaphore(%dma_wait3A_473 : memref<!tpu.dma_semaphore, #tpu.memory_space<semaphore_mem>>) src(%dma_wait3A_475 : memref<80xi32, #tpu.memory_space<hbm>>) dst(%arg13 : memref<80xi32, #tpu.memory_space<vmem>>)
    %dma_start3A_476 = arith.constant 2 : i32
    %dma_start3A_477 = arith.constant 0 : i32
    %dma_start3A_478 = arith.constant 0 : i32
    %dma_start3A_479 = tpu.memref_slice %arg2[%dma_start3A_477, %dma_start3A_478] : memref<10000x128xf32, #tpu.memory_space<hbm>> -> memref<10000x128xf32, #tpu.memory_space<hbm>>
    %dma_start3A_480 = tpu.memref_slice %arg24[%dma_start3A_476] : memref<3x!tpu.dma_semaphore, #tpu.memory_space<semaphore_mem>> -> memref<1x!tpu.dma_semaphore, #tpu.memory_space<semaphore_mem>>
    %dma_start3A_481 = tpu.memref_squeeze %dma_start3A_480 : memref<1x!tpu.dma_semaphore, #tpu.memory_space<semaphore_mem>> -> memref<!tpu.dma_semaphore, #tpu.memory_space<semaphore_mem>>
    tpu.enqueue_indirect_dma source(%dma_start3A_479 : memref<10000x128xf32, #tpu.memory_space<hbm>>) target(%arg16 : memref<80x128xf32, #tpu.memory_space<vmem>>) offsets(%arg10 : memref<80xi32, #tpu.memory_space<vmem>>) semaphore(%dma_start3A_481 : memref<!tpu.dma_semaphore, #tpu.memory_space<semaphore_mem>>) {add = true}
    %dma_wait3A_482 = arith.constant 1 : i32
    %dma_wait3A_483 = arith.constant 0 : i32
    %dma_wait3A_484 = arith.constant 0 : i32
    %dma_wait3A_485 = tpu.memref_slice %arg2[%dma_wait3A_483, %dma_wait3A_484] : memref<10000x128xf32, #tpu.memory_space<hbm>> -> memref<10000x128xf32, #tpu.memory_space<hbm>>
    %dma_wait3A_486 = tpu.memref_slice %arg24[%dma_wait3A_482] : memref<3x!tpu.dma_semaphore, #tpu.memory_space<semaphore_mem>> -> memref<1x!tpu.dma_semaphore, #tpu.memory_space<semaphore_mem>>
    %dma_wait3A_487 = tpu.memref_squeeze %dma_wait3A_486 : memref<1x!tpu.dma_semaphore, #tpu.memory_space<semaphore_mem>> -> memref<!tpu.dma_semaphore, #tpu.memory_space<semaphore_mem>>
    tpu.wait_indirect_dma semaphore(%dma_wait3A_487 : memref<!tpu.dma_semaphore, #tpu.memory_space<semaphore_mem>>) src(%dma_wait3A_485 : memref<10000x128xf32, #tpu.memory_space<hbm>>) dst(%arg15 : memref<80x128xf32, #tpu.memory_space<vmem>>)
    %parallel_loop3A_488 = arith.constant 0 : i32
    %parallel_loop3A_489 = arith.constant 80 : i32
    %parallel_loop3A_490 = arith.constant 1 : i32
    scf.for %parallel_loop3A_780 = %parallel_loop3A_488 to %parallel_loop3A_489 step %parallel_loop3A_490  : i32 {
      %parallel_loop3A_781 = arith.index_cast %parallel_loop3A_780 : i32 to index
      %parallel_loop3A_782 = arith.constant 0 : index
      %parallel_loop3A_783 = tpu.vector_load %arg15[%parallel_loop3A_781, %parallel_loop3A_782] {strides = array<i32>} : memref<80x128xf32, #tpu.memory_space<vmem>>, vector<1x16xf32>,
      %parallel_loop3A_784 = vector.shape_cast %parallel_loop3A_783 : vector<1x16xf32> to vector<16xf32>
      %parallel_loop3A_785 = arith.constant 0.000000e+00 : f32
      %parallel_loop3A_786 = vector.broadcast %parallel_loop3A_785 : f32 to vector<16xf32>
      %parallel_loop3A_787 = arith.maximumf %parallel_loop3A_784, %parallel_loop3A_786 : vector<16xf32>
      %parallel_loop3A_788 = arith.index_cast %parallel_loop3A_780 : i32 to index
      %parallel_loop3A_789 = arith.constant 0 : index
      %parallel_loop3A_790 = tpu.vector_load %arg15[%parallel_loop3A_788, %parallel_loop3A_789] {strides = array<i32>} : memref<80x128xf32, #tpu.memory_space<vmem>>, vector<1x16xf32>,
      %parallel_loop3A_791 = vector.shape_cast %parallel_loop3A_790 : vector<1x16xf32> to vector<16xf32>
      %parallel_loop3A_792 = vector.shape_cast %parallel_loop3A_787 : vector<16xf32> to vector<1x16xf32>
      tpu.vector_store %arg15[%parallel_loop3A_788, %parallel_loop3A_789], %parallel_loop3A_792 {strides = array<i32>} : memref<80x128xf32, #tpu.memory_space<vmem>>, vector<1x16xf32>,
      %parallel_loop3A_793 = arith.index_cast %parallel_loop3A_780 : i32 to index
      %parallel_loop3A_794 = arith.constant 16 : index
      %parallel_loop3A_795 = tpu.vector_load %arg15[%parallel_loop3A_793, %parallel_loop3A_794] {strides = array<i32>} : memref<80x128xf32, #tpu.memory_space<vmem>>, vector<1x16xf32>,
      %parallel_loop3A_796 = vector.shape_cast %parallel_loop3A_795 : vector<1x16xf32> to vector<16xf32>
      %parallel_loop3A_797 = arith.constant 0.000000e+00 : f32
      %parallel_loop3A_798 = vector.broadcast %parallel_loop3A_797 : f32 to vector<16xf32>
      %parallel_loop3A_799 = arith.maximumf %parallel_loop3A_796, %parallel_loop3A_798 : vector<16xf32>
      %parallel_loop3A_800 = arith.index_cast %parallel_loop3A_780 : i32 to index
      %parallel_loop3A_801 = arith.constant 16 : index
      %parallel_loop3A_802 = tpu.vector_load %arg15[%parallel_loop3A_800, %parallel_loop3A_801] {strides = array<i32>} : memref<80x128xf32, #tpu.memory_space<vmem>>, vector<1x16xf32>,
      %parallel_loop3A_803 = vector.shape_cast %parallel_loop3A_802 : vector<1x16xf32> to vector<16xf32>
      %parallel_loop3A_804 = vector.shape_cast %parallel_loop3A_799 : vector<16xf32> to vector<1x16xf32>
      tpu.vector_store %arg15[%parallel_loop3A_800, %parallel_loop3A_801], %parallel_loop3A_804 {strides = array<i32>} : memref<80x128xf32, #tpu.memory_space<vmem>>, vector<1x16xf32>,
      %parallel_loop3A_805 = arith.index_cast %parallel_loop3A_780 : i32 to index
      %parallel_loop3A_806 = arith.constant 32 : index
      %parallel_loop3A_807 = tpu.vector_load %arg15[%parallel_loop3A_805, %parallel_loop3A_806] {strides = array<i32>} : memref<80x128xf32, #tpu.memory_space<vmem>>, vector<1x16xf32>,
      %parallel_loop3A_808 = vector.shape_cast %parallel_loop3A_807 : vector<1x16xf32> to vector<16xf32>
      %parallel_loop3A_809 = arith.constant 0.000000e+00 : f32
      %parallel_loop3A_810 = vector.broadcast %parallel_loop3A_809 : f32 to vector<16xf32>
      %parallel_loop3A_811 = arith.maximumf %parallel_loop3A_808, %parallel_loop3A_810 : vector<16xf32>
      %parallel_loop3A_812 = arith.index_cast %parallel_loop3A_780 : i32 to index
      %parallel_loop3A_813 = arith.constant 32 : index
      %parallel_loop3A_814 = tpu.vector_load %arg15[%parallel_loop3A_812, %parallel_loop3A_813] {strides = array<i32>} : memref<80x128xf32, #tpu.memory_space<vmem>>, vector<1x16xf32>,
      %parallel_loop3A_815 = vector.shape_cast %parallel_loop3A_814 : vector<1x16xf32> to vector<16xf32>
      %parallel_loop3A_816 = vector.shape_cast %parallel_loop3A_811 : vector<16xf32> to vector<1x16xf32>
      tpu.vector_store %arg15[%parallel_loop3A_812, %parallel_loop3A_813], %parallel_loop3A_816 {strides = array<i32>} : memref<80x128xf32, #tpu.memory_space<vmem>>, vector<1x16xf32>,
      %parallel_loop3A_817 = arith.index_cast %parallel_loop3A_780 : i32 to index
      %parallel_loop3A_818 = arith.constant 48 : index
      %parallel_loop3A_819 = tpu.vector_load %arg15[%parallel_loop3A_817, %parallel_loop3A_818] {strides = array<i32>} : memref<80x128xf32, #tpu.memory_space<vmem>>, vector<1x16xf32>,
      %parallel_loop3A_820 = vector.shape_cast %parallel_loop3A_819 : vector<1x16xf32> to vector<16xf32>
      %parallel_loop3A_821 = arith.constant 0.000000e+00 : f32
      %parallel_loop3A_822 = vector.broadcast %parallel_loop3A_821 : f32 to vector<16xf32>
      %parallel_loop3A_823 = arith.maximumf %parallel_loop3A_820, %parallel_loop3A_822 : vector<16xf32>
      %parallel_loop3A_824 = arith.index_cast %parallel_loop3A_780 : i32 to index
      %parallel_loop3A_825 = arith.constant 48 : index
      %parallel_loop3A_826 = tpu.vector_load %arg15[%parallel_loop3A_824, %parallel_loop3A_825] {strides = array<i32>} : memref<80x128xf32, #tpu.memory_space<vmem>>, vector<1x16xf32>,
      %parallel_loop3A_827 = vector.shape_cast %parallel_loop3A_826 : vector<1x16xf32> to vector<16xf32>
      %parallel_loop3A_828 = vector.shape_cast %parallel_loop3A_823 : vector<16xf32> to vector<1x16xf32>
      tpu.vector_store %arg15[%parallel_loop3A_824, %parallel_loop3A_825], %parallel_loop3A_828 {strides = array<i32>} : memref<80x128xf32, #tpu.memory_space<vmem>>, vector<1x16xf32>,
      %parallel_loop3A_829 = arith.index_cast %parallel_loop3A_780 : i32 to index
      %parallel_loop3A_830 = arith.constant 64 : index
      %parallel_loop3A_831 = tpu.vector_load %arg15[%parallel_loop3A_829, %parallel_loop3A_830] {strides = array<i32>} : memref<80x128xf32, #tpu.memory_space<vmem>>, vector<1x16xf32>,
      %parallel_loop3A_832 = vector.shape_cast %parallel_loop3A_831 : vector<1x16xf32> to vector<16xf32>
      %parallel_loop3A_833 = arith.constant 0.000000e+00 : f32
      %parallel_loop3A_834 = vector.broadcast %parallel_loop3A_833 : f32 to vector<16xf32>
      %parallel_loop3A_835 = arith.maximumf %parallel_loop3A_832, %parallel_loop3A_834 : vector<16xf32>
      %parallel_loop3A_836 = arith.index_cast %parallel_loop3A_780 : i32 to index
      %parallel_loop3A_837 = arith.constant 64 : index
      %parallel_loop3A_838 = tpu.vector_load %arg15[%parallel_loop3A_836, %parallel_loop3A_837] {strides = array<i32>} : memref<80x128xf32, #tpu.memory_space<vmem>>, vector<1x16xf32>,
      %parallel_loop3A_839 = vector.shape_cast %parallel_loop3A_838 : vector<1x16xf32> to vector<16xf32>
      %parallel_loop3A_840 = vector.shape_cast %parallel_loop3A_835 : vector<16xf32> to vector<1x16xf32>
      tpu.vector_store %arg15[%parallel_loop3A_836, %parallel_loop3A_837], %parallel_loop3A_840 {strides = array<i32>} : memref<80x128xf32, #tpu.memory_space<vmem>>, vector<1x16xf32>,
      %parallel_loop3A_841 = arith.index_cast %parallel_loop3A_780 : i32 to index
      %parallel_loop3A_842 = arith.constant 80 : index
      %parallel_loop3A_843 = tpu.vector_load %arg15[%parallel_loop3A_841, %parallel_loop3A_842] {strides = array<i32>} : memref<80x128xf32, #tpu.memory_space<vmem>>, vector<1x16xf32>,
      %parallel_loop3A_844 = vector.shape_cast %parallel_loop3A_843 : vector<1x16xf32> to vector<16xf32>
      %parallel_loop3A_845 = arith.constant 0.000000e+00 : f32
      %parallel_loop3A_846 = vector.broadcast %parallel_loop3A_845 : f32 to vector<16xf32>
      %parallel_loop3A_847 = arith.maximumf %parallel_loop3A_844, %parallel_loop3A_846 : vector<16xf32>
      %parallel_loop3A_848 = arith.index_cast %parallel_loop3A_780 : i32 to index
      %parallel_loop3A_849 = arith.constant 80 : index
      %parallel_loop3A_850 = tpu.vector_load %arg15[%parallel_loop3A_848, %parallel_loop3A_849] {strides = array<i32>} : memref<80x128xf32, #tpu.memory_space<vmem>>, vector<1x16xf32>,
      %parallel_loop3A_851 = vector.shape_cast %parallel_loop3A_850 : vector<1x16xf32> to vector<16xf32>
      %parallel_loop3A_852 = vector.shape_cast %parallel_loop3A_847 : vector<16xf32> to vector<1x16xf32>
      tpu.vector_store %arg15[%parallel_loop3A_848, %parallel_loop3A_849], %parallel_loop3A_852 {strides = array<i32>} : memref<80x128xf32, #tpu.memory_space<vmem>>, vector<1x16xf32>,
      %parallel_loop3A_853 = arith.index_cast %parallel_loop3A_780 : i32 to index
      %parallel_loop3A_854 = arith.constant 96 : index
      %parallel_loop3A_855 = tpu.vector_load %arg15[%parallel_loop3A_853, %parallel_loop3A_854] {strides = array<i32>} : memref<80x128xf32, #tpu.memory_space<vmem>>, vector<1x16xf32>,
      %parallel_loop3A_856 = vector.shape_cast %parallel_loop3A_855 : vector<1x16xf32> to vector<16xf32>
      %parallel_loop3A_857 = arith.constant 0.000000e+00 : f32
      %parallel_loop3A_858 = vector.broadcast %parallel_loop3A_857 : f32 to vector<16xf32>
      %parallel_loop3A_859 = arith.maximumf %parallel_loop3A_856, %parallel_loop3A_858 : vector<16xf32>
      %parallel_loop3A_860 = arith.index_cast %parallel_loop3A_780 : i32 to index
      %parallel_loop3A_861 = arith.constant 96 : index
      %parallel_loop3A_862 = tpu.vector_load %arg15[%parallel_loop3A_860, %parallel_loop3A_861] {strides = array<i32>} : memref<80x128xf32, #tpu.memory_space<vmem>>, vector<1x16xf32>,
      %parallel_loop3A_863 = vector.shape_cast %parallel_loop3A_862 : vector<1x16xf32> to vector<16xf32>
      %parallel_loop3A_864 = vector.shape_cast %parallel_loop3A_859 : vector<16xf32> to vector<1x16xf32>
      tpu.vector_store %arg15[%parallel_loop3A_860, %parallel_loop3A_861], %parallel_loop3A_864 {strides = array<i32>} : memref<80x128xf32, #tpu.memory_space<vmem>>, vector<1x16xf32>,
      %parallel_loop3A_865 = arith.index_cast %parallel_loop3A_780 : i32 to index
      %parallel_loop3A_866 = arith.constant 112 : index
      %parallel_loop3A_867 = tpu.vector_load %arg15[%parallel_loop3A_865, %parallel_loop3A_866] {strides = array<i32>} : memref<80x128xf32, #tpu.memory_space<vmem>>, vector<1x16xf32>,
      %parallel_loop3A_868 = vector.shape_cast %parallel_loop3A_867 : vector<1x16xf32> to vector<16xf32>
      %parallel_loop3A_869 = arith.constant 0.000000e+00 : f32
      %parallel_loop3A_870 = vector.broadcast %parallel_loop3A_869 : f32 to vector<16xf32>
      %parallel_loop3A_871 = arith.maximumf %parallel_loop3A_868, %parallel_loop3A_870 : vector<16xf32>
      %parallel_loop3A_872 = arith.index_cast %parallel_loop3A_780 : i32 to index
      %parallel_loop3A_873 = arith.constant 112 : index
      %parallel_loop3A_874 = tpu.vector_load %arg15[%parallel_loop3A_872, %parallel_loop3A_873] {strides = array<i32>} : memref<80x128xf32, #tpu.memory_space<vmem>>, vector<1x16xf32>,
      %parallel_loop3A_875 = vector.shape_cast %parallel_loop3A_874 : vector<1x16xf32> to vector<16xf32>
      %parallel_loop3A_876 = vector.shape_cast %parallel_loop3A_871 : vector<16xf32> to vector<1x16xf32>
      tpu.vector_store %arg15[%parallel_loop3A_872, %parallel_loop3A_873], %parallel_loop3A_876 {strides = array<i32>} : memref<80x128xf32, #tpu.memory_space<vmem>>, vector<1x16xf32>,
    } {sc.loop_unroll_factor = 4 : i64, sc.parallel_access}
    %dma_start3A_491 = arith.constant 1 : i32
    %dma_start3A_492 = arith.constant 0 : i32
    %dma_start3A_493 = arith.constant 0 : i32
    %dma_start3A_494 = tpu.memref_slice %arg19[%dma_start3A_492, %dma_start3A_493] : memref<10112x128xf32, #tpu.memory_space<vmem_shared>> -> memref<10112x128xf32, #tpu.memory_space<vmem_shared>>
    %dma_start3A_495 = tpu.memref_slice %arg25[%dma_start3A_491] : memref<3x!tpu.dma_semaphore, #tpu.memory_space<semaphore_mem>> -> memref<1x!tpu.dma_semaphore, #tpu.memory_space<semaphore_mem>>
    %dma_start3A_496 = tpu.memref_squeeze %dma_start3A_495 : memref<1x!tpu.dma_semaphore, #tpu.memory_space<semaphore_mem>> -> memref<!tpu.dma_semaphore, #tpu.memory_space<semaphore_mem>>
    tpu.enqueue_indirect_dma source(%arg15 : memref<80x128xf32, #tpu.memory_space<vmem>>) target(%dma_start3A_494 : memref<10112x128xf32, #tpu.memory_space<vmem_shared>>) offsets(%arg12 : memref<80xi32, #tpu.memory_space<vmem>>) semaphore(%dma_start3A_496 : memref<!tpu.dma_semaphore, #tpu.memory_space<semaphore_mem>>) {add = true}
    %dma_start3A_497 = arith.constant 1 : i32
    %dma_start3A_498 = arith.constant 0 : i32
    %dma_start3A_499 = tpu.memref_slice %arg17[%dma_start3A_498] : memref<128xf32, #tpu.memory_space<vmem>> -> memref<80xf32, #tpu.memory_space<vmem>>
    %dma_start3A_500 = arith.constant 0 : i32
    %dma_start3A_501 = tpu.memref_slice %arg20[%dma_start3A_500] : memref<10112xf32, #tpu.memory_space<vmem_shared>> -> memref<10112xf32, #tpu.memory_space<vmem_shared>>
    %dma_start3A_502 = tpu.memref_slice %arg26[%dma_start3A_497] : memref<3x!tpu.dma_semaphore, #tpu.memory_space<semaphore_mem>> -> memref<1x!tpu.dma_semaphore, #tpu.memory_space<semaphore_mem>>
    %dma_start3A_503 = tpu.memref_squeeze %dma_start3A_502 : memref<1x!tpu.dma_semaphore, #tpu.memory_space<semaphore_mem>> -> memref<!tpu.dma_semaphore, #tpu.memory_space<semaphore_mem>>
    tpu.enqueue_indirect_dma source(%dma_start3A_499 : memref<80xf32, #tpu.memory_space<vmem>>) target(%dma_start3A_501 : memref<10112xf32, #tpu.memory_space<vmem_shared>>) offsets(%arg12 : memref<80xi32, #tpu.memory_space<vmem>>) semaphore(%dma_start3A_503 : memref<!tpu.dma_semaphore, #tpu.memory_space<semaphore_mem>>) {add = true}
    %dma_wait3A_504 = arith.constant 0 : i32
    %dma_wait3A_505 = arith.constant 0 : i32
    %dma_wait3A_506 = arith.constant 0 : i32
    %dma_wait3A_507 = tpu.memref_slice %arg19[%dma_wait3A_505, %dma_wait3A_506] : memref<10112x128xf32, #tpu.memory_space<vmem_shared>> -> memref<10112x128xf32, #tpu.memory_space<vmem_shared>>
    %dma_wait3A_508 = tpu.memref_slice %arg25[%dma_wait3A_504] : memref<3x!tpu.dma_semaphore, #tpu.memory_space<semaphore_mem>> -> memref<1x!tpu.dma_semaphore, #tpu.memory_space<semaphore_mem>>
    %dma_wait3A_509 = tpu.memref_squeeze %dma_wait3A_508 : memref<1x!tpu.dma_semaphore, #tpu.memory_space<semaphore_mem>> -> memref<!tpu.dma_semaphore, #tpu.memory_space<semaphore_mem>>
    tpu.wait_indirect_dma semaphore(%dma_wait3A_509 : memref<!tpu.dma_semaphore, #tpu.memory_space<semaphore_mem>>) src(%arg14 : memref<80x128xf32, #tpu.memory_space<vmem>>) dst(%dma_wait3A_507 : memref<10112x128xf32, #tpu.memory_space<vmem_shared>>)
    %dma_wait3A_510 = arith.constant 0 : i32
    %dma_wait3A_511 = arith.constant 0 : i32
    %dma_wait3A_512 = tpu.memref_slice %arg17[%dma_wait3A_511] : memref<128xf32, #tpu.memory_space<vmem>> -> memref<80xf32, #tpu.memory_space<vmem>>
    %dma_wait3A_513 = arith.constant 0 : i32
    %dma_wait3A_514 = tpu.memref_slice %arg20[%dma_wait3A_513] : memref<10112xf32, #tpu.memory_space<vmem_shared>> -> memref<10112xf32, #tpu.memory_space<vmem_shared>>
    %dma_wait3A_515 = tpu.memref_slice %arg26[%dma_wait3A_510] : memref<3x!tpu.dma_semaphore, #tpu.memory_space<semaphore_mem>> -> memref<1x!tpu.dma_semaphore, #tpu.memory_space<semaphore_mem>>
    %dma_wait3A_516 = tpu.memref_squeeze %dma_wait3A_515 : memref<1x!tpu.dma_semaphore, #tpu.memory_space<semaphore_mem>> -> memref<!tpu.dma_semaphore, #tpu.memory_space<semaphore_mem>>
    tpu.wait_indirect_dma semaphore(%dma_wait3A_516 : memref<!tpu.dma_semaphore, #tpu.memory_space<semaphore_mem>>) src(%dma_wait3A_512 : memref<80xf32, #tpu.memory_space<vmem>>) dst(%dma_wait3A_514 : memref<10112xf32, #tpu.memory_space<vmem_shared>>)
    %mul3A_517 = arith.constant 10000 : i32
    %mul3A_518 = arith.muli %add3A, %mul3A_517 : i32
    %add3A_519 = arith.constant 240 : i32
    %add3A_520 = arith.addi %mul3A_518, %add3A_519 : i32
    %multiple_of3A_521 = tpu.assume_multiple %add3A_520, 16 : i32
    %dma_start3A_522 = arith.constant 0 : i32
    %dma_start3A_523 = arith.constant 0 : i32
    %dma_start3A_524 = tpu.memref_slice %arg3[%multiple_of3A_521, %dma_start3A_523] : memref<320000x128xf32, #tpu.memory_space<hbm>> -> memref<80x128xf32, #tpu.memory_space<hbm>>
    %dma_start3A_525 = tpu.memref_slice %arg21[%dma_start3A_522] : memref<3x!tpu.dma_semaphore, #tpu.memory_space<semaphore_mem>> -> memref<1x!tpu.dma_semaphore, #tpu.memory_space<semaphore_mem>>
    %dma_start3A_526 = tpu.memref_squeeze %dma_start3A_525 : memref<1x!tpu.dma_semaphore, #tpu.memory_space<semaphore_mem>> -> memref<!tpu.dma_semaphore, #tpu.memory_space<semaphore_mem>>
    %dma_start3A_527 = arith.constant 0 : i32
    %dma_start3A_528 = tpu.memref_slice %arg3[%multiple_of3A_521, %dma_start3A_527] : memref<320000x128xf32, #tpu.memory_space<hbm>> -> memref<80x128xf32, #tpu.memory_space<hbm>>
    tpu.enqueue_dma source(%dma_start3A_528 : memref<80x128xf32, #tpu.memory_space<hbm>>) target(%arg14 : memref<80x128xf32, #tpu.memory_space<vmem>>) target_semaphore(%dma_start3A_526 : memref<!tpu.dma_semaphore, #tpu.memory_space<semaphore_mem>>)
    %dma_start3A_529 = arith.constant 0 : i32
    %dma_start3A_530 = tpu.memref_slice %arg4[%multiple_of3A_521] : memref<320000xi32, #tpu.memory_space<hbm>> -> memref<80xi32, #tpu.memory_space<hbm>>
    %dma_start3A_531 = tpu.memref_slice %arg22[%dma_start3A_529] : memref<3x!tpu.dma_semaphore, #tpu.memory_space<semaphore_mem>> -> memref<1x!tpu.dma_semaphore, #tpu.memory_space<semaphore_mem>>
    %dma_start3A_532 = tpu.memref_squeeze %dma_start3A_531 : memref<1x!tpu.dma_semaphore, #tpu.memory_space<semaphore_mem>> -> memref<!tpu.dma_semaphore, #tpu.memory_space<semaphore_mem>>
    %dma_start3A_533 = tpu.memref_slice %arg4[%multiple_of3A_521] : memref<320000xi32, #tpu.memory_space<hbm>> -> memref<80xi32, #tpu.memory_space<hbm>>
    tpu.enqueue_dma source(%dma_start3A_533 : memref<80xi32, #tpu.memory_space<hbm>>) target(%arg8 : memref<80xi32, #tpu.memory_space<vmem>>) target_semaphore(%dma_start3A_532 : memref<!tpu.dma_semaphore, #tpu.memory_space<semaphore_mem>>)
    %dma_start3A_534 = arith.constant 0 : i32
    %dma_start3A_535 = tpu.memref_slice %arg5[%multiple_of3A_521] : memref<320000xi32, #tpu.memory_space<hbm>> -> memref<80xi32, #tpu.memory_space<hbm>>
    %dma_start3A_536 = tpu.memref_slice %arg23[%dma_start3A_534] : memref<3x!tpu.dma_semaphore, #tpu.memory_space<semaphore_mem>> -> memref<1x!tpu.dma_semaphore, #tpu.memory_space<semaphore_mem>>
    %dma_start3A_537 = tpu.memref_squeeze %dma_start3A_536 : memref<1x!tpu.dma_semaphore, #tpu.memory_space<semaphore_mem>> -> memref<!tpu.dma_semaphore, #tpu.memory_space<semaphore_mem>>
    %dma_start3A_538 = tpu.memref_slice %arg5[%multiple_of3A_521] : memref<320000xi32, #tpu.memory_space<hbm>> -> memref<80xi32, #tpu.memory_space<hbm>>
    tpu.enqueue_dma source(%dma_start3A_538 : memref<80xi32, #tpu.memory_space<hbm>>) target(%arg11 : memref<80xi32, #tpu.memory_space<vmem>>) target_semaphore(%dma_start3A_537 : memref<!tpu.dma_semaphore, #tpu.memory_space<semaphore_mem>>)
    %dma_wait3A_539 = arith.constant 0 : i32
    %dma_wait3A_540 = arith.constant 0 : i32
    %dma_wait3A_541 = arith.constant 0 : i32
    %dma_wait3A_542 = tpu.memref_slice %arg3[%dma_wait3A_540, %dma_wait3A_541] : memref<320000x128xf32, #tpu.memory_space<hbm>> -> memref<80x128xf32, #tpu.memory_space<hbm>>
    %dma_wait3A_543 = tpu.memref_slice %arg21[%dma_wait3A_539] : memref<3x!tpu.dma_semaphore, #tpu.memory_space<semaphore_mem>> -> memref<1x!tpu.dma_semaphore, #tpu.memory_space<semaphore_mem>>
    %dma_wait3A_544 = tpu.memref_squeeze %dma_wait3A_543 : memref<1x!tpu.dma_semaphore, #tpu.memory_space<semaphore_mem>> -> memref<!tpu.dma_semaphore, #tpu.memory_space<semaphore_mem>>
    %dma_wait3A_545 = arith.constant 0 : i32
    %dma_wait3A_546 = arith.constant 0 : i32
    %dma_wait3A_547 = tpu.memref_slice %arg3[%dma_wait3A_545, %dma_wait3A_546] : memref<320000x128xf32, #tpu.memory_space<hbm>> -> memref<80x128xf32, #tpu.memory_space<hbm>>
    tpu.wait_dma2 semaphore(%dma_wait3A_544 : memref<!tpu.dma_semaphore, #tpu.memory_space<semaphore_mem>>) src(%dma_wait3A_547 : memref<80x128xf32, #tpu.memory_space<hbm>>) dst(%arg14 : memref<80x128xf32, #tpu.memory_space<vmem>>)
    %dma_wait3A_548 = arith.constant 0 : i32
    %dma_wait3A_549 = arith.constant 0 : i32
    %dma_wait3A_550 = tpu.memref_slice %arg4[%dma_wait3A_549] : memref<320000xi32, #tpu.memory_space<hbm>> -> memref<80xi32, #tpu.memory_space<hbm>>
    %dma_wait3A_551 = tpu.memref_slice %arg22[%dma_wait3A_548] : memref<3x!tpu.dma_semaphore, #tpu.memory_space<semaphore_mem>> -> memref<1x!tpu.dma_semaphore, #tpu.memory_space<semaphore_mem>>
    %dma_wait3A_552 = tpu.memref_squeeze %dma_wait3A_551 : memref<1x!tpu.dma_semaphore, #tpu.memory_space<semaphore_mem>> -> memref<!tpu.dma_semaphore, #tpu.memory_space<semaphore_mem>>
    %dma_wait3A_553 = arith.constant 0 : i32
    %dma_wait3A_554 = tpu.memref_slice %arg4[%dma_wait3A_553] : memref<320000xi32, #tpu.memory_space<hbm>> -> memref<80xi32, #tpu.memory_space<hbm>>
    tpu.wait_dma2 semaphore(%dma_wait3A_552 : memref<!tpu.dma_semaphore, #tpu.memory_space<semaphore_mem>>) src(%dma_wait3A_554 : memref<80xi32, #tpu.memory_space<hbm>>) dst(%arg8 : memref<80xi32, #tpu.memory_space<vmem>>)
    %dma_wait3A_555 = arith.constant 0 : i32
    %dma_wait3A_556 = arith.constant 0 : i32
    %dma_wait3A_557 = tpu.memref_slice %arg5[%dma_wait3A_556] : memref<320000xi32, #tpu.memory_space<hbm>> -> memref<80xi32, #tpu.memory_space<hbm>>
    %dma_wait3A_558 = tpu.memref_slice %arg23[%dma_wait3A_555] : memref<3x!tpu.dma_semaphore, #tpu.memory_space<semaphore_mem>> -> memref<1x!tpu.dma_semaphore, #tpu.memory_space<semaphore_mem>>
    %dma_wait3A_559 = tpu.memref_squeeze %dma_wait3A_558 : memref<1x!tpu.dma_semaphore, #tpu.memory_space<semaphore_mem>> -> memref<!tpu.dma_semaphore, #tpu.memory_space<semaphore_mem>>
    %dma_wait3A_560 = arith.constant 0 : i32
    %dma_wait3A_561 = tpu.memref_slice %arg5[%dma_wait3A_560] : memref<320000xi32, #tpu.memory_space<hbm>> -> memref<80xi32, #tpu.memory_space<hbm>>
    tpu.wait_dma2 semaphore(%dma_wait3A_559 : memref<!tpu.dma_semaphore, #tpu.memory_space<semaphore_mem>>) src(%dma_wait3A_561 : memref<80xi32, #tpu.memory_space<hbm>>) dst(%arg11 : memref<80xi32, #tpu.memory_space<vmem>>)
    %dma_start3A_562 = arith.constant 0 : i32
    %dma_start3A_563 = arith.constant 0 : i32
    %dma_start3A_564 = arith.constant 0 : i32
    %dma_start3A_565 = tpu.memref_slice %arg2[%dma_start3A_563, %dma_start3A_564] : memref<10000x128xf32, #tpu.memory_space<hbm>> -> memref<10000x128xf32, #tpu.memory_space<hbm>>
    %dma_start3A_566 = tpu.memref_slice %arg24[%dma_start3A_562] : memref<3x!tpu.dma_semaphore, #tpu.memory_space<semaphore_mem>> -> memref<1x!tpu.dma_semaphore, #tpu.memory_space<semaphore_mem>>
    %dma_start3A_567 = tpu.memref_squeeze %dma_start3A_566 : memref<1x!tpu.dma_semaphore, #tpu.memory_space<semaphore_mem>> -> memref<!tpu.dma_semaphore, #tpu.memory_space<semaphore_mem>>
    tpu.enqueue_indirect_dma source(%dma_start3A_565 : memref<10000x128xf32, #tpu.memory_space<hbm>>) target(%arg14 : memref<80x128xf32, #tpu.memory_space<vmem>>) offsets(%arg8 : memref<80xi32, #tpu.memory_space<vmem>>) semaphore(%dma_start3A_567 : memref<!tpu.dma_semaphore, #tpu.memory_space<semaphore_mem>>) {add = true}
    %dma_wait3A_568 = arith.constant 2 : i32
    %dma_wait3A_569 = arith.constant 0 : i32
    %dma_wait3A_570 = arith.constant 0 : i32
    %dma_wait3A_571 = tpu.memref_slice %arg2[%dma_wait3A_569, %dma_wait3A_570] : memref<10000x128xf32, #tpu.memory_space<hbm>> -> memref<10000x128xf32, #tpu.memory_space<hbm>>
    %dma_wait3A_572 = tpu.memref_slice %arg24[%dma_wait3A_568] : memref<3x!tpu.dma_semaphore, #tpu.memory_space<semaphore_mem>> -> memref<1x!tpu.dma_semaphore, #tpu.memory_space<semaphore_mem>>
    %dma_wait3A_573 = tpu.memref_squeeze %dma_wait3A_572 : memref<1x!tpu.dma_semaphore, #tpu.memory_space<semaphore_mem>> -> memref<!tpu.dma_semaphore, #tpu.memory_space<semaphore_mem>>
    tpu.wait_indirect_dma semaphore(%dma_wait3A_573 : memref<!tpu.dma_semaphore, #tpu.memory_space<semaphore_mem>>) src(%dma_wait3A_571 : memref<10000x128xf32, #tpu.memory_space<hbm>>) dst(%arg16 : memref<80x128xf32, #tpu.memory_space<vmem>>)
    %parallel_loop3A_574 = arith.constant 0 : i32
    %parallel_loop3A_575 = arith.constant 80 : i32
    %parallel_loop3A_576 = arith.constant 1 : i32
    scf.for %parallel_loop3A_780 = %parallel_loop3A_574 to %parallel_loop3A_575 step %parallel_loop3A_576  : i32 {
      %parallel_loop3A_781 = arith.index_cast %parallel_loop3A_780 : i32 to index
      %parallel_loop3A_782 = arith.constant 0 : index
      %parallel_loop3A_783 = tpu.vector_load %arg16[%parallel_loop3A_781, %parallel_loop3A_782] {strides = array<i32>} : memref<80x128xf32, #tpu.memory_space<vmem>>, vector<1x16xf32>,
      %parallel_loop3A_784 = vector.shape_cast %parallel_loop3A_783 : vector<1x16xf32> to vector<16xf32>
      %parallel_loop3A_785 = arith.constant 0.000000e+00 : f32
      %parallel_loop3A_786 = vector.broadcast %parallel_loop3A_785 : f32 to vector<16xf32>
      %parallel_loop3A_787 = arith.maximumf %parallel_loop3A_784, %parallel_loop3A_786 : vector<16xf32>
      %parallel_loop3A_788 = arith.index_cast %parallel_loop3A_780 : i32 to index
      %parallel_loop3A_789 = arith.constant 0 : index
      %parallel_loop3A_790 = tpu.vector_load %arg16[%parallel_loop3A_788, %parallel_loop3A_789] {strides = array<i32>} : memref<80x128xf32, #tpu.memory_space<vmem>>, vector<1x16xf32>,
      %parallel_loop3A_791 = vector.shape_cast %parallel_loop3A_790 : vector<1x16xf32> to vector<16xf32>
      %parallel_loop3A_792 = vector.shape_cast %parallel_loop3A_787 : vector<16xf32> to vector<1x16xf32>
      tpu.vector_store %arg16[%parallel_loop3A_788, %parallel_loop3A_789], %parallel_loop3A_792 {strides = array<i32>} : memref<80x128xf32, #tpu.memory_space<vmem>>, vector<1x16xf32>,
      %parallel_loop3A_793 = arith.index_cast %parallel_loop3A_780 : i32 to index
      %parallel_loop3A_794 = arith.constant 16 : index
      %parallel_loop3A_795 = tpu.vector_load %arg16[%parallel_loop3A_793, %parallel_loop3A_794] {strides = array<i32>} : memref<80x128xf32, #tpu.memory_space<vmem>>, vector<1x16xf32>,
      %parallel_loop3A_796 = vector.shape_cast %parallel_loop3A_795 : vector<1x16xf32> to vector<16xf32>
      %parallel_loop3A_797 = arith.constant 0.000000e+00 : f32
      %parallel_loop3A_798 = vector.broadcast %parallel_loop3A_797 : f32 to vector<16xf32>
      %parallel_loop3A_799 = arith.maximumf %parallel_loop3A_796, %parallel_loop3A_798 : vector<16xf32>
      %parallel_loop3A_800 = arith.index_cast %parallel_loop3A_780 : i32 to index
      %parallel_loop3A_801 = arith.constant 16 : index
      %parallel_loop3A_802 = tpu.vector_load %arg16[%parallel_loop3A_800, %parallel_loop3A_801] {strides = array<i32>} : memref<80x128xf32, #tpu.memory_space<vmem>>, vector<1x16xf32>,
      %parallel_loop3A_803 = vector.shape_cast %parallel_loop3A_802 : vector<1x16xf32> to vector<16xf32>
      %parallel_loop3A_804 = vector.shape_cast %parallel_loop3A_799 : vector<16xf32> to vector<1x16xf32>
      tpu.vector_store %arg16[%parallel_loop3A_800, %parallel_loop3A_801], %parallel_loop3A_804 {strides = array<i32>} : memref<80x128xf32, #tpu.memory_space<vmem>>, vector<1x16xf32>,
      %parallel_loop3A_805 = arith.index_cast %parallel_loop3A_780 : i32 to index
      %parallel_loop3A_806 = arith.constant 32 : index
      %parallel_loop3A_807 = tpu.vector_load %arg16[%parallel_loop3A_805, %parallel_loop3A_806] {strides = array<i32>} : memref<80x128xf32, #tpu.memory_space<vmem>>, vector<1x16xf32>,
      %parallel_loop3A_808 = vector.shape_cast %parallel_loop3A_807 : vector<1x16xf32> to vector<16xf32>
      %parallel_loop3A_809 = arith.constant 0.000000e+00 : f32
      %parallel_loop3A_810 = vector.broadcast %parallel_loop3A_809 : f32 to vector<16xf32>
      %parallel_loop3A_811 = arith.maximumf %parallel_loop3A_808, %parallel_loop3A_810 : vector<16xf32>
      %parallel_loop3A_812 = arith.index_cast %parallel_loop3A_780 : i32 to index
      %parallel_loop3A_813 = arith.constant 32 : index
      %parallel_loop3A_814 = tpu.vector_load %arg16[%parallel_loop3A_812, %parallel_loop3A_813] {strides = array<i32>} : memref<80x128xf32, #tpu.memory_space<vmem>>, vector<1x16xf32>,
      %parallel_loop3A_815 = vector.shape_cast %parallel_loop3A_814 : vector<1x16xf32> to vector<16xf32>
      %parallel_loop3A_816 = vector.shape_cast %parallel_loop3A_811 : vector<16xf32> to vector<1x16xf32>
      tpu.vector_store %arg16[%parallel_loop3A_812, %parallel_loop3A_813], %parallel_loop3A_816 {strides = array<i32>} : memref<80x128xf32, #tpu.memory_space<vmem>>, vector<1x16xf32>,
      %parallel_loop3A_817 = arith.index_cast %parallel_loop3A_780 : i32 to index
      %parallel_loop3A_818 = arith.constant 48 : index
      %parallel_loop3A_819 = tpu.vector_load %arg16[%parallel_loop3A_817, %parallel_loop3A_818] {strides = array<i32>} : memref<80x128xf32, #tpu.memory_space<vmem>>, vector<1x16xf32>,
      %parallel_loop3A_820 = vector.shape_cast %parallel_loop3A_819 : vector<1x16xf32> to vector<16xf32>
      %parallel_loop3A_821 = arith.constant 0.000000e+00 : f32
      %parallel_loop3A_822 = vector.broadcast %parallel_loop3A_821 : f32 to vector<16xf32>
      %parallel_loop3A_823 = arith.maximumf %parallel_loop3A_820, %parallel_loop3A_822 : vector<16xf32>
      %parallel_loop3A_824 = arith.index_cast %parallel_loop3A_780 : i32 to index
      %parallel_loop3A_825 = arith.constant 48 : index
      %parallel_loop3A_826 = tpu.vector_load %arg16[%parallel_loop3A_824, %parallel_loop3A_825] {strides = array<i32>} : memref<80x128xf32, #tpu.memory_space<vmem>>, vector<1x16xf32>,
      %parallel_loop3A_827 = vector.shape_cast %parallel_loop3A_826 : vector<1x16xf32> to vector<16xf32>
      %parallel_loop3A_828 = vector.shape_cast %parallel_loop3A_823 : vector<16xf32> to vector<1x16xf32>
      tpu.vector_store %arg16[%parallel_loop3A_824, %parallel_loop3A_825], %parallel_loop3A_828 {strides = array<i32>} : memref<80x128xf32, #tpu.memory_space<vmem>>, vector<1x16xf32>,
      %parallel_loop3A_829 = arith.index_cast %parallel_loop3A_780 : i32 to index
      %parallel_loop3A_830 = arith.constant 64 : index
      %parallel_loop3A_831 = tpu.vector_load %arg16[%parallel_loop3A_829, %parallel_loop3A_830] {strides = array<i32>} : memref<80x128xf32, #tpu.memory_space<vmem>>, vector<1x16xf32>,
      %parallel_loop3A_832 = vector.shape_cast %parallel_loop3A_831 : vector<1x16xf32> to vector<16xf32>
      %parallel_loop3A_833 = arith.constant 0.000000e+00 : f32
      %parallel_loop3A_834 = vector.broadcast %parallel_loop3A_833 : f32 to vector<16xf32>
      %parallel_loop3A_835 = arith.maximumf %parallel_loop3A_832, %parallel_loop3A_834 : vector<16xf32>
      %parallel_loop3A_836 = arith.index_cast %parallel_loop3A_780 : i32 to index
      %parallel_loop3A_837 = arith.constant 64 : index
      %parallel_loop3A_838 = tpu.vector_load %arg16[%parallel_loop3A_836, %parallel_loop3A_837] {strides = array<i32>} : memref<80x128xf32, #tpu.memory_space<vmem>>, vector<1x16xf32>,
      %parallel_loop3A_839 = vector.shape_cast %parallel_loop3A_838 : vector<1x16xf32> to vector<16xf32>
      %parallel_loop3A_840 = vector.shape_cast %parallel_loop3A_835 : vector<16xf32> to vector<1x16xf32>
      tpu.vector_store %arg16[%parallel_loop3A_836, %parallel_loop3A_837], %parallel_loop3A_840 {strides = array<i32>} : memref<80x128xf32, #tpu.memory_space<vmem>>, vector<1x16xf32>,
      %parallel_loop3A_841 = arith.index_cast %parallel_loop3A_780 : i32 to index
      %parallel_loop3A_842 = arith.constant 80 : index
      %parallel_loop3A_843 = tpu.vector_load %arg16[%parallel_loop3A_841, %parallel_loop3A_842] {strides = array<i32>} : memref<80x128xf32, #tpu.memory_space<vmem>>, vector<1x16xf32>,
      %parallel_loop3A_844 = vector.shape_cast %parallel_loop3A_843 : vector<1x16xf32> to vector<16xf32>
      %parallel_loop3A_845 = arith.constant 0.000000e+00 : f32
      %parallel_loop3A_846 = vector.broadcast %parallel_loop3A_845 : f32 to vector<16xf32>
      %parallel_loop3A_847 = arith.maximumf %parallel_loop3A_844, %parallel_loop3A_846 : vector<16xf32>
      %parallel_loop3A_848 = arith.index_cast %parallel_loop3A_780 : i32 to index
      %parallel_loop3A_849 = arith.constant 80 : index
      %parallel_loop3A_850 = tpu.vector_load %arg16[%parallel_loop3A_848, %parallel_loop3A_849] {strides = array<i32>} : memref<80x128xf32, #tpu.memory_space<vmem>>, vector<1x16xf32>,
      %parallel_loop3A_851 = vector.shape_cast %parallel_loop3A_850 : vector<1x16xf32> to vector<16xf32>
      %parallel_loop3A_852 = vector.shape_cast %parallel_loop3A_847 : vector<16xf32> to vector<1x16xf32>
      tpu.vector_store %arg16[%parallel_loop3A_848, %parallel_loop3A_849], %parallel_loop3A_852 {strides = array<i32>} : memref<80x128xf32, #tpu.memory_space<vmem>>, vector<1x16xf32>,
      %parallel_loop3A_853 = arith.index_cast %parallel_loop3A_780 : i32 to index
      %parallel_loop3A_854 = arith.constant 96 : index
      %parallel_loop3A_855 = tpu.vector_load %arg16[%parallel_loop3A_853, %parallel_loop3A_854] {strides = array<i32>} : memref<80x128xf32, #tpu.memory_space<vmem>>, vector<1x16xf32>,
      %parallel_loop3A_856 = vector.shape_cast %parallel_loop3A_855 : vector<1x16xf32> to vector<16xf32>
      %parallel_loop3A_857 = arith.constant 0.000000e+00 : f32
      %parallel_loop3A_858 = vector.broadcast %parallel_loop3A_857 : f32 to vector<16xf32>
      %parallel_loop3A_859 = arith.maximumf %parallel_loop3A_856, %parallel_loop3A_858 : vector<16xf32>
      %parallel_loop3A_860 = arith.index_cast %parallel_loop3A_780 : i32 to index
      %parallel_loop3A_861 = arith.constant 96 : index
      %parallel_loop3A_862 = tpu.vector_load %arg16[%parallel_loop3A_860, %parallel_loop3A_861] {strides = array<i32>} : memref<80x128xf32, #tpu.memory_space<vmem>>, vector<1x16xf32>,
      %parallel_loop3A_863 = vector.shape_cast %parallel_loop3A_862 : vector<1x16xf32> to vector<16xf32>
      %parallel_loop3A_864 = vector.shape_cast %parallel_loop3A_859 : vector<16xf32> to vector<1x16xf32>
      tpu.vector_store %arg16[%parallel_loop3A_860, %parallel_loop3A_861], %parallel_loop3A_864 {strides = array<i32>} : memref<80x128xf32, #tpu.memory_space<vmem>>, vector<1x16xf32>,
      %parallel_loop3A_865 = arith.index_cast %parallel_loop3A_780 : i32 to index
      %parallel_loop3A_866 = arith.constant 112 : index
      %parallel_loop3A_867 = tpu.vector_load %arg16[%parallel_loop3A_865, %parallel_loop3A_866] {strides = array<i32>} : memref<80x128xf32, #tpu.memory_space<vmem>>, vector<1x16xf32>,
      %parallel_loop3A_868 = vector.shape_cast %parallel_loop3A_867 : vector<1x16xf32> to vector<16xf32>
      %parallel_loop3A_869 = arith.constant 0.000000e+00 : f32
      %parallel_loop3A_870 = vector.broadcast %parallel_loop3A_869 : f32 to vector<16xf32>
      %parallel_loop3A_871 = arith.maximumf %parallel_loop3A_868, %parallel_loop3A_870 : vector<16xf32>
      %parallel_loop3A_872 = arith.index_cast %parallel_loop3A_780 : i32 to index
      %parallel_loop3A_873 = arith.constant 112 : index
      %parallel_loop3A_874 = tpu.vector_load %arg16[%parallel_loop3A_872, %parallel_loop3A_873] {strides = array<i32>} : memref<80x128xf32, #tpu.memory_space<vmem>>, vector<1x16xf32>,
      %parallel_loop3A_875 = vector.shape_cast %parallel_loop3A_874 : vector<1x16xf32> to vector<16xf32>
      %parallel_loop3A_876 = vector.shape_cast %parallel_loop3A_871 : vector<16xf32> to vector<1x16xf32>
      tpu.vector_store %arg16[%parallel_loop3A_872, %parallel_loop3A_873], %parallel_loop3A_876 {strides = array<i32>} : memref<80x128xf32, #tpu.memory_space<vmem>>, vector<1x16xf32>,
    } {sc.loop_unroll_factor = 4 : i64, sc.parallel_access}
    %dma_start3A_577 = arith.constant 2 : i32
    %dma_start3A_578 = arith.constant 0 : i32
    %dma_start3A_579 = arith.constant 0 : i32
    %dma_start3A_580 = tpu.memref_slice %arg19[%dma_start3A_578, %dma_start3A_579] : memref<10112x128xf32, #tpu.memory_space<vmem_shared>> -> memref<10112x128xf32, #tpu.memory_space<vmem_shared>>
    %dma_start3A_581 = tpu.memref_slice %arg25[%dma_start3A_577] : memref<3x!tpu.dma_semaphore, #tpu.memory_space<semaphore_mem>> -> memref<1x!tpu.dma_semaphore, #tpu.memory_space<semaphore_mem>>
    %dma_start3A_582 = tpu.memref_squeeze %dma_start3A_581 : memref<1x!tpu.dma_semaphore, #tpu.memory_space<semaphore_mem>> -> memref<!tpu.dma_semaphore, #tpu.memory_space<semaphore_mem>>
    tpu.enqueue_indirect_dma source(%arg16 : memref<80x128xf32, #tpu.memory_space<vmem>>) target(%dma_start3A_580 : memref<10112x128xf32, #tpu.memory_space<vmem_shared>>) offsets(%arg13 : memref<80xi32, #tpu.memory_space<vmem>>) semaphore(%dma_start3A_582 : memref<!tpu.dma_semaphore, #tpu.memory_space<semaphore_mem>>) {add = true}
    %dma_start3A_583 = arith.constant 2 : i32
    %dma_start3A_584 = arith.constant 0 : i32
    %dma_start3A_585 = tpu.memref_slice %arg17[%dma_start3A_584] : memref<128xf32, #tpu.memory_space<vmem>> -> memref<80xf32, #tpu.memory_space<vmem>>
    %dma_start3A_586 = arith.constant 0 : i32
    %dma_start3A_587 = tpu.memref_slice %arg20[%dma_start3A_586] : memref<10112xf32, #tpu.memory_space<vmem_shared>> -> memref<10112xf32, #tpu.memory_space<vmem_shared>>
    %dma_start3A_588 = tpu.memref_slice %arg26[%dma_start3A_583] : memref<3x!tpu.dma_semaphore, #tpu.memory_space<semaphore_mem>> -> memref<1x!tpu.dma_semaphore, #tpu.memory_space<semaphore_mem>>
    %dma_start3A_589 = tpu.memref_squeeze %dma_start3A_588 : memref<1x!tpu.dma_semaphore, #tpu.memory_space<semaphore_mem>> -> memref<!tpu.dma_semaphore, #tpu.memory_space<semaphore_mem>>
    tpu.enqueue_indirect_dma source(%dma_start3A_585 : memref<80xf32, #tpu.memory_space<vmem>>) target(%dma_start3A_587 : memref<10112xf32, #tpu.memory_space<vmem_shared>>) offsets(%arg13 : memref<80xi32, #tpu.memory_space<vmem>>) semaphore(%dma_start3A_589 : memref<!tpu.dma_semaphore, #tpu.memory_space<semaphore_mem>>) {add = true}
    %dma_wait3A_590 = arith.constant 1 : i32
    %dma_wait3A_591 = arith.constant 0 : i32
    %dma_wait3A_592 = arith.constant 0 : i32
    %dma_wait3A_593 = tpu.memref_slice %arg19[%dma_wait3A_591, %dma_wait3A_592] : memref<10112x128xf32, #tpu.memory_space<vmem_shared>> -> memref<10112x128xf32, #tpu.memory_space<vmem_shared>>
    %dma_wait3A_594 = tpu.memref_slice %arg25[%dma_wait3A_590] : memref<3x!tpu.dma_semaphore, #tpu.memory_space<semaphore_mem>> -> memref<1x!tpu.dma_semaphore, #tpu.memory_space<semaphore_mem>>
    %dma_wait3A_595 = tpu.memref_squeeze %dma_wait3A_594 : memref<1x!tpu.dma_semaphore, #tpu.memory_space<semaphore_mem>> -> memref<!tpu.dma_semaphore, #tpu.memory_space<semaphore_mem>>
    tpu.wait_indirect_dma semaphore(%dma_wait3A_595 : memref<!tpu.dma_semaphore, #tpu.memory_space<semaphore_mem>>) src(%arg15 : memref<80x128xf32, #tpu.memory_space<vmem>>) dst(%dma_wait3A_593 : memref<10112x128xf32, #tpu.memory_space<vmem_shared>>)
    %dma_wait3A_596 = arith.constant 1 : i32
    %dma_wait3A_597 = arith.constant 0 : i32
    %dma_wait3A_598 = tpu.memref_slice %arg17[%dma_wait3A_597] : memref<128xf32, #tpu.memory_space<vmem>> -> memref<80xf32, #tpu.memory_space<vmem>>
    %dma_wait3A_599 = arith.constant 0 : i32
    %dma_wait3A_600 = tpu.memref_slice %arg20[%dma_wait3A_599] : memref<10112xf32, #tpu.memory_space<vmem_shared>> -> memref<10112xf32, #tpu.memory_space<vmem_shared>>
    %dma_wait3A_601 = tpu.memref_slice %arg26[%dma_wait3A_596] : memref<3x!tpu.dma_semaphore, #tpu.memory_space<semaphore_mem>> -> memref<1x!tpu.dma_semaphore, #tpu.memory_space<semaphore_mem>>
    %dma_wait3A_602 = tpu.memref_squeeze %dma_wait3A_601 : memref<1x!tpu.dma_semaphore, #tpu.memory_space<semaphore_mem>> -> memref<!tpu.dma_semaphore, #tpu.memory_space<semaphore_mem>>
    tpu.wait_indirect_dma semaphore(%dma_wait3A_602 : memref<!tpu.dma_semaphore, #tpu.memory_space<semaphore_mem>>) src(%dma_wait3A_598 : memref<80xf32, #tpu.memory_space<vmem>>) dst(%dma_wait3A_600 : memref<10112xf32, #tpu.memory_space<vmem_shared>>)
    %mul3A_603 = arith.constant 10000 : i32
    %mul3A_604 = arith.muli %add3A, %mul3A_603 : i32
    %add3A_605 = arith.constant 320 : i32
    %add3A_606 = arith.addi %mul3A_604, %add3A_605 : i32
    %multiple_of3A_607 = tpu.assume_multiple %add3A_606, 16 : i32
    %dma_start3A_608 = arith.constant 1 : i32
    %dma_start3A_609 = arith.constant 0 : i32
    %dma_start3A_610 = tpu.memref_slice %arg3[%multiple_of3A_607, %dma_start3A_609] : memref<320000x128xf32, #tpu.memory_space<hbm>> -> memref<80x128xf32, #tpu.memory_space<hbm>>
    %dma_start3A_611 = tpu.memref_slice %arg21[%dma_start3A_608] : memref<3x!tpu.dma_semaphore, #tpu.memory_space<semaphore_mem>> -> memref<1x!tpu.dma_semaphore, #tpu.memory_space<semaphore_mem>>
    %dma_start3A_612 = tpu.memref_squeeze %dma_start3A_611 : memref<1x!tpu.dma_semaphore, #tpu.memory_space<semaphore_mem>> -> memref<!tpu.dma_semaphore, #tpu.memory_space<semaphore_mem>>
    %dma_start3A_613 = arith.constant 0 : i32
    %dma_start3A_614 = tpu.memref_slice %arg3[%multiple_of3A_607, %dma_start3A_613] : memref<320000x128xf32, #tpu.memory_space<hbm>> -> memref<80x128xf32, #tpu.memory_space<hbm>>
    tpu.enqueue_dma source(%dma_start3A_614 : memref<80x128xf32, #tpu.memory_space<hbm>>) target(%arg15 : memref<80x128xf32, #tpu.memory_space<vmem>>) target_semaphore(%dma_start3A_612 : memref<!tpu.dma_semaphore, #tpu.memory_space<semaphore_mem>>)
    %dma_start3A_615 = arith.constant 1 : i32
    %dma_start3A_616 = tpu.memref_slice %arg4[%multiple_of3A_607] : memref<320000xi32, #tpu.memory_space<hbm>> -> memref<80xi32, #tpu.memory_space<hbm>>
    %dma_start3A_617 = tpu.memref_slice %arg22[%dma_start3A_615] : memref<3x!tpu.dma_semaphore, #tpu.memory_space<semaphore_mem>> -> memref<1x!tpu.dma_semaphore, #tpu.memory_space<semaphore_mem>>
    %dma_start3A_618 = tpu.memref_squeeze %dma_start3A_617 : memref<1x!tpu.dma_semaphore, #tpu.memory_space<semaphore_mem>> -> memref<!tpu.dma_semaphore, #tpu.memory_space<semaphore_mem>>
    %dma_start3A_619 = tpu.memref_slice %arg4[%multiple_of3A_607] : memref<320000xi32, #tpu.memory_space<hbm>> -> memref<80xi32, #tpu.memory_space<hbm>>
    tpu.enqueue_dma source(%dma_start3A_619 : memref<80xi32, #tpu.memory_space<hbm>>) target(%arg9 : memref<80xi32, #tpu.memory_space<vmem>>) target_semaphore(%dma_start3A_618 : memref<!tpu.dma_semaphore, #tpu.memory_space<semaphore_mem>>)
    %dma_start3A_620 = arith.constant 1 : i32
    %dma_start3A_621 = tpu.memref_slice %arg5[%multiple_of3A_607] : memref<320000xi32, #tpu.memory_space<hbm>> -> memref<80xi32, #tpu.memory_space<hbm>>
    %dma_start3A_622 = tpu.memref_slice %arg23[%dma_start3A_620] : memref<3x!tpu.dma_semaphore, #tpu.memory_space<semaphore_mem>> -> memref<1x!tpu.dma_semaphore, #tpu.memory_space<semaphore_mem>>
    %dma_start3A_623 = tpu.memref_squeeze %dma_start3A_622 : memref<1x!tpu.dma_semaphore, #tpu.memory_space<semaphore_mem>> -> memref<!tpu.dma_semaphore, #tpu.memory_space<semaphore_mem>>
    %dma_start3A_624 = tpu.memref_slice %arg5[%multiple_of3A_607] : memref<320000xi32, #tpu.memory_space<hbm>> -> memref<80xi32, #tpu.memory_space<hbm>>
    tpu.enqueue_dma source(%dma_start3A_624 : memref<80xi32, #tpu.memory_space<hbm>>) target(%arg12 : memref<80xi32, #tpu.memory_space<vmem>>) target_semaphore(%dma_start3A_623 : memref<!tpu.dma_semaphore, #tpu.memory_space<semaphore_mem>>)
    %scan3A_625 = arith.constant 0 : i32
    %scan3A_626 = arith.constant 1 : i32
    %scan3A_627 = arith.constant 40 : i32
    %scan3A_628 = arith.addi %scan3A_626, %scan3A_627 : i32
    %scan3A_629 = arith.constant 1 : i32
    scf.for %scan3A_780 = %scan3A_626 to %scan3A_628 step %scan3A_629  : i32 {
      %mul3A_781 = arith.constant 3 : i32
      %mul3A_782 = arith.muli %scan3A_780, %mul3A_781 : i32
      %dma_wait3A_783 = arith.constant 1 : i32
      %dma_wait3A_784 = arith.constant 0 : i32
      %dma_wait3A_785 = arith.constant 0 : i32
      %dma_wait3A_786 = tpu.memref_slice %arg3[%dma_wait3A_784, %dma_wait3A_785] : memref<320000x128xf32, #tpu.memory_space<hbm>> -> memref<80x128xf32, #tpu.memory_space<hbm>>
      %dma_wait3A_787 = tpu.memref_slice %arg21[%dma_wait3A_783] : memref<3x!tpu.dma_semaphore, #tpu.memory_space<semaphore_mem>> -> memref<1x!tpu.dma_semaphore, #tpu.memory_space<semaphore_mem>>
      %dma_wait3A_788 = tpu.memref_squeeze %dma_wait3A_787 : memref<1x!tpu.dma_semaphore, #tpu.memory_space<semaphore_mem>> -> memref<!tpu.dma_semaphore, #tpu.memory_space<semaphore_mem>>
      %dma_wait3A_789 = arith.constant 0 : i32
      %dma_wait3A_790 = arith.constant 0 : i32
      %dma_wait3A_791 = tpu.memref_slice %arg3[%dma_wait3A_789, %dma_wait3A_790] : memref<320000x128xf32, #tpu.memory_space<hbm>> -> memref<80x128xf32, #tpu.memory_space<hbm>>
      tpu.wait_dma2 semaphore(%dma_wait3A_788 : memref<!tpu.dma_semaphore, #tpu.memory_space<semaphore_mem>>) src(%dma_wait3A_791 : memref<80x128xf32, #tpu.memory_space<hbm>>) dst(%arg15 : memref<80x128xf32, #tpu.memory_space<vmem>>)
      %dma_wait3A_792 = arith.constant 1 : i32
      %dma_wait3A_793 = arith.constant 0 : i32
      %dma_wait3A_794 = tpu.memref_slice %arg4[%dma_wait3A_793] : memref<320000xi32, #tpu.memory_space<hbm>> -> memref<80xi32, #tpu.memory_space<hbm>>
      %dma_wait3A_795 = tpu.memref_slice %arg22[%dma_wait3A_792] : memref<3x!tpu.dma_semaphore, #tpu.memory_space<semaphore_mem>> -> memref<1x!tpu.dma_semaphore, #tpu.memory_space<semaphore_mem>>
      %dma_wait3A_796 = tpu.memref_squeeze %dma_wait3A_795 : memref<1x!tpu.dma_semaphore, #tpu.memory_space<semaphore_mem>> -> memref<!tpu.dma_semaphore, #tpu.memory_space<semaphore_mem>>
      %dma_wait3A_797 = arith.constant 0 : i32
      %dma_wait3A_798 = tpu.memref_slice %arg4[%dma_wait3A_797] : memref<320000xi32, #tpu.memory_space<hbm>> -> memref<80xi32, #tpu.memory_space<hbm>>
      tpu.wait_dma2 semaphore(%dma_wait3A_796 : memref<!tpu.dma_semaphore, #tpu.memory_space<semaphore_mem>>) src(%dma_wait3A_798 : memref<80xi32, #tpu.memory_space<hbm>>) dst(%arg9 : memref<80xi32, #tpu.memory_space<vmem>>)
      %dma_wait3A_799 = arith.constant 1 : i32
      %dma_wait3A_800 = arith.constant 0 : i32
      %dma_wait3A_801 = tpu.memref_slice %arg5[%dma_wait3A_800] : memref<320000xi32, #tpu.memory_space<hbm>> -> memref<80xi32, #tpu.memory_space<hbm>>
      %dma_wait3A_802 = tpu.memref_slice %arg23[%dma_wait3A_799] : memref<3x!tpu.dma_semaphore, #tpu.memory_space<semaphore_mem>> -> memref<1x!tpu.dma_semaphore, #tpu.memory_space<semaphore_mem>>
      %dma_wait3A_803 = tpu.memref_squeeze %dma_wait3A_802 : memref<1x!tpu.dma_semaphore, #tpu.memory_space<semaphore_mem>> -> memref<!tpu.dma_semaphore, #tpu.memory_space<semaphore_mem>>
      %dma_wait3A_804 = arith.constant 0 : i32
      %dma_wait3A_805 = tpu.memref_slice %arg5[%dma_wait3A_804] : memref<320000xi32, #tpu.memory_space<hbm>> -> memref<80xi32, #tpu.memory_space<hbm>>
      tpu.wait_dma2 semaphore(%dma_wait3A_803 : memref<!tpu.dma_semaphore, #tpu.memory_space<semaphore_mem>>) src(%dma_wait3A_805 : memref<80xi32, #tpu.memory_space<hbm>>) dst(%arg12 : memref<80xi32, #tpu.memory_space<vmem>>)
      %dma_start3A_806 = arith.constant 1 : i32
      %dma_start3A_807 = arith.constant 0 : i32
      %dma_start3A_808 = arith.constant 0 : i32
      %dma_start3A_809 = tpu.memref_slice %arg2[%dma_start3A_807, %dma_start3A_808] : memref<10000x128xf32, #tpu.memory_space<hbm>> -> memref<10000x128xf32, #tpu.memory_space<hbm>>
      %dma_start3A_810 = tpu.memref_slice %arg24[%dma_start3A_806] : memref<3x!tpu.dma_semaphore, #tpu.memory_space<semaphore_mem>> -> memref<1x!tpu.dma_semaphore, #tpu.memory_space<semaphore_mem>>
      %dma_start3A_811 = tpu.memref_squeeze %dma_start3A_810 : memref<1x!tpu.dma_semaphore, #tpu.memory_space<semaphore_mem>> -> memref<!tpu.dma_semaphore, #tpu.memory_space<semaphore_mem>>
      tpu.enqueue_indirect_dma source(%dma_start3A_809 : memref<10000x128xf32, #tpu.memory_space<hbm>>) target(%arg15 : memref<80x128xf32, #tpu.memory_space<vmem>>) offsets(%arg9 : memref<80xi32, #tpu.memory_space<vmem>>) semaphore(%dma_start3A_811 : memref<!tpu.dma_semaphore, #tpu.memory_space<semaphore_mem>>) {add = true}
      %dma_wait3A_812 = arith.constant 0 : i32
      %dma_wait3A_813 = arith.constant 0 : i32
      %dma_wait3A_814 = arith.constant 0 : i32
      %dma_wait3A_815 = tpu.memref_slice %arg2[%dma_wait3A_813, %dma_wait3A_814] : memref<10000x128xf32, #tpu.memory_space<hbm>> -> memref<10000x128xf32, #tpu.memory_space<hbm>>
      %dma_wait3A_816 = tpu.memref_slice %arg24[%dma_wait3A_812] : memref<3x!tpu.dma_semaphore, #tpu.memory_space<semaphore_mem>> -> memref<1x!tpu.dma_semaphore, #tpu.memory_space<semaphore_mem>>
      %dma_wait3A_817 = tpu.memref_squeeze %dma_wait3A_816 : memref<1x!tpu.dma_semaphore, #tpu.memory_space<semaphore_mem>> -> memref<!tpu.dma_semaphore, #tpu.memory_space<semaphore_mem>>
      tpu.wait_indirect_dma semaphore(%dma_wait3A_817 : memref<!tpu.dma_semaphore, #tpu.memory_space<semaphore_mem>>) src(%dma_wait3A_815 : memref<10000x128xf32, #tpu.memory_space<hbm>>) dst(%arg14 : memref<80x128xf32, #tpu.memory_space<vmem>>)
      %parallel_loop3A_818 = arith.constant 0 : i32
      %parallel_loop3A_819 = arith.constant 80 : i32
      %parallel_loop3A_820 = arith.constant 1 : i32
      scf.for %parallel_loop3A_1054 = %parallel_loop3A_818 to %parallel_loop3A_819 step %parallel_loop3A_820  : i32 {
        %parallel_loop3A_1055 = arith.index_cast %parallel_loop3A_1054 : i32 to index
        %parallel_loop3A_1056 = arith.constant 0 : index
        %parallel_loop3A_1057 = tpu.vector_load %arg14[%parallel_loop3A_1055, %parallel_loop3A_1056] {strides = array<i32>} : memref<80x128xf32, #tpu.memory_space<vmem>>, vector<1x16xf32>,
        %parallel_loop3A_1058 = vector.shape_cast %parallel_loop3A_1057 : vector<1x16xf32> to vector<16xf32>
        %parallel_loop3A_1059 = arith.constant 0.000000e+00 : f32
        %parallel_loop3A_1060 = vector.broadcast %parallel_loop3A_1059 : f32 to vector<16xf32>
        %parallel_loop3A_1061 = arith.maximumf %parallel_loop3A_1058, %parallel_loop3A_1060 : vector<16xf32>
        %parallel_loop3A_1062 = arith.index_cast %parallel_loop3A_1054 : i32 to index
        %parallel_loop3A_1063 = arith.constant 0 : index
        %parallel_loop3A_1064 = tpu.vector_load %arg14[%parallel_loop3A_1062, %parallel_loop3A_1063] {strides = array<i32>} : memref<80x128xf32, #tpu.memory_space<vmem>>, vector<1x16xf32>,
        %parallel_loop3A_1065 = vector.shape_cast %parallel_loop3A_1064 : vector<1x16xf32> to vector<16xf32>
        %parallel_loop3A_1066 = vector.shape_cast %parallel_loop3A_1061 : vector<16xf32> to vector<1x16xf32>
        tpu.vector_store %arg14[%parallel_loop3A_1062, %parallel_loop3A_1063], %parallel_loop3A_1066 {strides = array<i32>} : memref<80x128xf32, #tpu.memory_space<vmem>>, vector<1x16xf32>,
        %parallel_loop3A_1067 = arith.index_cast %parallel_loop3A_1054 : i32 to index
        %parallel_loop3A_1068 = arith.constant 16 : index
        %parallel_loop3A_1069 = tpu.vector_load %arg14[%parallel_loop3A_1067, %parallel_loop3A_1068] {strides = array<i32>} : memref<80x128xf32, #tpu.memory_space<vmem>>, vector<1x16xf32>,
        %parallel_loop3A_1070 = vector.shape_cast %parallel_loop3A_1069 : vector<1x16xf32> to vector<16xf32>
        %parallel_loop3A_1071 = arith.constant 0.000000e+00 : f32
        %parallel_loop3A_1072 = vector.broadcast %parallel_loop3A_1071 : f32 to vector<16xf32>
        %parallel_loop3A_1073 = arith.maximumf %parallel_loop3A_1070, %parallel_loop3A_1072 : vector<16xf32>
        %parallel_loop3A_1074 = arith.index_cast %parallel_loop3A_1054 : i32 to index
        %parallel_loop3A_1075 = arith.constant 16 : index
        %parallel_loop3A_1076 = tpu.vector_load %arg14[%parallel_loop3A_1074, %parallel_loop3A_1075] {strides = array<i32>} : memref<80x128xf32, #tpu.memory_space<vmem>>, vector<1x16xf32>,
        %parallel_loop3A_1077 = vector.shape_cast %parallel_loop3A_1076 : vector<1x16xf32> to vector<16xf32>
        %parallel_loop3A_1078 = vector.shape_cast %parallel_loop3A_1073 : vector<16xf32> to vector<1x16xf32>
        tpu.vector_store %arg14[%parallel_loop3A_1074, %parallel_loop3A_1075], %parallel_loop3A_1078 {strides = array<i32>} : memref<80x128xf32, #tpu.memory_space<vmem>>, vector<1x16xf32>,
        %parallel_loop3A_1079 = arith.index_cast %parallel_loop3A_1054 : i32 to index
        %parallel_loop3A_1080 = arith.constant 32 : index
        %parallel_loop3A_1081 = tpu.vector_load %arg14[%parallel_loop3A_1079, %parallel_loop3A_1080] {strides = array<i32>} : memref<80x128xf32, #tpu.memory_space<vmem>>, vector<1x16xf32>,
        %parallel_loop3A_1082 = vector.shape_cast %parallel_loop3A_1081 : vector<1x16xf32> to vector<16xf32>
        %parallel_loop3A_1083 = arith.constant 0.000000e+00 : f32
        %parallel_loop3A_1084 = vector.broadcast %parallel_loop3A_1083 : f32 to vector<16xf32>
        %parallel_loop3A_1085 = arith.maximumf %parallel_loop3A_1082, %parallel_loop3A_1084 : vector<16xf32>
        %parallel_loop3A_1086 = arith.index_cast %parallel_loop3A_1054 : i32 to index
        %parallel_loop3A_1087 = arith.constant 32 : index
        %parallel_loop3A_1088 = tpu.vector_load %arg14[%parallel_loop3A_1086, %parallel_loop3A_1087] {strides = array<i32>} : memref<80x128xf32, #tpu.memory_space<vmem>>, vector<1x16xf32>,
        %parallel_loop3A_1089 = vector.shape_cast %parallel_loop3A_1088 : vector<1x16xf32> to vector<16xf32>
        %parallel_loop3A_1090 = vector.shape_cast %parallel_loop3A_1085 : vector<16xf32> to vector<1x16xf32>
        tpu.vector_store %arg14[%parallel_loop3A_1086, %parallel_loop3A_1087], %parallel_loop3A_1090 {strides = array<i32>} : memref<80x128xf32, #tpu.memory_space<vmem>>, vector<1x16xf32>,
        %parallel_loop3A_1091 = arith.index_cast %parallel_loop3A_1054 : i32 to index
        %parallel_loop3A_1092 = arith.constant 48 : index
        %parallel_loop3A_1093 = tpu.vector_load %arg14[%parallel_loop3A_1091, %parallel_loop3A_1092] {strides = array<i32>} : memref<80x128xf32, #tpu.memory_space<vmem>>, vector<1x16xf32>,
        %parallel_loop3A_1094 = vector.shape_cast %parallel_loop3A_1093 : vector<1x16xf32> to vector<16xf32>
        %parallel_loop3A_1095 = arith.constant 0.000000e+00 : f32
        %parallel_loop3A_1096 = vector.broadcast %parallel_loop3A_1095 : f32 to vector<16xf32>
        %parallel_loop3A_1097 = arith.maximumf %parallel_loop3A_1094, %parallel_loop3A_1096 : vector<16xf32>
        %parallel_loop3A_1098 = arith.index_cast %parallel_loop3A_1054 : i32 to index
        %parallel_loop3A_1099 = arith.constant 48 : index
        %parallel_loop3A_1100 = tpu.vector_load %arg14[%parallel_loop3A_1098, %parallel_loop3A_1099] {strides = array<i32>} : memref<80x128xf32, #tpu.memory_space<vmem>>, vector<1x16xf32>,
        %parallel_loop3A_1101 = vector.shape_cast %parallel_loop3A_1100 : vector<1x16xf32> to vector<16xf32>
        %parallel_loop3A_1102 = vector.shape_cast %parallel_loop3A_1097 : vector<16xf32> to vector<1x16xf32>
        tpu.vector_store %arg14[%parallel_loop3A_1098, %parallel_loop3A_1099], %parallel_loop3A_1102 {strides = array<i32>} : memref<80x128xf32, #tpu.memory_space<vmem>>, vector<1x16xf32>,
        %parallel_loop3A_1103 = arith.index_cast %parallel_loop3A_1054 : i32 to index
        %parallel_loop3A_1104 = arith.constant 64 : index
        %parallel_loop3A_1105 = tpu.vector_load %arg14[%parallel_loop3A_1103, %parallel_loop3A_1104] {strides = array<i32>} : memref<80x128xf32, #tpu.memory_space<vmem>>, vector<1x16xf32>,
        %parallel_loop3A_1106 = vector.shape_cast %parallel_loop3A_1105 : vector<1x16xf32> to vector<16xf32>
        %parallel_loop3A_1107 = arith.constant 0.000000e+00 : f32
        %parallel_loop3A_1108 = vector.broadcast %parallel_loop3A_1107 : f32 to vector<16xf32>
        %parallel_loop3A_1109 = arith.maximumf %parallel_loop3A_1106, %parallel_loop3A_1108 : vector<16xf32>
        %parallel_loop3A_1110 = arith.index_cast %parallel_loop3A_1054 : i32 to index
        %parallel_loop3A_1111 = arith.constant 64 : index
        %parallel_loop3A_1112 = tpu.vector_load %arg14[%parallel_loop3A_1110, %parallel_loop3A_1111] {strides = array<i32>} : memref<80x128xf32, #tpu.memory_space<vmem>>, vector<1x16xf32>,
        %parallel_loop3A_1113 = vector.shape_cast %parallel_loop3A_1112 : vector<1x16xf32> to vector<16xf32>
        %parallel_loop3A_1114 = vector.shape_cast %parallel_loop3A_1109 : vector<16xf32> to vector<1x16xf32>
        tpu.vector_store %arg14[%parallel_loop3A_1110, %parallel_loop3A_1111], %parallel_loop3A_1114 {strides = array<i32>} : memref<80x128xf32, #tpu.memory_space<vmem>>, vector<1x16xf32>,
        %parallel_loop3A_1115 = arith.index_cast %parallel_loop3A_1054 : i32 to index
        %parallel_loop3A_1116 = arith.constant 80 : index
        %parallel_loop3A_1117 = tpu.vector_load %arg14[%parallel_loop3A_1115, %parallel_loop3A_1116] {strides = array<i32>} : memref<80x128xf32, #tpu.memory_space<vmem>>, vector<1x16xf32>,
        %parallel_loop3A_1118 = vector.shape_cast %parallel_loop3A_1117 : vector<1x16xf32> to vector<16xf32>
        %parallel_loop3A_1119 = arith.constant 0.000000e+00 : f32
        %parallel_loop3A_1120 = vector.broadcast %parallel_loop3A_1119 : f32 to vector<16xf32>
        %parallel_loop3A_1121 = arith.maximumf %parallel_loop3A_1118, %parallel_loop3A_1120 : vector<16xf32>
        %parallel_loop3A_1122 = arith.index_cast %parallel_loop3A_1054 : i32 to index
        %parallel_loop3A_1123 = arith.constant 80 : index
        %parallel_loop3A_1124 = tpu.vector_load %arg14[%parallel_loop3A_1122, %parallel_loop3A_1123] {strides = array<i32>} : memref<80x128xf32, #tpu.memory_space<vmem>>, vector<1x16xf32>,
        %parallel_loop3A_1125 = vector.shape_cast %parallel_loop3A_1124 : vector<1x16xf32> to vector<16xf32>
        %parallel_loop3A_1126 = vector.shape_cast %parallel_loop3A_1121 : vector<16xf32> to vector<1x16xf32>
        tpu.vector_store %arg14[%parallel_loop3A_1122, %parallel_loop3A_1123], %parallel_loop3A_1126 {strides = array<i32>} : memref<80x128xf32, #tpu.memory_space<vmem>>, vector<1x16xf32>,
        %parallel_loop3A_1127 = arith.index_cast %parallel_loop3A_1054 : i32 to index
        %parallel_loop3A_1128 = arith.constant 96 : index
        %parallel_loop3A_1129 = tpu.vector_load %arg14[%parallel_loop3A_1127, %parallel_loop3A_1128] {strides = array<i32>} : memref<80x128xf32, #tpu.memory_space<vmem>>, vector<1x16xf32>,
        %parallel_loop3A_1130 = vector.shape_cast %parallel_loop3A_1129 : vector<1x16xf32> to vector<16xf32>
        %parallel_loop3A_1131 = arith.constant 0.000000e+00 : f32
        %parallel_loop3A_1132 = vector.broadcast %parallel_loop3A_1131 : f32 to vector<16xf32>
        %parallel_loop3A_1133 = arith.maximumf %parallel_loop3A_1130, %parallel_loop3A_1132 : vector<16xf32>
        %parallel_loop3A_1134 = arith.index_cast %parallel_loop3A_1054 : i32 to index
        %parallel_loop3A_1135 = arith.constant 96 : index
        %parallel_loop3A_1136 = tpu.vector_load %arg14[%parallel_loop3A_1134, %parallel_loop3A_1135] {strides = array<i32>} : memref<80x128xf32, #tpu.memory_space<vmem>>, vector<1x16xf32>,
        %parallel_loop3A_1137 = vector.shape_cast %parallel_loop3A_1136 : vector<1x16xf32> to vector<16xf32>
        %parallel_loop3A_1138 = vector.shape_cast %parallel_loop3A_1133 : vector<16xf32> to vector<1x16xf32>
        tpu.vector_store %arg14[%parallel_loop3A_1134, %parallel_loop3A_1135], %parallel_loop3A_1138 {strides = array<i32>} : memref<80x128xf32, #tpu.memory_space<vmem>>, vector<1x16xf32>,
        %parallel_loop3A_1139 = arith.index_cast %parallel_loop3A_1054 : i32 to index
        %parallel_loop3A_1140 = arith.constant 112 : index
        %parallel_loop3A_1141 = tpu.vector_load %arg14[%parallel_loop3A_1139, %parallel_loop3A_1140] {strides = array<i32>} : memref<80x128xf32, #tpu.memory_space<vmem>>, vector<1x16xf32>,
        %parallel_loop3A_1142 = vector.shape_cast %parallel_loop3A_1141 : vector<1x16xf32> to vector<16xf32>
        %parallel_loop3A_1143 = arith.constant 0.000000e+00 : f32
        %parallel_loop3A_1144 = vector.broadcast %parallel_loop3A_1143 : f32 to vector<16xf32>
        %parallel_loop3A_1145 = arith.maximumf %parallel_loop3A_1142, %parallel_loop3A_1144 : vector<16xf32>
        %parallel_loop3A_1146 = arith.index_cast %parallel_loop3A_1054 : i32 to index
        %parallel_loop3A_1147 = arith.constant 112 : index
        %parallel_loop3A_1148 = tpu.vector_load %arg14[%parallel_loop3A_1146, %parallel_loop3A_1147] {strides = array<i32>} : memref<80x128xf32, #tpu.memory_space<vmem>>, vector<1x16xf32>,
        %parallel_loop3A_1149 = vector.shape_cast %parallel_loop3A_1148 : vector<1x16xf32> to vector<16xf32>
        %parallel_loop3A_1150 = vector.shape_cast %parallel_loop3A_1145 : vector<16xf32> to vector<1x16xf32>
        tpu.vector_store %arg14[%parallel_loop3A_1146, %parallel_loop3A_1147], %parallel_loop3A_1150 {strides = array<i32>} : memref<80x128xf32, #tpu.memory_space<vmem>>, vector<1x16xf32>,
      } {sc.loop_unroll_factor = 4 : i64, sc.parallel_access}
      %dma_start3A_821 = arith.constant 0 : i32
      %dma_start3A_822 = arith.constant 0 : i32
      %dma_start3A_823 = arith.constant 0 : i32
      %dma_start3A_824 = tpu.memref_slice %arg19[%dma_start3A_822, %dma_start3A_823] : memref<10112x128xf32, #tpu.memory_space<vmem_shared>> -> memref<10112x128xf32, #tpu.memory_space<vmem_shared>>
      %dma_start3A_825 = tpu.memref_slice %arg25[%dma_start3A_821] : memref<3x!tpu.dma_semaphore, #tpu.memory_space<semaphore_mem>> -> memref<1x!tpu.dma_semaphore, #tpu.memory_space<semaphore_mem>>
      %dma_start3A_826 = tpu.memref_squeeze %dma_start3A_825 : memref<1x!tpu.dma_semaphore, #tpu.memory_space<semaphore_mem>> -> memref<!tpu.dma_semaphore, #tpu.memory_space<semaphore_mem>>
      tpu.enqueue_indirect_dma source(%arg14 : memref<80x128xf32, #tpu.memory_space<vmem>>) target(%dma_start3A_824 : memref<10112x128xf32, #tpu.memory_space<vmem_shared>>) offsets(%arg11 : memref<80xi32, #tpu.memory_space<vmem>>) semaphore(%dma_start3A_826 : memref<!tpu.dma_semaphore, #tpu.memory_space<semaphore_mem>>) {add = true}
      %dma_start3A_827 = arith.constant 0 : i32
      %dma_start3A_828 = arith.constant 0 : i32
      %dma_start3A_829 = tpu.memref_slice %arg17[%dma_start3A_828] : memref<128xf32, #tpu.memory_space<vmem>> -> memref<80xf32, #tpu.memory_space<vmem>>
      %dma_start3A_830 = arith.constant 0 : i32
      %dma_start3A_831 = tpu.memref_slice %arg20[%dma_start3A_830] : memref<10112xf32, #tpu.memory_space<vmem_shared>> -> memref<10112xf32, #tpu.memory_space<vmem_shared>>
      %dma_start3A_832 = tpu.memref_slice %arg26[%dma_start3A_827] : memref<3x!tpu.dma_semaphore, #tpu.memory_space<semaphore_mem>> -> memref<1x!tpu.dma_semaphore, #tpu.memory_space<semaphore_mem>>
      %dma_start3A_833 = tpu.memref_squeeze %dma_start3A_832 : memref<1x!tpu.dma_semaphore, #tpu.memory_space<semaphore_mem>> -> memref<!tpu.dma_semaphore, #tpu.memory_space<semaphore_mem>>
      tpu.enqueue_indirect_dma source(%dma_start3A_829 : memref<80xf32, #tpu.memory_space<vmem>>) target(%dma_start3A_831 : memref<10112xf32, #tpu.memory_space<vmem_shared>>) offsets(%arg11 : memref<80xi32, #tpu.memory_space<vmem>>) semaphore(%dma_start3A_833 : memref<!tpu.dma_semaphore, #tpu.memory_space<semaphore_mem>>) {add = true}
      %dma_wait3A_834 = arith.constant 2 : i32
      %dma_wait3A_835 = arith.constant 0 : i32
      %dma_wait3A_836 = arith.constant 0 : i32
      %dma_wait3A_837 = tpu.memref_slice %arg19[%dma_wait3A_835, %dma_wait3A_836] : memref<10112x128xf32, #tpu.memory_space<vmem_shared>> -> memref<10112x128xf32, #tpu.memory_space<vmem_shared>>
      %dma_wait3A_838 = tpu.memref_slice %arg25[%dma_wait3A_834] : memref<3x!tpu.dma_semaphore, #tpu.memory_space<semaphore_mem>> -> memref<1x!tpu.dma_semaphore, #tpu.memory_space<semaphore_mem>>
      %dma_wait3A_839 = tpu.memref_squeeze %dma_wait3A_838 : memref<1x!tpu.dma_semaphore, #tpu.memory_space<semaphore_mem>> -> memref<!tpu.dma_semaphore, #tpu.memory_space<semaphore_mem>>
      tpu.wait_indirect_dma semaphore(%dma_wait3A_839 : memref<!tpu.dma_semaphore, #tpu.memory_space<semaphore_mem>>) src(%arg16 : memref<80x128xf32, #tpu.memory_space<vmem>>) dst(%dma_wait3A_837 : memref<10112x128xf32, #tpu.memory_space<vmem_shared>>)
      %dma_wait3A_840 = arith.constant 2 : i32
      %dma_wait3A_841 = arith.constant 0 : i32
      %dma_wait3A_842 = tpu.memref_slice %arg17[%dma_wait3A_841] : memref<128xf32, #tpu.memory_space<vmem>> -> memref<80xf32, #tpu.memory_space<vmem>>
      %dma_wait3A_843 = arith.constant 0 : i32
      %dma_wait3A_844 = tpu.memref_slice %arg20[%dma_wait3A_843] : memref<10112xf32, #tpu.memory_space<vmem_shared>> -> memref<10112xf32, #tpu.memory_space<vmem_shared>>
      %dma_wait3A_845 = tpu.memref_slice %arg26[%dma_wait3A_840] : memref<3x!tpu.dma_semaphore, #tpu.memory_space<semaphore_mem>> -> memref<1x!tpu.dma_semaphore, #tpu.memory_space<semaphore_mem>>
      %dma_wait3A_846 = tpu.memref_squeeze %dma_wait3A_845 : memref<1x!tpu.dma_semaphore, #tpu.memory_space<semaphore_mem>> -> memref<!tpu.dma_semaphore, #tpu.memory_space<semaphore_mem>>
      tpu.wait_indirect_dma semaphore(%dma_wait3A_846 : memref<!tpu.dma_semaphore, #tpu.memory_space<semaphore_mem>>) src(%dma_wait3A_842 : memref<80xf32, #tpu.memory_space<vmem>>) dst(%dma_wait3A_844 : memref<10112xf32, #tpu.memory_space<vmem_shared>>)
      %add3A_847 = arith.constant 2 : i32
      %add3A_848 = arith.addi %mul3A_782, %add3A_847 : i32
      %mul3A_849 = arith.constant 10000 : i32
      %mul3A_850 = arith.muli %add3A, %mul3A_849 : i32
      %mul3A_851 = arith.constant 80 : i32
      %mul3A_852 = arith.muli %add3A_848, %mul3A_851 : i32
      %add3A_853 = arith.addi %mul3A_850, %mul3A_852 : i32
      %multiple_of3A_854 = tpu.assume_multiple %add3A_853, 16 : i32
      %dma_start3A_855 = arith.constant 2 : i32
      %dma_start3A_856 = arith.constant 0 : i32
      %dma_start3A_857 = tpu.memref_slice %arg3[%multiple_of3A_854, %dma_start3A_856] : memref<320000x128xf32, #tpu.memory_space<hbm>> -> memref<80x128xf32, #tpu.memory_space<hbm>>
      %dma_start3A_858 = tpu.memref_slice %arg21[%dma_start3A_855] : memref<3x!tpu.dma_semaphore, #tpu.memory_space<semaphore_mem>> -> memref<1x!tpu.dma_semaphore, #tpu.memory_space<semaphore_mem>>
      %dma_start3A_859 = tpu.memref_squeeze %dma_start3A_858 : memref<1x!tpu.dma_semaphore, #tpu.memory_space<semaphore_mem>> -> memref<!tpu.dma_semaphore, #tpu.memory_space<semaphore_mem>>
      %dma_start3A_860 = arith.constant 0 : i32
      %dma_start3A_861 = tpu.memref_slice %arg3[%multiple_of3A_854, %dma_start3A_860] : memref<320000x128xf32, #tpu.memory_space<hbm>> -> memref<80x128xf32, #tpu.memory_space<hbm>>
      tpu.enqueue_dma source(%dma_start3A_861 : memref<80x128xf32, #tpu.memory_space<hbm>>) target(%arg16 : memref<80x128xf32, #tpu.memory_space<vmem>>) target_semaphore(%dma_start3A_859 : memref<!tpu.dma_semaphore, #tpu.memory_space<semaphore_mem>>)
      %dma_start3A_862 = arith.constant 2 : i32
      %dma_start3A_863 = tpu.memref_slice %arg4[%multiple_of3A_854] : memref<320000xi32, #tpu.memory_space<hbm>> -> memref<80xi32, #tpu.memory_space<hbm>>
      %dma_start3A_864 = tpu.memref_slice %arg22[%dma_start3A_862] : memref<3x!tpu.dma_semaphore, #tpu.memory_space<semaphore_mem>> -> memref<1x!tpu.dma_semaphore, #tpu.memory_space<semaphore_mem>>
      %dma_start3A_865 = tpu.memref_squeeze %dma_start3A_864 : memref<1x!tpu.dma_semaphore, #tpu.memory_space<semaphore_mem>> -> memref<!tpu.dma_semaphore, #tpu.memory_space<semaphore_mem>>
      %dma_start3A_866 = tpu.memref_slice %arg4[%multiple_of3A_854] : memref<320000xi32, #tpu.memory_space<hbm>> -> memref<80xi32, #tpu.memory_space<hbm>>
      tpu.enqueue_dma source(%dma_start3A_866 : memref<80xi32, #tpu.memory_space<hbm>>) target(%arg10 : memref<80xi32, #tpu.memory_space<vmem>>) target_semaphore(%dma_start3A_865 : memref<!tpu.dma_semaphore, #tpu.memory_space<semaphore_mem>>)
      %dma_start3A_867 = arith.constant 2 : i32
      %dma_start3A_868 = tpu.memref_slice %arg5[%multiple_of3A_854] : memref<320000xi32, #tpu.memory_space<hbm>> -> memref<80xi32, #tpu.memory_space<hbm>>
      %dma_start3A_869 = tpu.memref_slice %arg23[%dma_start3A_867] : memref<3x!tpu.dma_semaphore, #tpu.memory_space<semaphore_mem>> -> memref<1x!tpu.dma_semaphore, #tpu.memory_space<semaphore_mem>>
      %dma_start3A_870 = tpu.memref_squeeze %dma_start3A_869 : memref<1x!tpu.dma_semaphore, #tpu.memory_space<semaphore_mem>> -> memref<!tpu.dma_semaphore, #tpu.memory_space<semaphore_mem>>
      %dma_start3A_871 = tpu.memref_slice %arg5[%multiple_of3A_854] : memref<320000xi32, #tpu.memory_space<hbm>> -> memref<80xi32, #tpu.memory_space<hbm>>
      tpu.enqueue_dma source(%dma_start3A_871 : memref<80xi32, #tpu.memory_space<hbm>>) target(%arg13 : memref<80xi32, #tpu.memory_space<vmem>>) target_semaphore(%dma_start3A_870 : memref<!tpu.dma_semaphore, #tpu.memory_space<semaphore_mem>>)
      %add3A_872 = arith.constant 1 : i32
      %add3A_873 = arith.addi %mul3A_782, %add3A_872 : i32
      %dma_wait3A_874 = arith.constant 2 : i32
      %dma_wait3A_875 = arith.constant 0 : i32
      %dma_wait3A_876 = arith.constant 0 : i32
      %dma_wait3A_877 = tpu.memref_slice %arg3[%dma_wait3A_875, %dma_wait3A_876] : memref<320000x128xf32, #tpu.memory_space<hbm>> -> memref<80x128xf32, #tpu.memory_space<hbm>>
      %dma_wait3A_878 = tpu.memref_slice %arg21[%dma_wait3A_874] : memref<3x!tpu.dma_semaphore, #tpu.memory_space<semaphore_mem>> -> memref<1x!tpu.dma_semaphore, #tpu.memory_space<semaphore_mem>>
      %dma_wait3A_879 = tpu.memref_squeeze %dma_wait3A_878 : memref<1x!tpu.dma_semaphore, #tpu.memory_space<semaphore_mem>> -> memref<!tpu.dma_semaphore, #tpu.memory_space<semaphore_mem>>
      %dma_wait3A_880 = arith.constant 0 : i32
      %dma_wait3A_881 = arith.constant 0 : i32
      %dma_wait3A_882 = tpu.memref_slice %arg3[%dma_wait3A_880, %dma_wait3A_881] : memref<320000x128xf32, #tpu.memory_space<hbm>> -> memref<80x128xf32, #tpu.memory_space<hbm>>
      tpu.wait_dma2 semaphore(%dma_wait3A_879 : memref<!tpu.dma_semaphore, #tpu.memory_space<semaphore_mem>>) src(%dma_wait3A_882 : memref<80x128xf32, #tpu.memory_space<hbm>>) dst(%arg16 : memref<80x128xf32, #tpu.memory_space<vmem>>)
      %dma_wait3A_883 = arith.constant 2 : i32
      %dma_wait3A_884 = arith.constant 0 : i32
      %dma_wait3A_885 = tpu.memref_slice %arg4[%dma_wait3A_884] : memref<320000xi32, #tpu.memory_space<hbm>> -> memref<80xi32, #tpu.memory_space<hbm>>
      %dma_wait3A_886 = tpu.memref_slice %arg22[%dma_wait3A_883] : memref<3x!tpu.dma_semaphore, #tpu.memory_space<semaphore_mem>> -> memref<1x!tpu.dma_semaphore, #tpu.memory_space<semaphore_mem>>
      %dma_wait3A_887 = tpu.memref_squeeze %dma_wait3A_886 : memref<1x!tpu.dma_semaphore, #tpu.memory_space<semaphore_mem>> -> memref<!tpu.dma_semaphore, #tpu.memory_space<semaphore_mem>>
      %dma_wait3A_888 = arith.constant 0 : i32
      %dma_wait3A_889 = tpu.memref_slice %arg4[%dma_wait3A_888] : memref<320000xi32, #tpu.memory_space<hbm>> -> memref<80xi32, #tpu.memory_space<hbm>>
      tpu.wait_dma2 semaphore(%dma_wait3A_887 : memref<!tpu.dma_semaphore, #tpu.memory_space<semaphore_mem>>) src(%dma_wait3A_889 : memref<80xi32, #tpu.memory_space<hbm>>) dst(%arg10 : memref<80xi32, #tpu.memory_space<vmem>>)
      %dma_wait3A_890 = arith.constant 2 : i32
      %dma_wait3A_891 = arith.constant 0 : i32
      %dma_wait3A_892 = tpu.memref_slice %arg5[%dma_wait3A_891] : memref<320000xi32, #tpu.memory_space<hbm>> -> memref<80xi32, #tpu.memory_space<hbm>>
      %dma_wait3A_893 = tpu.memref_slice %arg23[%dma_wait3A_890] : memref<3x!tpu.dma_semaphore, #tpu.memory_space<semaphore_mem>> -> memref<1x!tpu.dma_semaphore, #tpu.memory_space<semaphore_mem>>
      %dma_wait3A_894 = tpu.memref_squeeze %dma_wait3A_893 : memref<1x!tpu.dma_semaphore, #tpu.memory_space<semaphore_mem>> -> memref<!tpu.dma_semaphore, #tpu.memory_space<semaphore_mem>>
      %dma_wait3A_895 = arith.constant 0 : i32
      %dma_wait3A_896 = tpu.memref_slice %arg5[%dma_wait3A_895] : memref<320000xi32, #tpu.memory_space<hbm>> -> memref<80xi32, #tpu.memory_space<hbm>>
      tpu.wait_dma2 semaphore(%dma_wait3A_894 : memref<!tpu.dma_semaphore, #tpu.memory_space<semaphore_mem>>) src(%dma_wait3A_896 : memref<80xi32, #tpu.memory_space<hbm>>) dst(%arg13 : memref<80xi32, #tpu.memory_space<vmem>>)
      %dma_start3A_897 = arith.constant 2 : i32
      %dma_start3A_898 = arith.constant 0 : i32
      %dma_start3A_899 = arith.constant 0 : i32
      %dma_start3A_900 = tpu.memref_slice %arg2[%dma_start3A_898, %dma_start3A_899] : memref<10000x128xf32, #tpu.memory_space<hbm>> -> memref<10000x128xf32, #tpu.memory_space<hbm>>
      %dma_start3A_901 = tpu.memref_slice %arg24[%dma_start3A_897] : memref<3x!tpu.dma_semaphore, #tpu.memory_space<semaphore_mem>> -> memref<1x!tpu.dma_semaphore, #tpu.memory_space<semaphore_mem>>
      %dma_start3A_902 = tpu.memref_squeeze %dma_start3A_901 : memref<1x!tpu.dma_semaphore, #tpu.memory_space<semaphore_mem>> -> memref<!tpu.dma_semaphore, #tpu.memory_space<semaphore_mem>>
      tpu.enqueue_indirect_dma source(%dma_start3A_900 : memref<10000x128xf32, #tpu.memory_space<hbm>>) target(%arg16 : memref<80x128xf32, #tpu.memory_space<vmem>>) offsets(%arg10 : memref<80xi32, #tpu.memory_space<vmem>>) semaphore(%dma_start3A_902 : memref<!tpu.dma_semaphore, #tpu.memory_space<semaphore_mem>>) {add = true}
      %dma_wait3A_903 = arith.constant 1 : i32
      %dma_wait3A_904 = arith.constant 0 : i32
      %dma_wait3A_905 = arith.constant 0 : i32
      %dma_wait3A_906 = tpu.memref_slice %arg2[%dma_wait3A_904, %dma_wait3A_905] : memref<10000x128xf32, #tpu.memory_space<hbm>> -> memref<10000x128xf32, #tpu.memory_space<hbm>>
      %dma_wait3A_907 = tpu.memref_slice %arg24[%dma_wait3A_903] : memref<3x!tpu.dma_semaphore, #tpu.memory_space<semaphore_mem>> -> memref<1x!tpu.dma_semaphore, #tpu.memory_space<semaphore_mem>>
      %dma_wait3A_908 = tpu.memref_squeeze %dma_wait3A_907 : memref<1x!tpu.dma_semaphore, #tpu.memory_space<semaphore_mem>> -> memref<!tpu.dma_semaphore, #tpu.memory_space<semaphore_mem>>
      tpu.wait_indirect_dma semaphore(%dma_wait3A_908 : memref<!tpu.dma_semaphore, #tpu.memory_space<semaphore_mem>>) src(%dma_wait3A_906 : memref<10000x128xf32, #tpu.memory_space<hbm>>) dst(%arg15 : memref<80x128xf32, #tpu.memory_space<vmem>>)
      %parallel_loop3A_909 = arith.constant 0 : i32
      %parallel_loop3A_910 = arith.constant 80 : i32
      %parallel_loop3A_911 = arith.constant 1 : i32
      scf.for %parallel_loop3A_1054 = %parallel_loop3A_909 to %parallel_loop3A_910 step %parallel_loop3A_911  : i32 {
        %parallel_loop3A_1055 = arith.index_cast %parallel_loop3A_1054 : i32 to index
        %parallel_loop3A_1056 = arith.constant 0 : index
        %parallel_loop3A_1057 = tpu.vector_load %arg15[%parallel_loop3A_1055, %parallel_loop3A_1056] {strides = array<i32>} : memref<80x128xf32, #tpu.memory_space<vmem>>, vector<1x16xf32>,
        %parallel_loop3A_1058 = vector.shape_cast %parallel_loop3A_1057 : vector<1x16xf32> to vector<16xf32>
        %parallel_loop3A_1059 = arith.constant 0.000000e+00 : f32
        %parallel_loop3A_1060 = vector.broadcast %parallel_loop3A_1059 : f32 to vector<16xf32>
        %parallel_loop3A_1061 = arith.maximumf %parallel_loop3A_1058, %parallel_loop3A_1060 : vector<16xf32>
        %parallel_loop3A_1062 = arith.index_cast %parallel_loop3A_1054 : i32 to index
        %parallel_loop3A_1063 = arith.constant 0 : index
        %parallel_loop3A_1064 = tpu.vector_load %arg15[%parallel_loop3A_1062, %parallel_loop3A_1063] {strides = array<i32>} : memref<80x128xf32, #tpu.memory_space<vmem>>, vector<1x16xf32>,
        %parallel_loop3A_1065 = vector.shape_cast %parallel_loop3A_1064 : vector<1x16xf32> to vector<16xf32>
        %parallel_loop3A_1066 = vector.shape_cast %parallel_loop3A_1061 : vector<16xf32> to vector<1x16xf32>
        tpu.vector_store %arg15[%parallel_loop3A_1062, %parallel_loop3A_1063], %parallel_loop3A_1066 {strides = array<i32>} : memref<80x128xf32, #tpu.memory_space<vmem>>, vector<1x16xf32>,
        %parallel_loop3A_1067 = arith.index_cast %parallel_loop3A_1054 : i32 to index
        %parallel_loop3A_1068 = arith.constant 16 : index
        %parallel_loop3A_1069 = tpu.vector_load %arg15[%parallel_loop3A_1067, %parallel_loop3A_1068] {strides = array<i32>} : memref<80x128xf32, #tpu.memory_space<vmem>>, vector<1x16xf32>,
        %parallel_loop3A_1070 = vector.shape_cast %parallel_loop3A_1069 : vector<1x16xf32> to vector<16xf32>
        %parallel_loop3A_1071 = arith.constant 0.000000e+00 : f32
        %parallel_loop3A_1072 = vector.broadcast %parallel_loop3A_1071 : f32 to vector<16xf32>
        %parallel_loop3A_1073 = arith.maximumf %parallel_loop3A_1070, %parallel_loop3A_1072 : vector<16xf32>
        %parallel_loop3A_1074 = arith.index_cast %parallel_loop3A_1054 : i32 to index
        %parallel_loop3A_1075 = arith.constant 16 : index
        %parallel_loop3A_1076 = tpu.vector_load %arg15[%parallel_loop3A_1074, %parallel_loop3A_1075] {strides = array<i32>} : memref<80x128xf32, #tpu.memory_space<vmem>>, vector<1x16xf32>,
        %parallel_loop3A_1077 = vector.shape_cast %parallel_loop3A_1076 : vector<1x16xf32> to vector<16xf32>
        %parallel_loop3A_1078 = vector.shape_cast %parallel_loop3A_1073 : vector<16xf32> to vector<1x16xf32>
        tpu.vector_store %arg15[%parallel_loop3A_1074, %parallel_loop3A_1075], %parallel_loop3A_1078 {strides = array<i32>} : memref<80x128xf32, #tpu.memory_space<vmem>>, vector<1x16xf32>,
        %parallel_loop3A_1079 = arith.index_cast %parallel_loop3A_1054 : i32 to index
        %parallel_loop3A_1080 = arith.constant 32 : index
        %parallel_loop3A_1081 = tpu.vector_load %arg15[%parallel_loop3A_1079, %parallel_loop3A_1080] {strides = array<i32>} : memref<80x128xf32, #tpu.memory_space<vmem>>, vector<1x16xf32>,
        %parallel_loop3A_1082 = vector.shape_cast %parallel_loop3A_1081 : vector<1x16xf32> to vector<16xf32>
        %parallel_loop3A_1083 = arith.constant 0.000000e+00 : f32
        %parallel_loop3A_1084 = vector.broadcast %parallel_loop3A_1083 : f32 to vector<16xf32>
        %parallel_loop3A_1085 = arith.maximumf %parallel_loop3A_1082, %parallel_loop3A_1084 : vector<16xf32>
        %parallel_loop3A_1086 = arith.index_cast %parallel_loop3A_1054 : i32 to index
        %parallel_loop3A_1087 = arith.constant 32 : index
        %parallel_loop3A_1088 = tpu.vector_load %arg15[%parallel_loop3A_1086, %parallel_loop3A_1087] {strides = array<i32>} : memref<80x128xf32, #tpu.memory_space<vmem>>, vector<1x16xf32>,
        %parallel_loop3A_1089 = vector.shape_cast %parallel_loop3A_1088 : vector<1x16xf32> to vector<16xf32>
        %parallel_loop3A_1090 = vector.shape_cast %parallel_loop3A_1085 : vector<16xf32> to vector<1x16xf32>
        tpu.vector_store %arg15[%parallel_loop3A_1086, %parallel_loop3A_1087], %parallel_loop3A_1090 {strides = array<i32>} : memref<80x128xf32, #tpu.memory_space<vmem>>, vector<1x16xf32>,
        %parallel_loop3A_1091 = arith.index_cast %parallel_loop3A_1054 : i32 to index
        %parallel_loop3A_1092 = arith.constant 48 : index
        %parallel_loop3A_1093 = tpu.vector_load %arg15[%parallel_loop3A_1091, %parallel_loop3A_1092] {strides = array<i32>} : memref<80x128xf32, #tpu.memory_space<vmem>>, vector<1x16xf32>,
        %parallel_loop3A_1094 = vector.shape_cast %parallel_loop3A_1093 : vector<1x16xf32> to vector<16xf32>
        %parallel_loop3A_1095 = arith.constant 0.000000e+00 : f32
        %parallel_loop3A_1096 = vector.broadcast %parallel_loop3A_1095 : f32 to vector<16xf32>
        %parallel_loop3A_1097 = arith.maximumf %parallel_loop3A_1094, %parallel_loop3A_1096 : vector<16xf32>
        %parallel_loop3A_1098 = arith.index_cast %parallel_loop3A_1054 : i32 to index
        %parallel_loop3A_1099 = arith.constant 48 : index
        %parallel_loop3A_1100 = tpu.vector_load %arg15[%parallel_loop3A_1098, %parallel_loop3A_1099] {strides = array<i32>} : memref<80x128xf32, #tpu.memory_space<vmem>>, vector<1x16xf32>,
        %parallel_loop3A_1101 = vector.shape_cast %parallel_loop3A_1100 : vector<1x16xf32> to vector<16xf32>
        %parallel_loop3A_1102 = vector.shape_cast %parallel_loop3A_1097 : vector<16xf32> to vector<1x16xf32>
        tpu.vector_store %arg15[%parallel_loop3A_1098, %parallel_loop3A_1099], %parallel_loop3A_1102 {strides = array<i32>} : memref<80x128xf32, #tpu.memory_space<vmem>>, vector<1x16xf32>,
        %parallel_loop3A_1103 = arith.index_cast %parallel_loop3A_1054 : i32 to index
        %parallel_loop3A_1104 = arith.constant 64 : index
        %parallel_loop3A_1105 = tpu.vector_load %arg15[%parallel_loop3A_1103, %parallel_loop3A_1104] {strides = array<i32>} : memref<80x128xf32, #tpu.memory_space<vmem>>, vector<1x16xf32>,
        %parallel_loop3A_1106 = vector.shape_cast %parallel_loop3A_1105 : vector<1x16xf32> to vector<16xf32>
        %parallel_loop3A_1107 = arith.constant 0.000000e+00 : f32
        %parallel_loop3A_1108 = vector.broadcast %parallel_loop3A_1107 : f32 to vector<16xf32>
        %parallel_loop3A_1109 = arith.maximumf %parallel_loop3A_1106, %parallel_loop3A_1108 : vector<16xf32>
        %parallel_loop3A_1110 = arith.index_cast %parallel_loop3A_1054 : i32 to index
        %parallel_loop3A_1111 = arith.constant 64 : index
        %parallel_loop3A_1112 = tpu.vector_load %arg15[%parallel_loop3A_1110, %parallel_loop3A_1111] {strides = array<i32>} : memref<80x128xf32, #tpu.memory_space<vmem>>, vector<1x16xf32>,
        %parallel_loop3A_1113 = vector.shape_cast %parallel_loop3A_1112 : vector<1x16xf32> to vector<16xf32>
        %parallel_loop3A_1114 = vector.shape_cast %parallel_loop3A_1109 : vector<16xf32> to vector<1x16xf32>
        tpu.vector_store %arg15[%parallel_loop3A_1110, %parallel_loop3A_1111], %parallel_loop3A_1114 {strides = array<i32>} : memref<80x128xf32, #tpu.memory_space<vmem>>, vector<1x16xf32>,
        %parallel_loop3A_1115 = arith.index_cast %parallel_loop3A_1054 : i32 to index
        %parallel_loop3A_1116 = arith.constant 80 : index
        %parallel_loop3A_1117 = tpu.vector_load %arg15[%parallel_loop3A_1115, %parallel_loop3A_1116] {strides = array<i32>} : memref<80x128xf32, #tpu.memory_space<vmem>>, vector<1x16xf32>,
        %parallel_loop3A_1118 = vector.shape_cast %parallel_loop3A_1117 : vector<1x16xf32> to vector<16xf32>
        %parallel_loop3A_1119 = arith.constant 0.000000e+00 : f32
        %parallel_loop3A_1120 = vector.broadcast %parallel_loop3A_1119 : f32 to vector<16xf32>
        %parallel_loop3A_1121 = arith.maximumf %parallel_loop3A_1118, %parallel_loop3A_1120 : vector<16xf32>
        %parallel_loop3A_1122 = arith.index_cast %parallel_loop3A_1054 : i32 to index
        %parallel_loop3A_1123 = arith.constant 80 : index
        %parallel_loop3A_1124 = tpu.vector_load %arg15[%parallel_loop3A_1122, %parallel_loop3A_1123] {strides = array<i32>} : memref<80x128xf32, #tpu.memory_space<vmem>>, vector<1x16xf32>,
        %parallel_loop3A_1125 = vector.shape_cast %parallel_loop3A_1124 : vector<1x16xf32> to vector<16xf32>
        %parallel_loop3A_1126 = vector.shape_cast %parallel_loop3A_1121 : vector<16xf32> to vector<1x16xf32>
        tpu.vector_store %arg15[%parallel_loop3A_1122, %parallel_loop3A_1123], %parallel_loop3A_1126 {strides = array<i32>} : memref<80x128xf32, #tpu.memory_space<vmem>>, vector<1x16xf32>,
        %parallel_loop3A_1127 = arith.index_cast %parallel_loop3A_1054 : i32 to index
        %parallel_loop3A_1128 = arith.constant 96 : index
        %parallel_loop3A_1129 = tpu.vector_load %arg15[%parallel_loop3A_1127, %parallel_loop3A_1128] {strides = array<i32>} : memref<80x128xf32, #tpu.memory_space<vmem>>, vector<1x16xf32>,
        %parallel_loop3A_1130 = vector.shape_cast %parallel_loop3A_1129 : vector<1x16xf32> to vector<16xf32>
        %parallel_loop3A_1131 = arith.constant 0.000000e+00 : f32
        %parallel_loop3A_1132 = vector.broadcast %parallel_loop3A_1131 : f32 to vector<16xf32>
        %parallel_loop3A_1133 = arith.maximumf %parallel_loop3A_1130, %parallel_loop3A_1132 : vector<16xf32>
        %parallel_loop3A_1134 = arith.index_cast %parallel_loop3A_1054 : i32 to index
        %parallel_loop3A_1135 = arith.constant 96 : index
        %parallel_loop3A_1136 = tpu.vector_load %arg15[%parallel_loop3A_1134, %parallel_loop3A_1135] {strides = array<i32>} : memref<80x128xf32, #tpu.memory_space<vmem>>, vector<1x16xf32>,
        %parallel_loop3A_1137 = vector.shape_cast %parallel_loop3A_1136 : vector<1x16xf32> to vector<16xf32>
        %parallel_loop3A_1138 = vector.shape_cast %parallel_loop3A_1133 : vector<16xf32> to vector<1x16xf32>
        tpu.vector_store %arg15[%parallel_loop3A_1134, %parallel_loop3A_1135], %parallel_loop3A_1138 {strides = array<i32>} : memref<80x128xf32, #tpu.memory_space<vmem>>, vector<1x16xf32>,
        %parallel_loop3A_1139 = arith.index_cast %parallel_loop3A_1054 : i32 to index
        %parallel_loop3A_1140 = arith.constant 112 : index
        %parallel_loop3A_1141 = tpu.vector_load %arg15[%parallel_loop3A_1139, %parallel_loop3A_1140] {strides = array<i32>} : memref<80x128xf32, #tpu.memory_space<vmem>>, vector<1x16xf32>,
        %parallel_loop3A_1142 = vector.shape_cast %parallel_loop3A_1141 : vector<1x16xf32> to vector<16xf32>
        %parallel_loop3A_1143 = arith.constant 0.000000e+00 : f32
        %parallel_loop3A_1144 = vector.broadcast %parallel_loop3A_1143 : f32 to vector<16xf32>
        %parallel_loop3A_1145 = arith.maximumf %parallel_loop3A_1142, %parallel_loop3A_1144 : vector<16xf32>
        %parallel_loop3A_1146 = arith.index_cast %parallel_loop3A_1054 : i32 to index
        %parallel_loop3A_1147 = arith.constant 112 : index
        %parallel_loop3A_1148 = tpu.vector_load %arg15[%parallel_loop3A_1146, %parallel_loop3A_1147] {strides = array<i32>} : memref<80x128xf32, #tpu.memory_space<vmem>>, vector<1x16xf32>,
        %parallel_loop3A_1149 = vector.shape_cast %parallel_loop3A_1148 : vector<1x16xf32> to vector<16xf32>
        %parallel_loop3A_1150 = vector.shape_cast %parallel_loop3A_1145 : vector<16xf32> to vector<1x16xf32>
        tpu.vector_store %arg15[%parallel_loop3A_1146, %parallel_loop3A_1147], %parallel_loop3A_1150 {strides = array<i32>} : memref<80x128xf32, #tpu.memory_space<vmem>>, vector<1x16xf32>,
      } {sc.loop_unroll_factor = 4 : i64, sc.parallel_access}
      %dma_start3A_912 = arith.constant 1 : i32
      %dma_start3A_913 = arith.constant 0 : i32
      %dma_start3A_914 = arith.constant 0 : i32
      %dma_start3A_915 = tpu.memref_slice %arg19[%dma_start3A_913, %dma_start3A_914] : memref<10112x128xf32, #tpu.memory_space<vmem_shared>> -> memref<10112x128xf32, #tpu.memory_space<vmem_shared>>
      %dma_start3A_916 = tpu.memref_slice %arg25[%dma_start3A_912] : memref<3x!tpu.dma_semaphore, #tpu.memory_space<semaphore_mem>> -> memref<1x!tpu.dma_semaphore, #tpu.memory_space<semaphore_mem>>
      %dma_start3A_917 = tpu.memref_squeeze %dma_start3A_916 : memref<1x!tpu.dma_semaphore, #tpu.memory_space<semaphore_mem>> -> memref<!tpu.dma_semaphore, #tpu.memory_space<semaphore_mem>>
      tpu.enqueue_indirect_dma source(%arg15 : memref<80x128xf32, #tpu.memory_space<vmem>>) target(%dma_start3A_915 : memref<10112x128xf32, #tpu.memory_space<vmem_shared>>) offsets(%arg12 : memref<80xi32, #tpu.memory_space<vmem>>) semaphore(%dma_start3A_917 : memref<!tpu.dma_semaphore, #tpu.memory_space<semaphore_mem>>) {add = true}
      %dma_start3A_918 = arith.constant 1 : i32
      %dma_start3A_919 = arith.constant 0 : i32
      %dma_start3A_920 = tpu.memref_slice %arg17[%dma_start3A_919] : memref<128xf32, #tpu.memory_space<vmem>> -> memref<80xf32, #tpu.memory_space<vmem>>
      %dma_start3A_921 = arith.constant 0 : i32
      %dma_start3A_922 = tpu.memref_slice %arg20[%dma_start3A_921] : memref<10112xf32, #tpu.memory_space<vmem_shared>> -> memref<10112xf32, #tpu.memory_space<vmem_shared>>
      %dma_start3A_923 = tpu.memref_slice %arg26[%dma_start3A_918] : memref<3x!tpu.dma_semaphore, #tpu.memory_space<semaphore_mem>> -> memref<1x!tpu.dma_semaphore, #tpu.memory_space<semaphore_mem>>
      %dma_start3A_924 = tpu.memref_squeeze %dma_start3A_923 : memref<1x!tpu.dma_semaphore, #tpu.memory_space<semaphore_mem>> -> memref<!tpu.dma_semaphore, #tpu.memory_space<semaphore_mem>>
      tpu.enqueue_indirect_dma source(%dma_start3A_920 : memref<80xf32, #tpu.memory_space<vmem>>) target(%dma_start3A_922 : memref<10112xf32, #tpu.memory_space<vmem_shared>>) offsets(%arg12 : memref<80xi32, #tpu.memory_space<vmem>>) semaphore(%dma_start3A_924 : memref<!tpu.dma_semaphore, #tpu.memory_space<semaphore_mem>>) {add = true}
      %dma_wait3A_925 = arith.constant 0 : i32
      %dma_wait3A_926 = arith.constant 0 : i32
      %dma_wait3A_927 = arith.constant 0 : i32
      %dma_wait3A_928 = tpu.memref_slice %arg19[%dma_wait3A_926, %dma_wait3A_927] : memref<10112x128xf32, #tpu.memory_space<vmem_shared>> -> memref<10112x128xf32, #tpu.memory_space<vmem_shared>>
      %dma_wait3A_929 = tpu.memref_slice %arg25[%dma_wait3A_925] : memref<3x!tpu.dma_semaphore, #tpu.memory_space<semaphore_mem>> -> memref<1x!tpu.dma_semaphore, #tpu.memory_space<semaphore_mem>>
      %dma_wait3A_930 = tpu.memref_squeeze %dma_wait3A_929 : memref<1x!tpu.dma_semaphore, #tpu.memory_space<semaphore_mem>> -> memref<!tpu.dma_semaphore, #tpu.memory_space<semaphore_mem>>
      tpu.wait_indirect_dma semaphore(%dma_wait3A_930 : memref<!tpu.dma_semaphore, #tpu.memory_space<semaphore_mem>>) src(%arg14 : memref<80x128xf32, #tpu.memory_space<vmem>>) dst(%dma_wait3A_928 : memref<10112x128xf32, #tpu.memory_space<vmem_shared>>)
      %dma_wait3A_931 = arith.constant 0 : i32
      %dma_wait3A_932 = arith.constant 0 : i32
      %dma_wait3A_933 = tpu.memref_slice %arg17[%dma_wait3A_932] : memref<128xf32, #tpu.memory_space<vmem>> -> memref<80xf32, #tpu.memory_space<vmem>>
      %dma_wait3A_934 = arith.constant 0 : i32
      %dma_wait3A_935 = tpu.memref_slice %arg20[%dma_wait3A_934] : memref<10112xf32, #tpu.memory_space<vmem_shared>> -> memref<10112xf32, #tpu.memory_space<vmem_shared>>
      %dma_wait3A_936 = tpu.memref_slice %arg26[%dma_wait3A_931] : memref<3x!tpu.dma_semaphore, #tpu.memory_space<semaphore_mem>> -> memref<1x!tpu.dma_semaphore, #tpu.memory_space<semaphore_mem>>
      %dma_wait3A_937 = tpu.memref_squeeze %dma_wait3A_936 : memref<1x!tpu.dma_semaphore, #tpu.memory_space<semaphore_mem>> -> memref<!tpu.dma_semaphore, #tpu.memory_space<semaphore_mem>>
      tpu.wait_indirect_dma semaphore(%dma_wait3A_937 : memref<!tpu.dma_semaphore, #tpu.memory_space<semaphore_mem>>) src(%dma_wait3A_933 : memref<80xf32, #tpu.memory_space<vmem>>) dst(%dma_wait3A_935 : memref<10112xf32, #tpu.memory_space<vmem_shared>>)
      %add3A_938 = arith.constant 2 : i32
      %add3A_939 = arith.addi %add3A_873, %add3A_938 : i32
      %mul3A_940 = arith.constant 10000 : i32
      %mul3A_941 = arith.muli %add3A, %mul3A_940 : i32
      %mul3A_942 = arith.constant 80 : i32
      %mul3A_943 = arith.muli %add3A_939, %mul3A_942 : i32
      %add3A_944 = arith.addi %mul3A_941, %mul3A_943 : i32
      %multiple_of3A_945 = tpu.assume_multiple %add3A_944, 16 : i32
      %dma_start3A_946 = arith.constant 0 : i32
      %dma_start3A_947 = arith.constant 0 : i32
      %dma_start3A_948 = tpu.memref_slice %arg3[%multiple_of3A_945, %dma_start3A_947] : memref<320000x128xf32, #tpu.memory_space<hbm>> -> memref<80x128xf32, #tpu.memory_space<hbm>>
      %dma_start3A_949 = tpu.memref_slice %arg21[%dma_start3A_946] : memref<3x!tpu.dma_semaphore, #tpu.memory_space<semaphore_mem>> -> memref<1x!tpu.dma_semaphore, #tpu.memory_space<semaphore_mem>>
      %dma_start3A_950 = tpu.memref_squeeze %dma_start3A_949 : memref<1x!tpu.dma_semaphore, #tpu.memory_space<semaphore_mem>> -> memref<!tpu.dma_semaphore, #tpu.memory_space<semaphore_mem>>
      %dma_start3A_951 = arith.constant 0 : i32
      %dma_start3A_952 = tpu.memref_slice %arg3[%multiple_of3A_945, %dma_start3A_951] : memref<320000x128xf32, #tpu.memory_space<hbm>> -> memref<80x128xf32, #tpu.memory_space<hbm>>
      tpu.enqueue_dma source(%dma_start3A_952 : memref<80x128xf32, #tpu.memory_space<hbm>>) target(%arg14 : memref<80x128xf32, #tpu.memory_space<vmem>>) target_semaphore(%dma_start3A_950 : memref<!tpu.dma_semaphore, #tpu.memory_space<semaphore_mem>>)
      %dma_start3A_953 = arith.constant 0 : i32
      %dma_start3A_954 = tpu.memref_slice %arg4[%multiple_of3A_945] : memref<320000xi32, #tpu.memory_space<hbm>> -> memref<80xi32, #tpu.memory_space<hbm>>
      %dma_start3A_955 = tpu.memref_slice %arg22[%dma_start3A_953] : memref<3x!tpu.dma_semaphore, #tpu.memory_space<semaphore_mem>> -> memref<1x!tpu.dma_semaphore, #tpu.memory_space<semaphore_mem>>
      %dma_start3A_956 = tpu.memref_squeeze %dma_start3A_955 : memref<1x!tpu.dma_semaphore, #tpu.memory_space<semaphore_mem>> -> memref<!tpu.dma_semaphore, #tpu.memory_space<semaphore_mem>>
      %dma_start3A_957 = tpu.memref_slice %arg4[%multiple_of3A_945] : memref<320000xi32, #tpu.memory_space<hbm>> -> memref<80xi32, #tpu.memory_space<hbm>>
      tpu.enqueue_dma source(%dma_start3A_957 : memref<80xi32, #tpu.memory_space<hbm>>) target(%arg8 : memref<80xi32, #tpu.memory_space<vmem>>) target_semaphore(%dma_start3A_956 : memref<!tpu.dma_semaphore, #tpu.memory_space<semaphore_mem>>)
      %dma_start3A_958 = arith.constant 0 : i32
      %dma_start3A_959 = tpu.memref_slice %arg5[%multiple_of3A_945] : memref<320000xi32, #tpu.memory_space<hbm>> -> memref<80xi32, #tpu.memory_space<hbm>>
      %dma_start3A_960 = tpu.memref_slice %arg23[%dma_start3A_958] : memref<3x!tpu.dma_semaphore, #tpu.memory_space<semaphore_mem>> -> memref<1x!tpu.dma_semaphore, #tpu.memory_space<semaphore_mem>>
      %dma_start3A_961 = tpu.memref_squeeze %dma_start3A_960 : memref<1x!tpu.dma_semaphore, #tpu.memory_space<semaphore_mem>> -> memref<!tpu.dma_semaphore, #tpu.memory_space<semaphore_mem>>
      %dma_start3A_962 = tpu.memref_slice %arg5[%multiple_of3A_945] : memref<320000xi32, #tpu.memory_space<hbm>> -> memref<80xi32, #tpu.memory_space<hbm>>
      tpu.enqueue_dma source(%dma_start3A_962 : memref<80xi32, #tpu.memory_space<hbm>>) target(%arg11 : memref<80xi32, #tpu.memory_space<vmem>>) target_semaphore(%dma_start3A_961 : memref<!tpu.dma_semaphore, #tpu.memory_space<semaphore_mem>>)
      %add3A_963 = arith.constant 2 : i32
      %add3A_964 = arith.addi %mul3A_782, %add3A_963 : i32
      %dma_wait3A_965 = arith.constant 0 : i32
      %dma_wait3A_966 = arith.constant 0 : i32
      %dma_wait3A_967 = arith.constant 0 : i32
      %dma_wait3A_968 = tpu.memref_slice %arg3[%dma_wait3A_966, %dma_wait3A_967] : memref<320000x128xf32, #tpu.memory_space<hbm>> -> memref<80x128xf32, #tpu.memory_space<hbm>>
      %dma_wait3A_969 = tpu.memref_slice %arg21[%dma_wait3A_965] : memref<3x!tpu.dma_semaphore, #tpu.memory_space<semaphore_mem>> -> memref<1x!tpu.dma_semaphore, #tpu.memory_space<semaphore_mem>>
      %dma_wait3A_970 = tpu.memref_squeeze %dma_wait3A_969 : memref<1x!tpu.dma_semaphore, #tpu.memory_space<semaphore_mem>> -> memref<!tpu.dma_semaphore, #tpu.memory_space<semaphore_mem>>
      %dma_wait3A_971 = arith.constant 0 : i32
      %dma_wait3A_972 = arith.constant 0 : i32
      %dma_wait3A_973 = tpu.memref_slice %arg3[%dma_wait3A_971, %dma_wait3A_972] : memref<320000x128xf32, #tpu.memory_space<hbm>> -> memref<80x128xf32, #tpu.memory_space<hbm>>
      tpu.wait_dma2 semaphore(%dma_wait3A_970 : memref<!tpu.dma_semaphore, #tpu.memory_space<semaphore_mem>>) src(%dma_wait3A_973 : memref<80x128xf32, #tpu.memory_space<hbm>>) dst(%arg14 : memref<80x128xf32, #tpu.memory_space<vmem>>)
      %dma_wait3A_974 = arith.constant 0 : i32
      %dma_wait3A_975 = arith.constant 0 : i32
      %dma_wait3A_976 = tpu.memref_slice %arg4[%dma_wait3A_975] : memref<320000xi32, #tpu.memory_space<hbm>> -> memref<80xi32, #tpu.memory_space<hbm>>
      %dma_wait3A_977 = tpu.memref_slice %arg22[%dma_wait3A_974] : memref<3x!tpu.dma_semaphore, #tpu.memory_space<semaphore_mem>> -> memref<1x!tpu.dma_semaphore, #tpu.memory_space<semaphore_mem>>
      %dma_wait3A_978 = tpu.memref_squeeze %dma_wait3A_977 : memref<1x!tpu.dma_semaphore, #tpu.memory_space<semaphore_mem>> -> memref<!tpu.dma_semaphore, #tpu.memory_space<semaphore_mem>>
      %dma_wait3A_979 = arith.constant 0 : i32
      %dma_wait3A_980 = tpu.memref_slice %arg4[%dma_wait3A_979] : memref<320000xi32, #tpu.memory_space<hbm>> -> memref<80xi32, #tpu.memory_space<hbm>>
      tpu.wait_dma2 semaphore(%dma_wait3A_978 : memref<!tpu.dma_semaphore, #tpu.memory_space<semaphore_mem>>) src(%dma_wait3A_980 : memref<80xi32, #tpu.memory_space<hbm>>) dst(%arg8 : memref<80xi32, #tpu.memory_space<vmem>>)
      %dma_wait3A_981 = arith.constant 0 : i32
      %dma_wait3A_982 = arith.constant 0 : i32
      %dma_wait3A_983 = tpu.memref_slice %arg5[%dma_wait3A_982] : memref<320000xi32, #tpu.memory_space<hbm>> -> memref<80xi32, #tpu.memory_space<hbm>>
      %dma_wait3A_984 = tpu.memref_slice %arg23[%dma_wait3A_981] : memref<3x!tpu.dma_semaphore, #tpu.memory_space<semaphore_mem>> -> memref<1x!tpu.dma_semaphore, #tpu.memory_space<semaphore_mem>>
      %dma_wait3A_985 = tpu.memref_squeeze %dma_wait3A_984 : memref<1x!tpu.dma_semaphore, #tpu.memory_space<semaphore_mem>> -> memref<!tpu.dma_semaphore, #tpu.memory_space<semaphore_mem>>
      %dma_wait3A_986 = arith.constant 0 : i32
      %dma_wait3A_987 = tpu.memref_slice %arg5[%dma_wait3A_986] : memref<320000xi32, #tpu.memory_space<hbm>> -> memref<80xi32, #tpu.memory_space<hbm>>
      tpu.wait_dma2 semaphore(%dma_wait3A_985 : memref<!tpu.dma_semaphore, #tpu.memory_space<semaphore_mem>>) src(%dma_wait3A_987 : memref<80xi32, #tpu.memory_space<hbm>>) dst(%arg11 : memref<80xi32, #tpu.memory_space<vmem>>)
      %dma_start3A_988 = arith.constant 0 : i32
      %dma_start3A_989 = arith.constant 0 : i32
      %dma_start3A_990 = arith.constant 0 : i32
      %dma_start3A_991 = tpu.memref_slice %arg2[%dma_start3A_989, %dma_start3A_990] : memref<10000x128xf32, #tpu.memory_space<hbm>> -> memref<10000x128xf32, #tpu.memory_space<hbm>>
      %dma_start3A_992 = tpu.memref_slice %arg24[%dma_start3A_988] : memref<3x!tpu.dma_semaphore, #tpu.memory_space<semaphore_mem>> -> memref<1x!tpu.dma_semaphore, #tpu.memory_space<semaphore_mem>>
      %dma_start3A_993 = tpu.memref_squeeze %dma_start3A_992 : memref<1x!tpu.dma_semaphore, #tpu.memory_space<semaphore_mem>> -> memref<!tpu.dma_semaphore, #tpu.memory_space<semaphore_mem>>
      tpu.enqueue_indirect_dma source(%dma_start3A_991 : memref<10000x128xf32, #tpu.memory_space<hbm>>) target(%arg14 : memref<80x128xf32, #tpu.memory_space<vmem>>) offsets(%arg8 : memref<80xi32, #tpu.memory_space<vmem>>) semaphore(%dma_start3A_993 : memref<!tpu.dma_semaphore, #tpu.memory_space<semaphore_mem>>) {add = true}
      %dma_wait3A_994 = arith.constant 2 : i32
      %dma_wait3A_995 = arith.constant 0 : i32
      %dma_wait3A_996 = arith.constant 0 : i32
      %dma_wait3A_997 = tpu.memref_slice %arg2[%dma_wait3A_995, %dma_wait3A_996] : memref<10000x128xf32, #tpu.memory_space<hbm>> -> memref<10000x128xf32, #tpu.memory_space<hbm>>
      %dma_wait3A_998 = tpu.memref_slice %arg24[%dma_wait3A_994] : memref<3x!tpu.dma_semaphore, #tpu.memory_space<semaphore_mem>> -> memref<1x!tpu.dma_semaphore, #tpu.memory_space<semaphore_mem>>
      %dma_wait3A_999 = tpu.memref_squeeze %dma_wait3A_998 : memref<1x!tpu.dma_semaphore, #tpu.memory_space<semaphore_mem>> -> memref<!tpu.dma_semaphore, #tpu.memory_space<semaphore_mem>>
      tpu.wait_indirect_dma semaphore(%dma_wait3A_999 : memref<!tpu.dma_semaphore, #tpu.memory_space<semaphore_mem>>) src(%dma_wait3A_997 : memref<10000x128xf32, #tpu.memory_space<hbm>>) dst(%arg16 : memref<80x128xf32, #tpu.memory_space<vmem>>)
      %parallel_loop3A_1000 = arith.constant 0 : i32
      %parallel_loop3A_1001 = arith.constant 80 : i32
      %parallel_loop3A_1002 = arith.constant 1 : i32
      scf.for %parallel_loop3A_1054 = %parallel_loop3A_1000 to %parallel_loop3A_1001 step %parallel_loop3A_1002  : i32 {
        %parallel_loop3A_1055 = arith.index_cast %parallel_loop3A_1054 : i32 to index
        %parallel_loop3A_1056 = arith.constant 0 : index
        %parallel_loop3A_1057 = tpu.vector_load %arg16[%parallel_loop3A_1055, %parallel_loop3A_1056] {strides = array<i32>} : memref<80x128xf32, #tpu.memory_space<vmem>>, vector<1x16xf32>,
        %parallel_loop3A_1058 = vector.shape_cast %parallel_loop3A_1057 : vector<1x16xf32> to vector<16xf32>
        %parallel_loop3A_1059 = arith.constant 0.000000e+00 : f32
        %parallel_loop3A_1060 = vector.broadcast %parallel_loop3A_1059 : f32 to vector<16xf32>
        %parallel_loop3A_1061 = arith.maximumf %parallel_loop3A_1058, %parallel_loop3A_1060 : vector<16xf32>
        %parallel_loop3A_1062 = arith.index_cast %parallel_loop3A_1054 : i32 to index
        %parallel_loop3A_1063 = arith.constant 0 : index
        %parallel_loop3A_1064 = tpu.vector_load %arg16[%parallel_loop3A_1062, %parallel_loop3A_1063] {strides = array<i32>} : memref<80x128xf32, #tpu.memory_space<vmem>>, vector<1x16xf32>,
        %parallel_loop3A_1065 = vector.shape_cast %parallel_loop3A_1064 : vector<1x16xf32> to vector<16xf32>
        %parallel_loop3A_1066 = vector.shape_cast %parallel_loop3A_1061 : vector<16xf32> to vector<1x16xf32>
        tpu.vector_store %arg16[%parallel_loop3A_1062, %parallel_loop3A_1063], %parallel_loop3A_1066 {strides = array<i32>} : memref<80x128xf32, #tpu.memory_space<vmem>>, vector<1x16xf32>,
        %parallel_loop3A_1067 = arith.index_cast %parallel_loop3A_1054 : i32 to index
        %parallel_loop3A_1068 = arith.constant 16 : index
        %parallel_loop3A_1069 = tpu.vector_load %arg16[%parallel_loop3A_1067, %parallel_loop3A_1068] {strides = array<i32>} : memref<80x128xf32, #tpu.memory_space<vmem>>, vector<1x16xf32>,
        %parallel_loop3A_1070 = vector.shape_cast %parallel_loop3A_1069 : vector<1x16xf32> to vector<16xf32>
        %parallel_loop3A_1071 = arith.constant 0.000000e+00 : f32
        %parallel_loop3A_1072 = vector.broadcast %parallel_loop3A_1071 : f32 to vector<16xf32>
        %parallel_loop3A_1073 = arith.maximumf %parallel_loop3A_1070, %parallel_loop3A_1072 : vector<16xf32>
        %parallel_loop3A_1074 = arith.index_cast %parallel_loop3A_1054 : i32 to index
        %parallel_loop3A_1075 = arith.constant 16 : index
        %parallel_loop3A_1076 = tpu.vector_load %arg16[%parallel_loop3A_1074, %parallel_loop3A_1075] {strides = array<i32>} : memref<80x128xf32, #tpu.memory_space<vmem>>, vector<1x16xf32>,
        %parallel_loop3A_1077 = vector.shape_cast %parallel_loop3A_1076 : vector<1x16xf32> to vector<16xf32>
        %parallel_loop3A_1078 = vector.shape_cast %parallel_loop3A_1073 : vector<16xf32> to vector<1x16xf32>
        tpu.vector_store %arg16[%parallel_loop3A_1074, %parallel_loop3A_1075], %parallel_loop3A_1078 {strides = array<i32>} : memref<80x128xf32, #tpu.memory_space<vmem>>, vector<1x16xf32>,
        %parallel_loop3A_1079 = arith.index_cast %parallel_loop3A_1054 : i32 to index
        %parallel_loop3A_1080 = arith.constant 32 : index
        %parallel_loop3A_1081 = tpu.vector_load %arg16[%parallel_loop3A_1079, %parallel_loop3A_1080] {strides = array<i32>} : memref<80x128xf32, #tpu.memory_space<vmem>>, vector<1x16xf32>,
        %parallel_loop3A_1082 = vector.shape_cast %parallel_loop3A_1081 : vector<1x16xf32> to vector<16xf32>
        %parallel_loop3A_1083 = arith.constant 0.000000e+00 : f32
        %parallel_loop3A_1084 = vector.broadcast %parallel_loop3A_1083 : f32 to vector<16xf32>
        %parallel_loop3A_1085 = arith.maximumf %parallel_loop3A_1082, %parallel_loop3A_1084 : vector<16xf32>
        %parallel_loop3A_1086 = arith.index_cast %parallel_loop3A_1054 : i32 to index
        %parallel_loop3A_1087 = arith.constant 32 : index
        %parallel_loop3A_1088 = tpu.vector_load %arg16[%parallel_loop3A_1086, %parallel_loop3A_1087] {strides = array<i32>} : memref<80x128xf32, #tpu.memory_space<vmem>>, vector<1x16xf32>,
        %parallel_loop3A_1089 = vector.shape_cast %parallel_loop3A_1088 : vector<1x16xf32> to vector<16xf32>
        %parallel_loop3A_1090 = vector.shape_cast %parallel_loop3A_1085 : vector<16xf32> to vector<1x16xf32>
        tpu.vector_store %arg16[%parallel_loop3A_1086, %parallel_loop3A_1087], %parallel_loop3A_1090 {strides = array<i32>} : memref<80x128xf32, #tpu.memory_space<vmem>>, vector<1x16xf32>,
        %parallel_loop3A_1091 = arith.index_cast %parallel_loop3A_1054 : i32 to index
        %parallel_loop3A_1092 = arith.constant 48 : index
        %parallel_loop3A_1093 = tpu.vector_load %arg16[%parallel_loop3A_1091, %parallel_loop3A_1092] {strides = array<i32>} : memref<80x128xf32, #tpu.memory_space<vmem>>, vector<1x16xf32>,
        %parallel_loop3A_1094 = vector.shape_cast %parallel_loop3A_1093 : vector<1x16xf32> to vector<16xf32>
        %parallel_loop3A_1095 = arith.constant 0.000000e+00 : f32
        %parallel_loop3A_1096 = vector.broadcast %parallel_loop3A_1095 : f32 to vector<16xf32>
        %parallel_loop3A_1097 = arith.maximumf %parallel_loop3A_1094, %parallel_loop3A_1096 : vector<16xf32>
        %parallel_loop3A_1098 = arith.index_cast %parallel_loop3A_1054 : i32 to index
        %parallel_loop3A_1099 = arith.constant 48 : index
        %parallel_loop3A_1100 = tpu.vector_load %arg16[%parallel_loop3A_1098, %parallel_loop3A_1099] {strides = array<i32>} : memref<80x128xf32, #tpu.memory_space<vmem>>, vector<1x16xf32>,
        %parallel_loop3A_1101 = vector.shape_cast %parallel_loop3A_1100 : vector<1x16xf32> to vector<16xf32>
        %parallel_loop3A_1102 = vector.shape_cast %parallel_loop3A_1097 : vector<16xf32> to vector<1x16xf32>
        tpu.vector_store %arg16[%parallel_loop3A_1098, %parallel_loop3A_1099], %parallel_loop3A_1102 {strides = array<i32>} : memref<80x128xf32, #tpu.memory_space<vmem>>, vector<1x16xf32>,
        %parallel_loop3A_1103 = arith.index_cast %parallel_loop3A_1054 : i32 to index
        %parallel_loop3A_1104 = arith.constant 64 : index
        %parallel_loop3A_1105 = tpu.vector_load %arg16[%parallel_loop3A_1103, %parallel_loop3A_1104] {strides = array<i32>} : memref<80x128xf32, #tpu.memory_space<vmem>>, vector<1x16xf32>,
        %parallel_loop3A_1106 = vector.shape_cast %parallel_loop3A_1105 : vector<1x16xf32> to vector<16xf32>
        %parallel_loop3A_1107 = arith.constant 0.000000e+00 : f32
        %parallel_loop3A_1108 = vector.broadcast %parallel_loop3A_1107 : f32 to vector<16xf32>
        %parallel_loop3A_1109 = arith.maximumf %parallel_loop3A_1106, %parallel_loop3A_1108 : vector<16xf32>
        %parallel_loop3A_1110 = arith.index_cast %parallel_loop3A_1054 : i32 to index
        %parallel_loop3A_1111 = arith.constant 64 : index
        %parallel_loop3A_1112 = tpu.vector_load %arg16[%parallel_loop3A_1110, %parallel_loop3A_1111] {strides = array<i32>} : memref<80x128xf32, #tpu.memory_space<vmem>>, vector<1x16xf32>,
        %parallel_loop3A_1113 = vector.shape_cast %parallel_loop3A_1112 : vector<1x16xf32> to vector<16xf32>
        %parallel_loop3A_1114 = vector.shape_cast %parallel_loop3A_1109 : vector<16xf32> to vector<1x16xf32>
        tpu.vector_store %arg16[%parallel_loop3A_1110, %parallel_loop3A_1111], %parallel_loop3A_1114 {strides = array<i32>} : memref<80x128xf32, #tpu.memory_space<vmem>>, vector<1x16xf32>,
        %parallel_loop3A_1115 = arith.index_cast %parallel_loop3A_1054 : i32 to index
        %parallel_loop3A_1116 = arith.constant 80 : index
        %parallel_loop3A_1117 = tpu.vector_load %arg16[%parallel_loop3A_1115, %parallel_loop3A_1116] {strides = array<i32>} : memref<80x128xf32, #tpu.memory_space<vmem>>, vector<1x16xf32>,
        %parallel_loop3A_1118 = vector.shape_cast %parallel_loop3A_1117 : vector<1x16xf32> to vector<16xf32>
        %parallel_loop3A_1119 = arith.constant 0.000000e+00 : f32
        %parallel_loop3A_1120 = vector.broadcast %parallel_loop3A_1119 : f32 to vector<16xf32>
        %parallel_loop3A_1121 = arith.maximumf %parallel_loop3A_1118, %parallel_loop3A_1120 : vector<16xf32>
        %parallel_loop3A_1122 = arith.index_cast %parallel_loop3A_1054 : i32 to index
        %parallel_loop3A_1123 = arith.constant 80 : index
        %parallel_loop3A_1124 = tpu.vector_load %arg16[%parallel_loop3A_1122, %parallel_loop3A_1123] {strides = array<i32>} : memref<80x128xf32, #tpu.memory_space<vmem>>, vector<1x16xf32>,
        %parallel_loop3A_1125 = vector.shape_cast %parallel_loop3A_1124 : vector<1x16xf32> to vector<16xf32>
        %parallel_loop3A_1126 = vector.shape_cast %parallel_loop3A_1121 : vector<16xf32> to vector<1x16xf32>
        tpu.vector_store %arg16[%parallel_loop3A_1122, %parallel_loop3A_1123], %parallel_loop3A_1126 {strides = array<i32>} : memref<80x128xf32, #tpu.memory_space<vmem>>, vector<1x16xf32>,
        %parallel_loop3A_1127 = arith.index_cast %parallel_loop3A_1054 : i32 to index
        %parallel_loop3A_1128 = arith.constant 96 : index
        %parallel_loop3A_1129 = tpu.vector_load %arg16[%parallel_loop3A_1127, %parallel_loop3A_1128] {strides = array<i32>} : memref<80x128xf32, #tpu.memory_space<vmem>>, vector<1x16xf32>,
        %parallel_loop3A_1130 = vector.shape_cast %parallel_loop3A_1129 : vector<1x16xf32> to vector<16xf32>
        %parallel_loop3A_1131 = arith.constant 0.000000e+00 : f32
        %parallel_loop3A_1132 = vector.broadcast %parallel_loop3A_1131 : f32 to vector<16xf32>
        %parallel_loop3A_1133 = arith.maximumf %parallel_loop3A_1130, %parallel_loop3A_1132 : vector<16xf32>
        %parallel_loop3A_1134 = arith.index_cast %parallel_loop3A_1054 : i32 to index
        %parallel_loop3A_1135 = arith.constant 96 : index
        %parallel_loop3A_1136 = tpu.vector_load %arg16[%parallel_loop3A_1134, %parallel_loop3A_1135] {strides = array<i32>} : memref<80x128xf32, #tpu.memory_space<vmem>>, vector<1x16xf32>,
        %parallel_loop3A_1137 = vector.shape_cast %parallel_loop3A_1136 : vector<1x16xf32> to vector<16xf32>
        %parallel_loop3A_1138 = vector.shape_cast %parallel_loop3A_1133 : vector<16xf32> to vector<1x16xf32>
        tpu.vector_store %arg16[%parallel_loop3A_1134, %parallel_loop3A_1135], %parallel_loop3A_1138 {strides = array<i32>} : memref<80x128xf32, #tpu.memory_space<vmem>>, vector<1x16xf32>,
        %parallel_loop3A_1139 = arith.index_cast %parallel_loop3A_1054 : i32 to index
        %parallel_loop3A_1140 = arith.constant 112 : index
        %parallel_loop3A_1141 = tpu.vector_load %arg16[%parallel_loop3A_1139, %parallel_loop3A_1140] {strides = array<i32>} : memref<80x128xf32, #tpu.memory_space<vmem>>, vector<1x16xf32>,
        %parallel_loop3A_1142 = vector.shape_cast %parallel_loop3A_1141 : vector<1x16xf32> to vector<16xf32>
        %parallel_loop3A_1143 = arith.constant 0.000000e+00 : f32
        %parallel_loop3A_1144 = vector.broadcast %parallel_loop3A_1143 : f32 to vector<16xf32>
        %parallel_loop3A_1145 = arith.maximumf %parallel_loop3A_1142, %parallel_loop3A_1144 : vector<16xf32>
        %parallel_loop3A_1146 = arith.index_cast %parallel_loop3A_1054 : i32 to index
        %parallel_loop3A_1147 = arith.constant 112 : index
        %parallel_loop3A_1148 = tpu.vector_load %arg16[%parallel_loop3A_1146, %parallel_loop3A_1147] {strides = array<i32>} : memref<80x128xf32, #tpu.memory_space<vmem>>, vector<1x16xf32>,
        %parallel_loop3A_1149 = vector.shape_cast %parallel_loop3A_1148 : vector<1x16xf32> to vector<16xf32>
        %parallel_loop3A_1150 = vector.shape_cast %parallel_loop3A_1145 : vector<16xf32> to vector<1x16xf32>
        tpu.vector_store %arg16[%parallel_loop3A_1146, %parallel_loop3A_1147], %parallel_loop3A_1150 {strides = array<i32>} : memref<80x128xf32, #tpu.memory_space<vmem>>, vector<1x16xf32>,
      } {sc.loop_unroll_factor = 4 : i64, sc.parallel_access}
      %dma_start3A_1003 = arith.constant 2 : i32
      %dma_start3A_1004 = arith.constant 0 : i32
      %dma_start3A_1005 = arith.constant 0 : i32
      %dma_start3A_1006 = tpu.memref_slice %arg19[%dma_start3A_1004, %dma_start3A_1005] : memref<10112x128xf32, #tpu.memory_space<vmem_shared>> -> memref<10112x128xf32, #tpu.memory_space<vmem_shared>>
      %dma_start3A_1007 = tpu.memref_slice %arg25[%dma_start3A_1003] : memref<3x!tpu.dma_semaphore, #tpu.memory_space<semaphore_mem>> -> memref<1x!tpu.dma_semaphore, #tpu.memory_space<semaphore_mem>>
      %dma_start3A_1008 = tpu.memref_squeeze %dma_start3A_1007 : memref<1x!tpu.dma_semaphore, #tpu.memory_space<semaphore_mem>> -> memref<!tpu.dma_semaphore, #tpu.memory_space<semaphore_mem>>
      tpu.enqueue_indirect_dma source(%arg16 : memref<80x128xf32, #tpu.memory_space<vmem>>) target(%dma_start3A_1006 : memref<10112x128xf32, #tpu.memory_space<vmem_shared>>) offsets(%arg13 : memref<80xi32, #tpu.memory_space<vmem>>) semaphore(%dma_start3A_1008 : memref<!tpu.dma_semaphore, #tpu.memory_space<semaphore_mem>>) {add = true}
      %dma_start3A_1009 = arith.constant 2 : i32
      %dma_start3A_1010 = arith.constant 0 : i32
      %dma_start3A_1011 = tpu.memref_slice %arg17[%dma_start3A_1010] : memref<128xf32, #tpu.memory_space<vmem>> -> memref<80xf32, #tpu.memory_space<vmem>>
      %dma_start3A_1012 = arith.constant 0 : i32
      %dma_start3A_1013 = tpu.memref_slice %arg20[%dma_start3A_1012] : memref<10112xf32, #tpu.memory_space<vmem_shared>> -> memref<10112xf32, #tpu.memory_space<vmem_shared>>
      %dma_start3A_1014 = tpu.memref_slice %arg26[%dma_start3A_1009] : memref<3x!tpu.dma_semaphore, #tpu.memory_space<semaphore_mem>> -> memref<1x!tpu.dma_semaphore, #tpu.memory_space<semaphore_mem>>
      %dma_start3A_1015 = tpu.memref_squeeze %dma_start3A_1014 : memref<1x!tpu.dma_semaphore, #tpu.memory_space<semaphore_mem>> -> memref<!tpu.dma_semaphore, #tpu.memory_space<semaphore_mem>>
      tpu.enqueue_indirect_dma source(%dma_start3A_1011 : memref<80xf32, #tpu.memory_space<vmem>>) target(%dma_start3A_1013 : memref<10112xf32, #tpu.memory_space<vmem_shared>>) offsets(%arg13 : memref<80xi32, #tpu.memory_space<vmem>>) semaphore(%dma_start3A_1015 : memref<!tpu.dma_semaphore, #tpu.memory_space<semaphore_mem>>) {add = true}
      %dma_wait3A_1016 = arith.constant 1 : i32
      %dma_wait3A_1017 = arith.constant 0 : i32
      %dma_wait3A_1018 = arith.constant 0 : i32
      %dma_wait3A_1019 = tpu.memref_slice %arg19[%dma_wait3A_1017, %dma_wait3A_1018] : memref<10112x128xf32, #tpu.memory_space<vmem_shared>> -> memref<10112x128xf32, #tpu.memory_space<vmem_shared>>
      %dma_wait3A_1020 = tpu.memref_slice %arg25[%dma_wait3A_1016] : memref<3x!tpu.dma_semaphore, #tpu.memory_space<semaphore_mem>> -> memref<1x!tpu.dma_semaphore, #tpu.memory_space<semaphore_mem>>
      %dma_wait3A_1021 = tpu.memref_squeeze %dma_wait3A_1020 : memref<1x!tpu.dma_semaphore, #tpu.memory_space<semaphore_mem>> -> memref<!tpu.dma_semaphore, #tpu.memory_space<semaphore_mem>>
      tpu.wait_indirect_dma semaphore(%dma_wait3A_1021 : memref<!tpu.dma_semaphore, #tpu.memory_space<semaphore_mem>>) src(%arg15 : memref<80x128xf32, #tpu.memory_space<vmem>>) dst(%dma_wait3A_1019 : memref<10112x128xf32, #tpu.memory_space<vmem_shared>>)
      %dma_wait3A_1022 = arith.constant 1 : i32
      %dma_wait3A_1023 = arith.constant 0 : i32
      %dma_wait3A_1024 = tpu.memref_slice %arg17[%dma_wait3A_1023] : memref<128xf32, #tpu.memory_space<vmem>> -> memref<80xf32, #tpu.memory_space<vmem>>
      %dma_wait3A_1025 = arith.constant 0 : i32
      %dma_wait3A_1026 = tpu.memref_slice %arg20[%dma_wait3A_1025] : memref<10112xf32, #tpu.memory_space<vmem_shared>> -> memref<10112xf32, #tpu.memory_space<vmem_shared>>
      %dma_wait3A_1027 = tpu.memref_slice %arg26[%dma_wait3A_1022] : memref<3x!tpu.dma_semaphore, #tpu.memory_space<semaphore_mem>> -> memref<1x!tpu.dma_semaphore, #tpu.memory_space<semaphore_mem>>
      %dma_wait3A_1028 = tpu.memref_squeeze %dma_wait3A_1027 : memref<1x!tpu.dma_semaphore, #tpu.memory_space<semaphore_mem>> -> memref<!tpu.dma_semaphore, #tpu.memory_space<semaphore_mem>>
      tpu.wait_indirect_dma semaphore(%dma_wait3A_1028 : memref<!tpu.dma_semaphore, #tpu.memory_space<semaphore_mem>>) src(%dma_wait3A_1024 : memref<80xf32, #tpu.memory_space<vmem>>) dst(%dma_wait3A_1026 : memref<10112xf32, #tpu.memory_space<vmem_shared>>)
      %add3A_1029 = arith.constant 2 : i32
      %add3A_1030 = arith.addi %add3A_964, %add3A_1029 : i32
      %mul3A_1031 = arith.constant 10000 : i32
      %mul3A_1032 = arith.muli %add3A, %mul3A_1031 : i32
      %mul3A_1033 = arith.constant 80 : i32
      %mul3A_1034 = arith.muli %add3A_1030, %mul3A_1033 : i32
      %add3A_1035 = arith.addi %mul3A_1032, %mul3A_1034 : i32
      %multiple_of3A_1036 = tpu.assume_multiple %add3A_1035, 16 : i32
      %dma_start3A_1037 = arith.constant 1 : i32
      %dma_start3A_1038 = arith.constant 0 : i32
      %dma_start3A_1039 = tpu.memref_slice %arg3[%multiple_of3A_1036, %dma_start3A_1038] : memref<320000x128xf32, #tpu.memory_space<hbm>> -> memref<80x128xf32, #tpu.memory_space<hbm>>
      %dma_start3A_1040 = tpu.memref_slice %arg21[%dma_start3A_1037] : memref<3x!tpu.dma_semaphore, #tpu.memory_space<semaphore_mem>> -> memref<1x!tpu.dma_semaphore, #tpu.memory_space<semaphore_mem>>
      %dma_start3A_1041 = tpu.memref_squeeze %dma_start3A_1040 : memref<1x!tpu.dma_semaphore, #tpu.memory_space<semaphore_mem>> -> memref<!tpu.dma_semaphore, #tpu.memory_space<semaphore_mem>>
      %dma_start3A_1042 = arith.constant 0 : i32
      %dma_start3A_1043 = tpu.memref_slice %arg3[%multiple_of3A_1036, %dma_start3A_1042] : memref<320000x128xf32, #tpu.memory_space<hbm>> -> memref<80x128xf32, #tpu.memory_space<hbm>>
      tpu.enqueue_dma source(%dma_start3A_1043 : memref<80x128xf32, #tpu.memory_space<hbm>>) target(%arg15 : memref<80x128xf32, #tpu.memory_space<vmem>>) target_semaphore(%dma_start3A_1041 : memref<!tpu.dma_semaphore, #tpu.memory_space<semaphore_mem>>)
      %dma_start3A_1044 = arith.constant 1 : i32
      %dma_start3A_1045 = tpu.memref_slice %arg4[%multiple_of3A_1036] : memref<320000xi32, #tpu.memory_space<hbm>> -> memref<80xi32, #tpu.memory_space<hbm>>
      %dma_start3A_1046 = tpu.memref_slice %arg22[%dma_start3A_1044] : memref<3x!tpu.dma_semaphore, #tpu.memory_space<semaphore_mem>> -> memref<1x!tpu.dma_semaphore, #tpu.memory_space<semaphore_mem>>
      %dma_start3A_1047 = tpu.memref_squeeze %dma_start3A_1046 : memref<1x!tpu.dma_semaphore, #tpu.memory_space<semaphore_mem>> -> memref<!tpu.dma_semaphore, #tpu.memory_space<semaphore_mem>>
      %dma_start3A_1048 = tpu.memref_slice %arg4[%multiple_of3A_1036] : memref<320000xi32, #tpu.memory_space<hbm>> -> memref<80xi32, #tpu.memory_space<hbm>>
      tpu.enqueue_dma source(%dma_start3A_1048 : memref<80xi32, #tpu.memory_space<hbm>>) target(%arg9 : memref<80xi32, #tpu.memory_space<vmem>>) target_semaphore(%dma_start3A_1047 : memref<!tpu.dma_semaphore, #tpu.memory_space<semaphore_mem>>)
      %dma_start3A_1049 = arith.constant 1 : i32
      %dma_start3A_1050 = tpu.memref_slice %arg5[%multiple_of3A_1036] : memref<320000xi32, #tpu.memory_space<hbm>> -> memref<80xi32, #tpu.memory_space<hbm>>
      %dma_start3A_1051 = tpu.memref_slice %arg23[%dma_start3A_1049] : memref<3x!tpu.dma_semaphore, #tpu.memory_space<semaphore_mem>> -> memref<1x!tpu.dma_semaphore, #tpu.memory_space<semaphore_mem>>
      %dma_start3A_1052 = tpu.memref_squeeze %dma_start3A_1051 : memref<1x!tpu.dma_semaphore, #tpu.memory_space<semaphore_mem>> -> memref<!tpu.dma_semaphore, #tpu.memory_space<semaphore_mem>>
      %dma_start3A_1053 = tpu.memref_slice %arg5[%multiple_of3A_1036] : memref<320000xi32, #tpu.memory_space<hbm>> -> memref<80xi32, #tpu.memory_space<hbm>>
      tpu.enqueue_dma source(%dma_start3A_1053 : memref<80xi32, #tpu.memory_space<hbm>>) target(%arg12 : memref<80xi32, #tpu.memory_space<vmem>>) target_semaphore(%dma_start3A_1052 : memref<!tpu.dma_semaphore, #tpu.memory_space<semaphore_mem>>)
    }
    %scan3A_630 = arith.constant 40 : i32
    %dma_wait3A_631 = arith.constant 1 : i32
    %dma_wait3A_632 = arith.constant 0 : i32
    %dma_wait3A_633 = arith.constant 0 : i32
    %dma_wait3A_634 = tpu.memref_slice %arg3[%dma_wait3A_632, %dma_wait3A_633] : memref<320000x128xf32, #tpu.memory_space<hbm>> -> memref<80x128xf32, #tpu.memory_space<hbm>>
    %dma_wait3A_635 = tpu.memref_slice %arg21[%dma_wait3A_631] : memref<3x!tpu.dma_semaphore, #tpu.memory_space<semaphore_mem>> -> memref<1x!tpu.dma_semaphore, #tpu.memory_space<semaphore_mem>>
    %dma_wait3A_636 = tpu.memref_squeeze %dma_wait3A_635 : memref<1x!tpu.dma_semaphore, #tpu.memory_space<semaphore_mem>> -> memref<!tpu.dma_semaphore, #tpu.memory_space<semaphore_mem>>
    %dma_wait3A_637 = arith.constant 0 : i32
    %dma_wait3A_638 = arith.constant 0 : i32
    %dma_wait3A_639 = tpu.memref_slice %arg3[%dma_wait3A_637, %dma_wait3A_638] : memref<320000x128xf32, #tpu.memory_space<hbm>> -> memref<80x128xf32, #tpu.memory_space<hbm>>
    tpu.wait_dma2 semaphore(%dma_wait3A_636 : memref<!tpu.dma_semaphore, #tpu.memory_space<semaphore_mem>>) src(%dma_wait3A_639 : memref<80x128xf32, #tpu.memory_space<hbm>>) dst(%arg15 : memref<80x128xf32, #tpu.memory_space<vmem>>)
    %dma_wait3A_640 = arith.constant 1 : i32
    %dma_wait3A_641 = arith.constant 0 : i32
    %dma_wait3A_642 = tpu.memref_slice %arg4[%dma_wait3A_641] : memref<320000xi32, #tpu.memory_space<hbm>> -> memref<80xi32, #tpu.memory_space<hbm>>
    %dma_wait3A_643 = tpu.memref_slice %arg22[%dma_wait3A_640] : memref<3x!tpu.dma_semaphore, #tpu.memory_space<semaphore_mem>> -> memref<1x!tpu.dma_semaphore, #tpu.memory_space<semaphore_mem>>
    %dma_wait3A_644 = tpu.memref_squeeze %dma_wait3A_643 : memref<1x!tpu.dma_semaphore, #tpu.memory_space<semaphore_mem>> -> memref<!tpu.dma_semaphore, #tpu.memory_space<semaphore_mem>>
    %dma_wait3A_645 = arith.constant 0 : i32
    %dma_wait3A_646 = tpu.memref_slice %arg4[%dma_wait3A_645] : memref<320000xi32, #tpu.memory_space<hbm>> -> memref<80xi32, #tpu.memory_space<hbm>>
    tpu.wait_dma2 semaphore(%dma_wait3A_644 : memref<!tpu.dma_semaphore, #tpu.memory_space<semaphore_mem>>) src(%dma_wait3A_646 : memref<80xi32, #tpu.memory_space<hbm>>) dst(%arg9 : memref<80xi32, #tpu.memory_space<vmem>>)
    %dma_wait3A_647 = arith.constant 1 : i32
    %dma_wait3A_648 = arith.constant 0 : i32
    %dma_wait3A_649 = tpu.memref_slice %arg5[%dma_wait3A_648] : memref<320000xi32, #tpu.memory_space<hbm>> -> memref<80xi32, #tpu.memory_space<hbm>>
    %dma_wait3A_650 = tpu.memref_slice %arg23[%dma_wait3A_647] : memref<3x!tpu.dma_semaphore, #tpu.memory_space<semaphore_mem>> -> memref<1x!tpu.dma_semaphore, #tpu.memory_space<semaphore_mem>>
    %dma_wait3A_651 = tpu.memref_squeeze %dma_wait3A_650 : memref<1x!tpu.dma_semaphore, #tpu.memory_space<semaphore_mem>> -> memref<!tpu.dma_semaphore, #tpu.memory_space<semaphore_mem>>
    %dma_wait3A_652 = arith.constant 0 : i32
    %dma_wait3A_653 = tpu.memref_slice %arg5[%dma_wait3A_652] : memref<320000xi32, #tpu.memory_space<hbm>> -> memref<80xi32, #tpu.memory_space<hbm>>
    tpu.wait_dma2 semaphore(%dma_wait3A_651 : memref<!tpu.dma_semaphore, #tpu.memory_space<semaphore_mem>>) src(%dma_wait3A_653 : memref<80xi32, #tpu.memory_space<hbm>>) dst(%arg12 : memref<80xi32, #tpu.memory_space<vmem>>)
    %dma_start3A_654 = arith.constant 1 : i32
    %dma_start3A_655 = arith.constant 0 : i32
    %dma_start3A_656 = arith.constant 0 : i32
    %dma_start3A_657 = tpu.memref_slice %arg2[%dma_start3A_655, %dma_start3A_656] : memref<10000x128xf32, #tpu.memory_space<hbm>> -> memref<10000x128xf32, #tpu.memory_space<hbm>>
    %dma_start3A_658 = tpu.memref_slice %arg24[%dma_start3A_654] : memref<3x!tpu.dma_semaphore, #tpu.memory_space<semaphore_mem>> -> memref<1x!tpu.dma_semaphore, #tpu.memory_space<semaphore_mem>>
    %dma_start3A_659 = tpu.memref_squeeze %dma_start3A_658 : memref<1x!tpu.dma_semaphore, #tpu.memory_space<semaphore_mem>> -> memref<!tpu.dma_semaphore, #tpu.memory_space<semaphore_mem>>
    tpu.enqueue_indirect_dma source(%dma_start3A_657 : memref<10000x128xf32, #tpu.memory_space<hbm>>) target(%arg15 : memref<80x128xf32, #tpu.memory_space<vmem>>) offsets(%arg9 : memref<80xi32, #tpu.memory_space<vmem>>) semaphore(%dma_start3A_659 : memref<!tpu.dma_semaphore, #tpu.memory_space<semaphore_mem>>) {add = true}
    %dma_wait3A_660 = arith.constant 0 : i32
    %dma_wait3A_661 = arith.constant 0 : i32
    %dma_wait3A_662 = arith.constant 0 : i32
    %dma_wait3A_663 = tpu.memref_slice %arg2[%dma_wait3A_661, %dma_wait3A_662] : memref<10000x128xf32, #tpu.memory_space<hbm>> -> memref<10000x128xf32, #tpu.memory_space<hbm>>
    %dma_wait3A_664 = tpu.memref_slice %arg24[%dma_wait3A_660] : memref<3x!tpu.dma_semaphore, #tpu.memory_space<semaphore_mem>> -> memref<1x!tpu.dma_semaphore, #tpu.memory_space<semaphore_mem>>
    %dma_wait3A_665 = tpu.memref_squeeze %dma_wait3A_664 : memref<1x!tpu.dma_semaphore, #tpu.memory_space<semaphore_mem>> -> memref<!tpu.dma_semaphore, #tpu.memory_space<semaphore_mem>>
    tpu.wait_indirect_dma semaphore(%dma_wait3A_665 : memref<!tpu.dma_semaphore, #tpu.memory_space<semaphore_mem>>) src(%dma_wait3A_663 : memref<10000x128xf32, #tpu.memory_space<hbm>>) dst(%arg14 : memref<80x128xf32, #tpu.memory_space<vmem>>)
    %parallel_loop3A_666 = arith.constant 0 : i32
    %parallel_loop3A_667 = arith.constant 80 : i32
    %parallel_loop3A_668 = arith.constant 1 : i32
    scf.for %parallel_loop3A_780 = %parallel_loop3A_666 to %parallel_loop3A_667 step %parallel_loop3A_668  : i32 {
      %parallel_loop3A_781 = arith.index_cast %parallel_loop3A_780 : i32 to index
      %parallel_loop3A_782 = arith.constant 0 : index
      %parallel_loop3A_783 = tpu.vector_load %arg14[%parallel_loop3A_781, %parallel_loop3A_782] {strides = array<i32>} : memref<80x128xf32, #tpu.memory_space<vmem>>, vector<1x16xf32>,
      %parallel_loop3A_784 = vector.shape_cast %parallel_loop3A_783 : vector<1x16xf32> to vector<16xf32>
      %parallel_loop3A_785 = arith.constant 0.000000e+00 : f32
      %parallel_loop3A_786 = vector.broadcast %parallel_loop3A_785 : f32 to vector<16xf32>
      %parallel_loop3A_787 = arith.maximumf %parallel_loop3A_784, %parallel_loop3A_786 : vector<16xf32>
      %parallel_loop3A_788 = arith.index_cast %parallel_loop3A_780 : i32 to index
      %parallel_loop3A_789 = arith.constant 0 : index
      %parallel_loop3A_790 = tpu.vector_load %arg14[%parallel_loop3A_788, %parallel_loop3A_789] {strides = array<i32>} : memref<80x128xf32, #tpu.memory_space<vmem>>, vector<1x16xf32>,
      %parallel_loop3A_791 = vector.shape_cast %parallel_loop3A_790 : vector<1x16xf32> to vector<16xf32>
      %parallel_loop3A_792 = vector.shape_cast %parallel_loop3A_787 : vector<16xf32> to vector<1x16xf32>
      tpu.vector_store %arg14[%parallel_loop3A_788, %parallel_loop3A_789], %parallel_loop3A_792 {strides = array<i32>} : memref<80x128xf32, #tpu.memory_space<vmem>>, vector<1x16xf32>,
      %parallel_loop3A_793 = arith.index_cast %parallel_loop3A_780 : i32 to index
      %parallel_loop3A_794 = arith.constant 16 : index
      %parallel_loop3A_795 = tpu.vector_load %arg14[%parallel_loop3A_793, %parallel_loop3A_794] {strides = array<i32>} : memref<80x128xf32, #tpu.memory_space<vmem>>, vector<1x16xf32>,
      %parallel_loop3A_796 = vector.shape_cast %parallel_loop3A_795 : vector<1x16xf32> to vector<16xf32>
      %parallel_loop3A_797 = arith.constant 0.000000e+00 : f32
      %parallel_loop3A_798 = vector.broadcast %parallel_loop3A_797 : f32 to vector<16xf32>
      %parallel_loop3A_799 = arith.maximumf %parallel_loop3A_796, %parallel_loop3A_798 : vector<16xf32>
      %parallel_loop3A_800 = arith.index_cast %parallel_loop3A_780 : i32 to index
      %parallel_loop3A_801 = arith.constant 16 : index
      %parallel_loop3A_802 = tpu.vector_load %arg14[%parallel_loop3A_800, %parallel_loop3A_801] {strides = array<i32>} : memref<80x128xf32, #tpu.memory_space<vmem>>, vector<1x16xf32>,
      %parallel_loop3A_803 = vector.shape_cast %parallel_loop3A_802 : vector<1x16xf32> to vector<16xf32>
      %parallel_loop3A_804 = vector.shape_cast %parallel_loop3A_799 : vector<16xf32> to vector<1x16xf32>
      tpu.vector_store %arg14[%parallel_loop3A_800, %parallel_loop3A_801], %parallel_loop3A_804 {strides = array<i32>} : memref<80x128xf32, #tpu.memory_space<vmem>>, vector<1x16xf32>,
      %parallel_loop3A_805 = arith.index_cast %parallel_loop3A_780 : i32 to index
      %parallel_loop3A_806 = arith.constant 32 : index
      %parallel_loop3A_807 = tpu.vector_load %arg14[%parallel_loop3A_805, %parallel_loop3A_806] {strides = array<i32>} : memref<80x128xf32, #tpu.memory_space<vmem>>, vector<1x16xf32>,
      %parallel_loop3A_808 = vector.shape_cast %parallel_loop3A_807 : vector<1x16xf32> to vector<16xf32>
      %parallel_loop3A_809 = arith.constant 0.000000e+00 : f32
      %parallel_loop3A_810 = vector.broadcast %parallel_loop3A_809 : f32 to vector<16xf32>
      %parallel_loop3A_811 = arith.maximumf %parallel_loop3A_808, %parallel_loop3A_810 : vector<16xf32>
      %parallel_loop3A_812 = arith.index_cast %parallel_loop3A_780 : i32 to index
      %parallel_loop3A_813 = arith.constant 32 : index
      %parallel_loop3A_814 = tpu.vector_load %arg14[%parallel_loop3A_812, %parallel_loop3A_813] {strides = array<i32>} : memref<80x128xf32, #tpu.memory_space<vmem>>, vector<1x16xf32>,
      %parallel_loop3A_815 = vector.shape_cast %parallel_loop3A_814 : vector<1x16xf32> to vector<16xf32>
      %parallel_loop3A_816 = vector.shape_cast %parallel_loop3A_811 : vector<16xf32> to vector<1x16xf32>
      tpu.vector_store %arg14[%parallel_loop3A_812, %parallel_loop3A_813], %parallel_loop3A_816 {strides = array<i32>} : memref<80x128xf32, #tpu.memory_space<vmem>>, vector<1x16xf32>,
      %parallel_loop3A_817 = arith.index_cast %parallel_loop3A_780 : i32 to index
      %parallel_loop3A_818 = arith.constant 48 : index
      %parallel_loop3A_819 = tpu.vector_load %arg14[%parallel_loop3A_817, %parallel_loop3A_818] {strides = array<i32>} : memref<80x128xf32, #tpu.memory_space<vmem>>, vector<1x16xf32>,
      %parallel_loop3A_820 = vector.shape_cast %parallel_loop3A_819 : vector<1x16xf32> to vector<16xf32>
      %parallel_loop3A_821 = arith.constant 0.000000e+00 : f32
      %parallel_loop3A_822 = vector.broadcast %parallel_loop3A_821 : f32 to vector<16xf32>
      %parallel_loop3A_823 = arith.maximumf %parallel_loop3A_820, %parallel_loop3A_822 : vector<16xf32>
      %parallel_loop3A_824 = arith.index_cast %parallel_loop3A_780 : i32 to index
      %parallel_loop3A_825 = arith.constant 48 : index
      %parallel_loop3A_826 = tpu.vector_load %arg14[%parallel_loop3A_824, %parallel_loop3A_825] {strides = array<i32>} : memref<80x128xf32, #tpu.memory_space<vmem>>, vector<1x16xf32>,
      %parallel_loop3A_827 = vector.shape_cast %parallel_loop3A_826 : vector<1x16xf32> to vector<16xf32>
      %parallel_loop3A_828 = vector.shape_cast %parallel_loop3A_823 : vector<16xf32> to vector<1x16xf32>
      tpu.vector_store %arg14[%parallel_loop3A_824, %parallel_loop3A_825], %parallel_loop3A_828 {strides = array<i32>} : memref<80x128xf32, #tpu.memory_space<vmem>>, vector<1x16xf32>,
      %parallel_loop3A_829 = arith.index_cast %parallel_loop3A_780 : i32 to index
      %parallel_loop3A_830 = arith.constant 64 : index
      %parallel_loop3A_831 = tpu.vector_load %arg14[%parallel_loop3A_829, %parallel_loop3A_830] {strides = array<i32>} : memref<80x128xf32, #tpu.memory_space<vmem>>, vector<1x16xf32>,
      %parallel_loop3A_832 = vector.shape_cast %parallel_loop3A_831 : vector<1x16xf32> to vector<16xf32>
      %parallel_loop3A_833 = arith.constant 0.000000e+00 : f32
      %parallel_loop3A_834 = vector.broadcast %parallel_loop3A_833 : f32 to vector<16xf32>
      %parallel_loop3A_835 = arith.maximumf %parallel_loop3A_832, %parallel_loop3A_834 : vector<16xf32>
      %parallel_loop3A_836 = arith.index_cast %parallel_loop3A_780 : i32 to index
      %parallel_loop3A_837 = arith.constant 64 : index
      %parallel_loop3A_838 = tpu.vector_load %arg14[%parallel_loop3A_836, %parallel_loop3A_837] {strides = array<i32>} : memref<80x128xf32, #tpu.memory_space<vmem>>, vector<1x16xf32>,
      %parallel_loop3A_839 = vector.shape_cast %parallel_loop3A_838 : vector<1x16xf32> to vector<16xf32>
      %parallel_loop3A_840 = vector.shape_cast %parallel_loop3A_835 : vector<16xf32> to vector<1x16xf32>
      tpu.vector_store %arg14[%parallel_loop3A_836, %parallel_loop3A_837], %parallel_loop3A_840 {strides = array<i32>} : memref<80x128xf32, #tpu.memory_space<vmem>>, vector<1x16xf32>,
      %parallel_loop3A_841 = arith.index_cast %parallel_loop3A_780 : i32 to index
      %parallel_loop3A_842 = arith.constant 80 : index
      %parallel_loop3A_843 = tpu.vector_load %arg14[%parallel_loop3A_841, %parallel_loop3A_842] {strides = array<i32>} : memref<80x128xf32, #tpu.memory_space<vmem>>, vector<1x16xf32>,
      %parallel_loop3A_844 = vector.shape_cast %parallel_loop3A_843 : vector<1x16xf32> to vector<16xf32>
      %parallel_loop3A_845 = arith.constant 0.000000e+00 : f32
      %parallel_loop3A_846 = vector.broadcast %parallel_loop3A_845 : f32 to vector<16xf32>
      %parallel_loop3A_847 = arith.maximumf %parallel_loop3A_844, %parallel_loop3A_846 : vector<16xf32>
      %parallel_loop3A_848 = arith.index_cast %parallel_loop3A_780 : i32 to index
      %parallel_loop3A_849 = arith.constant 80 : index
      %parallel_loop3A_850 = tpu.vector_load %arg14[%parallel_loop3A_848, %parallel_loop3A_849] {strides = array<i32>} : memref<80x128xf32, #tpu.memory_space<vmem>>, vector<1x16xf32>,
      %parallel_loop3A_851 = vector.shape_cast %parallel_loop3A_850 : vector<1x16xf32> to vector<16xf32>
      %parallel_loop3A_852 = vector.shape_cast %parallel_loop3A_847 : vector<16xf32> to vector<1x16xf32>
      tpu.vector_store %arg14[%parallel_loop3A_848, %parallel_loop3A_849], %parallel_loop3A_852 {strides = array<i32>} : memref<80x128xf32, #tpu.memory_space<vmem>>, vector<1x16xf32>,
      %parallel_loop3A_853 = arith.index_cast %parallel_loop3A_780 : i32 to index
      %parallel_loop3A_854 = arith.constant 96 : index
      %parallel_loop3A_855 = tpu.vector_load %arg14[%parallel_loop3A_853, %parallel_loop3A_854] {strides = array<i32>} : memref<80x128xf32, #tpu.memory_space<vmem>>, vector<1x16xf32>,
      %parallel_loop3A_856 = vector.shape_cast %parallel_loop3A_855 : vector<1x16xf32> to vector<16xf32>
      %parallel_loop3A_857 = arith.constant 0.000000e+00 : f32
      %parallel_loop3A_858 = vector.broadcast %parallel_loop3A_857 : f32 to vector<16xf32>
      %parallel_loop3A_859 = arith.maximumf %parallel_loop3A_856, %parallel_loop3A_858 : vector<16xf32>
      %parallel_loop3A_860 = arith.index_cast %parallel_loop3A_780 : i32 to index
      %parallel_loop3A_861 = arith.constant 96 : index
      %parallel_loop3A_862 = tpu.vector_load %arg14[%parallel_loop3A_860, %parallel_loop3A_861] {strides = array<i32>} : memref<80x128xf32, #tpu.memory_space<vmem>>, vector<1x16xf32>,
      %parallel_loop3A_863 = vector.shape_cast %parallel_loop3A_862 : vector<1x16xf32> to vector<16xf32>
      %parallel_loop3A_864 = vector.shape_cast %parallel_loop3A_859 : vector<16xf32> to vector<1x16xf32>
      tpu.vector_store %arg14[%parallel_loop3A_860, %parallel_loop3A_861], %parallel_loop3A_864 {strides = array<i32>} : memref<80x128xf32, #tpu.memory_space<vmem>>, vector<1x16xf32>,
      %parallel_loop3A_865 = arith.index_cast %parallel_loop3A_780 : i32 to index
      %parallel_loop3A_866 = arith.constant 112 : index
      %parallel_loop3A_867 = tpu.vector_load %arg14[%parallel_loop3A_865, %parallel_loop3A_866] {strides = array<i32>} : memref<80x128xf32, #tpu.memory_space<vmem>>, vector<1x16xf32>,
      %parallel_loop3A_868 = vector.shape_cast %parallel_loop3A_867 : vector<1x16xf32> to vector<16xf32>
      %parallel_loop3A_869 = arith.constant 0.000000e+00 : f32
      %parallel_loop3A_870 = vector.broadcast %parallel_loop3A_869 : f32 to vector<16xf32>
      %parallel_loop3A_871 = arith.maximumf %parallel_loop3A_868, %parallel_loop3A_870 : vector<16xf32>
      %parallel_loop3A_872 = arith.index_cast %parallel_loop3A_780 : i32 to index
      %parallel_loop3A_873 = arith.constant 112 : index
      %parallel_loop3A_874 = tpu.vector_load %arg14[%parallel_loop3A_872, %parallel_loop3A_873] {strides = array<i32>} : memref<80x128xf32, #tpu.memory_space<vmem>>, vector<1x16xf32>,
      %parallel_loop3A_875 = vector.shape_cast %parallel_loop3A_874 : vector<1x16xf32> to vector<16xf32>
      %parallel_loop3A_876 = vector.shape_cast %parallel_loop3A_871 : vector<16xf32> to vector<1x16xf32>
      tpu.vector_store %arg14[%parallel_loop3A_872, %parallel_loop3A_873], %parallel_loop3A_876 {strides = array<i32>} : memref<80x128xf32, #tpu.memory_space<vmem>>, vector<1x16xf32>,
    } {sc.loop_unroll_factor = 4 : i64, sc.parallel_access}
    %dma_start3A_669 = arith.constant 0 : i32
    %dma_start3A_670 = arith.constant 0 : i32
    %dma_start3A_671 = arith.constant 0 : i32
    %dma_start3A_672 = tpu.memref_slice %arg19[%dma_start3A_670, %dma_start3A_671] : memref<10112x128xf32, #tpu.memory_space<vmem_shared>> -> memref<10112x128xf32, #tpu.memory_space<vmem_shared>>
    %dma_start3A_673 = tpu.memref_slice %arg25[%dma_start3A_669] : memref<3x!tpu.dma_semaphore, #tpu.memory_space<semaphore_mem>> -> memref<1x!tpu.dma_semaphore, #tpu.memory_space<semaphore_mem>>
    %dma_start3A_674 = tpu.memref_squeeze %dma_start3A_673 : memref<1x!tpu.dma_semaphore, #tpu.memory_space<semaphore_mem>> -> memref<!tpu.dma_semaphore, #tpu.memory_space<semaphore_mem>>
    tpu.enqueue_indirect_dma source(%arg14 : memref<80x128xf32, #tpu.memory_space<vmem>>) target(%dma_start3A_672 : memref<10112x128xf32, #tpu.memory_space<vmem_shared>>) offsets(%arg11 : memref<80xi32, #tpu.memory_space<vmem>>) semaphore(%dma_start3A_674 : memref<!tpu.dma_semaphore, #tpu.memory_space<semaphore_mem>>) {add = true}
    %dma_start3A_675 = arith.constant 0 : i32
    %dma_start3A_676 = arith.constant 0 : i32
    %dma_start3A_677 = tpu.memref_slice %arg17[%dma_start3A_676] : memref<128xf32, #tpu.memory_space<vmem>> -> memref<80xf32, #tpu.memory_space<vmem>>
    %dma_start3A_678 = arith.constant 0 : i32
    %dma_start3A_679 = tpu.memref_slice %arg20[%dma_start3A_678] : memref<10112xf32, #tpu.memory_space<vmem_shared>> -> memref<10112xf32, #tpu.memory_space<vmem_shared>>
    %dma_start3A_680 = tpu.memref_slice %arg26[%dma_start3A_675] : memref<3x!tpu.dma_semaphore, #tpu.memory_space<semaphore_mem>> -> memref<1x!tpu.dma_semaphore, #tpu.memory_space<semaphore_mem>>
    %dma_start3A_681 = tpu.memref_squeeze %dma_start3A_680 : memref<1x!tpu.dma_semaphore, #tpu.memory_space<semaphore_mem>> -> memref<!tpu.dma_semaphore, #tpu.memory_space<semaphore_mem>>
    tpu.enqueue_indirect_dma source(%dma_start3A_677 : memref<80xf32, #tpu.memory_space<vmem>>) target(%dma_start3A_679 : memref<10112xf32, #tpu.memory_space<vmem_shared>>) offsets(%arg11 : memref<80xi32, #tpu.memory_space<vmem>>) semaphore(%dma_start3A_681 : memref<!tpu.dma_semaphore, #tpu.memory_space<semaphore_mem>>) {add = true}
    %dma_wait3A_682 = arith.constant 2 : i32
    %dma_wait3A_683 = arith.constant 0 : i32
    %dma_wait3A_684 = arith.constant 0 : i32
    %dma_wait3A_685 = tpu.memref_slice %arg19[%dma_wait3A_683, %dma_wait3A_684] : memref<10112x128xf32, #tpu.memory_space<vmem_shared>> -> memref<10112x128xf32, #tpu.memory_space<vmem_shared>>
    %dma_wait3A_686 = tpu.memref_slice %arg25[%dma_wait3A_682] : memref<3x!tpu.dma_semaphore, #tpu.memory_space<semaphore_mem>> -> memref<1x!tpu.dma_semaphore, #tpu.memory_space<semaphore_mem>>
    %dma_wait3A_687 = tpu.memref_squeeze %dma_wait3A_686 : memref<1x!tpu.dma_semaphore, #tpu.memory_space<semaphore_mem>> -> memref<!tpu.dma_semaphore, #tpu.memory_space<semaphore_mem>>
    tpu.wait_indirect_dma semaphore(%dma_wait3A_687 : memref<!tpu.dma_semaphore, #tpu.memory_space<semaphore_mem>>) src(%arg16 : memref<80x128xf32, #tpu.memory_space<vmem>>) dst(%dma_wait3A_685 : memref<10112x128xf32, #tpu.memory_space<vmem_shared>>)
    %dma_wait3A_688 = arith.constant 2 : i32
    %dma_wait3A_689 = arith.constant 0 : i32
    %dma_wait3A_690 = tpu.memref_slice %arg17[%dma_wait3A_689] : memref<128xf32, #tpu.memory_space<vmem>> -> memref<80xf32, #tpu.memory_space<vmem>>
    %dma_wait3A_691 = arith.constant 0 : i32
    %dma_wait3A_692 = tpu.memref_slice %arg20[%dma_wait3A_691] : memref<10112xf32, #tpu.memory_space<vmem_shared>> -> memref<10112xf32, #tpu.memory_space<vmem_shared>>
    %dma_wait3A_693 = tpu.memref_slice %arg26[%dma_wait3A_688] : memref<3x!tpu.dma_semaphore, #tpu.memory_space<semaphore_mem>> -> memref<1x!tpu.dma_semaphore, #tpu.memory_space<semaphore_mem>>
    %dma_wait3A_694 = tpu.memref_squeeze %dma_wait3A_693 : memref<1x!tpu.dma_semaphore, #tpu.memory_space<semaphore_mem>> -> memref<!tpu.dma_semaphore, #tpu.memory_space<semaphore_mem>>
    tpu.wait_indirect_dma semaphore(%dma_wait3A_694 : memref<!tpu.dma_semaphore, #tpu.memory_space<semaphore_mem>>) src(%dma_wait3A_690 : memref<80xf32, #tpu.memory_space<vmem>>) dst(%dma_wait3A_692 : memref<10112xf32, #tpu.memory_space<vmem_shared>>)
    %dma_wait3A_695 = arith.constant 1 : i32
    %dma_wait3A_696 = arith.constant 0 : i32
    %dma_wait3A_697 = arith.constant 0 : i32
    %dma_wait3A_698 = tpu.memref_slice %arg2[%dma_wait3A_696, %dma_wait3A_697] : memref<10000x128xf32, #tpu.memory_space<hbm>> -> memref<10000x128xf32, #tpu.memory_space<hbm>>
    %dma_wait3A_699 = tpu.memref_slice %arg24[%dma_wait3A_695] : memref<3x!tpu.dma_semaphore, #tpu.memory_space<semaphore_mem>> -> memref<1x!tpu.dma_semaphore, #tpu.memory_space<semaphore_mem>>
    %dma_wait3A_700 = tpu.memref_squeeze %dma_wait3A_699 : memref<1x!tpu.dma_semaphore, #tpu.memory_space<semaphore_mem>> -> memref<!tpu.dma_semaphore, #tpu.memory_space<semaphore_mem>>
    tpu.wait_indirect_dma semaphore(%dma_wait3A_700 : memref<!tpu.dma_semaphore, #tpu.memory_space<semaphore_mem>>) src(%dma_wait3A_698 : memref<10000x128xf32, #tpu.memory_space<hbm>>) dst(%arg15 : memref<80x128xf32, #tpu.memory_space<vmem>>)
    %parallel_loop3A_701 = arith.constant 0 : i32
    %parallel_loop3A_702 = arith.constant 80 : i32
    %parallel_loop3A_703 = arith.constant 1 : i32
    scf.for %parallel_loop3A_780 = %parallel_loop3A_701 to %parallel_loop3A_702 step %parallel_loop3A_703  : i32 {
      %parallel_loop3A_781 = arith.index_cast %parallel_loop3A_780 : i32 to index
      %parallel_loop3A_782 = arith.constant 0 : index
      %parallel_loop3A_783 = tpu.vector_load %arg15[%parallel_loop3A_781, %parallel_loop3A_782] {strides = array<i32>} : memref<80x128xf32, #tpu.memory_space<vmem>>, vector<1x16xf32>,
      %parallel_loop3A_784 = vector.shape_cast %parallel_loop3A_783 : vector<1x16xf32> to vector<16xf32>
      %parallel_loop3A_785 = arith.constant 0.000000e+00 : f32
      %parallel_loop3A_786 = vector.broadcast %parallel_loop3A_785 : f32 to vector<16xf32>
      %parallel_loop3A_787 = arith.maximumf %parallel_loop3A_784, %parallel_loop3A_786 : vector<16xf32>
      %parallel_loop3A_788 = arith.index_cast %parallel_loop3A_780 : i32 to index
      %parallel_loop3A_789 = arith.constant 0 : index
      %parallel_loop3A_790 = tpu.vector_load %arg15[%parallel_loop3A_788, %parallel_loop3A_789] {strides = array<i32>} : memref<80x128xf32, #tpu.memory_space<vmem>>, vector<1x16xf32>,
      %parallel_loop3A_791 = vector.shape_cast %parallel_loop3A_790 : vector<1x16xf32> to vector<16xf32>
      %parallel_loop3A_792 = vector.shape_cast %parallel_loop3A_787 : vector<16xf32> to vector<1x16xf32>
      tpu.vector_store %arg15[%parallel_loop3A_788, %parallel_loop3A_789], %parallel_loop3A_792 {strides = array<i32>} : memref<80x128xf32, #tpu.memory_space<vmem>>, vector<1x16xf32>,
      %parallel_loop3A_793 = arith.index_cast %parallel_loop3A_780 : i32 to index
      %parallel_loop3A_794 = arith.constant 16 : index
      %parallel_loop3A_795 = tpu.vector_load %arg15[%parallel_loop3A_793, %parallel_loop3A_794] {strides = array<i32>} : memref<80x128xf32, #tpu.memory_space<vmem>>, vector<1x16xf32>,
      %parallel_loop3A_796 = vector.shape_cast %parallel_loop3A_795 : vector<1x16xf32> to vector<16xf32>
      %parallel_loop3A_797 = arith.constant 0.000000e+00 : f32
      %parallel_loop3A_798 = vector.broadcast %parallel_loop3A_797 : f32 to vector<16xf32>
      %parallel_loop3A_799 = arith.maximumf %parallel_loop3A_796, %parallel_loop3A_798 : vector<16xf32>
      %parallel_loop3A_800 = arith.index_cast %parallel_loop3A_780 : i32 to index
      %parallel_loop3A_801 = arith.constant 16 : index
      %parallel_loop3A_802 = tpu.vector_load %arg15[%parallel_loop3A_800, %parallel_loop3A_801] {strides = array<i32>} : memref<80x128xf32, #tpu.memory_space<vmem>>, vector<1x16xf32>,
      %parallel_loop3A_803 = vector.shape_cast %parallel_loop3A_802 : vector<1x16xf32> to vector<16xf32>
      %parallel_loop3A_804 = vector.shape_cast %parallel_loop3A_799 : vector<16xf32> to vector<1x16xf32>
      tpu.vector_store %arg15[%parallel_loop3A_800, %parallel_loop3A_801], %parallel_loop3A_804 {strides = array<i32>} : memref<80x128xf32, #tpu.memory_space<vmem>>, vector<1x16xf32>,
      %parallel_loop3A_805 = arith.index_cast %parallel_loop3A_780 : i32 to index
      %parallel_loop3A_806 = arith.constant 32 : index
      %parallel_loop3A_807 = tpu.vector_load %arg15[%parallel_loop3A_805, %parallel_loop3A_806] {strides = array<i32>} : memref<80x128xf32, #tpu.memory_space<vmem>>, vector<1x16xf32>,
      %parallel_loop3A_808 = vector.shape_cast %parallel_loop3A_807 : vector<1x16xf32> to vector<16xf32>
      %parallel_loop3A_809 = arith.constant 0.000000e+00 : f32
      %parallel_loop3A_810 = vector.broadcast %parallel_loop3A_809 : f32 to vector<16xf32>
      %parallel_loop3A_811 = arith.maximumf %parallel_loop3A_808, %parallel_loop3A_810 : vector<16xf32>
      %parallel_loop3A_812 = arith.index_cast %parallel_loop3A_780 : i32 to index
      %parallel_loop3A_813 = arith.constant 32 : index
      %parallel_loop3A_814 = tpu.vector_load %arg15[%parallel_loop3A_812, %parallel_loop3A_813] {strides = array<i32>} : memref<80x128xf32, #tpu.memory_space<vmem>>, vector<1x16xf32>,
      %parallel_loop3A_815 = vector.shape_cast %parallel_loop3A_814 : vector<1x16xf32> to vector<16xf32>
      %parallel_loop3A_816 = vector.shape_cast %parallel_loop3A_811 : vector<16xf32> to vector<1x16xf32>
      tpu.vector_store %arg15[%parallel_loop3A_812, %parallel_loop3A_813], %parallel_loop3A_816 {strides = array<i32>} : memref<80x128xf32, #tpu.memory_space<vmem>>, vector<1x16xf32>,
      %parallel_loop3A_817 = arith.index_cast %parallel_loop3A_780 : i32 to index
      %parallel_loop3A_818 = arith.constant 48 : index
      %parallel_loop3A_819 = tpu.vector_load %arg15[%parallel_loop3A_817, %parallel_loop3A_818] {strides = array<i32>} : memref<80x128xf32, #tpu.memory_space<vmem>>, vector<1x16xf32>,
      %parallel_loop3A_820 = vector.shape_cast %parallel_loop3A_819 : vector<1x16xf32> to vector<16xf32>
      %parallel_loop3A_821 = arith.constant 0.000000e+00 : f32
      %parallel_loop3A_822 = vector.broadcast %parallel_loop3A_821 : f32 to vector<16xf32>
      %parallel_loop3A_823 = arith.maximumf %parallel_loop3A_820, %parallel_loop3A_822 : vector<16xf32>
      %parallel_loop3A_824 = arith.index_cast %parallel_loop3A_780 : i32 to index
      %parallel_loop3A_825 = arith.constant 48 : index
      %parallel_loop3A_826 = tpu.vector_load %arg15[%parallel_loop3A_824, %parallel_loop3A_825] {strides = array<i32>} : memref<80x128xf32, #tpu.memory_space<vmem>>, vector<1x16xf32>,
      %parallel_loop3A_827 = vector.shape_cast %parallel_loop3A_826 : vector<1x16xf32> to vector<16xf32>
      %parallel_loop3A_828 = vector.shape_cast %parallel_loop3A_823 : vector<16xf32> to vector<1x16xf32>
      tpu.vector_store %arg15[%parallel_loop3A_824, %parallel_loop3A_825], %parallel_loop3A_828 {strides = array<i32>} : memref<80x128xf32, #tpu.memory_space<vmem>>, vector<1x16xf32>,
      %parallel_loop3A_829 = arith.index_cast %parallel_loop3A_780 : i32 to index
      %parallel_loop3A_830 = arith.constant 64 : index
      %parallel_loop3A_831 = tpu.vector_load %arg15[%parallel_loop3A_829, %parallel_loop3A_830] {strides = array<i32>} : memref<80x128xf32, #tpu.memory_space<vmem>>, vector<1x16xf32>,
      %parallel_loop3A_832 = vector.shape_cast %parallel_loop3A_831 : vector<1x16xf32> to vector<16xf32>
      %parallel_loop3A_833 = arith.constant 0.000000e+00 : f32
      %parallel_loop3A_834 = vector.broadcast %parallel_loop3A_833 : f32 to vector<16xf32>
      %parallel_loop3A_835 = arith.maximumf %parallel_loop3A_832, %parallel_loop3A_834 : vector<16xf32>
      %parallel_loop3A_836 = arith.index_cast %parallel_loop3A_780 : i32 to index
      %parallel_loop3A_837 = arith.constant 64 : index
      %parallel_loop3A_838 = tpu.vector_load %arg15[%parallel_loop3A_836, %parallel_loop3A_837] {strides = array<i32>} : memref<80x128xf32, #tpu.memory_space<vmem>>, vector<1x16xf32>,
      %parallel_loop3A_839 = vector.shape_cast %parallel_loop3A_838 : vector<1x16xf32> to vector<16xf32>
      %parallel_loop3A_840 = vector.shape_cast %parallel_loop3A_835 : vector<16xf32> to vector<1x16xf32>
      tpu.vector_store %arg15[%parallel_loop3A_836, %parallel_loop3A_837], %parallel_loop3A_840 {strides = array<i32>} : memref<80x128xf32, #tpu.memory_space<vmem>>, vector<1x16xf32>,
      %parallel_loop3A_841 = arith.index_cast %parallel_loop3A_780 : i32 to index
      %parallel_loop3A_842 = arith.constant 80 : index
      %parallel_loop3A_843 = tpu.vector_load %arg15[%parallel_loop3A_841, %parallel_loop3A_842] {strides = array<i32>} : memref<80x128xf32, #tpu.memory_space<vmem>>, vector<1x16xf32>,
      %parallel_loop3A_844 = vector.shape_cast %parallel_loop3A_843 : vector<1x16xf32> to vector<16xf32>
      %parallel_loop3A_845 = arith.constant 0.000000e+00 : f32
      %parallel_loop3A_846 = vector.broadcast %parallel_loop3A_845 : f32 to vector<16xf32>
      %parallel_loop3A_847 = arith.maximumf %parallel_loop3A_844, %parallel_loop3A_846 : vector<16xf32>
      %parallel_loop3A_848 = arith.index_cast %parallel_loop3A_780 : i32 to index
      %parallel_loop3A_849 = arith.constant 80 : index
      %parallel_loop3A_850 = tpu.vector_load %arg15[%parallel_loop3A_848, %parallel_loop3A_849] {strides = array<i32>} : memref<80x128xf32, #tpu.memory_space<vmem>>, vector<1x16xf32>,
      %parallel_loop3A_851 = vector.shape_cast %parallel_loop3A_850 : vector<1x16xf32> to vector<16xf32>
      %parallel_loop3A_852 = vector.shape_cast %parallel_loop3A_847 : vector<16xf32> to vector<1x16xf32>
      tpu.vector_store %arg15[%parallel_loop3A_848, %parallel_loop3A_849], %parallel_loop3A_852 {strides = array<i32>} : memref<80x128xf32, #tpu.memory_space<vmem>>, vector<1x16xf32>,
      %parallel_loop3A_853 = arith.index_cast %parallel_loop3A_780 : i32 to index
      %parallel_loop3A_854 = arith.constant 96 : index
      %parallel_loop3A_855 = tpu.vector_load %arg15[%parallel_loop3A_853, %parallel_loop3A_854] {strides = array<i32>} : memref<80x128xf32, #tpu.memory_space<vmem>>, vector<1x16xf32>,
      %parallel_loop3A_856 = vector.shape_cast %parallel_loop3A_855 : vector<1x16xf32> to vector<16xf32>
      %parallel_loop3A_857 = arith.constant 0.000000e+00 : f32
      %parallel_loop3A_858 = vector.broadcast %parallel_loop3A_857 : f32 to vector<16xf32>
      %parallel_loop3A_859 = arith.maximumf %parallel_loop3A_856, %parallel_loop3A_858 : vector<16xf32>
      %parallel_loop3A_860 = arith.index_cast %parallel_loop3A_780 : i32 to index
      %parallel_loop3A_861 = arith.constant 96 : index
      %parallel_loop3A_862 = tpu.vector_load %arg15[%parallel_loop3A_860, %parallel_loop3A_861] {strides = array<i32>} : memref<80x128xf32, #tpu.memory_space<vmem>>, vector<1x16xf32>,
      %parallel_loop3A_863 = vector.shape_cast %parallel_loop3A_862 : vector<1x16xf32> to vector<16xf32>
      %parallel_loop3A_864 = vector.shape_cast %parallel_loop3A_859 : vector<16xf32> to vector<1x16xf32>
      tpu.vector_store %arg15[%parallel_loop3A_860, %parallel_loop3A_861], %parallel_loop3A_864 {strides = array<i32>} : memref<80x128xf32, #tpu.memory_space<vmem>>, vector<1x16xf32>,
      %parallel_loop3A_865 = arith.index_cast %parallel_loop3A_780 : i32 to index
      %parallel_loop3A_866 = arith.constant 112 : index
      %parallel_loop3A_867 = tpu.vector_load %arg15[%parallel_loop3A_865, %parallel_loop3A_866] {strides = array<i32>} : memref<80x128xf32, #tpu.memory_space<vmem>>, vector<1x16xf32>,
      %parallel_loop3A_868 = vector.shape_cast %parallel_loop3A_867 : vector<1x16xf32> to vector<16xf32>
      %parallel_loop3A_869 = arith.constant 0.000000e+00 : f32
      %parallel_loop3A_870 = vector.broadcast %parallel_loop3A_869 : f32 to vector<16xf32>
      %parallel_loop3A_871 = arith.maximumf %parallel_loop3A_868, %parallel_loop3A_870 : vector<16xf32>
      %parallel_loop3A_872 = arith.index_cast %parallel_loop3A_780 : i32 to index
      %parallel_loop3A_873 = arith.constant 112 : index
      %parallel_loop3A_874 = tpu.vector_load %arg15[%parallel_loop3A_872, %parallel_loop3A_873] {strides = array<i32>} : memref<80x128xf32, #tpu.memory_space<vmem>>, vector<1x16xf32>,
      %parallel_loop3A_875 = vector.shape_cast %parallel_loop3A_874 : vector<1x16xf32> to vector<16xf32>
      %parallel_loop3A_876 = vector.shape_cast %parallel_loop3A_871 : vector<16xf32> to vector<1x16xf32>
      tpu.vector_store %arg15[%parallel_loop3A_872, %parallel_loop3A_873], %parallel_loop3A_876 {strides = array<i32>} : memref<80x128xf32, #tpu.memory_space<vmem>>, vector<1x16xf32>,
    } {sc.loop_unroll_factor = 4 : i64, sc.parallel_access}
    %dma_start3A_704 = arith.constant 1 : i32
    %dma_start3A_705 = arith.constant 0 : i32
    %dma_start3A_706 = arith.constant 0 : i32
    %dma_start3A_707 = tpu.memref_slice %arg19[%dma_start3A_705, %dma_start3A_706] : memref<10112x128xf32, #tpu.memory_space<vmem_shared>> -> memref<10112x128xf32, #tpu.memory_space<vmem_shared>>
    %dma_start3A_708 = tpu.memref_slice %arg25[%dma_start3A_704] : memref<3x!tpu.dma_semaphore, #tpu.memory_space<semaphore_mem>> -> memref<1x!tpu.dma_semaphore, #tpu.memory_space<semaphore_mem>>
    %dma_start3A_709 = tpu.memref_squeeze %dma_start3A_708 : memref<1x!tpu.dma_semaphore, #tpu.memory_space<semaphore_mem>> -> memref<!tpu.dma_semaphore, #tpu.memory_space<semaphore_mem>>
    tpu.enqueue_indirect_dma source(%arg15 : memref<80x128xf32, #tpu.memory_space<vmem>>) target(%dma_start3A_707 : memref<10112x128xf32, #tpu.memory_space<vmem_shared>>) offsets(%arg12 : memref<80xi32, #tpu.memory_space<vmem>>) semaphore(%dma_start3A_709 : memref<!tpu.dma_semaphore, #tpu.memory_space<semaphore_mem>>) {add = true}
    %dma_start3A_710 = arith.constant 1 : i32
    %dma_start3A_711 = arith.constant 0 : i32
    %dma_start3A_712 = tpu.memref_slice %arg17[%dma_start3A_711] : memref<128xf32, #tpu.memory_space<vmem>> -> memref<80xf32, #tpu.memory_space<vmem>>
    %dma_start3A_713 = arith.constant 0 : i32
    %dma_start3A_714 = tpu.memref_slice %arg20[%dma_start3A_713] : memref<10112xf32, #tpu.memory_space<vmem_shared>> -> memref<10112xf32, #tpu.memory_space<vmem_shared>>
    %dma_start3A_715 = tpu.memref_slice %arg26[%dma_start3A_710] : memref<3x!tpu.dma_semaphore, #tpu.memory_space<semaphore_mem>> -> memref<1x!tpu.dma_semaphore, #tpu.memory_space<semaphore_mem>>
    %dma_start3A_716 = tpu.memref_squeeze %dma_start3A_715 : memref<1x!tpu.dma_semaphore, #tpu.memory_space<semaphore_mem>> -> memref<!tpu.dma_semaphore, #tpu.memory_space<semaphore_mem>>
    tpu.enqueue_indirect_dma source(%dma_start3A_712 : memref<80xf32, #tpu.memory_space<vmem>>) target(%dma_start3A_714 : memref<10112xf32, #tpu.memory_space<vmem_shared>>) offsets(%arg12 : memref<80xi32, #tpu.memory_space<vmem>>) semaphore(%dma_start3A_716 : memref<!tpu.dma_semaphore, #tpu.memory_space<semaphore_mem>>) {add = true}
    %dma_wait3A_717 = arith.constant 0 : i32
    %dma_wait3A_718 = arith.constant 0 : i32
    %dma_wait3A_719 = arith.constant 0 : i32
    %dma_wait3A_720 = tpu.memref_slice %arg19[%dma_wait3A_718, %dma_wait3A_719] : memref<10112x128xf32, #tpu.memory_space<vmem_shared>> -> memref<10112x128xf32, #tpu.memory_space<vmem_shared>>
    %dma_wait3A_721 = tpu.memref_slice %arg25[%dma_wait3A_717] : memref<3x!tpu.dma_semaphore, #tpu.memory_space<semaphore_mem>> -> memref<1x!tpu.dma_semaphore, #tpu.memory_space<semaphore_mem>>
    %dma_wait3A_722 = tpu.memref_squeeze %dma_wait3A_721 : memref<1x!tpu.dma_semaphore, #tpu.memory_space<semaphore_mem>> -> memref<!tpu.dma_semaphore, #tpu.memory_space<semaphore_mem>>
    tpu.wait_indirect_dma semaphore(%dma_wait3A_722 : memref<!tpu.dma_semaphore, #tpu.memory_space<semaphore_mem>>) src(%arg14 : memref<80x128xf32, #tpu.memory_space<vmem>>) dst(%dma_wait3A_720 : memref<10112x128xf32, #tpu.memory_space<vmem_shared>>)
    %dma_wait3A_723 = arith.constant 0 : i32
    %dma_wait3A_724 = arith.constant 0 : i32
    %dma_wait3A_725 = tpu.memref_slice %arg17[%dma_wait3A_724] : memref<128xf32, #tpu.memory_space<vmem>> -> memref<80xf32, #tpu.memory_space<vmem>>
    %dma_wait3A_726 = arith.constant 0 : i32
    %dma_wait3A_727 = tpu.memref_slice %arg20[%dma_wait3A_726] : memref<10112xf32, #tpu.memory_space<vmem_shared>> -> memref<10112xf32, #tpu.memory_space<vmem_shared>>
    %dma_wait3A_728 = tpu.memref_slice %arg26[%dma_wait3A_723] : memref<3x!tpu.dma_semaphore, #tpu.memory_space<semaphore_mem>> -> memref<1x!tpu.dma_semaphore, #tpu.memory_space<semaphore_mem>>
    %dma_wait3A_729 = tpu.memref_squeeze %dma_wait3A_728 : memref<1x!tpu.dma_semaphore, #tpu.memory_space<semaphore_mem>> -> memref<!tpu.dma_semaphore, #tpu.memory_space<semaphore_mem>>
    tpu.wait_indirect_dma semaphore(%dma_wait3A_729 : memref<!tpu.dma_semaphore, #tpu.memory_space<semaphore_mem>>) src(%dma_wait3A_725 : memref<80xf32, #tpu.memory_space<vmem>>) dst(%dma_wait3A_727 : memref<10112xf32, #tpu.memory_space<vmem_shared>>)
    %dma_wait3A_730 = arith.constant 1 : i32
    %dma_wait3A_731 = arith.constant 0 : i32
    %dma_wait3A_732 = arith.constant 0 : i32
    %dma_wait3A_733 = tpu.memref_slice %arg19[%dma_wait3A_731, %dma_wait3A_732] : memref<10112x128xf32, #tpu.memory_space<vmem_shared>> -> memref<10112x128xf32, #tpu.memory_space<vmem_shared>>
    %dma_wait3A_734 = tpu.memref_slice %arg25[%dma_wait3A_730] : memref<3x!tpu.dma_semaphore, #tpu.memory_space<semaphore_mem>> -> memref<1x!tpu.dma_semaphore, #tpu.memory_space<semaphore_mem>>
    %dma_wait3A_735 = tpu.memref_squeeze %dma_wait3A_734 : memref<1x!tpu.dma_semaphore, #tpu.memory_space<semaphore_mem>> -> memref<!tpu.dma_semaphore, #tpu.memory_space<semaphore_mem>>
    tpu.wait_indirect_dma semaphore(%dma_wait3A_735 : memref<!tpu.dma_semaphore, #tpu.memory_space<semaphore_mem>>) src(%arg15 : memref<80x128xf32, #tpu.memory_space<vmem>>) dst(%dma_wait3A_733 : memref<10112x128xf32, #tpu.memory_space<vmem_shared>>)
    %dma_wait3A_736 = arith.constant 1 : i32
    %dma_wait3A_737 = arith.constant 0 : i32
    %dma_wait3A_738 = tpu.memref_slice %arg17[%dma_wait3A_737] : memref<128xf32, #tpu.memory_space<vmem>> -> memref<80xf32, #tpu.memory_space<vmem>>
    %dma_wait3A_739 = arith.constant 0 : i32
    %dma_wait3A_740 = tpu.memref_slice %arg20[%dma_wait3A_739] : memref<10112xf32, #tpu.memory_space<vmem_shared>> -> memref<10112xf32, #tpu.memory_space<vmem_shared>>
    %dma_wait3A_741 = tpu.memref_slice %arg26[%dma_wait3A_736] : memref<3x!tpu.dma_semaphore, #tpu.memory_space<semaphore_mem>> -> memref<1x!tpu.dma_semaphore, #tpu.memory_space<semaphore_mem>>
    %dma_wait3A_742 = tpu.memref_squeeze %dma_wait3A_741 : memref<1x!tpu.dma_semaphore, #tpu.memory_space<semaphore_mem>> -> memref<!tpu.dma_semaphore, #tpu.memory_space<semaphore_mem>>
    tpu.wait_indirect_dma semaphore(%dma_wait3A_742 : memref<!tpu.dma_semaphore, #tpu.memory_space<semaphore_mem>>) src(%dma_wait3A_738 : memref<80xf32, #tpu.memory_space<vmem>>) dst(%dma_wait3A_740 : memref<10112xf32, #tpu.memory_space<vmem_shared>>)
    %barrier3A_743 = arith.constant 0 : index
    tpu.barrier barrier_id(%barrier3A_743)
    %add3A_744 = arith.constant 0 : i32
    %add3A_745 = arith.addi %multiple_of3A, %add3A_744 : i32
    "tpu.region"() ({
      %run_scoped3A = tpu.sem_alloc : memref<!tpu.dma_semaphore, #tpu.memory_space<semaphore_mem>>
      %dma_start3A_780 = arith.constant 0 : i32
      %dma_start3A_781 = arith.constant 0 : i32
      %dma_start3A_782 = tpu.memref_slice %arg14[%dma_start3A_780, %dma_start3A_781] : memref<80x128xf32, #tpu.memory_space<vmem>> -> memref<80x128xf32, #tpu.memory_space<vmem>>
      %dma_start3A_783 = arith.constant 0 : i32
      %dma_start3A_784 = tpu.memref_slice %arg19[%add3A_745, %dma_start3A_783] : memref<10112x128xf32, #tpu.memory_space<vmem_shared>> -> memref<80x128xf32, #tpu.memory_space<vmem_shared>>
      %dma_start3A_785 = arith.constant 0 : i32
      %dma_start3A_786 = arith.constant 0 : i32
      %dma_start3A_787 = tpu.memref_slice %arg14[%dma_start3A_785, %dma_start3A_786] : memref<80x128xf32, #tpu.memory_space<vmem>> -> memref<80x128xf32, #tpu.memory_space<vmem>>
      %dma_start3A_788 = arith.constant 0 : i32
      %dma_start3A_789 = tpu.memref_slice %arg19[%add3A_745, %dma_start3A_788] : memref<10112x128xf32, #tpu.memory_space<vmem_shared>> -> memref<80x128xf32, #tpu.memory_space<vmem_shared>>
      tpu.enqueue_dma source(%dma_start3A_789 : memref<80x128xf32, #tpu.memory_space<vmem_shared>>) target(%dma_start3A_787 : memref<80x128xf32, #tpu.memory_space<vmem>>) target_semaphore(%run_scoped3A : memref<!tpu.dma_semaphore, #tpu.memory_space<semaphore_mem>>)
      %dma_wait3A_790 = arith.constant 0 : i32
      %dma_wait3A_791 = arith.constant 0 : i32
      %dma_wait3A_792 = tpu.memref_slice %arg14[%dma_wait3A_790, %dma_wait3A_791] : memref<80x128xf32, #tpu.memory_space<vmem>> -> memref<80x128xf32, #tpu.memory_space<vmem>>
      %dma_wait3A_793 = arith.constant 0 : i32
      %dma_wait3A_794 = tpu.memref_slice %arg19[%add3A_745, %dma_wait3A_793] : memref<10112x128xf32, #tpu.memory_space<vmem_shared>> -> memref<80x128xf32, #tpu.memory_space<vmem_shared>>
      %dma_wait3A_795 = arith.constant 0 : i32
      %dma_wait3A_796 = arith.constant 0 : i32
      %dma_wait3A_797 = tpu.memref_slice %arg14[%dma_wait3A_795, %dma_wait3A_796] : memref<80x128xf32, #tpu.memory_space<vmem>> -> memref<80x128xf32, #tpu.memory_space<vmem>>
      %dma_wait3A_798 = arith.constant 0 : i32
      %dma_wait3A_799 = tpu.memref_slice %arg19[%add3A_745, %dma_wait3A_798] : memref<10112x128xf32, #tpu.memory_space<vmem_shared>> -> memref<80x128xf32, #tpu.memory_space<vmem_shared>>
      tpu.wait_dma2 semaphore(%run_scoped3A : memref<!tpu.dma_semaphore, #tpu.memory_space<semaphore_mem>>) src(%dma_wait3A_799 : memref<80x128xf32, #tpu.memory_space<vmem_shared>>) dst(%dma_wait3A_797 : memref<80x128xf32, #tpu.memory_space<vmem>>)
      tpu.yield
    }) : () -> ()
    %add3A_746 = arith.constant 0 : i32
    %add3A_747 = arith.addi %multiple_of3A, %add3A_746 : i32
    "tpu.region"() ({
      %run_scoped3A = tpu.sem_alloc : memref<!tpu.dma_semaphore, #tpu.memory_space<semaphore_mem>>
      %dma_start3A_780 = arith.constant 0 : i32
      %dma_start3A_781 = arith.constant 0 : i32
      %dma_start3A_782 = tpu.memref_slice %arg14[%dma_start3A_780, %dma_start3A_781] : memref<80x128xf32, #tpu.memory_space<vmem>> -> memref<80x128xf32, #tpu.memory_space<vmem>>
      %dma_start3A_783 = arith.constant 0 : i32
      %dma_start3A_784 = tpu.memref_slice %arg6[%arg0, %add3A_747, %dma_start3A_783] : memref<2x10112x128xf32, #tpu.memory_space<hbm>> -> memref<1x80x128xf32, #tpu.memory_space<hbm>>
      %dma_start3A_785 = tpu.memref_squeeze %dma_start3A_784 : memref<1x80x128xf32, #tpu.memory_space<hbm>> -> memref<80x128xf32, #tpu.memory_space<hbm>>
      %dma_start3A_786 = arith.constant 0 : i32
      %dma_start3A_787 = tpu.memref_slice %arg6[%arg0, %add3A_747, %dma_start3A_786] : memref<2x10112x128xf32, #tpu.memory_space<hbm>> -> memref<1x80x128xf32, #tpu.memory_space<hbm>>
      %dma_start3A_788 = tpu.memref_squeeze %dma_start3A_787 : memref<1x80x128xf32, #tpu.memory_space<hbm>> -> memref<80x128xf32, #tpu.memory_space<hbm>>
      %dma_start3A_789 = arith.constant 0 : i32
      %dma_start3A_790 = arith.constant 0 : i32
      %dma_start3A_791 = tpu.memref_slice %arg14[%dma_start3A_789, %dma_start3A_790] : memref<80x128xf32, #tpu.memory_space<vmem>> -> memref<80x128xf32, #tpu.memory_space<vmem>>
      tpu.enqueue_dma source(%dma_start3A_791 : memref<80x128xf32, #tpu.memory_space<vmem>>) target(%dma_start3A_788 : memref<80x128xf32, #tpu.memory_space<hbm>>) target_semaphore(%run_scoped3A : memref<!tpu.dma_semaphore, #tpu.memory_space<semaphore_mem>>)
      %dma_wait3A_792 = arith.constant 0 : i32
      %dma_wait3A_793 = arith.constant 0 : i32
      %dma_wait3A_794 = tpu.memref_slice %arg14[%dma_wait3A_792, %dma_wait3A_793] : memref<80x128xf32, #tpu.memory_space<vmem>> -> memref<80x128xf32, #tpu.memory_space<vmem>>
      %dma_wait3A_795 = arith.constant 0 : i32
      %dma_wait3A_796 = tpu.memref_slice %arg6[%arg0, %add3A_747, %dma_wait3A_795] : memref<2x10112x128xf32, #tpu.memory_space<hbm>> -> memref<1x80x128xf32, #tpu.memory_space<hbm>>
      %dma_wait3A_797 = tpu.memref_squeeze %dma_wait3A_796 : memref<1x80x128xf32, #tpu.memory_space<hbm>> -> memref<80x128xf32, #tpu.memory_space<hbm>>
      %dma_wait3A_798 = arith.constant 0 : i32
      %dma_wait3A_799 = tpu.memref_slice %arg6[%arg0, %add3A_747, %dma_wait3A_798] : memref<2x10112x128xf32, #tpu.memory_space<hbm>> -> memref<1x80x128xf32, #tpu.memory_space<hbm>>
      %dma_wait3A_800 = tpu.memref_squeeze %dma_wait3A_799 : memref<1x80x128xf32, #tpu.memory_space<hbm>> -> memref<80x128xf32, #tpu.memory_space<hbm>>
      %dma_wait3A_801 = arith.constant 0 : i32
      %dma_wait3A_802 = arith.constant 0 : i32
      %dma_wait3A_803 = tpu.memref_slice %arg14[%dma_wait3A_801, %dma_wait3A_802] : memref<80x128xf32, #tpu.memory_space<vmem>> -> memref<80x128xf32, #tpu.memory_space<vmem>>
      tpu.wait_dma2 semaphore(%run_scoped3A : memref<!tpu.dma_semaphore, #tpu.memory_space<semaphore_mem>>) src(%dma_wait3A_803 : memref<80x128xf32, #tpu.memory_space<vmem>>) dst(%dma_wait3A_800 : memref<80x128xf32, #tpu.memory_space<hbm>>)
      tpu.yield
    }) : () -> ()
    %add3A_748 = arith.constant 80 : i32
    %add3A_749 = arith.addi %multiple_of3A, %add3A_748 : i32
    "tpu.region"() ({
      %run_scoped3A = tpu.sem_alloc : memref<!tpu.dma_semaphore, #tpu.memory_space<semaphore_mem>>
      %dma_start3A_780 = arith.constant 0 : i32
      %dma_start3A_781 = arith.constant 0 : i32
      %dma_start3A_782 = tpu.memref_slice %arg14[%dma_start3A_780, %dma_start3A_781] : memref<80x128xf32, #tpu.memory_space<vmem>> -> memref<80x128xf32, #tpu.memory_space<vmem>>
      %dma_start3A_783 = arith.constant 0 : i32
      %dma_start3A_784 = tpu.memref_slice %arg19[%add3A_749, %dma_start3A_783] : memref<10112x128xf32, #tpu.memory_space<vmem_shared>> -> memref<80x128xf32, #tpu.memory_space<vmem_shared>>
      %dma_start3A_785 = arith.constant 0 : i32
      %dma_start3A_786 = arith.constant 0 : i32
      %dma_start3A_787 = tpu.memref_slice %arg14[%dma_start3A_785, %dma_start3A_786] : memref<80x128xf32, #tpu.memory_space<vmem>> -> memref<80x128xf32, #tpu.memory_space<vmem>>
      %dma_start3A_788 = arith.constant 0 : i32
      %dma_start3A_789 = tpu.memref_slice %arg19[%add3A_749, %dma_start3A_788] : memref<10112x128xf32, #tpu.memory_space<vmem_shared>> -> memref<80x128xf32, #tpu.memory_space<vmem_shared>>
      tpu.enqueue_dma source(%dma_start3A_789 : memref<80x128xf32, #tpu.memory_space<vmem_shared>>) target(%dma_start3A_787 : memref<80x128xf32, #tpu.memory_space<vmem>>) target_semaphore(%run_scoped3A : memref<!tpu.dma_semaphore, #tpu.memory_space<semaphore_mem>>)
      %dma_wait3A_790 = arith.constant 0 : i32
      %dma_wait3A_791 = arith.constant 0 : i32
      %dma_wait3A_792 = tpu.memref_slice %arg14[%dma_wait3A_790, %dma_wait3A_791] : memref<80x128xf32, #tpu.memory_space<vmem>> -> memref<80x128xf32, #tpu.memory_space<vmem>>
      %dma_wait3A_793 = arith.constant 0 : i32
      %dma_wait3A_794 = tpu.memref_slice %arg19[%add3A_749, %dma_wait3A_793] : memref<10112x128xf32, #tpu.memory_space<vmem_shared>> -> memref<80x128xf32, #tpu.memory_space<vmem_shared>>
      %dma_wait3A_795 = arith.constant 0 : i32
      %dma_wait3A_796 = arith.constant 0 : i32
      %dma_wait3A_797 = tpu.memref_slice %arg14[%dma_wait3A_795, %dma_wait3A_796] : memref<80x128xf32, #tpu.memory_space<vmem>> -> memref<80x128xf32, #tpu.memory_space<vmem>>
      %dma_wait3A_798 = arith.constant 0 : i32
      %dma_wait3A_799 = tpu.memref_slice %arg19[%add3A_749, %dma_wait3A_798] : memref<10112x128xf32, #tpu.memory_space<vmem_shared>> -> memref<80x128xf32, #tpu.memory_space<vmem_shared>>
      tpu.wait_dma2 semaphore(%run_scoped3A : memref<!tpu.dma_semaphore, #tpu.memory_space<semaphore_mem>>) src(%dma_wait3A_799 : memref<80x128xf32, #tpu.memory_space<vmem_shared>>) dst(%dma_wait3A_797 : memref<80x128xf32, #tpu.memory_space<vmem>>)
      tpu.yield
    }) : () -> ()
    %add3A_750 = arith.constant 80 : i32
    %add3A_751 = arith.addi %multiple_of3A, %add3A_750 : i32
    "tpu.region"() ({
      %run_scoped3A = tpu.sem_alloc : memref<!tpu.dma_semaphore, #tpu.memory_space<semaphore_mem>>
      %dma_start3A_780 = arith.constant 0 : i32
      %dma_start3A_781 = arith.constant 0 : i32
      %dma_start3A_782 = tpu.memref_slice %arg14[%dma_start3A_780, %dma_start3A_781] : memref<80x128xf32, #tpu.memory_space<vmem>> -> memref<80x128xf32, #tpu.memory_space<vmem>>
      %dma_start3A_783 = arith.constant 0 : i32
      %dma_start3A_784 = tpu.memref_slice %arg6[%arg0, %add3A_751, %dma_start3A_783] : memref<2x10112x128xf32, #tpu.memory_space<hbm>> -> memref<1x80x128xf32, #tpu.memory_space<hbm>>
      %dma_start3A_785 = tpu.memref_squeeze %dma_start3A_784 : memref<1x80x128xf32, #tpu.memory_space<hbm>> -> memref<80x128xf32, #tpu.memory_space<hbm>>
      %dma_start3A_786 = arith.constant 0 : i32
      %dma_start3A_787 = tpu.memref_slice %arg6[%arg0, %add3A_751, %dma_start3A_786] : memref<2x10112x128xf32, #tpu.memory_space<hbm>> -> memref<1x80x128xf32, #tpu.memory_space<hbm>>
      %dma_start3A_788 = tpu.memref_squeeze %dma_start3A_787 : memref<1x80x128xf32, #tpu.memory_space<hbm>> -> memref<80x128xf32, #tpu.memory_space<hbm>>
      %dma_start3A_789 = arith.constant 0 : i32
      %dma_start3A_790 = arith.constant 0 : i32
      %dma_start3A_791 = tpu.memref_slice %arg14[%dma_start3A_789, %dma_start3A_790] : memref<80x128xf32, #tpu.memory_space<vmem>> -> memref<80x128xf32, #tpu.memory_space<vmem>>
      tpu.enqueue_dma source(%dma_start3A_791 : memref<80x128xf32, #tpu.memory_space<vmem>>) target(%dma_start3A_788 : memref<80x128xf32, #tpu.memory_space<hbm>>) target_semaphore(%run_scoped3A : memref<!tpu.dma_semaphore, #tpu.memory_space<semaphore_mem>>)
      %dma_wait3A_792 = arith.constant 0 : i32
      %dma_wait3A_793 = arith.constant 0 : i32
      %dma_wait3A_794 = tpu.memref_slice %arg14[%dma_wait3A_792, %dma_wait3A_793] : memref<80x128xf32, #tpu.memory_space<vmem>> -> memref<80x128xf32, #tpu.memory_space<vmem>>
      %dma_wait3A_795 = arith.constant 0 : i32
      %dma_wait3A_796 = tpu.memref_slice %arg6[%arg0, %add3A_751, %dma_wait3A_795] : memref<2x10112x128xf32, #tpu.memory_space<hbm>> -> memref<1x80x128xf32, #tpu.memory_space<hbm>>
      %dma_wait3A_797 = tpu.memref_squeeze %dma_wait3A_796 : memref<1x80x128xf32, #tpu.memory_space<hbm>> -> memref<80x128xf32, #tpu.memory_space<hbm>>
      %dma_wait3A_798 = arith.constant 0 : i32
      %dma_wait3A_799 = tpu.memref_slice %arg6[%arg0, %add3A_751, %dma_wait3A_798] : memref<2x10112x128xf32, #tpu.memory_space<hbm>> -> memref<1x80x128xf32, #tpu.memory_space<hbm>>
      %dma_wait3A_800 = tpu.memref_squeeze %dma_wait3A_799 : memref<1x80x128xf32, #tpu.memory_space<hbm>> -> memref<80x128xf32, #tpu.memory_space<hbm>>
      %dma_wait3A_801 = arith.constant 0 : i32
      %dma_wait3A_802 = arith.constant 0 : i32
      %dma_wait3A_803 = tpu.memref_slice %arg14[%dma_wait3A_801, %dma_wait3A_802] : memref<80x128xf32, #tpu.memory_space<vmem>> -> memref<80x128xf32, #tpu.memory_space<vmem>>
      tpu.wait_dma2 semaphore(%run_scoped3A : memref<!tpu.dma_semaphore, #tpu.memory_space<semaphore_mem>>) src(%dma_wait3A_803 : memref<80x128xf32, #tpu.memory_space<vmem>>) dst(%dma_wait3A_800 : memref<80x128xf32, #tpu.memory_space<hbm>>)
      tpu.yield
    }) : () -> ()
    %add3A_752 = arith.constant 160 : i32
    %add3A_753 = arith.addi %multiple_of3A, %add3A_752 : i32
    "tpu.region"() ({
      %run_scoped3A = tpu.sem_alloc : memref<!tpu.dma_semaphore, #tpu.memory_space<semaphore_mem>>
      %dma_start3A_780 = arith.constant 0 : i32
      %dma_start3A_781 = arith.constant 0 : i32
      %dma_start3A_782 = tpu.memref_slice %arg14[%dma_start3A_780, %dma_start3A_781] : memref<80x128xf32, #tpu.memory_space<vmem>> -> memref<80x128xf32, #tpu.memory_space<vmem>>
      %dma_start3A_783 = arith.constant 0 : i32
      %dma_start3A_784 = tpu.memref_slice %arg19[%add3A_753, %dma_start3A_783] : memref<10112x128xf32, #tpu.memory_space<vmem_shared>> -> memref<80x128xf32, #tpu.memory_space<vmem_shared>>
      %dma_start3A_785 = arith.constant 0 : i32
      %dma_start3A_786 = arith.constant 0 : i32
      %dma_start3A_787 = tpu.memref_slice %arg14[%dma_start3A_785, %dma_start3A_786] : memref<80x128xf32, #tpu.memory_space<vmem>> -> memref<80x128xf32, #tpu.memory_space<vmem>>
      %dma_start3A_788 = arith.constant 0 : i32
      %dma_start3A_789 = tpu.memref_slice %arg19[%add3A_753, %dma_start3A_788] : memref<10112x128xf32, #tpu.memory_space<vmem_shared>> -> memref<80x128xf32, #tpu.memory_space<vmem_shared>>
      tpu.enqueue_dma source(%dma_start3A_789 : memref<80x128xf32, #tpu.memory_space<vmem_shared>>) target(%dma_start3A_787 : memref<80x128xf32, #tpu.memory_space<vmem>>) target_semaphore(%run_scoped3A : memref<!tpu.dma_semaphore, #tpu.memory_space<semaphore_mem>>)
      %dma_wait3A_790 = arith.constant 0 : i32
      %dma_wait3A_791 = arith.constant 0 : i32
      %dma_wait3A_792 = tpu.memref_slice %arg14[%dma_wait3A_790, %dma_wait3A_791] : memref<80x128xf32, #tpu.memory_space<vmem>> -> memref<80x128xf32, #tpu.memory_space<vmem>>
      %dma_wait3A_793 = arith.constant 0 : i32
      %dma_wait3A_794 = tpu.memref_slice %arg19[%add3A_753, %dma_wait3A_793] : memref<10112x128xf32, #tpu.memory_space<vmem_shared>> -> memref<80x128xf32, #tpu.memory_space<vmem_shared>>
      %dma_wait3A_795 = arith.constant 0 : i32
      %dma_wait3A_796 = arith.constant 0 : i32
      %dma_wait3A_797 = tpu.memref_slice %arg14[%dma_wait3A_795, %dma_wait3A_796] : memref<80x128xf32, #tpu.memory_space<vmem>> -> memref<80x128xf32, #tpu.memory_space<vmem>>
      %dma_wait3A_798 = arith.constant 0 : i32
      %dma_wait3A_799 = tpu.memref_slice %arg19[%add3A_753, %dma_wait3A_798] : memref<10112x128xf32, #tpu.memory_space<vmem_shared>> -> memref<80x128xf32, #tpu.memory_space<vmem_shared>>
      tpu.wait_dma2 semaphore(%run_scoped3A : memref<!tpu.dma_semaphore, #tpu.memory_space<semaphore_mem>>) src(%dma_wait3A_799 : memref<80x128xf32, #tpu.memory_space<vmem_shared>>) dst(%dma_wait3A_797 : memref<80x128xf32, #tpu.memory_space<vmem>>)
      tpu.yield
    }) : () -> ()
    %add3A_754 = arith.constant 160 : i32
    %add3A_755 = arith.addi %multiple_of3A, %add3A_754 : i32
    "tpu.region"() ({
      %run_scoped3A = tpu.sem_alloc : memref<!tpu.dma_semaphore, #tpu.memory_space<semaphore_mem>>
      %dma_start3A_780 = arith.constant 0 : i32
      %dma_start3A_781 = arith.constant 0 : i32
      %dma_start3A_782 = tpu.memref_slice %arg14[%dma_start3A_780, %dma_start3A_781] : memref<80x128xf32, #tpu.memory_space<vmem>> -> memref<80x128xf32, #tpu.memory_space<vmem>>
      %dma_start3A_783 = arith.constant 0 : i32
      %dma_start3A_784 = tpu.memref_slice %arg6[%arg0, %add3A_755, %dma_start3A_783] : memref<2x10112x128xf32, #tpu.memory_space<hbm>> -> memref<1x80x128xf32, #tpu.memory_space<hbm>>
      %dma_start3A_785 = tpu.memref_squeeze %dma_start3A_784 : memref<1x80x128xf32, #tpu.memory_space<hbm>> -> memref<80x128xf32, #tpu.memory_space<hbm>>
      %dma_start3A_786 = arith.constant 0 : i32
      %dma_start3A_787 = tpu.memref_slice %arg6[%arg0, %add3A_755, %dma_start3A_786] : memref<2x10112x128xf32, #tpu.memory_space<hbm>> -> memref<1x80x128xf32, #tpu.memory_space<hbm>>
      %dma_start3A_788 = tpu.memref_squeeze %dma_start3A_787 : memref<1x80x128xf32, #tpu.memory_space<hbm>> -> memref<80x128xf32, #tpu.memory_space<hbm>>
      %dma_start3A_789 = arith.constant 0 : i32
      %dma_start3A_790 = arith.constant 0 : i32
      %dma_start3A_791 = tpu.memref_slice %arg14[%dma_start3A_789, %dma_start3A_790] : memref<80x128xf32, #tpu.memory_space<vmem>> -> memref<80x128xf32, #tpu.memory_space<vmem>>
      tpu.enqueue_dma source(%dma_start3A_791 : memref<80x128xf32, #tpu.memory_space<vmem>>) target(%dma_start3A_788 : memref<80x128xf32, #tpu.memory_space<hbm>>) target_semaphore(%run_scoped3A : memref<!tpu.dma_semaphore, #tpu.memory_space<semaphore_mem>>)
      %dma_wait3A_792 = arith.constant 0 : i32
      %dma_wait3A_793 = arith.constant 0 : i32
      %dma_wait3A_794 = tpu.memref_slice %arg14[%dma_wait3A_792, %dma_wait3A_793] : memref<80x128xf32, #tpu.memory_space<vmem>> -> memref<80x128xf32, #tpu.memory_space<vmem>>
      %dma_wait3A_795 = arith.constant 0 : i32
      %dma_wait3A_796 = tpu.memref_slice %arg6[%arg0, %add3A_755, %dma_wait3A_795] : memref<2x10112x128xf32, #tpu.memory_space<hbm>> -> memref<1x80x128xf32, #tpu.memory_space<hbm>>
      %dma_wait3A_797 = tpu.memref_squeeze %dma_wait3A_796 : memref<1x80x128xf32, #tpu.memory_space<hbm>> -> memref<80x128xf32, #tpu.memory_space<hbm>>
      %dma_wait3A_798 = arith.constant 0 : i32
      %dma_wait3A_799 = tpu.memref_slice %arg6[%arg0, %add3A_755, %dma_wait3A_798] : memref<2x10112x128xf32, #tpu.memory_space<hbm>> -> memref<1x80x128xf32, #tpu.memory_space<hbm>>
      %dma_wait3A_800 = tpu.memref_squeeze %dma_wait3A_799 : memref<1x80x128xf32, #tpu.memory_space<hbm>> -> memref<80x128xf32, #tpu.memory_space<hbm>>
      %dma_wait3A_801 = arith.constant 0 : i32
      %dma_wait3A_802 = arith.constant 0 : i32
      %dma_wait3A_803 = tpu.memref_slice %arg14[%dma_wait3A_801, %dma_wait3A_802] : memref<80x128xf32, #tpu.memory_space<vmem>> -> memref<80x128xf32, #tpu.memory_space<vmem>>
      tpu.wait_dma2 semaphore(%run_scoped3A : memref<!tpu.dma_semaphore, #tpu.memory_space<semaphore_mem>>) src(%dma_wait3A_803 : memref<80x128xf32, #tpu.memory_space<vmem>>) dst(%dma_wait3A_800 : memref<80x128xf32, #tpu.memory_space<hbm>>)
      tpu.yield
    }) : () -> ()
    %add3A_756 = arith.constant 240 : i32
    %add3A_757 = arith.addi %multiple_of3A, %add3A_756 : i32
    "tpu.region"() ({
      %run_scoped3A = tpu.sem_alloc : memref<!tpu.dma_semaphore, #tpu.memory_space<semaphore_mem>>
      %dma_start3A_780 = arith.constant 0 : i32
      %dma_start3A_781 = arith.constant 0 : i32
      %dma_start3A_782 = tpu.memref_slice %arg14[%dma_start3A_780, %dma_start3A_781] : memref<80x128xf32, #tpu.memory_space<vmem>> -> memref<80x128xf32, #tpu.memory_space<vmem>>
      %dma_start3A_783 = arith.constant 0 : i32
      %dma_start3A_784 = tpu.memref_slice %arg19[%add3A_757, %dma_start3A_783] : memref<10112x128xf32, #tpu.memory_space<vmem_shared>> -> memref<80x128xf32, #tpu.memory_space<vmem_shared>>
      %dma_start3A_785 = arith.constant 0 : i32
      %dma_start3A_786 = arith.constant 0 : i32
      %dma_start3A_787 = tpu.memref_slice %arg14[%dma_start3A_785, %dma_start3A_786] : memref<80x128xf32, #tpu.memory_space<vmem>> -> memref<80x128xf32, #tpu.memory_space<vmem>>
      %dma_start3A_788 = arith.constant 0 : i32
      %dma_start3A_789 = tpu.memref_slice %arg19[%add3A_757, %dma_start3A_788] : memref<10112x128xf32, #tpu.memory_space<vmem_shared>> -> memref<80x128xf32, #tpu.memory_space<vmem_shared>>
      tpu.enqueue_dma source(%dma_start3A_789 : memref<80x128xf32, #tpu.memory_space<vmem_shared>>) target(%dma_start3A_787 : memref<80x128xf32, #tpu.memory_space<vmem>>) target_semaphore(%run_scoped3A : memref<!tpu.dma_semaphore, #tpu.memory_space<semaphore_mem>>)
      %dma_wait3A_790 = arith.constant 0 : i32
      %dma_wait3A_791 = arith.constant 0 : i32
      %dma_wait3A_792 = tpu.memref_slice %arg14[%dma_wait3A_790, %dma_wait3A_791] : memref<80x128xf32, #tpu.memory_space<vmem>> -> memref<80x128xf32, #tpu.memory_space<vmem>>
      %dma_wait3A_793 = arith.constant 0 : i32
      %dma_wait3A_794 = tpu.memref_slice %arg19[%add3A_757, %dma_wait3A_793] : memref<10112x128xf32, #tpu.memory_space<vmem_shared>> -> memref<80x128xf32, #tpu.memory_space<vmem_shared>>
      %dma_wait3A_795 = arith.constant 0 : i32
      %dma_wait3A_796 = arith.constant 0 : i32
      %dma_wait3A_797 = tpu.memref_slice %arg14[%dma_wait3A_795, %dma_wait3A_796] : memref<80x128xf32, #tpu.memory_space<vmem>> -> memref<80x128xf32, #tpu.memory_space<vmem>>
      %dma_wait3A_798 = arith.constant 0 : i32
      %dma_wait3A_799 = tpu.memref_slice %arg19[%add3A_757, %dma_wait3A_798] : memref<10112x128xf32, #tpu.memory_space<vmem_shared>> -> memref<80x128xf32, #tpu.memory_space<vmem_shared>>
      tpu.wait_dma2 semaphore(%run_scoped3A : memref<!tpu.dma_semaphore, #tpu.memory_space<semaphore_mem>>) src(%dma_wait3A_799 : memref<80x128xf32, #tpu.memory_space<vmem_shared>>) dst(%dma_wait3A_797 : memref<80x128xf32, #tpu.memory_space<vmem>>)
      tpu.yield
    }) : () -> ()
    %add3A_758 = arith.constant 240 : i32
    %add3A_759 = arith.addi %multiple_of3A, %add3A_758 : i32
    "tpu.region"() ({
      %run_scoped3A = tpu.sem_alloc : memref<!tpu.dma_semaphore, #tpu.memory_space<semaphore_mem>>
      %dma_start3A_780 = arith.constant 0 : i32
      %dma_start3A_781 = arith.constant 0 : i32
      %dma_start3A_782 = tpu.memref_slice %arg14[%dma_start3A_780, %dma_start3A_781] : memref<80x128xf32, #tpu.memory_space<vmem>> -> memref<80x128xf32, #tpu.memory_space<vmem>>
      %dma_start3A_783 = arith.constant 0 : i32
      %dma_start3A_784 = tpu.memref_slice %arg6[%arg0, %add3A_759, %dma_start3A_783] : memref<2x10112x128xf32, #tpu.memory_space<hbm>> -> memref<1x80x128xf32, #tpu.memory_space<hbm>>
      %dma_start3A_785 = tpu.memref_squeeze %dma_start3A_784 : memref<1x80x128xf32, #tpu.memory_space<hbm>> -> memref<80x128xf32, #tpu.memory_space<hbm>>
      %dma_start3A_786 = arith.constant 0 : i32
      %dma_start3A_787 = tpu.memref_slice %arg6[%arg0, %add3A_759, %dma_start3A_786] : memref<2x10112x128xf32, #tpu.memory_space<hbm>> -> memref<1x80x128xf32, #tpu.memory_space<hbm>>
      %dma_start3A_788 = tpu.memref_squeeze %dma_start3A_787 : memref<1x80x128xf32, #tpu.memory_space<hbm>> -> memref<80x128xf32, #tpu.memory_space<hbm>>
      %dma_start3A_789 = arith.constant 0 : i32
      %dma_start3A_790 = arith.constant 0 : i32
      %dma_start3A_791 = tpu.memref_slice %arg14[%dma_start3A_789, %dma_start3A_790] : memref<80x128xf32, #tpu.memory_space<vmem>> -> memref<80x128xf32, #tpu.memory_space<vmem>>
      tpu.enqueue_dma source(%dma_start3A_791 : memref<80x128xf32, #tpu.memory_space<vmem>>) target(%dma_start3A_788 : memref<80x128xf32, #tpu.memory_space<hbm>>) target_semaphore(%run_scoped3A : memref<!tpu.dma_semaphore, #tpu.memory_space<semaphore_mem>>)
      %dma_wait3A_792 = arith.constant 0 : i32
      %dma_wait3A_793 = arith.constant 0 : i32
      %dma_wait3A_794 = tpu.memref_slice %arg14[%dma_wait3A_792, %dma_wait3A_793] : memref<80x128xf32, #tpu.memory_space<vmem>> -> memref<80x128xf32, #tpu.memory_space<vmem>>
      %dma_wait3A_795 = arith.constant 0 : i32
      %dma_wait3A_796 = tpu.memref_slice %arg6[%arg0, %add3A_759, %dma_wait3A_795] : memref<2x10112x128xf32, #tpu.memory_space<hbm>> -> memref<1x80x128xf32, #tpu.memory_space<hbm>>
      %dma_wait3A_797 = tpu.memref_squeeze %dma_wait3A_796 : memref<1x80x128xf32, #tpu.memory_space<hbm>> -> memref<80x128xf32, #tpu.memory_space<hbm>>
      %dma_wait3A_798 = arith.constant 0 : i32
      %dma_wait3A_799 = tpu.memref_slice %arg6[%arg0, %add3A_759, %dma_wait3A_798] : memref<2x10112x128xf32, #tpu.memory_space<hbm>> -> memref<1x80x128xf32, #tpu.memory_space<hbm>>
      %dma_wait3A_800 = tpu.memref_squeeze %dma_wait3A_799 : memref<1x80x128xf32, #tpu.memory_space<hbm>> -> memref<80x128xf32, #tpu.memory_space<hbm>>
      %dma_wait3A_801 = arith.constant 0 : i32
      %dma_wait3A_802 = arith.constant 0 : i32
      %dma_wait3A_803 = tpu.memref_slice %arg14[%dma_wait3A_801, %dma_wait3A_802] : memref<80x128xf32, #tpu.memory_space<vmem>> -> memref<80x128xf32, #tpu.memory_space<vmem>>
      tpu.wait_dma2 semaphore(%run_scoped3A : memref<!tpu.dma_semaphore, #tpu.memory_space<semaphore_mem>>) src(%dma_wait3A_803 : memref<80x128xf32, #tpu.memory_space<vmem>>) dst(%dma_wait3A_800 : memref<80x128xf32, #tpu.memory_space<hbm>>)
      tpu.yield
    }) : () -> ()
    %add3A_760 = arith.constant 320 : i32
    %add3A_761 = arith.addi %multiple_of3A, %add3A_760 : i32
    "tpu.region"() ({
      %run_scoped3A = tpu.sem_alloc : memref<!tpu.dma_semaphore, #tpu.memory_space<semaphore_mem>>
      %dma_start3A_780 = arith.constant 0 : i32
      %dma_start3A_781 = arith.constant 0 : i32
      %dma_start3A_782 = tpu.memref_slice %arg14[%dma_start3A_780, %dma_start3A_781] : memref<80x128xf32, #tpu.memory_space<vmem>> -> memref<80x128xf32, #tpu.memory_space<vmem>>
      %dma_start3A_783 = arith.constant 0 : i32
      %dma_start3A_784 = tpu.memref_slice %arg19[%add3A_761, %dma_start3A_783] : memref<10112x128xf32, #tpu.memory_space<vmem_shared>> -> memref<80x128xf32, #tpu.memory_space<vmem_shared>>
      %dma_start3A_785 = arith.constant 0 : i32
      %dma_start3A_786 = arith.constant 0 : i32
      %dma_start3A_787 = tpu.memref_slice %arg14[%dma_start3A_785, %dma_start3A_786] : memref<80x128xf32, #tpu.memory_space<vmem>> -> memref<80x128xf32, #tpu.memory_space<vmem>>
      %dma_start3A_788 = arith.constant 0 : i32
      %dma_start3A_789 = tpu.memref_slice %arg19[%add3A_761, %dma_start3A_788] : memref<10112x128xf32, #tpu.memory_space<vmem_shared>> -> memref<80x128xf32, #tpu.memory_space<vmem_shared>>
      tpu.enqueue_dma source(%dma_start3A_789 : memref<80x128xf32, #tpu.memory_space<vmem_shared>>) target(%dma_start3A_787 : memref<80x128xf32, #tpu.memory_space<vmem>>) target_semaphore(%run_scoped3A : memref<!tpu.dma_semaphore, #tpu.memory_space<semaphore_mem>>)
      %dma_wait3A_790 = arith.constant 0 : i32
      %dma_wait3A_791 = arith.constant 0 : i32
      %dma_wait3A_792 = tpu.memref_slice %arg14[%dma_wait3A_790, %dma_wait3A_791] : memref<80x128xf32, #tpu.memory_space<vmem>> -> memref<80x128xf32, #tpu.memory_space<vmem>>
      %dma_wait3A_793 = arith.constant 0 : i32
      %dma_wait3A_794 = tpu.memref_slice %arg19[%add3A_761, %dma_wait3A_793] : memref<10112x128xf32, #tpu.memory_space<vmem_shared>> -> memref<80x128xf32, #tpu.memory_space<vmem_shared>>
      %dma_wait3A_795 = arith.constant 0 : i32
      %dma_wait3A_796 = arith.constant 0 : i32
      %dma_wait3A_797 = tpu.memref_slice %arg14[%dma_wait3A_795, %dma_wait3A_796] : memref<80x128xf32, #tpu.memory_space<vmem>> -> memref<80x128xf32, #tpu.memory_space<vmem>>
      %dma_wait3A_798 = arith.constant 0 : i32
      %dma_wait3A_799 = tpu.memref_slice %arg19[%add3A_761, %dma_wait3A_798] : memref<10112x128xf32, #tpu.memory_space<vmem_shared>> -> memref<80x128xf32, #tpu.memory_space<vmem_shared>>
      tpu.wait_dma2 semaphore(%run_scoped3A : memref<!tpu.dma_semaphore, #tpu.memory_space<semaphore_mem>>) src(%dma_wait3A_799 : memref<80x128xf32, #tpu.memory_space<vmem_shared>>) dst(%dma_wait3A_797 : memref<80x128xf32, #tpu.memory_space<vmem>>)
      tpu.yield
    }) : () -> ()
    %add3A_762 = arith.constant 320 : i32
    %add3A_763 = arith.addi %multiple_of3A, %add3A_762 : i32
    "tpu.region"() ({
      %run_scoped3A = tpu.sem_alloc : memref<!tpu.dma_semaphore, #tpu.memory_space<semaphore_mem>>
      %dma_start3A_780 = arith.constant 0 : i32
      %dma_start3A_781 = arith.constant 0 : i32
      %dma_start3A_782 = tpu.memref_slice %arg14[%dma_start3A_780, %dma_start3A_781] : memref<80x128xf32, #tpu.memory_space<vmem>> -> memref<80x128xf32, #tpu.memory_space<vmem>>
      %dma_start3A_783 = arith.constant 0 : i32
      %dma_start3A_784 = tpu.memref_slice %arg6[%arg0, %add3A_763, %dma_start3A_783] : memref<2x10112x128xf32, #tpu.memory_space<hbm>> -> memref<1x80x128xf32, #tpu.memory_space<hbm>>
      %dma_start3A_785 = tpu.memref_squeeze %dma_start3A_784 : memref<1x80x128xf32, #tpu.memory_space<hbm>> -> memref<80x128xf32, #tpu.memory_space<hbm>>
      %dma_start3A_786 = arith.constant 0 : i32
      %dma_start3A_787 = tpu.memref_slice %arg6[%arg0, %add3A_763, %dma_start3A_786] : memref<2x10112x128xf32, #tpu.memory_space<hbm>> -> memref<1x80x128xf32, #tpu.memory_space<hbm>>
      %dma_start3A_788 = tpu.memref_squeeze %dma_start3A_787 : memref<1x80x128xf32, #tpu.memory_space<hbm>> -> memref<80x128xf32, #tpu.memory_space<hbm>>
      %dma_start3A_789 = arith.constant 0 : i32
      %dma_start3A_790 = arith.constant 0 : i32
      %dma_start3A_791 = tpu.memref_slice %arg14[%dma_start3A_789, %dma_start3A_790] : memref<80x128xf32, #tpu.memory_space<vmem>> -> memref<80x128xf32, #tpu.memory_space<vmem>>
      tpu.enqueue_dma source(%dma_start3A_791 : memref<80x128xf32, #tpu.memory_space<vmem>>) target(%dma_start3A_788 : memref<80x128xf32, #tpu.memory_space<hbm>>) target_semaphore(%run_scoped3A : memref<!tpu.dma_semaphore, #tpu.memory_space<semaphore_mem>>)
      %dma_wait3A_792 = arith.constant 0 : i32
      %dma_wait3A_793 = arith.constant 0 : i32
      %dma_wait3A_794 = tpu.memref_slice %arg14[%dma_wait3A_792, %dma_wait3A_793] : memref<80x128xf32, #tpu.memory_space<vmem>> -> memref<80x128xf32, #tpu.memory_space<vmem>>
      %dma_wait3A_795 = arith.constant 0 : i32
      %dma_wait3A_796 = tpu.memref_slice %arg6[%arg0, %add3A_763, %dma_wait3A_795] : memref<2x10112x128xf32, #tpu.memory_space<hbm>> -> memref<1x80x128xf32, #tpu.memory_space<hbm>>
      %dma_wait3A_797 = tpu.memref_squeeze %dma_wait3A_796 : memref<1x80x128xf32, #tpu.memory_space<hbm>> -> memref<80x128xf32, #tpu.memory_space<hbm>>
      %dma_wait3A_798 = arith.constant 0 : i32
      %dma_wait3A_799 = tpu.memref_slice %arg6[%arg0, %add3A_763, %dma_wait3A_798] : memref<2x10112x128xf32, #tpu.memory_space<hbm>> -> memref<1x80x128xf32, #tpu.memory_space<hbm>>
      %dma_wait3A_800 = tpu.memref_squeeze %dma_wait3A_799 : memref<1x80x128xf32, #tpu.memory_space<hbm>> -> memref<80x128xf32, #tpu.memory_space<hbm>>
      %dma_wait3A_801 = arith.constant 0 : i32
      %dma_wait3A_802 = arith.constant 0 : i32
      %dma_wait3A_803 = tpu.memref_slice %arg14[%dma_wait3A_801, %dma_wait3A_802] : memref<80x128xf32, #tpu.memory_space<vmem>> -> memref<80x128xf32, #tpu.memory_space<vmem>>
      tpu.wait_dma2 semaphore(%run_scoped3A : memref<!tpu.dma_semaphore, #tpu.memory_space<semaphore_mem>>) src(%dma_wait3A_803 : memref<80x128xf32, #tpu.memory_space<vmem>>) dst(%dma_wait3A_800 : memref<80x128xf32, #tpu.memory_space<hbm>>)
      tpu.yield
    }) : () -> ()
    %add3A_764 = arith.constant 400 : i32
    %add3A_765 = arith.addi %multiple_of3A, %add3A_764 : i32
    "tpu.region"() ({
      %run_scoped3A = tpu.sem_alloc : memref<!tpu.dma_semaphore, #tpu.memory_space<semaphore_mem>>
      %dma_start3A_780 = arith.constant 0 : i32
      %dma_start3A_781 = arith.constant 0 : i32
      %dma_start3A_782 = tpu.memref_slice %arg14[%dma_start3A_780, %dma_start3A_781] : memref<80x128xf32, #tpu.memory_space<vmem>> -> memref<80x128xf32, #tpu.memory_space<vmem>>
      %dma_start3A_783 = arith.constant 0 : i32
      %dma_start3A_784 = tpu.memref_slice %arg19[%add3A_765, %dma_start3A_783] : memref<10112x128xf32, #tpu.memory_space<vmem_shared>> -> memref<80x128xf32, #tpu.memory_space<vmem_shared>>
      %dma_start3A_785 = arith.constant 0 : i32
      %dma_start3A_786 = arith.constant 0 : i32
      %dma_start3A_787 = tpu.memref_slice %arg14[%dma_start3A_785, %dma_start3A_786] : memref<80x128xf32, #tpu.memory_space<vmem>> -> memref<80x128xf32, #tpu.memory_space<vmem>>
      %dma_start3A_788 = arith.constant 0 : i32
      %dma_start3A_789 = tpu.memref_slice %arg19[%add3A_765, %dma_start3A_788] : memref<10112x128xf32, #tpu.memory_space<vmem_shared>> -> memref<80x128xf32, #tpu.memory_space<vmem_shared>>
      tpu.enqueue_dma source(%dma_start3A_789 : memref<80x128xf32, #tpu.memory_space<vmem_shared>>) target(%dma_start3A_787 : memref<80x128xf32, #tpu.memory_space<vmem>>) target_semaphore(%run_scoped3A : memref<!tpu.dma_semaphore, #tpu.memory_space<semaphore_mem>>)
      %dma_wait3A_790 = arith.constant 0 : i32
      %dma_wait3A_791 = arith.constant 0 : i32
      %dma_wait3A_792 = tpu.memref_slice %arg14[%dma_wait3A_790, %dma_wait3A_791] : memref<80x128xf32, #tpu.memory_space<vmem>> -> memref<80x128xf32, #tpu.memory_space<vmem>>
      %dma_wait3A_793 = arith.constant 0 : i32
      %dma_wait3A_794 = tpu.memref_slice %arg19[%add3A_765, %dma_wait3A_793] : memref<10112x128xf32, #tpu.memory_space<vmem_shared>> -> memref<80x128xf32, #tpu.memory_space<vmem_shared>>
      %dma_wait3A_795 = arith.constant 0 : i32
      %dma_wait3A_796 = arith.constant 0 : i32
      %dma_wait3A_797 = tpu.memref_slice %arg14[%dma_wait3A_795, %dma_wait3A_796] : memref<80x128xf32, #tpu.memory_space<vmem>> -> memref<80x128xf32, #tpu.memory_space<vmem>>
      %dma_wait3A_798 = arith.constant 0 : i32
      %dma_wait3A_799 = tpu.memref_slice %arg19[%add3A_765, %dma_wait3A_798] : memref<10112x128xf32, #tpu.memory_space<vmem_shared>> -> memref<80x128xf32, #tpu.memory_space<vmem_shared>>
      tpu.wait_dma2 semaphore(%run_scoped3A : memref<!tpu.dma_semaphore, #tpu.memory_space<semaphore_mem>>) src(%dma_wait3A_799 : memref<80x128xf32, #tpu.memory_space<vmem_shared>>) dst(%dma_wait3A_797 : memref<80x128xf32, #tpu.memory_space<vmem>>)
      tpu.yield
    }) : () -> ()
    %add3A_766 = arith.constant 400 : i32
    %add3A_767 = arith.addi %multiple_of3A, %add3A_766 : i32
    "tpu.region"() ({
      %run_scoped3A = tpu.sem_alloc : memref<!tpu.dma_semaphore, #tpu.memory_space<semaphore_mem>>
      %dma_start3A_780 = arith.constant 0 : i32
      %dma_start3A_781 = arith.constant 0 : i32
      %dma_start3A_782 = tpu.memref_slice %arg14[%dma_start3A_780, %dma_start3A_781] : memref<80x128xf32, #tpu.memory_space<vmem>> -> memref<80x128xf32, #tpu.memory_space<vmem>>
      %dma_start3A_783 = arith.constant 0 : i32
      %dma_start3A_784 = tpu.memref_slice %arg6[%arg0, %add3A_767, %dma_start3A_783] : memref<2x10112x128xf32, #tpu.memory_space<hbm>> -> memref<1x80x128xf32, #tpu.memory_space<hbm>>
      %dma_start3A_785 = tpu.memref_squeeze %dma_start3A_784 : memref<1x80x128xf32, #tpu.memory_space<hbm>> -> memref<80x128xf32, #tpu.memory_space<hbm>>
      %dma_start3A_786 = arith.constant 0 : i32
      %dma_start3A_787 = tpu.memref_slice %arg6[%arg0, %add3A_767, %dma_start3A_786] : memref<2x10112x128xf32, #tpu.memory_space<hbm>> -> memref<1x80x128xf32, #tpu.memory_space<hbm>>
      %dma_start3A_788 = tpu.memref_squeeze %dma_start3A_787 : memref<1x80x128xf32, #tpu.memory_space<hbm>> -> memref<80x128xf32, #tpu.memory_space<hbm>>
      %dma_start3A_789 = arith.constant 0 : i32
      %dma_start3A_790 = arith.constant 0 : i32
      %dma_start3A_791 = tpu.memref_slice %arg14[%dma_start3A_789, %dma_start3A_790] : memref<80x128xf32, #tpu.memory_space<vmem>> -> memref<80x128xf32, #tpu.memory_space<vmem>>
      tpu.enqueue_dma source(%dma_start3A_791 : memref<80x128xf32, #tpu.memory_space<vmem>>) target(%dma_start3A_788 : memref<80x128xf32, #tpu.memory_space<hbm>>) target_semaphore(%run_scoped3A : memref<!tpu.dma_semaphore, #tpu.memory_space<semaphore_mem>>)
      %dma_wait3A_792 = arith.constant 0 : i32
      %dma_wait3A_793 = arith.constant 0 : i32
      %dma_wait3A_794 = tpu.memref_slice %arg14[%dma_wait3A_792, %dma_wait3A_793] : memref<80x128xf32, #tpu.memory_space<vmem>> -> memref<80x128xf32, #tpu.memory_space<vmem>>
      %dma_wait3A_795 = arith.constant 0 : i32
      %dma_wait3A_796 = tpu.memref_slice %arg6[%arg0, %add3A_767, %dma_wait3A_795] : memref<2x10112x128xf32, #tpu.memory_space<hbm>> -> memref<1x80x128xf32, #tpu.memory_space<hbm>>
      %dma_wait3A_797 = tpu.memref_squeeze %dma_wait3A_796 : memref<1x80x128xf32, #tpu.memory_space<hbm>> -> memref<80x128xf32, #tpu.memory_space<hbm>>
      %dma_wait3A_798 = arith.constant 0 : i32
      %dma_wait3A_799 = tpu.memref_slice %arg6[%arg0, %add3A_767, %dma_wait3A_798] : memref<2x10112x128xf32, #tpu.memory_space<hbm>> -> memref<1x80x128xf32, #tpu.memory_space<hbm>>
      %dma_wait3A_800 = tpu.memref_squeeze %dma_wait3A_799 : memref<1x80x128xf32, #tpu.memory_space<hbm>> -> memref<80x128xf32, #tpu.memory_space<hbm>>
      %dma_wait3A_801 = arith.constant 0 : i32
      %dma_wait3A_802 = arith.constant 0 : i32
      %dma_wait3A_803 = tpu.memref_slice %arg14[%dma_wait3A_801, %dma_wait3A_802] : memref<80x128xf32, #tpu.memory_space<vmem>> -> memref<80x128xf32, #tpu.memory_space<vmem>>
      tpu.wait_dma2 semaphore(%run_scoped3A : memref<!tpu.dma_semaphore, #tpu.memory_space<semaphore_mem>>) src(%dma_wait3A_803 : memref<80x128xf32, #tpu.memory_space<vmem>>) dst(%dma_wait3A_800 : memref<80x128xf32, #tpu.memory_space<hbm>>)
      tpu.yield
    }) : () -> ()
    %add3A_768 = arith.constant 480 : i32
    %add3A_769 = arith.addi %multiple_of3A, %add3A_768 : i32
    "tpu.region"() ({
      %run_scoped3A = tpu.sem_alloc : memref<!tpu.dma_semaphore, #tpu.memory_space<semaphore_mem>>
      %dma_start3A_780 = arith.constant 0 : i32
      %dma_start3A_781 = arith.constant 0 : i32
      %dma_start3A_782 = tpu.memref_slice %arg14[%dma_start3A_780, %dma_start3A_781] : memref<80x128xf32, #tpu.memory_space<vmem>> -> memref<80x128xf32, #tpu.memory_space<vmem>>
      %dma_start3A_783 = arith.constant 0 : i32
      %dma_start3A_784 = tpu.memref_slice %arg19[%add3A_769, %dma_start3A_783] : memref<10112x128xf32, #tpu.memory_space<vmem_shared>> -> memref<80x128xf32, #tpu.memory_space<vmem_shared>>
      %dma_start3A_785 = arith.constant 0 : i32
      %dma_start3A_786 = arith.constant 0 : i32
      %dma_start3A_787 = tpu.memref_slice %arg14[%dma_start3A_785, %dma_start3A_786] : memref<80x128xf32, #tpu.memory_space<vmem>> -> memref<80x128xf32, #tpu.memory_space<vmem>>
      %dma_start3A_788 = arith.constant 0 : i32
      %dma_start3A_789 = tpu.memref_slice %arg19[%add3A_769, %dma_start3A_788] : memref<10112x128xf32, #tpu.memory_space<vmem_shared>> -> memref<80x128xf32, #tpu.memory_space<vmem_shared>>
      tpu.enqueue_dma source(%dma_start3A_789 : memref<80x128xf32, #tpu.memory_space<vmem_shared>>) target(%dma_start3A_787 : memref<80x128xf32, #tpu.memory_space<vmem>>) target_semaphore(%run_scoped3A : memref<!tpu.dma_semaphore, #tpu.memory_space<semaphore_mem>>)
      %dma_wait3A_790 = arith.constant 0 : i32
      %dma_wait3A_791 = arith.constant 0 : i32
      %dma_wait3A_792 = tpu.memref_slice %arg14[%dma_wait3A_790, %dma_wait3A_791] : memref<80x128xf32, #tpu.memory_space<vmem>> -> memref<80x128xf32, #tpu.memory_space<vmem>>
      %dma_wait3A_793 = arith.constant 0 : i32
      %dma_wait3A_794 = tpu.memref_slice %arg19[%add3A_769, %dma_wait3A_793] : memref<10112x128xf32, #tpu.memory_space<vmem_shared>> -> memref<80x128xf32, #tpu.memory_space<vmem_shared>>
      %dma_wait3A_795 = arith.constant 0 : i32
      %dma_wait3A_796 = arith.constant 0 : i32
      %dma_wait3A_797 = tpu.memref_slice %arg14[%dma_wait3A_795, %dma_wait3A_796] : memref<80x128xf32, #tpu.memory_space<vmem>> -> memref<80x128xf32, #tpu.memory_space<vmem>>
      %dma_wait3A_798 = arith.constant 0 : i32
      %dma_wait3A_799 = tpu.memref_slice %arg19[%add3A_769, %dma_wait3A_798] : memref<10112x128xf32, #tpu.memory_space<vmem_shared>> -> memref<80x128xf32, #tpu.memory_space<vmem_shared>>
      tpu.wait_dma2 semaphore(%run_scoped3A : memref<!tpu.dma_semaphore, #tpu.memory_space<semaphore_mem>>) src(%dma_wait3A_799 : memref<80x128xf32, #tpu.memory_space<vmem_shared>>) dst(%dma_wait3A_797 : memref<80x128xf32, #tpu.memory_space<vmem>>)
      tpu.yield
    }) : () -> ()
    %add3A_770 = arith.constant 480 : i32
    %add3A_771 = arith.addi %multiple_of3A, %add3A_770 : i32
    "tpu.region"() ({
      %run_scoped3A = tpu.sem_alloc : memref<!tpu.dma_semaphore, #tpu.memory_space<semaphore_mem>>
      %dma_start3A_780 = arith.constant 0 : i32
      %dma_start3A_781 = arith.constant 0 : i32
      %dma_start3A_782 = tpu.memref_slice %arg14[%dma_start3A_780, %dma_start3A_781] : memref<80x128xf32, #tpu.memory_space<vmem>> -> memref<80x128xf32, #tpu.memory_space<vmem>>
      %dma_start3A_783 = arith.constant 0 : i32
      %dma_start3A_784 = tpu.memref_slice %arg6[%arg0, %add3A_771, %dma_start3A_783] : memref<2x10112x128xf32, #tpu.memory_space<hbm>> -> memref<1x80x128xf32, #tpu.memory_space<hbm>>
      %dma_start3A_785 = tpu.memref_squeeze %dma_start3A_784 : memref<1x80x128xf32, #tpu.memory_space<hbm>> -> memref<80x128xf32, #tpu.memory_space<hbm>>
      %dma_start3A_786 = arith.constant 0 : i32
      %dma_start3A_787 = tpu.memref_slice %arg6[%arg0, %add3A_771, %dma_start3A_786] : memref<2x10112x128xf32, #tpu.memory_space<hbm>> -> memref<1x80x128xf32, #tpu.memory_space<hbm>>
      %dma_start3A_788 = tpu.memref_squeeze %dma_start3A_787 : memref<1x80x128xf32, #tpu.memory_space<hbm>> -> memref<80x128xf32, #tpu.memory_space<hbm>>
      %dma_start3A_789 = arith.constant 0 : i32
      %dma_start3A_790 = arith.constant 0 : i32
      %dma_start3A_791 = tpu.memref_slice %arg14[%dma_start3A_789, %dma_start3A_790] : memref<80x128xf32, #tpu.memory_space<vmem>> -> memref<80x128xf32, #tpu.memory_space<vmem>>
      tpu.enqueue_dma source(%dma_start3A_791 : memref<80x128xf32, #tpu.memory_space<vmem>>) target(%dma_start3A_788 : memref<80x128xf32, #tpu.memory_space<hbm>>) target_semaphore(%run_scoped3A : memref<!tpu.dma_semaphore, #tpu.memory_space<semaphore_mem>>)
      %dma_wait3A_792 = arith.constant 0 : i32
      %dma_wait3A_793 = arith.constant 0 : i32
      %dma_wait3A_794 = tpu.memref_slice %arg14[%dma_wait3A_792, %dma_wait3A_793] : memref<80x128xf32, #tpu.memory_space<vmem>> -> memref<80x128xf32, #tpu.memory_space<vmem>>
      %dma_wait3A_795 = arith.constant 0 : i32
      %dma_wait3A_796 = tpu.memref_slice %arg6[%arg0, %add3A_771, %dma_wait3A_795] : memref<2x10112x128xf32, #tpu.memory_space<hbm>> -> memref<1x80x128xf32, #tpu.memory_space<hbm>>
      %dma_wait3A_797 = tpu.memref_squeeze %dma_wait3A_796 : memref<1x80x128xf32, #tpu.memory_space<hbm>> -> memref<80x128xf32, #tpu.memory_space<hbm>>
      %dma_wait3A_798 = arith.constant 0 : i32
      %dma_wait3A_799 = tpu.memref_slice %arg6[%arg0, %add3A_771, %dma_wait3A_798] : memref<2x10112x128xf32, #tpu.memory_space<hbm>> -> memref<1x80x128xf32, #tpu.memory_space<hbm>>
      %dma_wait3A_800 = tpu.memref_squeeze %dma_wait3A_799 : memref<1x80x128xf32, #tpu.memory_space<hbm>> -> memref<80x128xf32, #tpu.memory_space<hbm>>
      %dma_wait3A_801 = arith.constant 0 : i32
      %dma_wait3A_802 = arith.constant 0 : i32
      %dma_wait3A_803 = tpu.memref_slice %arg14[%dma_wait3A_801, %dma_wait3A_802] : memref<80x128xf32, #tpu.memory_space<vmem>> -> memref<80x128xf32, #tpu.memory_space<vmem>>
      tpu.wait_dma2 semaphore(%run_scoped3A : memref<!tpu.dma_semaphore, #tpu.memory_space<semaphore_mem>>) src(%dma_wait3A_803 : memref<80x128xf32, #tpu.memory_space<vmem>>) dst(%dma_wait3A_800 : memref<80x128xf32, #tpu.memory_space<hbm>>)
      tpu.yield
    }) : () -> ()
    %add3A_772 = arith.constant 560 : i32
    %add3A_773 = arith.addi %multiple_of3A, %add3A_772 : i32
    "tpu.region"() ({
      %run_scoped3A = tpu.sem_alloc : memref<!tpu.dma_semaphore, #tpu.memory_space<semaphore_mem>>
      %dma_start3A_780 = arith.constant 0 : i32
      %dma_start3A_781 = arith.constant 0 : i32
      %dma_start3A_782 = tpu.memref_slice %arg14[%dma_start3A_780, %dma_start3A_781] : memref<80x128xf32, #tpu.memory_space<vmem>> -> memref<72x128xf32, #tpu.memory_space<vmem>>
      %dma_start3A_783 = arith.constant 0 : i32
      %dma_start3A_784 = tpu.memref_slice %arg19[%add3A_773, %dma_start3A_783] : memref<10112x128xf32, #tpu.memory_space<vmem_shared>> -> memref<72x128xf32, #tpu.memory_space<vmem_shared>>
      %dma_start3A_785 = arith.constant 0 : i32
      %dma_start3A_786 = arith.constant 0 : i32
      %dma_start3A_787 = tpu.memref_slice %arg14[%dma_start3A_785, %dma_start3A_786] : memref<80x128xf32, #tpu.memory_space<vmem>> -> memref<72x128xf32, #tpu.memory_space<vmem>>
      %dma_start3A_788 = arith.constant 0 : i32
      %dma_start3A_789 = tpu.memref_slice %arg19[%add3A_773, %dma_start3A_788] : memref<10112x128xf32, #tpu.memory_space<vmem_shared>> -> memref<72x128xf32, #tpu.memory_space<vmem_shared>>
      tpu.enqueue_dma source(%dma_start3A_789 : memref<72x128xf32, #tpu.memory_space<vmem_shared>>) target(%dma_start3A_787 : memref<72x128xf32, #tpu.memory_space<vmem>>) target_semaphore(%run_scoped3A : memref<!tpu.dma_semaphore, #tpu.memory_space<semaphore_mem>>)
      %dma_wait3A_790 = arith.constant 0 : i32
      %dma_wait3A_791 = arith.constant 0 : i32
      %dma_wait3A_792 = tpu.memref_slice %arg14[%dma_wait3A_790, %dma_wait3A_791] : memref<80x128xf32, #tpu.memory_space<vmem>> -> memref<72x128xf32, #tpu.memory_space<vmem>>
      %dma_wait3A_793 = arith.constant 0 : i32
      %dma_wait3A_794 = tpu.memref_slice %arg19[%add3A_773, %dma_wait3A_793] : memref<10112x128xf32, #tpu.memory_space<vmem_shared>> -> memref<72x128xf32, #tpu.memory_space<vmem_shared>>
      %dma_wait3A_795 = arith.constant 0 : i32
      %dma_wait3A_796 = arith.constant 0 : i32
      %dma_wait3A_797 = tpu.memref_slice %arg14[%dma_wait3A_795, %dma_wait3A_796] : memref<80x128xf32, #tpu.memory_space<vmem>> -> memref<72x128xf32, #tpu.memory_space<vmem>>
      %dma_wait3A_798 = arith.constant 0 : i32
      %dma_wait3A_799 = tpu.memref_slice %arg19[%add3A_773, %dma_wait3A_798] : memref<10112x128xf32, #tpu.memory_space<vmem_shared>> -> memref<72x128xf32, #tpu.memory_space<vmem_shared>>
      tpu.wait_dma2 semaphore(%run_scoped3A : memref<!tpu.dma_semaphore, #tpu.memory_space<semaphore_mem>>) src(%dma_wait3A_799 : memref<72x128xf32, #tpu.memory_space<vmem_shared>>) dst(%dma_wait3A_797 : memref<72x128xf32, #tpu.memory_space<vmem>>)
      tpu.yield
    }) : () -> ()
    %add3A_774 = arith.constant 560 : i32
    %add3A_775 = arith.addi %multiple_of3A, %add3A_774 : i32
    "tpu.region"() ({
      %run_scoped3A = tpu.sem_alloc : memref<!tpu.dma_semaphore, #tpu.memory_space<semaphore_mem>>
      %dma_start3A_780 = arith.constant 0 : i32
      %dma_start3A_781 = arith.constant 0 : i32
      %dma_start3A_782 = tpu.memref_slice %arg14[%dma_start3A_780, %dma_start3A_781] : memref<80x128xf32, #tpu.memory_space<vmem>> -> memref<72x128xf32, #tpu.memory_space<vmem>>
      %dma_start3A_783 = arith.constant 0 : i32
      %dma_start3A_784 = tpu.memref_slice %arg6[%arg0, %add3A_775, %dma_start3A_783] : memref<2x10112x128xf32, #tpu.memory_space<hbm>> -> memref<1x72x128xf32, #tpu.memory_space<hbm>>
      %dma_start3A_785 = tpu.memref_squeeze %dma_start3A_784 : memref<1x72x128xf32, #tpu.memory_space<hbm>> -> memref<72x128xf32, #tpu.memory_space<hbm>>
      %dma_start3A_786 = arith.constant 0 : i32
      %dma_start3A_787 = tpu.memref_slice %arg6[%arg0, %add3A_775, %dma_start3A_786] : memref<2x10112x128xf32, #tpu.memory_space<hbm>> -> memref<1x72x128xf32, #tpu.memory_space<hbm>>
      %dma_start3A_788 = tpu.memref_squeeze %dma_start3A_787 : memref<1x72x128xf32, #tpu.memory_space<hbm>> -> memref<72x128xf32, #tpu.memory_space<hbm>>
      %dma_start3A_789 = arith.constant 0 : i32
      %dma_start3A_790 = arith.constant 0 : i32
      %dma_start3A_791 = tpu.memref_slice %arg14[%dma_start3A_789, %dma_start3A_790] : memref<80x128xf32, #tpu.memory_space<vmem>> -> memref<72x128xf32, #tpu.memory_space<vmem>>
      tpu.enqueue_dma source(%dma_start3A_791 : memref<72x128xf32, #tpu.memory_space<vmem>>) target(%dma_start3A_788 : memref<72x128xf32, #tpu.memory_space<hbm>>) target_semaphore(%run_scoped3A : memref<!tpu.dma_semaphore, #tpu.memory_space<semaphore_mem>>)
      %dma_wait3A_792 = arith.constant 0 : i32
      %dma_wait3A_793 = arith.constant 0 : i32
      %dma_wait3A_794 = tpu.memref_slice %arg14[%dma_wait3A_792, %dma_wait3A_793] : memref<80x128xf32, #tpu.memory_space<vmem>> -> memref<72x128xf32, #tpu.memory_space<vmem>>
      %dma_wait3A_795 = arith.constant 0 : i32
      %dma_wait3A_796 = tpu.memref_slice %arg6[%arg0, %add3A_775, %dma_wait3A_795] : memref<2x10112x128xf32, #tpu.memory_space<hbm>> -> memref<1x72x128xf32, #tpu.memory_space<hbm>>
      %dma_wait3A_797 = tpu.memref_squeeze %dma_wait3A_796 : memref<1x72x128xf32, #tpu.memory_space<hbm>> -> memref<72x128xf32, #tpu.memory_space<hbm>>
      %dma_wait3A_798 = arith.constant 0 : i32
      %dma_wait3A_799 = tpu.memref_slice %arg6[%arg0, %add3A_775, %dma_wait3A_798] : memref<2x10112x128xf32, #tpu.memory_space<hbm>> -> memref<1x72x128xf32, #tpu.memory_space<hbm>>
      %dma_wait3A_800 = tpu.memref_squeeze %dma_wait3A_799 : memref<1x72x128xf32, #tpu.memory_space<hbm>> -> memref<72x128xf32, #tpu.memory_space<hbm>>
      %dma_wait3A_801 = arith.constant 0 : i32
      %dma_wait3A_802 = arith.constant 0 : i32
      %dma_wait3A_803 = tpu.memref_slice %arg14[%dma_wait3A_801, %dma_wait3A_802] : memref<80x128xf32, #tpu.memory_space<vmem>> -> memref<72x128xf32, #tpu.memory_space<vmem>>
      tpu.wait_dma2 semaphore(%run_scoped3A : memref<!tpu.dma_semaphore, #tpu.memory_space<semaphore_mem>>) src(%dma_wait3A_803 : memref<72x128xf32, #tpu.memory_space<vmem>>) dst(%dma_wait3A_800 : memref<72x128xf32, #tpu.memory_space<hbm>>)
      tpu.yield
    }) : () -> ()
    "tpu.region"() ({
      %run_scoped3A = tpu.sem_alloc : memref<!tpu.dma_semaphore, #tpu.memory_space<semaphore_mem>>
      %dma_start3A_780 = arith.constant 0 : i32
      %dma_start3A_781 = tpu.memref_slice %arg18[%dma_start3A_780] : memref<640xf32, #tpu.memory_space<vmem>> -> memref<632xf32, #tpu.memory_space<vmem>>
      %dma_start3A_782 = tpu.memref_slice %arg20[%multiple_of3A] : memref<10112xf32, #tpu.memory_space<vmem_shared>> -> memref<632xf32, #tpu.memory_space<vmem_shared>>
      %dma_start3A_783 = arith.constant 0 : i32
      %dma_start3A_784 = tpu.memref_slice %arg18[%dma_start3A_783] : memref<640xf32, #tpu.memory_space<vmem>> -> memref<632xf32, #tpu.memory_space<vmem>>
      %dma_start3A_785 = tpu.memref_slice %arg20[%multiple_of3A] : memref<10112xf32, #tpu.memory_space<vmem_shared>> -> memref<632xf32, #tpu.memory_space<vmem_shared>>
      tpu.enqueue_dma source(%dma_start3A_785 : memref<632xf32, #tpu.memory_space<vmem_shared>>) target(%dma_start3A_784 : memref<632xf32, #tpu.memory_space<vmem>>) target_semaphore(%run_scoped3A : memref<!tpu.dma_semaphore, #tpu.memory_space<semaphore_mem>>)
      %dma_wait3A_786 = arith.constant 0 : i32
      %dma_wait3A_787 = tpu.memref_slice %arg18[%dma_wait3A_786] : memref<640xf32, #tpu.memory_space<vmem>> -> memref<632xf32, #tpu.memory_space<vmem>>
      %dma_wait3A_788 = tpu.memref_slice %arg20[%multiple_of3A] : memref<10112xf32, #tpu.memory_space<vmem_shared>> -> memref<632xf32, #tpu.memory_space<vmem_shared>>
      %dma_wait3A_789 = arith.constant 0 : i32
      %dma_wait3A_790 = tpu.memref_slice %arg18[%dma_wait3A_789] : memref<640xf32, #tpu.memory_space<vmem>> -> memref<632xf32, #tpu.memory_space<vmem>>
      %dma_wait3A_791 = tpu.memref_slice %arg20[%multiple_of3A] : memref<10112xf32, #tpu.memory_space<vmem_shared>> -> memref<632xf32, #tpu.memory_space<vmem_shared>>
      tpu.wait_dma2 semaphore(%run_scoped3A : memref<!tpu.dma_semaphore, #tpu.memory_space<semaphore_mem>>) src(%dma_wait3A_791 : memref<632xf32, #tpu.memory_space<vmem_shared>>) dst(%dma_wait3A_790 : memref<632xf32, #tpu.memory_space<vmem>>)
      tpu.yield
    }) : () -> ()
    %mul3A_776 = arith.constant 10112 : i32
    %mul3A_777 = arith.muli %arg0, %mul3A_776 : i32
    %add3A_778 = arith.addi %mul3A_777, %multiple_of3A : i32
    %multiple_of3A_779 = tpu.assume_multiple %add3A_778, 8 : i32
    "tpu.region"() ({
      %run_scoped3A = tpu.sem_alloc : memref<!tpu.dma_semaphore, #tpu.memory_space<semaphore_mem>>
      %dma_start3A_780 = arith.constant 0 : i32
      %dma_start3A_781 = tpu.memref_slice %arg18[%dma_start3A_780] : memref<640xf32, #tpu.memory_space<vmem>> -> memref<632xf32, #tpu.memory_space<vmem>>
      %dma_start3A_782 = tpu.memref_slice %arg7[%multiple_of3A_779] : memref<20224xf32, #tpu.memory_space<hbm>> -> memref<632xf32, #tpu.memory_space<hbm>>
      %dma_start3A_783 = tpu.memref_slice %arg7[%multiple_of3A_779] : memref<20224xf32, #tpu.memory_space<hbm>> -> memref<632xf32, #tpu.memory_space<hbm>>
      %dma_start3A_784 = arith.constant 0 : i32
      %dma_start3A_785 = tpu.memref_slice %arg18[%dma_start3A_784] : memref<640xf32, #tpu.memory_space<vmem>> -> memref<632xf32, #tpu.memory_space<vmem>>
      tpu.enqueue_dma source(%dma_start3A_785 : memref<632xf32, #tpu.memory_space<vmem>>) target(%dma_start3A_783 : memref<632xf32, #tpu.memory_space<hbm>>) target_semaphore(%run_scoped3A : memref<!tpu.dma_semaphore, #tpu.memory_space<semaphore_mem>>)
      %dma_wait3A_786 = arith.constant 0 : i32
      %dma_wait3A_787 = tpu.memref_slice %arg18[%dma_wait3A_786] : memref<640xf32, #tpu.memory_space<vmem>> -> memref<632xf32, #tpu.memory_space<vmem>>
      %dma_wait3A_788 = tpu.memref_slice %arg7[%multiple_of3A_779] : memref<20224xf32, #tpu.memory_space<hbm>> -> memref<632xf32, #tpu.memory_space<hbm>>
      %dma_wait3A_789 = tpu.memref_slice %arg7[%multiple_of3A_779] : memref<20224xf32, #tpu.memory_space<hbm>> -> memref<632xf32, #tpu.memory_space<hbm>>
      %dma_wait3A_790 = arith.constant 0 : i32
      %dma_wait3A_791 = tpu.memref_slice %arg18[%dma_wait3A_790] : memref<640xf32, #tpu.memory_space<vmem>> -> memref<632xf32, #tpu.memory_space<vmem>>
      tpu.wait_dma2 semaphore(%run_scoped3A : memref<!tpu.dma_semaphore, #tpu.memory_space<semaphore_mem>>) src(%dma_wait3A_791 : memref<632xf32, #tpu.memory_space<vmem>>) dst(%dma_wait3A_789 : memref<632xf32, #tpu.memory_space<hbm>>)
      tpu.yield
    }) : () -> ()
    return
  }
}

module attributes {stable_mosaic.version = 14 : i64} {
  func.func @_q_body(%arg0: i32, %arg1: memref<1600x16xf32, #tpu.memory_space<vmem>>, %arg2: memref<16x128xf32, #tpu.memory_space<vmem>>, %arg3: memref<1x128xf32, #tpu.memory_space<vmem>>, %arg4: memref<1600x128xf32, #tpu.memory_space<vmem>>) attributes {dimension_semantics = [#tpu.dimension_semantics<arbitrary>], iteration_bounds = array<i64: 200>, scalar_prefetch = 0 : i64, scratch_operands = 0 : i64, tpu.core_type = #tpu.core_type<tc>, window_params = [{transform_indices = @transform_0, window_bounds = array<i64: 1600, 16>}, {pipeline_mode = #tpu.pipeline_mode<synchronous>, transform_indices = @transform_1, window_bounds = array<i64: 16, 128>}, {pipeline_mode = #tpu.pipeline_mode<synchronous>, transform_indices = @transform_2, window_bounds = array<i64: 1, 128>}, {transform_indices = @transform_3, window_bounds = array<i64: 1600, 128>}]} {
    %get3A = arith.constant 0 : index
    %get3A_0 = arith.constant 0 : index
    %get3A_1 = vector.load %arg1[%get3A, %get3A_0] : memref<1600x16xf32, #tpu.memory_space<vmem>>, vector<1600x16xf32>
    %get3A_2 = arith.constant 0 : index
    %get3A_3 = arith.constant 0 : index
    %get3A_4 = vector.load %arg2[%get3A_2, %get3A_3] : memref<16x128xf32, #tpu.memory_space<vmem>>, vector<16x128xf32>
    %dot_general3A = arith.constant dense<0.000000e+00> : vector<1600x128xf32>
    %dot_general3A_5 = tpu.matmul %get3A_1, %get3A_4, %dot_general3A {dimension_numbers = #tpu.dot_dimension_numbers<[1], [0], [0], [1], [0, 0, 1, 1], [], []>, transpose_lhs_hint = false} : vector<1600x16xf32>, vector<16x128xf32>, vector<1600x128xf32> -> vector<1600x128xf32>
    %get3A_6 = arith.constant 0 : index
    %get3A_7 = arith.constant 0 : index
    %get3A_8 = vector.load %arg3[%get3A_6, %get3A_7] : memref<1x128xf32, #tpu.memory_space<vmem>>, vector<1x128xf32>
    %add3A = vector.broadcast %get3A_8 : vector<1x128xf32> to vector<1600x128xf32>
    %add3A_9 = arith.addf %dot_general3A_5, %add3A : vector<1600x128xf32>
    %swap3A = arith.constant 0 : index
    %swap3A_10 = arith.constant 0 : index
    %swap3A_11 = vector.load %arg4[%swap3A, %swap3A_10] : memref<1600x128xf32, #tpu.memory_space<vmem>>, vector<1600x128xf32>
    tpu.vector_store %arg4[%swap3A, %swap3A_10], %add3A_9 {strides = array<i32>} : memref<1600x128xf32, #tpu.memory_space<vmem>>, vector<1600x128xf32>,
    return
  }
  func.func @transform_0(%arg0: i32) -> (i32, i32) {
    %c0_i32 = arith.constant 0 : i32
    %c0_i32_0 = arith.constant 0 : i32
    return %arg0, %c0_i32 : i32, i32
  }
  func.func @transform_1(%arg0: i32) -> (i32, i32) {
    %c0_i32 = arith.constant 0 : i32
    %c0_i32_0 = arith.constant 0 : i32
    %c0_i32_1 = arith.constant 0 : i32
    return %c0_i32, %c0_i32_0 : i32, i32
  }
  func.func @transform_2(%arg0: i32) -> (i32, i32) {
    %c0_i32 = arith.constant 0 : i32
    %c0_i32_0 = arith.constant 0 : i32
    %c0_i32_1 = arith.constant 0 : i32
    return %c0_i32, %c0_i32_0 : i32, i32
  }
  func.func @transform_3(%arg0: i32) -> (i32, i32) {
    %c0_i32 = arith.constant 0 : i32
    %c0_i32_0 = arith.constant 0 : i32
    return %arg0, %c0_i32 : i32, i32
  }
}

module attributes {stable_mosaic.version = 14 : i64} {
  func.func @_precompute_body(%arg0: memref<10000x128xf32, #tpu.memory_space<vmem>>, %arg1: memref<128x128xf32, #tpu.memory_space<vmem>>, %arg2: memref<1x64xf32, #tpu.memory_space<vmem>>, %arg3: memref<64x128xf32, #tpu.memory_space<vmem>>, %arg4: memref<1x128xf32, #tpu.memory_space<vmem>>, %arg5: memref<64x128xf32, #tpu.memory_space<vmem>>, %arg6: memref<1x128xf32, #tpu.memory_space<vmem>>, %arg7: memref<10000x128xf32, #tpu.memory_space<vmem>>, %arg8: memref<1x128xf32, #tpu.memory_space<vmem>>, %arg9: memref<1x128xf32, #tpu.memory_space<vmem>>) attributes {dimension_semantics = [], scalar_prefetch = 0 : i64, scratch_operands = 0 : i64, tpu.core_type = #tpu.core_type<tc>} {
    %get3A = arith.constant 0 : index
    %get3A_0 = arith.constant 0 : index
    %get3A_1 = vector.load %arg0[%get3A, %get3A_0] : memref<10000x128xf32, #tpu.memory_space<vmem>>, vector<10000x128xf32>
    %get3A_2 = arith.constant 0 : index
    %get3A_3 = arith.constant 0 : index
    %get3A_4 = vector.load %arg1[%get3A_2, %get3A_3] : memref<128x128xf32, #tpu.memory_space<vmem>>, vector<128x128xf32>
    %dot_general3A = arith.constant dense<0.000000e+00> : vector<10000x128xf32>
    %dot_general3A_5 = tpu.matmul %get3A_1, %get3A_4, %dot_general3A {dimension_numbers = #tpu.dot_dimension_numbers<[1], [0], [0], [1], [0, 0, 1, 1], [], []>, transpose_lhs_hint = false} : vector<10000x128xf32>, vector<128x128xf32>, vector<10000x128xf32> -> vector<10000x128xf32>
    %swap3A = arith.constant 0 : index
    %swap3A_6 = arith.constant 0 : index
    %swap3A_7 = vector.load %arg7[%swap3A, %swap3A_6] : memref<10000x128xf32, #tpu.memory_space<vmem>>, vector<10000x128xf32>
    tpu.vector_store %arg7[%swap3A, %swap3A_6], %dot_general3A_5 {strides = array<i32>} : memref<10000x128xf32, #tpu.memory_space<vmem>>, vector<10000x128xf32>,
    %get3A_8 = arith.constant 0 : index
    %get3A_9 = arith.constant 0 : index
    %get3A_10 = vector.load %arg2[%get3A_8, %get3A_9] : memref<1x64xf32, #tpu.memory_space<vmem>>, vector<1x64xf32>
    %get3A_11 = arith.constant 0 : index
    %get3A_12 = arith.constant 0 : index
    %get3A_13 = vector.load %arg3[%get3A_11, %get3A_12] : memref<64x128xf32, #tpu.memory_space<vmem>>, vector<64x128xf32>
    %dot_general3A_14 = arith.constant dense<0.000000e+00> : vector<1x128xf32>
    %dot_general3A_15 = tpu.matmul %get3A_10, %get3A_13, %dot_general3A_14 {dimension_numbers = #tpu.dot_dimension_numbers<[1], [0], [0], [1], [0, 0, 1, 1], [], []>, transpose_lhs_hint = false} : vector<1x64xf32>, vector<64x128xf32>, vector<1x128xf32> -> vector<1x128xf32>
    %get3A_16 = arith.constant 0 : index
    %get3A_17 = arith.constant 0 : index
    %get3A_18 = vector.load %arg4[%get3A_16, %get3A_17] : memref<1x128xf32, #tpu.memory_space<vmem>>, vector<1x128xf32>
    %add3A = arith.addf %dot_general3A_15, %get3A_18 : vector<1x128xf32>
    %swap3A_19 = arith.constant 0 : index
    %swap3A_20 = arith.constant 0 : index
    %swap3A_21 = vector.load %arg8[%swap3A_19, %swap3A_20] : memref<1x128xf32, #tpu.memory_space<vmem>>, vector<1x128xf32>
    tpu.vector_store %arg8[%swap3A_19, %swap3A_20], %add3A {strides = array<i32>} : memref<1x128xf32, #tpu.memory_space<vmem>>, vector<1x128xf32>,
    %get3A_22 = arith.constant 0 : index
    %get3A_23 = arith.constant 0 : index
    %get3A_24 = vector.load %arg5[%get3A_22, %get3A_23] : memref<64x128xf32, #tpu.memory_space<vmem>>, vector<64x128xf32>
    %dot_general3A_25 = arith.constant dense<0.000000e+00> : vector<1x128xf32>
    %dot_general3A_26 = tpu.matmul %get3A_10, %get3A_24, %dot_general3A_25 {dimension_numbers = #tpu.dot_dimension_numbers<[1], [0], [0], [1], [0, 0, 1, 1], [], []>, transpose_lhs_hint = false} : vector<1x64xf32>, vector<64x128xf32>, vector<1x128xf32> -> vector<1x128xf32>
    %get3A_27 = arith.constant 0 : index
    %get3A_28 = arith.constant 0 : index
    %get3A_29 = vector.load %arg6[%get3A_27, %get3A_28] : memref<1x128xf32, #tpu.memory_space<vmem>>, vector<1x128xf32>
    %add3A_30 = arith.addf %dot_general3A_26, %get3A_29 : vector<1x128xf32>
    %swap3A_31 = arith.constant 0 : index
    %swap3A_32 = arith.constant 0 : index
    %swap3A_33 = vector.load %arg9[%swap3A_31, %swap3A_32] : memref<1x128xf32, #tpu.memory_space<vmem>>, vector<1x128xf32>
    tpu.vector_store %arg9[%swap3A_31, %swap3A_32], %add3A_30 {strides = array<i32>} : memref<1x128xf32, #tpu.memory_space<vmem>>, vector<1x128xf32>,
    return
  }
}

module attributes {stable_mosaic.version = 14 : i64} {
  func.func @_final_body(%arg0: i32, %arg1: memref<2x2000x128xf32, #tpu.memory_space<vmem>>, %arg2: memref<2x1x2000x1xf32, #tpu.memory_space<vmem>>, %arg3: memref<2000x128xf32, #tpu.memory_space<vmem>>, %arg4: memref<128x128xf32, #tpu.memory_space<vmem>>, %arg5: memref<1x128xf32, #tpu.memory_space<vmem>>, %arg6: memref<128x128xf32, #tpu.memory_space<vmem>>, %arg7: memref<128x128xf32, #tpu.memory_space<vmem>>, %arg8: memref<1x128xf32, #tpu.memory_space<vmem>>, %arg9: memref<128x128xf32, #tpu.memory_space<vmem>>, %arg10: memref<1x128xf32, #tpu.memory_space<vmem>>, %arg11: memref<1x128xf32, #tpu.memory_space<vmem>>, %arg12: memref<1x128xf32, #tpu.memory_space<vmem>>, %arg13: memref<2000x128xf32, #tpu.memory_space<vmem>>) attributes {dimension_semantics = [#tpu.dimension_semantics<arbitrary>], iteration_bounds = array<i64: 5>, scalar_prefetch = 0 : i64, scratch_operands = 0 : i64, tpu.core_type = #tpu.core_type<tc>, window_params = [{transform_indices = @transform_0, window_bounds = array<i64: 2, 2000, 128>}, {transform_indices = @transform_1, window_bounds = array<i64: 2, 1, 2000, 1>}, {transform_indices = @transform_2, window_bounds = array<i64: 2000, 128>}, {pipeline_mode = #tpu.pipeline_mode<synchronous>, transform_indices = @transform_3, window_bounds = array<i64: 128, 128>}, {pipeline_mode = #tpu.pipeline_mode<synchronous>, transform_indices = @transform_4, window_bounds = array<i64: 1, 128>}, {pipeline_mode = #tpu.pipeline_mode<synchronous>, transform_indices = @transform_5, window_bounds = array<i64: 128, 128>}, {pipeline_mode = #tpu.pipeline_mode<synchronous>, transform_indices = @transform_6, window_bounds = array<i64: 128, 128>}, {pipeline_mode = #tpu.pipeline_mode<synchronous>, transform_indices = @transform_7, window_bounds = array<i64: 1, 128>}, {pipeline_mode = #tpu.pipeline_mode<synchronous>, transform_indices = @transform_8, window_bounds = array<i64: 128, 128>}, {pipeline_mode = #tpu.pipeline_mode<synchronous>, transform_indices = @transform_9, window_bounds = array<i64: 1, 128>}, {pipeline_mode = #tpu.pipeline_mode<synchronous>, transform_indices = @transform_10, window_bounds = array<i64: 1, 128>}, {pipeline_mode = #tpu.pipeline_mode<synchronous>, transform_indices = @transform_11, window_bounds = array<i64: 1, 128>}, {transform_indices = @transform_12, window_bounds = array<i64: 2000, 128>}]} {
    %get3A = arith.constant 0 : index
    %get3A_0 = arith.constant 0 : index
    %get3A_1 = arith.constant 0 : index
    %get3A_2 = vector.load %arg1[%get3A, %get3A_0, %get3A_1] : memref<2x2000x128xf32, #tpu.memory_space<vmem>>, vector<1x2000x128xf32>
    %get3A_3 = vector.shape_cast %get3A_2 : vector<1x2000x128xf32> to vector<2000x128xf32>
    %get3A_4 = arith.constant 1 : index
    %get3A_5 = arith.constant 0 : index
    %get3A_6 = arith.constant 0 : index
    %get3A_7 = vector.load %arg1[%get3A_4, %get3A_5, %get3A_6] : memref<2x2000x128xf32, #tpu.memory_space<vmem>>, vector<1x2000x128xf32>
    %get3A_8 = vector.shape_cast %get3A_7 : vector<1x2000x128xf32> to vector<2000x128xf32>
    %add3A = arith.addf %get3A_3, %get3A_8 : vector<2000x128xf32>
    %get3A_9 = arith.constant 0 : index
    %get3A_10 = arith.constant 0 : index
    %get3A_11 = arith.constant 0 : index
    %get3A_12 = arith.constant 0 : index
    %get3A_13 = vector.load %arg2[%get3A_9, %get3A_10, %get3A_11, %get3A_12] : memref<2x1x2000x1xf32, #tpu.memory_space<vmem>>, vector<1x1x2000x1xf32>
    %get3A_14 = vector.shape_cast %get3A_13 : vector<1x1x2000x1xf32> to vector<2000x1xf32>
    %get3A_15 = arith.constant 1 : index
    %get3A_16 = arith.constant 0 : index
    %get3A_17 = arith.constant 0 : index
    %get3A_18 = arith.constant 0 : index
    %get3A_19 = vector.load %arg2[%get3A_15, %get3A_16, %get3A_17, %get3A_18] : memref<2x1x2000x1xf32, #tpu.memory_space<vmem>>, vector<1x1x2000x1xf32>
    %get3A_20 = vector.shape_cast %get3A_19 : vector<1x1x2000x1xf32> to vector<2000x1xf32>
    %add3A_21 = arith.addf %get3A_14, %get3A_20 : vector<2000x1xf32>
    %get3A_22 = arith.constant 0 : index
    %get3A_23 = arith.constant 0 : index
    %get3A_24 = vector.load %arg4[%get3A_22, %get3A_23] : memref<128x128xf32, #tpu.memory_space<vmem>>, vector<128x128xf32>
    %dot_general3A = arith.constant dense<0.000000e+00> : vector<2000x128xf32>
    %dot_general3A_25 = tpu.matmul %add3A, %get3A_24, %dot_general3A {dimension_numbers = #tpu.dot_dimension_numbers<[1], [0], [0], [1], [0, 0, 1, 1], [], []>, transpose_lhs_hint = false} : vector<2000x128xf32>, vector<128x128xf32>, vector<2000x128xf32> -> vector<2000x128xf32>
    %get3A_26 = arith.constant 0 : index
    %get3A_27 = arith.constant 0 : index
    %get3A_28 = vector.load %arg5[%get3A_26, %get3A_27] : memref<1x128xf32, #tpu.memory_space<vmem>>, vector<1x128xf32>
    %mul3A = vector.broadcast %add3A_21 : vector<2000x1xf32> to vector<2000x128xf32>
    %mul3A_29 = vector.broadcast %get3A_28 : vector<1x128xf32> to vector<2000x128xf32>
    %mul3A_30 = arith.mulf %mul3A, %mul3A_29 : vector<2000x128xf32>
    %add3A_31 = arith.addf %dot_general3A_25, %mul3A_30 : vector<2000x128xf32>
    %max3A = arith.constant 1.000000e+00 : f32
    %max3A_32 = vector.broadcast %max3A : f32 to vector<2000x1xf32>
    %max3A_33 = arith.maximumf %add3A_21, %max3A_32 : vector<2000x1xf32>
    %div3A = vector.broadcast %max3A_33 : vector<2000x1xf32> to vector<2000x128xf32>
    %div3A_34 = arith.divf %add3A_31, %div3A : vector<2000x128xf32>
    %get3A_35 = arith.constant 0 : index
    %get3A_36 = arith.constant 0 : index
    %get3A_37 = vector.load %arg3[%get3A_35, %get3A_36] : memref<2000x128xf32, #tpu.memory_space<vmem>>, vector<2000x128xf32>
    %get3A_38 = arith.constant 0 : index
    %get3A_39 = arith.constant 0 : index
    %get3A_40 = vector.load %arg6[%get3A_38, %get3A_39] : memref<128x128xf32, #tpu.memory_space<vmem>>, vector<128x128xf32>
    %dot_general3A_41 = arith.constant dense<0.000000e+00> : vector<2000x128xf32>
    %dot_general3A_42 = tpu.matmul %get3A_37, %get3A_40, %dot_general3A_41 {dimension_numbers = #tpu.dot_dimension_numbers<[1], [0], [0], [1], [0, 0, 1, 1], [], []>, transpose_lhs_hint = false} : vector<2000x128xf32>, vector<128x128xf32>, vector<2000x128xf32> -> vector<2000x128xf32>
    %get3A_43 = arith.constant 0 : index
    %get3A_44 = arith.constant 0 : index
    %get3A_45 = vector.load %arg7[%get3A_43, %get3A_44] : memref<128x128xf32, #tpu.memory_space<vmem>>, vector<128x128xf32>
    %dot_general3A_46 = arith.constant dense<0.000000e+00> : vector<2000x128xf32>
    %dot_general3A_47 = tpu.matmul %div3A_34, %get3A_45, %dot_general3A_46 {dimension_numbers = #tpu.dot_dimension_numbers<[1], [0], [0], [1], [0, 0, 1, 1], [], []>, transpose_lhs_hint = false} : vector<2000x128xf32>, vector<128x128xf32>, vector<2000x128xf32> -> vector<2000x128xf32>
    %add3A_48 = arith.addf %dot_general3A_42, %dot_general3A_47 : vector<2000x128xf32>
    %get3A_49 = arith.constant 0 : index
    %get3A_50 = arith.constant 0 : index
    %get3A_51 = vector.load %arg8[%get3A_49, %get3A_50] : memref<1x128xf32, #tpu.memory_space<vmem>>, vector<1x128xf32>
    %add3A_52 = vector.broadcast %get3A_51 : vector<1x128xf32> to vector<2000x128xf32>
    %add3A_53 = arith.addf %add3A_48, %add3A_52 : vector<2000x128xf32>
    %max3A_54 = arith.constant 0.000000e+00 : f32
    %max3A_55 = vector.broadcast %max3A_54 : f32 to vector<2000x128xf32>
    %max3A_56 = arith.maximumf %add3A_53, %max3A_55 : vector<2000x128xf32>
    %get3A_57 = arith.constant 0 : index
    %get3A_58 = arith.constant 0 : index
    %get3A_59 = vector.load %arg9[%get3A_57, %get3A_58] : memref<128x128xf32, #tpu.memory_space<vmem>>, vector<128x128xf32>
    %dot_general3A_60 = arith.constant dense<0.000000e+00> : vector<2000x128xf32>
    %dot_general3A_61 = tpu.matmul %max3A_56, %get3A_59, %dot_general3A_60 {dimension_numbers = #tpu.dot_dimension_numbers<[1], [0], [0], [1], [0, 0, 1, 1], [], []>, transpose_lhs_hint = false} : vector<2000x128xf32>, vector<128x128xf32>, vector<2000x128xf32> -> vector<2000x128xf32>
    %get3A_62 = arith.constant 0 : index
    %get3A_63 = arith.constant 0 : index
    %get3A_64 = vector.load %arg10[%get3A_62, %get3A_63] : memref<1x128xf32, #tpu.memory_space<vmem>>, vector<1x128xf32>
    %add3A_65 = vector.broadcast %get3A_64 : vector<1x128xf32> to vector<2000x128xf32>
    %add3A_66 = arith.addf %dot_general3A_61, %add3A_65 : vector<2000x128xf32>
    %add3A_67 = arith.addf %get3A_37, %add3A_66 : vector<2000x128xf32>
    %reduce_sum3A = arith.constant dense<0.000000e+00> : vector<2000xf32>
    %reduce_sum3A_68 = vector.multi_reduction <add>, %add3A_67, %reduce_sum3A [1] : vector<2000x128xf32> to vector<2000xf32>
    %broadcast_in_dim3A = vector.shape_cast %reduce_sum3A_68 : vector<2000xf32> to vector<2000x1xf32>
    %div3A_69 = arith.constant 1.280000e+02 : f32
    %div3A_70 = vector.broadcast %div3A_69 : f32 to vector<2000x1xf32>
    %div3A_71 = arith.divf %broadcast_in_dim3A, %div3A_70 : vector<2000x1xf32>
    %sub3A = vector.broadcast %div3A_71 : vector<2000x1xf32> to vector<2000x128xf32>
    %sub3A_72 = arith.subf %add3A_67, %sub3A : vector<2000x128xf32>
    %mul3A_73 = arith.mulf %sub3A_72, %sub3A_72 : vector<2000x128xf32>
    %reduce_sum3A_74 = arith.constant dense<0.000000e+00> : vector<2000xf32>
    %reduce_sum3A_75 = vector.multi_reduction <add>, %mul3A_73, %reduce_sum3A_74 [1] : vector<2000x128xf32> to vector<2000xf32>
    %broadcast_in_dim3A_76 = vector.shape_cast %reduce_sum3A_75 : vector<2000xf32> to vector<2000x1xf32>
    %div3A_77 = arith.constant 1.280000e+02 : f32
    %div3A_78 = vector.broadcast %div3A_77 : f32 to vector<2000x1xf32>
    %div3A_79 = arith.divf %broadcast_in_dim3A_76, %div3A_78 : vector<2000x1xf32>
    %add3A_80 = arith.constant 9.99999974E-6 : f32
    %add3A_81 = vector.broadcast %add3A_80 : f32 to vector<2000x1xf32>
    %add3A_82 = arith.addf %div3A_79, %add3A_81 : vector<2000x1xf32>
    %rsqrt3A = math.rsqrt %add3A_82 : vector<2000x1xf32>
    %mul3A_83 = vector.broadcast %rsqrt3A : vector<2000x1xf32> to vector<2000x128xf32>
    %mul3A_84 = arith.mulf %sub3A_72, %mul3A_83 : vector<2000x128xf32>
    %get3A_85 = arith.constant 0 : index
    %get3A_86 = arith.constant 0 : index
    %get3A_87 = vector.load %arg11[%get3A_85, %get3A_86] : memref<1x128xf32, #tpu.memory_space<vmem>>, vector<1x128xf32>
    %mul3A_88 = vector.broadcast %get3A_87 : vector<1x128xf32> to vector<2000x128xf32>
    %mul3A_89 = arith.mulf %mul3A_84, %mul3A_88 : vector<2000x128xf32>
    %get3A_90 = arith.constant 0 : index
    %get3A_91 = arith.constant 0 : index
    %get3A_92 = vector.load %arg12[%get3A_90, %get3A_91] : memref<1x128xf32, #tpu.memory_space<vmem>>, vector<1x128xf32>
    %add3A_93 = vector.broadcast %get3A_92 : vector<1x128xf32> to vector<2000x128xf32>
    %add3A_94 = arith.addf %mul3A_89, %add3A_93 : vector<2000x128xf32>
    %swap3A = arith.constant 0 : index
    %swap3A_95 = arith.constant 0 : index
    %swap3A_96 = vector.load %arg13[%swap3A, %swap3A_95] : memref<2000x128xf32, #tpu.memory_space<vmem>>, vector<2000x128xf32>
    tpu.vector_store %arg13[%swap3A, %swap3A_95], %add3A_94 {strides = array<i32>} : memref<2000x128xf32, #tpu.memory_space<vmem>>, vector<2000x128xf32>,
    return
  }
  func.func @transform_0(%arg0: i32) -> (i32, i32, i32) {
    %c0_i32 = arith.constant 0 : i32
    %c0_i32_0 = arith.constant 0 : i32
    %c0_i32_1 = arith.constant 0 : i32
    return %c0_i32, %arg0, %c0_i32_0 : i32, i32, i32
  }
  func.func @transform_1(%arg0: i32) -> (i32, i32, i32, i32) {
    %c0_i32 = arith.constant 0 : i32
    %c0_i32_0 = arith.constant 0 : i32
    %c0_i32_1 = arith.constant 0 : i32
    %c0_i32_2 = arith.constant 0 : i32
    return %c0_i32, %arg0, %c0_i32_0, %c0_i32_1 : i32, i32, i32, i32
  }
  func.func @transform_2(%arg0: i32) -> (i32, i32) {
    %c0_i32 = arith.constant 0 : i32
    %c0_i32_0 = arith.constant 0 : i32
    return %arg0, %c0_i32 : i32, i32
  }
  func.func @transform_3(%arg0: i32) -> (i32, i32) {
    %c0_i32 = arith.constant 0 : i32
    %c0_i32_0 = arith.constant 0 : i32
    %c0_i32_1 = arith.constant 0 : i32
    return %c0_i32, %c0_i32_0 : i32, i32
  }
  func.func @transform_4(%arg0: i32) -> (i32, i32) {
    %c0_i32 = arith.constant 0 : i32
    %c0_i32_0 = arith.constant 0 : i32
    %c0_i32_1 = arith.constant 0 : i32
    return %c0_i32, %c0_i32_0 : i32, i32
  }
  func.func @transform_5(%arg0: i32) -> (i32, i32) {
    %c0_i32 = arith.constant 0 : i32
    %c0_i32_0 = arith.constant 0 : i32
    %c0_i32_1 = arith.constant 0 : i32
    return %c0_i32, %c0_i32_0 : i32, i32
  }
  func.func @transform_6(%arg0: i32) -> (i32, i32) {
    %c0_i32 = arith.constant 0 : i32
    %c0_i32_0 = arith.constant 0 : i32
    %c0_i32_1 = arith.constant 0 : i32
    return %c0_i32, %c0_i32_0 : i32, i32
  }
  func.func @transform_7(%arg0: i32) -> (i32, i32) {
    %c0_i32 = arith.constant 0 : i32
    %c0_i32_0 = arith.constant 0 : i32
    %c0_i32_1 = arith.constant 0 : i32
    return %c0_i32, %c0_i32_0 : i32, i32
  }
  func.func @transform_8(%arg0: i32) -> (i32, i32) {
    %c0_i32 = arith.constant 0 : i32
    %c0_i32_0 = arith.constant 0 : i32
    %c0_i32_1 = arith.constant 0 : i32
    return %c0_i32, %c0_i32_0 : i32, i32
  }
  func.func @transform_9(%arg0: i32) -> (i32, i32) {
    %c0_i32 = arith.constant 0 : i32
    %c0_i32_0 = arith.constant 0 : i32
    %c0_i32_1 = arith.constant 0 : i32
    return %c0_i32, %c0_i32_0 : i32, i32
  }
  func.func @transform_10(%arg0: i32) -> (i32, i32) {
    %c0_i32 = arith.constant 0 : i32
    %c0_i32_0 = arith.constant 0 : i32
    %c0_i32_1 = arith.constant 0 : i32
    return %c0_i32, %c0_i32_0 : i32, i32
  }
  func.func @transform_11(%arg0: i32) -> (i32, i32) {
    %c0_i32 = arith.constant 0 : i32
    %c0_i32_0 = arith.constant 0 : i32
    %c0_i32_1 = arith.constant 0 : i32
    return %c0_i32, %c0_i32_0 : i32, i32
  }
  func.func @transform_12(%arg0: i32) -> (i32, i32) {
    %c0_i32 = arith.constant 0 : i32
    %c0_i32_0 = arith.constant 0 : i32
    return %arg0, %c0_i32 : i32, i32
  }
}

</mosaic_0001>

<sc_bundles>
// kernel: kernel.6.cloned.1.call-start
scs
__scs_entry_jumppad:
0x0: {  	(pc) =	sbr.rel $0x88, $3  }
0x1: {  	(tag) =	ssettag $0x0;
	lr =	simm.s32 $0x1  }
0x2: {  	[smem:$0x3F93] =	sst lr;
	_ =	strace $0xD0000000  }
0x3: {  	_ = 	snop  }
0x4: {  	_ = 	snop  }
0x5: {  	_ = 	snop  }
0x6: {  	_ = 	snop  }
0x7: {  	_ = 	snop  }
__scs_overlays_trampoline_lowered:
0x8: {  	[smem:$0x3FA2] =	sst s0  }
0x9: {  	[smem:$0x3FA3] =	sst s1  }
0xa: {  	[smem:$0x3FA4] =	sst s2  }
0xb: {  	[smem:$0x3FA5] =	sst s3  }
0xc: {  	[smem:$0x3FA6] =	sst s4  }
0xd: {  	[smem:$0x3FA7] =	sst s5  }
0xe: {  	[smem:$0x3FA8] =	sst s6  }
0xf: {  	[smem:$0x3FA9] =	sst s7  }
0x10: {  	[smem:$0x3FAA] =	sst s8  }
0x11: {  	[smem:$0x3FAB] =	sst s9;
	s0 =	simm.s32 @!p0 $0x0  }
0x12: {  	s1 =	sld [smem:$0x3F91];
	s0 =	simm.s32 @p0 $0x1  }
0x13: {  	[smem:$0x3FAC] =	sst s0;
	s0 =	simm.s32 @!p1 $0x0  }
0x14: {  	s2 =	sld [smem:$0x3F90];
	s0 =	simm.s32 @p1 $0x1  }
0x15: {  	[smem:$0x3FAD] =	sst s0;
	s0 =	simm.s32 @!p2 $0x0  }
0x16: {  	s3 =	sld [smem:$0x3FDB];
	s0 =	simm.s32 @p2 $0x1  }
0x17: {  	s4 =	simm.s32 $0x1BF5;
	[smem:$0x3FAF] =	sst s0  }
0x18: {  	s0 =	sld [smem:$0x3F92];
	_ =	swait.ge [sflag:s4], $0x0  }
0x19: {  	s7 =	sld [smem:$0x3F93]  }
0x1a: {  	s8 =	sadd.s32 $0xFFFFE003, lr  }
0x1b: {  	s9 =	sadd.s32 $0xFFFFFEF7, lr;
	s5 =	simm.s32 $0xFFFFFFFF;
	p2 =	slt.u32 s8, $0xFFFFF086  }
0x1c: {  	p1 =	slt.u32 s9, $0xF7A;
	s5 =	simm.s32 @!p2 $0x0  }
0x1d: {  	s5 =	simm.s32 @p1 $0x1;
	p0 =	seq.s32 s7, s2  }
0x1e: {  	s7 =	smul.u32 @!p0 $0xF7A, s2;
	p2 =	seq.s32 @!p0 s5, $0x0  }
0x1f: {  	s9 =	smul.u32 $0xF7A, s1;
	s8 =	simm.s32 @!p0 $0x1BF5;
	p2 =	por !p2, p0  }
0x20: {  	[sflag:s8] =	ssyncset.s32 @!p0 $0xFFFFF086;
	s6 =	sadd.s32 @!p0 s3, s7;
	s7 =	simm.s32 @!p0 $0x108  }
0x21: {  	s3 =	sadd.s32 s3, s9;
	s6 =	sadd.s32 @!p0 $0x88, s6;
	s7 =	simm.s32 @p2 $0x1082  }
0x22: {  	[simem:s7], [sflag:s8] =	dma.local @!p0 [hbm:s6], $0xF7A  }
0x23: {  	s9 =	sor.u32 $0xD0000000, s2;
	s6 =	simm.s32 $0x108;
	_ =	swait.ge @!p0 [sflag:s8], $0x0  }
0x24: {  	s3 =	sadd.s32 $0x88, s3;
	s6 =	simm.s32 @!p1 $0x1082;
	[sflag:s4] =	ssyncset.s32 $0xFFFFF086  }
0x25: {  	[simem:s6], [sflag:s4] =	dma.local [hbm:s3], $0xF7A  }
0x26: {  	[smem:$0x3F93] =	sst s1;
	(tag) =	ssettag s2;
	_ =	strace s9  }
0x27: {  	s1 =	sld [smem:$0x3FA3]  }
0x28: {  	s2 =	sld [smem:$0x3FA4]  }
0x29: {  	s4 =	sld [smem:$0x3FA6]  }
0x2a: {  	p0 =	seq.s32 s5, $0x0;
	s5 =	sld [smem:$0x3FA7]  }
0x2b: {  	s6 =	sld [smem:$0x3FA8]  }
0x2c: {  	s7 =	sld [smem:$0x3FA9]  }
0x2d: {  	s3 =	simm.s32 $0x108;
	s8 =	sld [smem:$0x3FAA]  }
0x2e: {  	s3 =	simm.s32 @!p0 $0x1082;
	s9 =	sld [smem:$0x3FAB]  }
0x2f: {  	lr =	sadd.s32 s0, s3;
	s0 =	sld [smem:$0x3FA2]  }
0x30: {  	s3 =	sld [smem:$0x3FA5]  }
0x31: {  	[smem:$0x3FAE] =	sst s10  }
0x32: {  	s10 =	sld [smem:$0x3FAC];
	_ =	sdelay $0x3  }
0x33: {  	p0 =	seq.s32 s10, $0x1;
	s10 =	sld [smem:$0x3FAE];
	_ =	sdelay $0x3  }
0x34: {  	[smem:$0x3FAE] =	sst s10  }
0x35: {  	s10 =	sld [smem:$0x3FAD];
	_ =	sdelay $0x3  }
0x36: {  	p1 =	seq.s32 s10, $0x1;
	s10 =	sld [smem:$0x3FAE];
	_ =	sdelay $0x3  }
0x37: {  	[smem:$0x3FAE] =	sst s10  }
0x38: {  	s10 =	sld [smem:$0x3FAF]  }
0x39: {  	_ = 	snop;
	(pc) =	sbr.ind lr, $3  }
0x3a: {  	_ = 	snop  }
0x3b: {  	_ = 	snop  }
0x3c: {  	p2 =	seq.s32 s10, $0x1;
	s10 =	sld [smem:$0x3FAE]  }
0x3d: {  	_ =	shalt  }
0x3e: {  	_ =	shalt  }
0x3f: {  	_ =	shalt  }
0x40: {  	_ =	shalt  }
0x41: {  	_ =	shalt  }
0x42: {  	_ =	shalt  }
0x43: {  	_ =	shalt  }
0x44: {  	_ =	shalt  }
0x45: {  	_ =	shalt  }
0x46: {  	_ =	shalt  }
0x47: {  	_ =	shalt  }
0x48: {  	_ =	shalt  }
0x49: {  	_ =	shalt  }
0x4a: {  	_ =	shalt  }
0x4b: {  	_ =	shalt  }
0x4c: {  	_ =	shalt  }
0x4d: {  	_ =	shalt  }
0x4e: {  	_ =	shalt  }
0x4f: {  	_ =	shalt  }
0x50: {  	_ =	shalt  }
0x51: {  	_ =	shalt  }
0x52: {  	_ =	shalt  }
0x53: {  	_ =	shalt  }
0x54: {  	_ =	shalt  }
0x55: {  	_ =	shalt  }
0x56: {  	_ =	shalt  }
0x57: {  	_ =	shalt  }
0x58: {  	_ =	shalt  }
0x59: {  	_ =	shalt  }
0x5a: {  	_ =	shalt  }
0x5b: {  	_ =	shalt  }
0x5c: {  	_ =	shalt  }
0x5d: {  	_ =	shalt  }
0x5e: {  	_ =	shalt  }
0x5f: {  	_ =	shalt  }
0x60: {  	_ =	shalt  }
0x61: {  	_ =	shalt  }
0x62: {  	_ =	shalt  }
0x63: {  	_ =	shalt  }
0x64: {  	_ =	shalt  }
0x65: {  	_ =	shalt  }
0x66: {  	_ =	shalt  }
0x67: {  	_ =	shalt  }
0x68: {  	_ =	shalt  }
0x69: {  	_ =	shalt  }
0x6a: {  	_ =	shalt  }
0x6b: {  	_ =	shalt  }
0x6c: {  	_ =	shalt  }
0x6d: {  	_ =	shalt  }
0x6e: {  	_ =	shalt  }
0x6f: {  	_ =	shalt  }
0x70: {  	_ =	shalt  }
0x71: {  	_ =	shalt  }
0x72: {  	_ =	shalt  }
0x73: {  	_ =	shalt  }
0x74: {  	_ =	shalt  }
0x75: {  	_ =	shalt  }
0x76: {  	_ =	shalt  }
0x77: {  	_ =	shalt  }
0x78: {  	_ =	shalt  }
0x79: {  	_ =	shalt  }
0x7a: {  	_ =	shalt  }
0x7b: {  	_ =	shalt  }
0x7c: {  	_ =	shalt  }
0x7d: {  	_ =	shalt  }
0x7e: {  	_ =	shalt  }
0x7f: {  	_ =	shalt  }
0x80: {  	_ =	shalt  }
0x81: {  	_ =	shalt  }
0x82: {  	_ =	shalt  }
0x83: {  	_ =	shalt  }
0x84: {  	_ =	shalt  }
0x85: {  	_ =	shalt  }
0x86: {  	_ =	shalt  }
0x87: {  	_ =	shalt  }
.Lfunc_end0:
.L_simem_size_0:
called_computation_lowered:
.L_overlay_start_0:
0x88: {  	s2 =	sld [smem:$0x3FD9]  }
0x89: {  	s3 =	sld [smem:$0x3FFE];
	_ =	sdelay $0x1  }
0x8a: {  	s1 =	srdreg.scid  }
0x8b: {  	s0 =	sand.u32 $0x1, s1  }
0x8c: {  	s17 =	sshll.u32 s0, $0xA;
	s2 =	sadd.s32 s3, s2  }
0x8d: {  	s2 =	sadd.s32 s2, s17  }
0x8e: {  	[smem:$0x3FBA] =	sst s2  }
0x8f: {  	_ = 	snop  }
0x90: {  	s2 =	sld [smem:$0x3FD0];
	(tm) =	ssettm $0x1  }
0x91: {  	s18 =	sld [smem:$0x3FFB];
	_ =	sdelay $0x3  }
0x92: {  	_ =	strace s18  }
0x93: {  	s3 =	sld [smem:$0x3FFC];
	_ =	sdelay $0x3  }
0x94: {  	_ =	strace s3  }
0x95: {  	s3 =	sld [smem:$0x3FFD];
	_ =	sdelay $0x3  }
0x96: {  	_ =	strace s3  }
0x97: {  	_ =	strace $0x8FFFFFFF  }
0x98: {  	s19 =	sld [smem:$0x3FDB];
	_ =	sdelay $0x1  }
0x99: {  	s4 =	simm.s32 $_scs_section_size  }
0x9a: {  	s5 =	simm.s32 $_size__tile_overlayer_lowered;
	s6 =	simm.s32 $_tile_overlayer_lowered  }
0x9b: {  	s22 =	simm.s32 $0x1BFF;
	s21 =	sshll.u32 s6, $0x1;
	s3 =	sadd.s32 s4, s19  }
0x9c: {  	s7 =	simm.s32 $0x0;
	s20 =	sshll.u32 s5, $0x1;
	s5 =	sadd.s32 s21, s3  }
0x9d: {  	[timem:s7], [sflag:s22] =	dma.local [hbm:s5], s20  }
0x9e: {  	_ =	swait.ge [sflag:s22], s20  }
0x9f: {  	s4 =	ssub.s32 $0x0, s20;
	[sflag:s22] =	ssyncset.done $0x0  }
0xa0: {  	[sflag:s22] =	ssyncadd.s32 s4;
	_ =	sdelay $0x1  }
0xa1: {  	s23 =	simm.s32 $0x1B8B  }
0xa2: {  	_ =	swait.ge [sflag:s23], $0x1  }
0xa3: {  	[sflag:s23] =	ssyncset.done $0x0  }
0xa4: {  	s25 =	simm.s32 $0x1B8E;
	s24 =	sld [smem:$0x3FFE];
	[sflag:s23] =	ssyncadd.s32 $0xFFFFFFFF  }
0xa5: {  	s26 =	simm.s32 $execute0_lowered;
	[smem:$0x3FD2] =	sst s25  }
0xa6: {  	s5 =	sshll.u32 s26, $0x1;
	_ =	strace $0x80000046;
	[dreg:$0x1] =	wrdreg $0xFFFFFFFF  }
0xa7: {  	s28 =	simm.s32 $_size_execute0_lowered;
	s3 =	sadd.s32 s3, s5;
	[dreg:$0x0] =	wrdreg $0x0  }
0xa8: {  	s5 =	sshll.u32 s28, $0x1;
	[dreg:$0x2] =	wrdreg s3  }
0xa9: {  	[dreg:$0x3] =	wrdreg s5  }
0xaa: {  	[dreg:$0x4] =	wrdreg $0xC0  }
0xab: {  	_ =	task [dreg:s7], $0x5FFFF  }
0xac: {  	[dreg:$0x1] =	wrdreg $0xFFFFFFFF  }
0xad: {  	[dreg:$0x0] =	wrdreg $0x60  }
0xae: {  	[dreg:$0x2] =	wrdreg s2  }
0xaf: {  	[dreg:$0x3] =	wrdreg s24  }
0xb0: {  	[dreg:$0x4] =	wrdreg $0x7E000  }
0xb1: {  	[dreg:$0x5] =	wrdreg $0x1BA000  }
0xb2: {  	[dreg:$0x6] =	wrdreg $0x9  }
0xb3: {  	_ =	task.clear_ibuf [dreg:s7], $0x7FFFF;
	_ =	strace $0x90000046  }
0xb4: {  	s29 =	simm.s32 $0x9;
	_ =	strace $0x80000048  }
0xb5: {  	_ =	swait.ge [sflag:s29], $0x1  }
0xb6: {  	[sflag:s29] =	ssyncadd.s32 $0xFFFFFFFF  }
0xb7: {  	_ =	strace $0x90000048  }
0xb8: {  	_ =	sfence  }
0xb9: {  	s30 =	sld [smem:$0x0];
	_ =	sdelay $0x2  }
0xba: {  	s31 =	sshll.u32 s1, $0xD;
	s1 =	sshrl.u32 s1, $0x2  }
0xbb: {  	s3 =	sand.u32 $0x4000, s31;
	s1 =	sadd.s32 s1, s30  }
0xbc: {  	s0 =	sor.u32 s3, s0;
	s1 =	sshll.u32 s1, $0x11  }
0xbd: {  	s0 =	sor.u32 s1, s0  }
0xbe: {  	s0 =	sadd.s32 $0x8F2B, s0  }
0xbf: {  	[sflag:s0] =	ssyncadd.remote.s32 $0x1  }
0xc0: {  	_ =	sfence.sel $0xFFFF  }
0xc1: {  	[dreg:$0x0] =	wrdreg $0xFFFFFFFF;
	(pc) =	sbr.abs _section_cstart, $3  }
0xc2: {  	[dreg:$0x1] =	wrdreg $0xFFFFFFFF  }
0xc3: {  	_ =	task.clear_ibuf [dreg:s7], $0x2FFFF;
	_ =	strace $0x9FFFFFFF  }
0xc4: {  	(tm) =	ssettm $0x7FFFFFFF  }
0xc5: {  	_ =	shalt  }
tec
execute0_lowered:
.L_overlay_start_1:
0x0: {  	(tag) =	ssettag $0x1  }
0x1: {  	s2 =	rddreg [dreg:$0x1]  }
0x2: {  	s19 =	rddreg [dreg:$0x2];
	s0 =	srdreg.scid  }
0x3: {  	s20 =	rddreg [dreg:$0x3];
	s15 =	stileid.u32  }
0x4: {  	s28 =	simm.s32 $0x2B00;
	s30 =	simm.s32 $0x200;
	s1 =	smul.u32 $0x278, s15  }
0x5: {  	s31 =	simm.s32 $0x2;
	s3 =	sand.u32 $0x1, s0;
	s8 =	smul.u32 $0x13C00, s15  }
0x6: {  	s29 =	simm.s32 $0xE;
	s4 =	sadd.s32 $0x2E00, s2;
	s5 =	smul.u32 $0x2780, s3  }
0x7: {  	s24 =	sshll.u32 s15, $0x1;
	s0 =	ssub.s32 $0x2, s3;
	s7 =	smul.u32 $0x13C000, s3  }
0x8: {  	s3 =	sor.u32 s3, s24;
	s6 =	sshrl.u32 s0, $0x1;
	s25 =	sshll.u32 s1, $0x7  }
0x9: {  	s0 =	ssub.s32 s0, s6;
	s9 =	sadd.s32 $0x2800, s25;
	s10 =	sadd.s32 $0x5000, s25  }
0xa: {  	s11 =	sadd.s32 $0x7800, s25;
	s12 =	sadd.s32 $0xA000, s25;
	s17 =	sadd.s32 $0xC800, s25  }
0xb: {  	s8 =	sadd.s32 s8, s7;
	s18 =	sadd.s32 $0xF000, s25;
	s6 =	sadd.s32 $0x11800, s25  }
0xc: {  	s25 =	sadd.s32 s1, s5;
	s1 =	sadd.s32 s1, s20;
	s8 =	sshrl.u32 s8, $0x3  }
0xd: {  	s13 =	sadd.s32 s7, s9;
	s14 =	sadd.s32 s7, s11;
	s22 =	sadd.s32 s7, s17  }
0xe: {  	s23 =	sadd.s32 s7, s18;
	s8 =	sadd.s32 s4, s8;
	s26 =	sshrl.u32 s13, $0x3  }
0xf: {  	s13 =	sadd.s32 s7, s10;
	[dreg:$0x5] =	wrdreg s8;
	s8 =	sadd.s32 s4, s26  }
0x10: {  	s0 =	smax.u32 s0, $0x1;
	[dreg:$0x6] =	wrdreg s8;
	s8 =	sshrl.u32 s13, $0x3  }
0x11: {  	s13 =	sshrl.u32 s14, $0x3;
	s14 =	sadd.s32 s7, s12;
	s8 =	sadd.s32 s4, s8  }
0x12: {  	s16 =	sadd.s32 s4, s13;
	s21 =	sshrl.u32 s14, $0x3;
	[dreg:$0x7] =	wrdreg s8  }
0x13: {  	s13 =	sshrl.u32 s23, $0x3;
	[dreg:$0x8] =	wrdreg s16;
	s8 =	sadd.s32 s4, s21  }
0x14: {  	s7 =	sadd.s32 s7, s6;
	s24 =	sadd.s32 s4, s13;
	[dreg:$0x9] =	wrdreg s8  }
0x15: {  	s13 =	simm.s32 $0x0;
	s8 =	sshrl.u32 s22, $0x3;
	[dreg:$0xb] =	wrdreg s24  }
0x16: {  	s7 =	sshrl.u32 s7, $0x3;
	[smem:$0x7FF] =	sst s13;
	s8 =	sadd.s32 s4, s8  }
0x17: {  	s26 =	smul.u32 $0x4F000, s15;
	s4 =	sadd.s32 s4, s7;
	[dreg:$0xa] =	wrdreg s8  }
0x18: {  	s15 =	sadd.s32 $0x4EE200, s2;
	s7 =	sadd.s32 s9, s19;
	[dreg:$0xc] =	wrdreg s4  }
0x19: {  	s8 =	sadd.s32 s10, s19;
	_ =	strace $0x80000047;
	[dreg:$0xe] =	wrdreg s7  }
0x1a: {  	s14 =	sadd.s32 $0x4F8200, s2;
	s9 =	sadd.s32 s11, s19;
	[dreg:$0xf] =	wrdreg s8  }
0x1b: {  	s5 =	sshrl.u32 s26, $0x2;
	s10 =	sadd.s32 s12, s19;
	[dreg:$0x10] =	wrdreg s9  }
0x1c: {  	s16 =	sadd.s32 $0x4E4400, s2;
	s11 =	sadd.s32 s17, s19;
	[dreg:$0x11] =	wrdreg s10  }
0x1d: {  	s21 =	smov.u32 s20;
	s12 =	sadd.s32 s18, s19;
	[dreg:$0x12] =	wrdreg s11  }
0x1e: {  	s17 =	sadd.s32 s6, s19;
	s4 =	sshrl.u32 s25, $0x3;
	[dreg:$0x13] =	wrdreg s12  }
0x1f: {  	s4 =	sadd.s32 s4, s2;
	s2 =	smul.u32 $0x2710, s3;
	[dreg:$0x14] =	wrdreg s17  }
0x20: {  	s22 =	sadd.s32 s5, s19;
	s3 =	smul.u32 $0x27100, s3;
	[dreg:$0x15] =	wrdreg s1  }
0x21: {  	s5 =	simm.s32 $0x11;
	s25 =	smov.u32 s19;
	[smem:$0x7FD] =	sst s0  }
0x22: {  	s0 =	simm.s32 $0x280;
	[dreg:$0xd] =	wrdreg s22;
	s3 =	sadd.s32 s14, s3  }
0x23: {  	s18 =	sshrl.u32 s2, $0x3;
	s26 =	sadd.s32 $0xA0, s2;
	[dreg:$0x16] =	wrdreg s3  }
0x24: {  	s20 =	sadd.s32 $0x50, s2;
	s10 =	sadd.s32 $0xF0, s2;
	[dreg:$0x1b] =	wrdreg s26  }
0x25: {  	s2 =	sadd.s32 $0x140, s2;
	s19 =	sadd.s32 s15, s18;
	[dreg:$0x1f] =	wrdreg s10  }
0x26: {  	s1 =	sadd.s32 s16, s18;
	s23 =	sshll.u32 s20, $0x4;
	[smem:$0x7F8] =	sst s2  }
0x27: {  	s3 =	sshrl.u32 s20, $0x3;
	s7 =	sshll.u32 s26, $0x4;
	[dreg:$0x17] =	wrdreg s19  }
0x28: {  	s8 =	sshrl.u32 s26, $0x3;
	s26 =	sadd.s32 $0x2400, s4;
	[dreg:$0x18] =	wrdreg s1  }
0x29: {  	s12 =	sshll.u32 s10, $0x4;
	s1 =	sadd.s32 s14, s23;
	[smem:$0x7FC] =	sst s26  }
0x2a: {  	s17 =	sshrl.u32 s10, $0x3;
	s24 =	sadd.s32 s15, s3;
	[dreg:$0x19] =	wrdreg s1  }
0x2b: {  	s20 =	sshll.u32 s2, $0x4;
	s6 =	sadd.s32 s16, s3;
	[dreg:$0x1a] =	wrdreg s24  }
0x2c: {  	s2 =	sshrl.u32 s2, $0x3;
	s9 =	sadd.s32 s15, s8;
	[dreg:$0x1c] =	wrdreg s6  }
0x2d: {  	s10 =	simm.s32 $0x10;
	s11 =	sadd.s32 s16, s8;
	[dreg:$0x1e] =	wrdreg s9  }
0x2e: {  	s4 =	simm.s32 $0x0;
	s18 =	sadd.s32 s15, s17;
	[smem:$0x7F4] =	sst s11  }
0x2f: {  	s19 =	sadd.s32 s16, s17;
	s23 =	sadd.s32 s15, s2;
	[smem:$0x7F6] =	sst s18  }
0x30: {  	s8 =	simm.s32 $0x180;
	s26 =	simm.s32 $0x50;
	[smem:$0x7F7] =	sst s19  }
0x31: {  	s17 =	simm.s32 $0x8;
	s1 =	sadd.s32 s14, s7;
	[smem:$0x7FA] =	sst s23  }
0x32: {  	s24 =	sadd.s32 s16, s2;
	s2 =	simm.s32 $0x300;
	s23 =	simm.s32 $0x7B80  }
0x33: {  	s9 =	simm.s32 $0x1;
	s11 =	simm.s32 $0x4;
	s6 =	simm.s32 $0x5  }
0x34: {  	s18 =	simm.s32 $0xA;
	s19 =	simm.s32 $0x7B00;
	[dreg:$0x1d] =	wrdreg s1  }
0x35: {  	s7 =	simm.s32 $0xD;
	s1 =	sadd.s32 s14, s12;
	[smem:$0x7FB] =	sst s24  }
0x36: {  	s12 =	simm.s32 $0x7;
	[smem:$0x7F5] =	sst s1;
	s1 =	sadd.s32 s14, s20  }
0x37: {  	v0 =	vimm.f32 $0.0e+00;
	v1 =	vimm.f32 $1.000000000e+00;
	s24 =	simm.s32 $0x80;
	[smem:$0x7F9] =	sst s1;
	s1 =	simm.s32 $0xB  }
.LBB2_1:
0x38: {  	s3 =	simm.s32 $0x0;
	s20 =	simm.s32 $0x200  }
.LBB2_2:
0x39: {  	p0 =	sne.s32 s20, $0x9E00;
	[tilespmem:s3+$0x370] =	vst v0  }
0x3a: {  	[tilespmem:s3+$0x300] =	vst v0  }
0x3b: {  	[tilespmem:s3+$0x310] =	vst v0  }
.Ltmp0:
0x3c: {  	[tilespmem:s3+$0x320] =	vst v0;
	(pc) =	sbr.rel @p0 .LBB2_2-.Ltmp0, $4  }
0x3d: {  	[tilespmem:s3+$0x330] =	vst v0  }
0x3e: {  	[tilespmem:s3+$0x340] =	vst v0  }
0x3f: {  	[tilespmem:s3+$0x350] =	vst v0  }
0x40: {  	[tilespmem:s3+$0x360] =	vst v0;
	s3 =	sshra.s32 s20, $0x2;
	s20 =	sadd.s32 $0x200, s20  }
0x41: {  	[tilespmem:s3+$0x370] =	vst v0  }
0x42: {  	[tilespmem:s3+$0x300] =	vst v0  }
0x43: {  	[tilespmem:s3+$0x310] =	vst v0  }
0x44: {  	[tilespmem:s3+$0x320] =	vst v0  }
0x45: {  	[tilespmem:s3+$0x330] =	vst v0  }
0x46: {  	[tilespmem:s3+$0x340] =	vst v0  }
0x47: {  	[tilespmem:s3+$0x350] =	vst v0  }
0x48: {  	[tilespmem:s3+$0x360] =	vst v0  }
0x49: {  	[tilespmem:$0x7B80] =	vst v0  }
0x4a: {  	[tilespmem:$0x7B90] =	vst v0  }
0x4b: {  	[tilespmem:$0x7BA0] =	vst v0  }
0x4c: {  	[tilespmem:$0x7BB0] =	vst v0  }
0x4d: {  	[tilespmem:$0x7BC0] =	vst v0  }
0x4e: {  	[tilespmem:$0x7BD0] =	vst v0  }
0x4f: {  	[tilespmem:$0x7BE0] =	vst v0  }
0x50: {  	[tilespmem:$0x7BF0] =	vst v0  }
0x51: {  	[tilespmem:$0x7C00] =	vst v0  }
0x52: {  	[tilespmem:$0x7C10] =	vst v0  }
0x53: {  	[tilespmem:$0x7C20] =	vst v0  }
0x54: {  	[tilespmem:$0x7C30] =	vst v0  }
0x55: {  	[tilespmem:$0x7C40] =	vst v0  }
0x56: {  	[tilespmem:$0x7C50] =	vst v0  }
0x57: {  	[tilespmem:$0x7C60] =	vst v0  }
0x58: {  	[tilespmem:$0x7C70] =	vst v0  }
0x59: {  	[tilespmem:$0x7C80] =	vst v0  }
0x5a: {  	[tilespmem:$0x7C90] =	vst v0  }
0x5b: {  	[tilespmem:$0x7CA0] =	vst v0  }
0x5c: {  	[tilespmem:$0x7CB0] =	vst v0  }
0x5d: {  	[tilespmem:$0x7CC0] =	vst v0  }
0x5e: {  	[tilespmem:$0x7CD0] =	vst v0  }
0x5f: {  	[tilespmem:$0x7CE0] =	vst v0  }
0x60: {  	[tilespmem:$0x7CF0] =	vst v0  }
0x61: {  	[tilespmem:$0x7D00] =	vst v0  }
0x62: {  	[tilespmem:$0x7D10] =	vst v0  }
0x63: {  	[tilespmem:$0x7D20] =	vst v0  }
0x64: {  	[tilespmem:$0x7D30] =	vst v0  }
0x65: {  	[tilespmem:$0x7D40] =	vst v0  }
0x66: {  	[tilespmem:$0x7D50] =	vst v0  }
0x67: {  	[tilespmem:$0x7D60] =	vst v0  }
0x68: {  	[tilespmem:$0x7D70] =	vst v0  }
0x69: {  	[tilespmem:$0x7D80] =	vst v0  }
0x6a: {  	[tilespmem:$0x7D90] =	vst v0  }
0x6b: {  	[tilespmem:$0x7DA0] =	vst v0  }
0x6c: {  	[tilespmem:$0x7DB0] =	vst v0  }
0x6d: {  	[tilespmem:$0x7DC0] =	vst v0  }
0x6e: {  	[tilespmem:$0x7DD0] =	vst v0  }
0x6f: {  	[tilespmem:$0x7DE0] =	vst v0  }
0x70: {  	[tilespmem:$0x7DF0] =	vst v0  }
0x71: {  	[tilespmem:$0x7B00] =	vst v1  }
0x72: {  	[tilespmem:$0x7B10] =	vst v1  }
0x73: {  	[tilespmem:$0x7B20] =	vst v1  }
0x74: {  	[tilespmem:$0x7B30] =	vst v1  }
0x75: {  	[tilespmem:$0x7B40] =	vst v1  }
0x76: {  	[tilespmem:$0x7B50] =	vst v1  }
0x77: {  	[tilespmem:$0x7B60] =	vst v1  }
0x78: {  	s20 =	simm.s32 $0x13;
	[tilespmem:$0x7B70] =	vst v1  }
0x79: {  	[spmem:s22] =	stream.linear.scatter [tilespmem:s2], [sflag:$0x13], $0x2800, $0x38;
	[tilespmem:$0x1BC78] =	vst v63  }
0x7a: {  	_ =	swait.ge [sflag:s20], $0x2800  }
0x7b: {  	[sflag:s20] =	ssyncset.done $0x0  }
0x7c: {  	s22 =	rddreg [dreg:$0xe];
	[sflag:s20] =	ssyncadd.s32 $0xFFFFD800  }
0x7d: {  	[spmem:s22] =	stream.linear.scatter [tilespmem:s2], [sflag:$0x13], $0x2800, $0x38;
	[tilespmem:$0x1BC78] =	vst v63  }
0x7e: {  	_ =	swait.ge [sflag:s20], $0x2800  }
0x7f: {  	[sflag:s20] =	ssyncset.done $0x0  }
0x80: {  	s22 =	rddreg [dreg:$0xf];
	[sflag:s20] =	ssyncadd.s32 $0xFFFFD800  }
0x81: {  	[spmem:s22] =	stream.linear.scatter [tilespmem:s2], [sflag:$0x13], $0x2800, $0x38;
	[tilespmem:$0x1BC78] =	vst v63  }
0x82: {  	_ =	swait.ge [sflag:s20], $0x2800  }
0x83: {  	[sflag:s20] =	ssyncset.done $0x0  }
0x84: {  	s22 =	rddreg [dreg:$0x10];
	[sflag:s20] =	ssyncadd.s32 $0xFFFFD800  }
0x85: {  	[spmem:s22] =	stream.linear.scatter [tilespmem:s2], [sflag:$0x13], $0x2800, $0x38;
	[tilespmem:$0x1BC78] =	vst v63  }
0x86: {  	_ =	swait.ge [sflag:s20], $0x2800  }
0x87: {  	[sflag:s20] =	ssyncset.done $0x0  }
0x88: {  	s22 =	rddreg [dreg:$0x11];
	[sflag:s20] =	ssyncadd.s32 $0xFFFFD800  }
0x89: {  	[spmem:s22] =	stream.linear.scatter [tilespmem:s2], [sflag:$0x13], $0x2800, $0x38;
	[tilespmem:$0x1BC78] =	vst v63  }
0x8a: {  	_ =	swait.ge [sflag:s20], $0x2800  }
0x8b: {  	[sflag:s20] =	ssyncset.done $0x0  }
0x8c: {  	s22 =	rddreg [dreg:$0x12];
	[sflag:s20] =	ssyncadd.s32 $0xFFFFD800  }
0x8d: {  	[spmem:s22] =	stream.linear.scatter [tilespmem:s2], [sflag:$0x13], $0x2800, $0x38;
	[tilespmem:$0x1BC78] =	vst v63  }
0x8e: {  	_ =	swait.ge [sflag:s20], $0x2800  }
0x8f: {  	[sflag:s20] =	ssyncset.done $0x0  }
0x90: {  	s22 =	rddreg [dreg:$0x13];
	[sflag:s20] =	ssyncadd.s32 $0xFFFFD800  }
0x91: {  	[spmem:s22] =	stream.linear.scatter [tilespmem:s2], [sflag:$0x13], $0x2800, $0x38;
	[tilespmem:$0x1BC78] =	vst v63  }
0x92: {  	_ =	swait.ge [sflag:s20], $0x2800  }
0x93: {  	[sflag:s20] =	ssyncset.done $0x0  }
0x94: {  	s22 =	rddreg [dreg:$0x14];
	[sflag:s20] =	ssyncadd.s32 $0xFFFFD800  }
0x95: {  	[spmem:s22] =	stream.linear.scatter [tilespmem:s2], [sflag:$0x13], $0x2400, $0x38;
	[tilespmem:$0x1BC78] =	vst v63  }
0x96: {  	_ =	swait.ge [sflag:s20], $0x2400  }
0x97: {  	[sflag:s20] =	ssyncset.done $0x0  }
0x98: {  	s22 =	rddreg [dreg:$0x15];
	[sflag:s20] =	ssyncadd.s32 $0xFFFFDC00  }
0x99: {  	[spmem:s22] =	stream.linear.scatter [tilespmem:s23], [sflag:$0x13], $0x278, $0x38;
	[tilespmem:$0x1BC78] =	vst v63  }
0x9a: {  	_ =	swait.ge [sflag:s20], $0x278  }
0x9b: {  	[sflag:s20] =	ssyncset.done $0x0  }
0x9c: {  	[sflag:s20] =	ssyncadd.s32 $0xFFFFFD88  }
0x9d: {  	[bflag:$0x0] =	sbarrier.arrive $0xFFFF  }
0x9e: {  	s23 =	rddreg [dreg:$0x16]  }
0x9f: {  	[tilespmem:s2], [sflag:$0x1] =	stream.linear.gather [hbm4b:s23+s13], $0x2800, $0x38;
	[tilespmem:$0x1BC78] =	vst v63  }
0xa0: {  	s20 =	rddreg [dreg:$0x17]  }
0xa1: {  	[tilespmem:s13], [sflag:$0x4] =	stream.linear.gather [hbm4b:s20+s13], $0x50, $0x38;
	[tilespmem:$0x1BC78] =	vst v63  }
0xa2: {  	s22 =	rddreg [dreg:$0x18]  }
0xa3: {  	[tilespmem:s8], [sflag:$0x7] =	stream.linear.gather [hbm4b:s22+s13], $0x50, $0x38;
	[tilespmem:$0x1BC78] =	vst v63  }
0xa4: {  	_ =	swait.ge [sflag:s9], $0x2800  }
0xa5: {  	[sflag:s9] =	ssyncset.done $0x0  }
0xa6: {  	[sflag:s9] =	ssyncadd.s32 $0xFFFFD800  }
0xa7: {  	_ =	swait.ge [sflag:s11], $0x50  }
0xa8: {  	[sflag:s11] =	ssyncset.done $0x0  }
0xa9: {  	[sflag:s11] =	ssyncadd.s32 $0xFFFFFFB0  }
0xaa: {  	_ =	swait.ge [sflag:s12], $0x50  }
0xab: {  	[sflag:s12] =	ssyncset.done $0x0  }
0xac: {  	[sflag:s12] =	ssyncadd.s32 $0xFFFFFFB0  }
0xad: {  	s3 =	rddreg [dreg:$0x0]  }
0xae: {  	[tilespmem:s2], [sflag:$0xA] =	stream.indirect.gather.add.f32 [hbm:s3], $0x80, s13, s26, $0xb8;
	[tilespmem:$0x1BC78] =	vst v63  }
0xaf: {  	s23 =	rddreg [dreg:$0x19]  }
0xb0: {  	[tilespmem:s28], [sflag:$0x2] =	stream.linear.gather [hbm4b:s23+s13], $0x2800, $0x38;
	[tilespmem:$0x1BC78] =	vst v63  }
0xb1: {  	s22 =	rddreg [dreg:$0x1a]  }
0xb2: {  	[tilespmem:s24], [sflag:$0x5] =	stream.linear.gather [hbm4b:s22+s13], $0x50, $0x38;
	[tilespmem:$0x1BC78] =	vst v63  }
0xb3: {  	s23 =	rddreg [dreg:$0x1c]  }
0xb4: {  	[tilespmem:s30], [sflag:$0x8] =	stream.linear.gather [hbm4b:s23+s13], $0x50, $0x38;
	[tilespmem:$0x1BC78] =	vst v63  }
0xb5: {  	_ =	swait.ge [sflag:s31], $0x2800  }
0xb6: {  	[sflag:s31] =	ssyncset.done $0x0  }
0xb7: {  	[sflag:s31] =	ssyncadd.s32 $0xFFFFD800  }
0xb8: {  	_ =	swait.ge [sflag:s6], $0x50  }
0xb9: {  	[sflag:s6] =	ssyncset.done $0x0  }
0xba: {  	[sflag:s6] =	ssyncadd.s32 $0xFFFFFFB0  }
0xbb: {  	_ =	swait.ge [sflag:s17], $0x50  }
0xbc: {  	[sflag:s17] =	ssyncset.done $0x0  }
0xbd: {  	[sflag:s17] =	ssyncadd.s32 $0xFFFFFFB0  }
0xbe: {  	[tilespmem:s28], [sflag:$0xB] =	stream.indirect.gather.add.f32 [hbm:s3], $0x80, s24, s26, $0xb8;
	[tilespmem:$0x1BC78] =	vst v63  }
0xbf: {  	_ =	swait.ge [sflag:s18], $0x2800  }
0xc0: {  	[sflag:s18] =	ssyncset.done $0x0  }
0xc1: {  	s3 =	simm.s32 $0x400;
	[sflag:s18] =	ssyncadd.s32 $0xFFFFD800  }
0xc2: {  	v2 =	vld [tilespmem:s3+$0xFFFFFF10]  }
0xc3: {  	v8 =	vld [tilespmem:s3+$0xF0]  }
0xc4: {  	v3 =	vld [tilespmem:s3+$0xFFFFFF20]  }
0xc5: {  	v9 =	vld [tilespmem:s3+$0xFFFFFF80]  }
0xc6: {  	v4 =	vld [tilespmem:s3+$0xFFFFFF30]  }
0xc7: {  	v10 =	vld [tilespmem:s3+$0xFFFFFF90];
	v2 =	vmax.f32 v2, $0.0e+00  }
0xc8: {  	v5 =	vld [tilespmem:s3+$0xFFFFFF40];
	v8 =	vmax.f32 v8, $0.0e+00;
	[tilespmem:s3+$0xFFFFFF10] =	vst v2  }
0xc9: {  	v6 =	vld [tilespmem:s3+$0xFFFFFF50];
	v3 =	vmax.f32 v3, $0.0e+00;
	[tilespmem:s3+$0xF0] =	vst v8  }
0xca: {  	v7 =	vld [tilespmem:s3+$0xFFFFFF60];
	[tilespmem:s3+$0xFFFFFF20] =	vst v3;
	v3 =	vmax.f32 v9, $0.0e+00  }
0xcb: {  	v2 =	vld [tilespmem:s3+$0xFFFFFF70];
	[tilespmem:s3+$0xFFFFFF80] =	vst v3;
	v3 =	vmax.f32 v4, $0.0e+00  }
0xcc: {  	v11 =	vld [tilespmem:s3+$0xFFFFFFA0];
	[tilespmem:s3+$0xFFFFFF30] =	vst v3;
	v3 =	vmax.f32 v10, $0.0e+00  }
0xcd: {  	v12 =	vld [tilespmem:s3+$0xFFFFFFB0];
	[tilespmem:s3+$0xFFFFFF90] =	vst v3;
	v3 =	vmax.f32 v5, $0.0e+00  }
0xce: {  	v8 =	vld [tilespmem:s3+$0xFFFFFFC0];
	[tilespmem:s3+$0xFFFFFF40] =	vst v3;
	v3 =	vmax.f32 v6, $0.0e+00  }
0xcf: {  	v6 =	vld [tilespmem:s3+$0x0];
	[tilespmem:s3+$0xFFFFFF50] =	vst v3;
	v3 =	vmax.f32 v7, $0.0e+00  }
0xd0: {  	v62 =	vld [tilespmem:s3+$0xFFFFFFD0];
	v2 =	vmax.f32 v2, $0.0e+00;
	[tilespmem:s3+$0xFFFFFF60] =	vst v3  }
0xd1: {  	v3 =	vld [tilespmem:s3+$0x10];
	[tilespmem:s3+$0xFFFFFF70] =	vst v2;
	v2 =	vmax.f32 v11, $0.0e+00  }
0xd2: {  	v4 =	vld [tilespmem:s3+$0xFFFFFFE0];
	[tilespmem:s3+$0xFFFFFFA0] =	vst v2;
	v2 =	vmax.f32 v12, $0.0e+00  }
0xd3: {  	v5 =	vld [tilespmem:s3+$0xFFFFFFF0];
	[tilespmem:s3+$0xFFFFFFB0] =	vst v2;
	v2 =	vmax.f32 v8, $0.0e+00  }
0xd4: {  	v7 =	vld [tilespmem:s3+$0x20];
	[tilespmem:s3+$0xFFFFFFC0] =	vst v2;
	v2 =	vmax.f32 v6, $0.0e+00  }
0xd5: {  	v6 =	vld [tilespmem:s3+$0x50];
	[tilespmem:s3+$0x0] =	vst v2;
	v2 =	vmax.f32 v62, $0.0e+00  }
0xd6: {  	v63 =	vld [tilespmem:s3+$0x30];
	[tilespmem:s3+$0xFFFFFFD0] =	vst v2;
	v2 =	vmax.f32 v3, $0.0e+00  }
0xd7: {  	v8 =	vld [tilespmem:s3+$0x40];
	[tilespmem:s3+$0x10] =	vst v2;
	v2 =	vmax.f32 v4, $0.0e+00  }
0xd8: {  	v3 =	vld [tilespmem:s3+$0x60];
	[tilespmem:s3+$0xFFFFFFE0] =	vst v2;
	v2 =	vmax.f32 v5, $0.0e+00  }
0xd9: {  	v4 =	vld [tilespmem:s3+$0x80];
	[tilespmem:s3+$0xFFFFFFF0] =	vst v2;
	v2 =	vmax.f32 v7, $0.0e+00  }
0xda: {  	v5 =	vld [tilespmem:s3+$0x70];
	v6 =	vmax.f32 v6, $0.0e+00;
	[tilespmem:s3+$0x20] =	vst v2  }
0xdb: {  	v7 =	vld [tilespmem:s3+$0x90];
	v2 =	vmax.f32 v63, $0.0e+00;
	[tilespmem:s3+$0x50] =	vst v6  }
0xdc: {  	[tilespmem:s3+$0x30] =	vst v2;
	v2 =	vmax.f32 v8, $0.0e+00;
	v8 =	vld [tilespmem:s3+$0xA0]  }
0xdd: {  	v6 =	vmax.f32 v3, $0.0e+00;
	[tilespmem:s3+$0x40] =	vst v2;
	v2 =	vld [tilespmem:s3+$0xB0]  }
0xde: {  	v3 =	vld [tilespmem:s3+$0xC0];
	[tilespmem:s3+$0x60] =	vst v6;
	v6 =	vmax.f32 v4, $0.0e+00  }
0xdf: {  	v4 =	vld [tilespmem:s3+$0xD0];
	v5 =	vmax.f32 v5, $0.0e+00;
	[tilespmem:s3+$0x80] =	vst v6  }
0xe0: {  	[tilespmem:s3+$0x70] =	vst v5;
	v7 =	vmax.f32 v7, $0.0e+00;
	v5 =	vld [tilespmem:s3+$0xE0]  }
0xe1: {  	s20 =	simm.s32 $0x0;
	s22 =	simm.s32 $0x600;
	v6 =	vld [tilespmem:s3+$0xFFFFFF00];
	[tilespmem:s3+$0x90] =	vst v7;
	v7 =	vmax.f32 v8, $0.0e+00  }
.LBB2_4:
0xe2: {  	v8 =	vld [tilespmem:s22+$0xF0];
	s20 =	sadd.s32 $0x4, s20;
	[tilespmem:s3+$0xA0] =	vst v7;
	v2 =	vmax.f32 v2, $0.0e+00  }
0xe3: {  	v7 =	vld [tilespmem:s22+$0xFFFFFF10];
	p0 =	slt.u32 s20, $0x4C;
	[tilespmem:s3+$0xB0] =	vst v2;
	v2 =	vmax.f32 v3, $0.0e+00  }
0xe4: {  	v3 =	vld [tilespmem:s22+$0xFFFFFF20];
	[tilespmem:s3+$0xC0] =	vst v2;
	v2 =	vmax.f32 v4, $0.0e+00  }
0xe5: {  	v4 =	vld [tilespmem:s22+$0xFFFFFF30];
	[tilespmem:s3+$0xD0] =	vst v2;
	v2 =	vmax.f32 v5, $0.0e+00  }
0xe6: {  	v5 =	vld [tilespmem:s22+$0xFFFFFF40];
	v6 =	vmax.f32 v6, $0.0e+00;
	[tilespmem:s3+$0xE0] =	vst v2  }
0xe7: {  	v2 =	vld [tilespmem:s22+$0xFFFFFF50];
	v8 =	vmax.f32 v8, $0.0e+00;
	[tilespmem:s3+$0xFFFFFF00] =	vst v6;
	s3 =	smov.u32 s22  }
0xe8: {  	v6 =	vmax.f32 v7, $0.0e+00;
	v7 =	vld [tilespmem:s22+$0xFFFFFF60];
	[tilespmem:s22+$0xF0] =	vst v8  }
0xe9: {  	[tilespmem:s22+$0xFFFFFF10] =	vst v6;
	v3 =	vmax.f32 v3, $0.0e+00;
	v6 =	vld [tilespmem:s22+$0xFFFFFF70]  }
0xea: {  	[tilespmem:s22+$0xFFFFFF20] =	vst v3;
	v3 =	vmax.f32 v4, $0.0e+00;
	v4 =	vld [tilespmem:s22+$0xFFFFFF80]  }
0xeb: {  	[tilespmem:s22+$0xFFFFFF30] =	vst v3;
	v3 =	vmax.f32 v5, $0.0e+00;
	v5 =	vld [tilespmem:s22+$0xFFFFFF90]  }
0xec: {  	[tilespmem:s22+$0xFFFFFF40] =	vst v3;
	v2 =	vmax.f32 v2, $0.0e+00;
	v3 =	vld [tilespmem:s22+$0xFFFFFFA0]  }
0xed: {  	[tilespmem:s22+$0xFFFFFF50] =	vst v2;
	v2 =	vmax.f32 v7, $0.0e+00;
	v7 =	vld [tilespmem:s22+$0xFFFFFFB0]  }
0xee: {  	[tilespmem:s22+$0xFFFFFF60] =	vst v2;
	v2 =	vmax.f32 v6, $0.0e+00;
	v6 =	vld [tilespmem:s22+$0xFFFFFFC0]  }
0xef: {  	[tilespmem:s22+$0xFFFFFF70] =	vst v2;
	v2 =	vmax.f32 v4, $0.0e+00;
	v4 =	vld [tilespmem:s22+$0xFFFFFFD0]  }
0xf0: {  	[tilespmem:s22+$0xFFFFFF80] =	vst v2;
	v2 =	vmax.f32 v5, $0.0e+00;
	v5 =	vld [tilespmem:s22+$0xFFFFFFE0]  }
0xf1: {  	[tilespmem:s22+$0xFFFFFF90] =	vst v2;
	v2 =	vmax.f32 v3, $0.0e+00;
	v3 =	vld [tilespmem:s22+$0xFFFFFFF0]  }
0xf2: {  	[tilespmem:s22+$0xFFFFFFA0] =	vst v2;
	v2 =	vmax.f32 v7, $0.0e+00;
	v7 =	vld [tilespmem:s22+$0x0]  }
0xf3: {  	[tilespmem:s22+$0xFFFFFFB0] =	vst v2;
	v2 =	vmax.f32 v6, $0.0e+00;
	v6 =	vld [tilespmem:s22+$0x10]  }
0xf4: {  	[tilespmem:s22+$0xFFFFFFC0] =	vst v2;
	v2 =	vmax.f32 v4, $0.0e+00;
	v4 =	vld [tilespmem:s22+$0x20]  }
0xf5: {  	[tilespmem:s22+$0xFFFFFFD0] =	vst v2;
	v2 =	vmax.f32 v5, $0.0e+00;
	v5 =	vld [tilespmem:s22+$0x30]  }
0xf6: {  	[tilespmem:s22+$0xFFFFFFE0] =	vst v2;
	v2 =	vmax.f32 v3, $0.0e+00;
	v3 =	vld [tilespmem:s22+$0x40]  }
0xf7: {  	[tilespmem:s22+$0xFFFFFFF0] =	vst v2;
	v2 =	vmax.f32 v7, $0.0e+00;
	v7 =	vld [tilespmem:s22+$0x50]  }
0xf8: {  	[tilespmem:s22+$0x0] =	vst v2;
	v2 =	vmax.f32 v6, $0.0e+00;
	v6 =	vld [tilespmem:s22+$0x60]  }
0xf9: {  	[tilespmem:s22+$0x10] =	vst v2;
	v2 =	vmax.f32 v4, $0.0e+00;
	v4 =	vld [tilespmem:s22+$0x70]  }
0xfa: {  	[tilespmem:s22+$0x20] =	vst v2;
	v2 =	vmax.f32 v5, $0.0e+00;
	v5 =	vld [tilespmem:s22+$0x80]  }
0xfb: {  	[tilespmem:s22+$0x30] =	vst v2;
	v2 =	vmax.f32 v3, $0.0e+00;
	v8 =	vld [tilespmem:s22+$0x90]  }
0xfc: {  	[tilespmem:s22+$0x40] =	vst v2;
	v2 =	vmax.f32 v7, $0.0e+00;
	v7 =	vld [tilespmem:s22+$0xA0]  }
.Ltmp1:
0xfd: {  	[tilespmem:s22+$0x50] =	vst v2;
	v3 =	vmax.f32 v6, $0.0e+00;
	v2 =	vld [tilespmem:s22+$0xB0];
	(pc) =	sbr.rel @p0 .LBB2_4-.Ltmp1, $4  }
0xfe: {  	[tilespmem:s22+$0x60] =	vst v3;
	v4 =	vmax.f32 v4, $0.0e+00;
	v3 =	vld [tilespmem:s22+$0xC0]  }
0xff: {  	[tilespmem:s22+$0x70] =	vst v4;
	v5 =	vmax.f32 v5, $0.0e+00;
	v4 =	vld [tilespmem:s22+$0xD0]  }
0x100: {  	[tilespmem:s22+$0x80] =	vst v5;
	v8 =	vmax.f32 v8, $0.0e+00;
	v5 =	vld [tilespmem:s22+$0xE0]  }
0x101: {  	s22 =	sadd.s32 $0x200, s22;
	v6 =	vld [tilespmem:s3+$0xFFFFFF00];
	[tilespmem:s3+$0x90] =	vst v8;
	v7 =	vmax.f32 v7, $0.0e+00  }
0x102: {  	[tilespmem:s3+$0xA0] =	vst v7;
	v2 =	vmax.f32 v2, $0.0e+00  }
0x103: {  	[tilespmem:s3+$0xB0] =	vst v2;
	v2 =	vmax.f32 v3, $0.0e+00  }
0x104: {  	[tilespmem:s3+$0xC0] =	vst v2;
	v2 =	vmax.f32 v4, $0.0e+00  }
0x105: {  	[tilespmem:s3+$0xD0] =	vst v2;
	v2 =	vmax.f32 v5, $0.0e+00  }
0x106: {  	v3 =	vmax.f32 v6, $0.0e+00;
	[tilespmem:s3+$0xE0] =	vst v2  }
0x107: {  	[tilespmem:s3+$0xFFFFFF00] =	vst v3  }
0x108: {  	[spmem:s25] =	stream.indirect.scatter.add.f32 [tilespmem:s2], [sflag:$0xD], $0x80, s8, s26, $0xb8;
	[tilespmem:$0x1BC78] =	vst v63  }
0x109: {  	_ = 	snop  }
0x10a: {  	[spmem:s21] =	stream.indirect.scatter.add.f32 [tilespmem:s19], [sflag:$0x10], $0x1, s8, s26, $0xb8;
	[tilespmem:$0x1BC78] =	vst v63  }
0x10b: {  	s20 =	simm.s32 $0x5300;
	s3 =	rddreg [dreg:$0x1d]  }
0x10c: {  	[tilespmem:s20], [sflag:$0x3] =	stream.linear.gather [hbm4b:s3+s13], $0x2800, $0x38;
	[tilespmem:$0x1BC78] =	vst v63  }
0x10d: {  	s22 =	simm.s32 $0x100;
	s23 =	rddreg [dreg:$0x1e]  }
0x10e: {  	[tilespmem:s22], [sflag:$0x6] =	stream.linear.gather [hbm4b:s23+s13], $0x50, $0x38;
	[tilespmem:$0x1BC78] =	vst v63  }
0x10f: {  	s23 =	sld [smem:$0x7F4];
	_ =	sdelay $0x1  }
0x110: {  	s3 =	simm.s32 $0x3  }
0x111: {  	[tilespmem:s0], [sflag:$0x9] =	stream.linear.gather [hbm4b:s23+s13], $0x50, $0x38;
	[tilespmem:$0x1BC78] =	vst v63  }
0x112: {  	_ =	swait.ge [sflag:s3], $0x2800  }
0x113: {  	[sflag:s3] =	ssyncset.done $0x0  }
0x114: {  	s23 =	simm.s32 $0x6;
	[sflag:s3] =	ssyncadd.s32 $0xFFFFD800  }
0x115: {  	_ =	swait.ge [sflag:s23], $0x50  }
0x116: {  	[sflag:s23] =	ssyncset.done $0x0  }
0x117: {  	s3 =	simm.s32 $0x9;
	[sflag:s23] =	ssyncadd.s32 $0xFFFFFFB0  }
0x118: {  	_ =	swait.ge [sflag:s3], $0x50  }
0x119: {  	[sflag:s3] =	ssyncset.done $0x0  }
0x11a: {  	[sflag:s3] =	ssyncadd.s32 $0xFFFFFFB0  }
0x11b: {  	s23 =	rddreg [dreg:$0x0]  }
0x11c: {  	[tilespmem:s20], [sflag:$0xC] =	stream.indirect.gather.add.f32 [hbm:s23], $0x80, s22, s26, $0xb8;
	[tilespmem:$0x1BC78] =	vst v63  }
0x11d: {  	_ =	swait.ge [sflag:s1], $0x2800  }
0x11e: {  	[sflag:s1] =	ssyncset.done $0x0  }
0x11f: {  	s3 =	simm.s32 $0x2C00;
	[sflag:s1] =	ssyncadd.s32 $0xFFFFD800  }
0x120: {  	v2 =	vld [tilespmem:s3+$0xFFFFFF10]  }
0x121: {  	v8 =	vld [tilespmem:s3+$0xF0]  }
0x122: {  	v3 =	vld [tilespmem:s3+$0xFFFFFF20]  }
0x123: {  	v9 =	vld [tilespmem:s3+$0xFFFFFF80]  }
0x124: {  	v4 =	vld [tilespmem:s3+$0xFFFFFF30]  }
0x125: {  	v10 =	vld [tilespmem:s3+$0xFFFFFF90];
	v2 =	vmax.f32 v2, $0.0e+00  }
0x126: {  	v5 =	vld [tilespmem:s3+$0xFFFFFF40];
	v8 =	vmax.f32 v8, $0.0e+00;
	[tilespmem:s3+$0xFFFFFF10] =	vst v2  }
0x127: {  	v6 =	vld [tilespmem:s3+$0xFFFFFF50];
	v3 =	vmax.f32 v3, $0.0e+00;
	[tilespmem:s3+$0xF0] =	vst v8  }
0x128: {  	v7 =	vld [tilespmem:s3+$0xFFFFFF60];
	[tilespmem:s3+$0xFFFFFF20] =	vst v3;
	v3 =	vmax.f32 v9, $0.0e+00  }
0x129: {  	v2 =	vld [tilespmem:s3+$0xFFFFFF70];
	[tilespmem:s3+$0xFFFFFF80] =	vst v3;
	v3 =	vmax.f32 v4, $0.0e+00  }
0x12a: {  	v11 =	vld [tilespmem:s3+$0xFFFFFFA0];
	[tilespmem:s3+$0xFFFFFF30] =	vst v3;
	v3 =	vmax.f32 v10, $0.0e+00  }
0x12b: {  	v12 =	vld [tilespmem:s3+$0xFFFFFFB0];
	[tilespmem:s3+$0xFFFFFF90] =	vst v3;
	v3 =	vmax.f32 v5, $0.0e+00  }
0x12c: {  	v8 =	vld [tilespmem:s3+$0xFFFFFFC0];
	[tilespmem:s3+$0xFFFFFF40] =	vst v3;
	v3 =	vmax.f32 v6, $0.0e+00  }
0x12d: {  	v6 =	vld [tilespmem:s3+$0x0];
	[tilespmem:s3+$0xFFFFFF50] =	vst v3;
	v3 =	vmax.f32 v7, $0.0e+00  }
0x12e: {  	v62 =	vld [tilespmem:s3+$0xFFFFFFD0];
	v2 =	vmax.f32 v2, $0.0e+00;
	[tilespmem:s3+$0xFFFFFF60] =	vst v3  }
0x12f: {  	v3 =	vld [tilespmem:s3+$0x10];
	[tilespmem:s3+$0xFFFFFF70] =	vst v2;
	v2 =	vmax.f32 v11, $0.0e+00  }
0x130: {  	v4 =	vld [tilespmem:s3+$0xFFFFFFE0];
	[tilespmem:s3+$0xFFFFFFA0] =	vst v2;
	v2 =	vmax.f32 v12, $0.0e+00  }
0x131: {  	v5 =	vld [tilespmem:s3+$0xFFFFFFF0];
	[tilespmem:s3+$0xFFFFFFB0] =	vst v2;
	v2 =	vmax.f32 v8, $0.0e+00  }
0x132: {  	v7 =	vld [tilespmem:s3+$0x20];
	[tilespmem:s3+$0xFFFFFFC0] =	vst v2;
	v2 =	vmax.f32 v6, $0.0e+00  }
0x133: {  	v6 =	vld [tilespmem:s3+$0x50];
	[tilespmem:s3+$0x0] =	vst v2;
	v2 =	vmax.f32 v62, $0.0e+00  }
0x134: {  	v63 =	vld [tilespmem:s3+$0x30];
	[tilespmem:s3+$0xFFFFFFD0] =	vst v2;
	v2 =	vmax.f32 v3, $0.0e+00  }
0x135: {  	v8 =	vld [tilespmem:s3+$0x40];
	[tilespmem:s3+$0x10] =	vst v2;
	v2 =	vmax.f32 v4, $0.0e+00  }
0x136: {  	v3 =	vld [tilespmem:s3+$0x60];
	[tilespmem:s3+$0xFFFFFFE0] =	vst v2;
	v2 =	vmax.f32 v5, $0.0e+00  }
0x137: {  	v4 =	vld [tilespmem:s3+$0x80];
	[tilespmem:s3+$0xFFFFFFF0] =	vst v2;
	v2 =	vmax.f32 v7, $0.0e+00  }
0x138: {  	v5 =	vld [tilespmem:s3+$0x70];
	v6 =	vmax.f32 v6, $0.0e+00;
	[tilespmem:s3+$0x20] =	vst v2  }
0x139: {  	v7 =	vld [tilespmem:s3+$0x90];
	v2 =	vmax.f32 v63, $0.0e+00;
	[tilespmem:s3+$0x50] =	vst v6  }
0x13a: {  	[tilespmem:s3+$0x30] =	vst v2;
	v2 =	vmax.f32 v8, $0.0e+00;
	v8 =	vld [tilespmem:s3+$0xA0]  }
0x13b: {  	v6 =	vmax.f32 v3, $0.0e+00;
	[tilespmem:s3+$0x40] =	vst v2;
	v2 =	vld [tilespmem:s3+$0xB0]  }
0x13c: {  	v3 =	vld [tilespmem:s3+$0xC0];
	[tilespmem:s3+$0x60] =	vst v6;
	v6 =	vmax.f32 v4, $0.0e+00  }
0x13d: {  	v4 =	vld [tilespmem:s3+$0xD0];
	v5 =	vmax.f32 v5, $0.0e+00;
	[tilespmem:s3+$0x80] =	vst v6  }
0x13e: {  	[tilespmem:s3+$0x70] =	vst v5;
	v7 =	vmax.f32 v7, $0.0e+00;
	v5 =	vld [tilespmem:s3+$0xE0]  }
0x13f: {  	s0 =	simm.s32 $0x5300;
	s20 =	simm.s32 $0x0;
	s22 =	simm.s32 $0x2E00;
	v6 =	vld [tilespmem:s3+$0xFFFFFF00];
	[tilespmem:s3+$0x90] =	vst v7;
	v7 =	vmax.f32 v8, $0.0e+00  }
.LBB2_6:
0x140: {  	v8 =	vld [tilespmem:s22+$0xF0];
	s20 =	sadd.s32 $0x4, s20;
	[tilespmem:s3+$0xA0] =	vst v7;
	v2 =	vmax.f32 v2, $0.0e+00  }
0x141: {  	v7 =	vld [tilespmem:s22+$0xFFFFFF10];
	p0 =	slt.u32 s20, $0x4C;
	[tilespmem:s3+$0xB0] =	vst v2;
	v2 =	vmax.f32 v3, $0.0e+00  }
0x142: {  	v3 =	vld [tilespmem:s22+$0xFFFFFF20];
	[tilespmem:s3+$0xC0] =	vst v2;
	v2 =	vmax.f32 v4, $0.0e+00  }
0x143: {  	v4 =	vld [tilespmem:s22+$0xFFFFFF30];
	[tilespmem:s3+$0xD0] =	vst v2;
	v2 =	vmax.f32 v5, $0.0e+00  }
0x144: {  	v5 =	vld [tilespmem:s22+$0xFFFFFF40];
	v6 =	vmax.f32 v6, $0.0e+00;
	[tilespmem:s3+$0xE0] =	vst v2  }
0x145: {  	v2 =	vld [tilespmem:s22+$0xFFFFFF50];
	v8 =	vmax.f32 v8, $0.0e+00;
	[tilespmem:s3+$0xFFFFFF00] =	vst v6;
	s3 =	smov.u32 s22  }
0x146: {  	v6 =	vmax.f32 v7, $0.0e+00;
	v7 =	vld [tilespmem:s22+$0xFFFFFF60];
	[tilespmem:s22+$0xF0] =	vst v8  }
0x147: {  	[tilespmem:s22+$0xFFFFFF10] =	vst v6;
	v3 =	vmax.f32 v3, $0.0e+00;
	v6 =	vld [tilespmem:s22+$0xFFFFFF70]  }
0x148: {  	[tilespmem:s22+$0xFFFFFF20] =	vst v3;
	v3 =	vmax.f32 v4, $0.0e+00;
	v4 =	vld [tilespmem:s22+$0xFFFFFF80]  }
0x149: {  	[tilespmem:s22+$0xFFFFFF30] =	vst v3;
	v3 =	vmax.f32 v5, $0.0e+00;
	v5 =	vld [tilespmem:s22+$0xFFFFFF90]  }
0x14a: {  	[tilespmem:s22+$0xFFFFFF40] =	vst v3;
	v2 =	vmax.f32 v2, $0.0e+00;
	v3 =	vld [tilespmem:s22+$0xFFFFFFA0]  }
0x14b: {  	[tilespmem:s22+$0xFFFFFF50] =	vst v2;
	v2 =	vmax.f32 v7, $0.0e+00;
	v7 =	vld [tilespmem:s22+$0xFFFFFFB0]  }
0x14c: {  	[tilespmem:s22+$0xFFFFFF60] =	vst v2;
	v2 =	vmax.f32 v6, $0.0e+00;
	v6 =	vld [tilespmem:s22+$0xFFFFFFC0]  }
0x14d: {  	[tilespmem:s22+$0xFFFFFF70] =	vst v2;
	v2 =	vmax.f32 v4, $0.0e+00;
	v4 =	vld [tilespmem:s22+$0xFFFFFFD0]  }
0x14e: {  	[tilespmem:s22+$0xFFFFFF80] =	vst v2;
	v2 =	vmax.f32 v5, $0.0e+00;
	v5 =	vld [tilespmem:s22+$0xFFFFFFE0]  }
0x14f: {  	[tilespmem:s22+$0xFFFFFF90] =	vst v2;
	v2 =	vmax.f32 v3, $0.0e+00;
	v3 =	vld [tilespmem:s22+$0xFFFFFFF0]  }
0x150: {  	[tilespmem:s22+$0xFFFFFFA0] =	vst v2;
	v2 =	vmax.f32 v7, $0.0e+00;
	v7 =	vld [tilespmem:s22+$0x0]  }
0x151: {  	[tilespmem:s22+$0xFFFFFFB0] =	vst v2;
	v2 =	vmax.f32 v6, $0.0e+00;
	v6 =	vld [tilespmem:s22+$0x10]  }
0x152: {  	[tilespmem:s22+$0xFFFFFFC0] =	vst v2;
	v2 =	vmax.f32 v4, $0.0e+00;
	v4 =	vld [tilespmem:s22+$0x20]  }
0x153: {  	[tilespmem:s22+$0xFFFFFFD0] =	vst v2;
	v2 =	vmax.f32 v5, $0.0e+00;
	v5 =	vld [tilespmem:s22+$0x30]  }
0x154: {  	[tilespmem:s22+$0xFFFFFFE0] =	vst v2;
	v2 =	vmax.f32 v3, $0.0e+00;
	v3 =	vld [tilespmem:s22+$0x40]  }
0x155: {  	[tilespmem:s22+$0xFFFFFFF0] =	vst v2;
	v2 =	vmax.f32 v7, $0.0e+00;
	v7 =	vld [tilespmem:s22+$0x50]  }
0x156: {  	[tilespmem:s22+$0x0] =	vst v2;
	v2 =	vmax.f32 v6, $0.0e+00;
	v6 =	vld [tilespmem:s22+$0x60]  }
0x157: {  	[tilespmem:s22+$0x10] =	vst v2;
	v2 =	vmax.f32 v4, $0.0e+00;
	v4 =	vld [tilespmem:s22+$0x70]  }
0x158: {  	[tilespmem:s22+$0x20] =	vst v2;
	v2 =	vmax.f32 v5, $0.0e+00;
	v5 =	vld [tilespmem:s22+$0x80]  }
0x159: {  	[tilespmem:s22+$0x30] =	vst v2;
	v2 =	vmax.f32 v3, $0.0e+00;
	v8 =	vld [tilespmem:s22+$0x90]  }
0x15a: {  	[tilespmem:s22+$0x40] =	vst v2;
	v2 =	vmax.f32 v7, $0.0e+00;
	v7 =	vld [tilespmem:s22+$0xA0]  }
.Ltmp2:
0x15b: {  	[tilespmem:s22+$0x50] =	vst v2;
	v3 =	vmax.f32 v6, $0.0e+00;
	v2 =	vld [tilespmem:s22+$0xB0];
	(pc) =	sbr.rel @p0 .LBB2_6-.Ltmp2, $4  }
0x15c: {  	[tilespmem:s22+$0x60] =	vst v3;
	v4 =	vmax.f32 v4, $0.0e+00;
	v3 =	vld [tilespmem:s22+$0xC0]  }
0x15d: {  	[tilespmem:s22+$0x70] =	vst v4;
	v5 =	vmax.f32 v5, $0.0e+00;
	v4 =	vld [tilespmem:s22+$0xD0]  }
0x15e: {  	[tilespmem:s22+$0x80] =	vst v5;
	v8 =	vmax.f32 v8, $0.0e+00;
	v5 =	vld [tilespmem:s22+$0xE0]  }
0x15f: {  	s22 =	sadd.s32 $0x200, s22;
	v6 =	vld [tilespmem:s3+$0xFFFFFF00];
	[tilespmem:s3+$0x90] =	vst v8;
	v7 =	vmax.f32 v7, $0.0e+00  }
0x160: {  	[smem:$0x7F3] =	sst s4  }
0x161: {  	v2 =	vmax.f32 v2, $0.0e+00;
	[tilespmem:s3+$0xA0] =	vst v7  }
0x162: {  	[tilespmem:s3+$0xB0] =	vst v2;
	v2 =	vmax.f32 v3, $0.0e+00  }
0x163: {  	[tilespmem:s3+$0xC0] =	vst v2;
	v2 =	vmax.f32 v4, $0.0e+00  }
0x164: {  	[tilespmem:s3+$0xD0] =	vst v2;
	v2 =	vmax.f32 v5, $0.0e+00  }
0x165: {  	v3 =	vmax.f32 v6, $0.0e+00;
	[tilespmem:s3+$0xE0] =	vst v2  }
0x166: {  	[tilespmem:s3+$0xFFFFFF00] =	vst v3  }
0x167: {  	[spmem:s25] =	stream.indirect.scatter.add.f32 [tilespmem:s28], [sflag:$0xE], $0x80, s30, s26, $0xb8;
	[tilespmem:$0x1BC78] =	vst v63  }
0x168: {  	_ = 	snop  }
0x169: {  	[spmem:s21] =	stream.indirect.scatter.add.f32 [tilespmem:s19], [sflag:$0x11], $0x1, s30, s26, $0xb8;
	[tilespmem:$0x1BC78] =	vst v63  }
0x16a: {  	_ =	swait.ge [sflag:s7], $0x2800  }
0x16b: {  	[sflag:s7] =	ssyncset.done $0x0  }
0x16c: {  	[sflag:s7] =	ssyncadd.s32 $0xFFFFD800  }
0x16d: {  	_ =	swait.ge [sflag:s10], $0x50  }
0x16e: {  	s23 =	sld [smem:$0x7F5]  }
0x16f: {  	[sflag:s10] =	ssyncset.done $0x0  }
0x170: {  	s4 =	sld [smem:$0x7F6];
	[sflag:s10] =	ssyncadd.s32 $0xFFFFFFB0  }
0x171: {  	[tilespmem:s2], [sflag:$0x1] =	stream.linear.gather [hbm4b:s23+s13], $0x2800, $0x38;
	[tilespmem:$0x1BC78] =	vst v63  }
0x172: {  	s20 =	sld [smem:$0x7F7]  }
0x173: {  	[tilespmem:s13], [sflag:$0x4] =	stream.linear.gather [hbm4b:s4+s13], $0x50, $0x38;
	[tilespmem:$0x1BC78] =	vst v63  }
0x174: {  	_ = 	snop  }
0x175: {  	[tilespmem:s8], [sflag:$0x7] =	stream.linear.gather [hbm4b:s20+s13], $0x50, $0x38;
	[tilespmem:$0x1BC78] =	vst v63  }
0x176: {  	_ =	swait.ge [sflag:s9], $0x2800  }
0x177: {  	[sflag:s9] =	ssyncset.done $0x0  }
0x178: {  	[sflag:s9] =	ssyncadd.s32 $0xFFFFD800  }
0x179: {  	_ =	swait.ge [sflag:s11], $0x50  }
0x17a: {  	[sflag:s11] =	ssyncset.done $0x0  }
0x17b: {  	[sflag:s11] =	ssyncadd.s32 $0xFFFFFFB0  }
0x17c: {  	_ =	swait.ge [sflag:s12], $0x50  }
0x17d: {  	[sflag:s12] =	ssyncset.done $0x0  }
0x17e: {  	[sflag:s12] =	ssyncadd.s32 $0xFFFFFFB0  }
0x17f: {  	s23 =	simm.s32 $0xC;
	s22 =	rddreg [dreg:$0x0]  }
0x180: {  	[tilespmem:s2], [sflag:$0xA] =	stream.indirect.gather.add.f32 [hbm:s22], $0x80, s13, s26, $0xb8;
	[tilespmem:$0x1BC78] =	vst v63  }
0x181: {  	_ =	swait.ge [sflag:s23], $0x2800  }
0x182: {  	[sflag:s23] =	ssyncset.done $0x0  }
0x183: {  	s3 =	simm.s32 $0x5400;
	[sflag:s23] =	ssyncadd.s32 $0xFFFFD800  }
0x184: {  	v2 =	vld [tilespmem:s3+$0xFFFFFF10]  }
0x185: {  	v8 =	vld [tilespmem:s3+$0xF0]  }
0x186: {  	v3 =	vld [tilespmem:s3+$0xFFFFFF20]  }
0x187: {  	v9 =	vld [tilespmem:s3+$0xFFFFFF80]  }
0x188: {  	v4 =	vld [tilespmem:s3+$0xFFFFFF30]  }
0x189: {  	v10 =	vld [tilespmem:s3+$0xFFFFFF90];
	v2 =	vmax.f32 v2, $0.0e+00  }
0x18a: {  	v5 =	vld [tilespmem:s3+$0xFFFFFF40];
	v8 =	vmax.f32 v8, $0.0e+00;
	[tilespmem:s3+$0xFFFFFF10] =	vst v2  }
0x18b: {  	v6 =	vld [tilespmem:s3+$0xFFFFFF50];
	v3 =	vmax.f32 v3, $0.0e+00;
	[tilespmem:s3+$0xF0] =	vst v8  }
0x18c: {  	v7 =	vld [tilespmem:s3+$0xFFFFFF60];
	[tilespmem:s3+$0xFFFFFF20] =	vst v3;
	v3 =	vmax.f32 v9, $0.0e+00  }
0x18d: {  	v2 =	vld [tilespmem:s3+$0xFFFFFF70];
	[tilespmem:s3+$0xFFFFFF80] =	vst v3;
	v3 =	vmax.f32 v4, $0.0e+00  }
0x18e: {  	v11 =	vld [tilespmem:s3+$0xFFFFFFA0];
	[tilespmem:s3+$0xFFFFFF30] =	vst v3;
	v3 =	vmax.f32 v10, $0.0e+00  }
0x18f: {  	v12 =	vld [tilespmem:s3+$0xFFFFFFB0];
	[tilespmem:s3+$0xFFFFFF90] =	vst v3;
	v3 =	vmax.f32 v5, $0.0e+00  }
0x190: {  	v8 =	vld [tilespmem:s3+$0xFFFFFFC0];
	[tilespmem:s3+$0xFFFFFF40] =	vst v3;
	v3 =	vmax.f32 v6, $0.0e+00  }
0x191: {  	v6 =	vld [tilespmem:s3+$0x0];
	[tilespmem:s3+$0xFFFFFF50] =	vst v3;
	v3 =	vmax.f32 v7, $0.0e+00  }
0x192: {  	v62 =	vld [tilespmem:s3+$0xFFFFFFD0];
	v2 =	vmax.f32 v2, $0.0e+00;
	[tilespmem:s3+$0xFFFFFF60] =	vst v3  }
0x193: {  	v3 =	vld [tilespmem:s3+$0x10];
	[tilespmem:s3+$0xFFFFFF70] =	vst v2;
	v2 =	vmax.f32 v11, $0.0e+00  }
0x194: {  	v4 =	vld [tilespmem:s3+$0xFFFFFFE0];
	[tilespmem:s3+$0xFFFFFFA0] =	vst v2;
	v2 =	vmax.f32 v12, $0.0e+00  }
0x195: {  	v5 =	vld [tilespmem:s3+$0xFFFFFFF0];
	[tilespmem:s3+$0xFFFFFFB0] =	vst v2;
	v2 =	vmax.f32 v8, $0.0e+00  }
0x196: {  	v7 =	vld [tilespmem:s3+$0x20];
	[tilespmem:s3+$0xFFFFFFC0] =	vst v2;
	v2 =	vmax.f32 v6, $0.0e+00  }
0x197: {  	v6 =	vld [tilespmem:s3+$0x50];
	[tilespmem:s3+$0x0] =	vst v2;
	v2 =	vmax.f32 v62, $0.0e+00  }
0x198: {  	v63 =	vld [tilespmem:s3+$0x30];
	[tilespmem:s3+$0xFFFFFFD0] =	vst v2;
	v2 =	vmax.f32 v3, $0.0e+00  }
0x199: {  	v8 =	vld [tilespmem:s3+$0x40];
	[tilespmem:s3+$0x10] =	vst v2;
	v2 =	vmax.f32 v4, $0.0e+00  }
0x19a: {  	v3 =	vld [tilespmem:s3+$0x60];
	[tilespmem:s3+$0xFFFFFFE0] =	vst v2;
	v2 =	vmax.f32 v5, $0.0e+00  }
0x19b: {  	v4 =	vld [tilespmem:s3+$0x80];
	[tilespmem:s3+$0xFFFFFFF0] =	vst v2;
	v2 =	vmax.f32 v7, $0.0e+00  }
0x19c: {  	v5 =	vld [tilespmem:s3+$0x70];
	v6 =	vmax.f32 v6, $0.0e+00;
	[tilespmem:s3+$0x20] =	vst v2  }
0x19d: {  	v7 =	vld [tilespmem:s3+$0x90];
	v2 =	vmax.f32 v63, $0.0e+00;
	[tilespmem:s3+$0x50] =	vst v6  }
0x19e: {  	[tilespmem:s3+$0x30] =	vst v2;
	v2 =	vmax.f32 v8, $0.0e+00;
	v8 =	vld [tilespmem:s3+$0xA0]  }
0x19f: {  	v6 =	vmax.f32 v3, $0.0e+00;
	[tilespmem:s3+$0x40] =	vst v2;
	v2 =	vld [tilespmem:s3+$0xB0]  }
0x1a0: {  	v3 =	vld [tilespmem:s3+$0xC0];
	[tilespmem:s3+$0x60] =	vst v6;
	v6 =	vmax.f32 v4, $0.0e+00  }
0x1a1: {  	v4 =	vld [tilespmem:s3+$0xD0];
	v5 =	vmax.f32 v5, $0.0e+00;
	[tilespmem:s3+$0x80] =	vst v6  }
0x1a2: {  	[tilespmem:s3+$0x70] =	vst v5;
	v7 =	vmax.f32 v7, $0.0e+00;
	v5 =	vld [tilespmem:s3+$0xE0]  }
0x1a3: {  	s20 =	simm.s32 $0x0;
	s22 =	simm.s32 $0x5600;
	v6 =	vld [tilespmem:s3+$0xFFFFFF00];
	[tilespmem:s3+$0x90] =	vst v7;
	v7 =	vmax.f32 v8, $0.0e+00  }
.LBB2_8:
0x1a4: {  	v8 =	vld [tilespmem:s22+$0xF0];
	s20 =	sadd.s32 $0x4, s20;
	[tilespmem:s3+$0xA0] =	vst v7;
	v2 =	vmax.f32 v2, $0.0e+00  }
0x1a5: {  	v7 =	vld [tilespmem:s22+$0xFFFFFF10];
	p0 =	slt.u32 s20, $0x4C;
	[tilespmem:s3+$0xB0] =	vst v2;
	v2 =	vmax.f32 v3, $0.0e+00  }
0x1a6: {  	v3 =	vld [tilespmem:s22+$0xFFFFFF20];
	[tilespmem:s3+$0xC0] =	vst v2;
	v2 =	vmax.f32 v4, $0.0e+00  }
0x1a7: {  	v4 =	vld [tilespmem:s22+$0xFFFFFF30];
	[tilespmem:s3+$0xD0] =	vst v2;
	v2 =	vmax.f32 v5, $0.0e+00  }
0x1a8: {  	v5 =	vld [tilespmem:s22+$0xFFFFFF40];
	v6 =	vmax.f32 v6, $0.0e+00;
	[tilespmem:s3+$0xE0] =	vst v2  }
0x1a9: {  	v2 =	vld [tilespmem:s22+$0xFFFFFF50];
	v8 =	vmax.f32 v8, $0.0e+00;
	[tilespmem:s3+$0xFFFFFF00] =	vst v6;
	s3 =	smov.u32 s22  }
0x1aa: {  	v6 =	vmax.f32 v7, $0.0e+00;
	v7 =	vld [tilespmem:s22+$0xFFFFFF60];
	[tilespmem:s22+$0xF0] =	vst v8  }
0x1ab: {  	[tilespmem:s22+$0xFFFFFF10] =	vst v6;
	v3 =	vmax.f32 v3, $0.0e+00;
	v6 =	vld [tilespmem:s22+$0xFFFFFF70]  }
0x1ac: {  	[tilespmem:s22+$0xFFFFFF20] =	vst v3;
	v3 =	vmax.f32 v4, $0.0e+00;
	v4 =	vld [tilespmem:s22+$0xFFFFFF80]  }
0x1ad: {  	[tilespmem:s22+$0xFFFFFF30] =	vst v3;
	v3 =	vmax.f32 v5, $0.0e+00;
	v5 =	vld [tilespmem:s22+$0xFFFFFF90]  }
0x1ae: {  	[tilespmem:s22+$0xFFFFFF40] =	vst v3;
	v2 =	vmax.f32 v2, $0.0e+00;
	v3 =	vld [tilespmem:s22+$0xFFFFFFA0]  }
0x1af: {  	[tilespmem:s22+$0xFFFFFF50] =	vst v2;
	v2 =	vmax.f32 v7, $0.0e+00;
	v7 =	vld [tilespmem:s22+$0xFFFFFFB0]  }
0x1b0: {  	[tilespmem:s22+$0xFFFFFF60] =	vst v2;
	v2 =	vmax.f32 v6, $0.0e+00;
	v6 =	vld [tilespmem:s22+$0xFFFFFFC0]  }
0x1b1: {  	[tilespmem:s22+$0xFFFFFF70] =	vst v2;
	v2 =	vmax.f32 v4, $0.0e+00;
	v4 =	vld [tilespmem:s22+$0xFFFFFFD0]  }
0x1b2: {  	[tilespmem:s22+$0xFFFFFF80] =	vst v2;
	v2 =	vmax.f32 v5, $0.0e+00;
	v5 =	vld [tilespmem:s22+$0xFFFFFFE0]  }
0x1b3: {  	[tilespmem:s22+$0xFFFFFF90] =	vst v2;
	v2 =	vmax.f32 v3, $0.0e+00;
	v3 =	vld [tilespmem:s22+$0xFFFFFFF0]  }
0x1b4: {  	[tilespmem:s22+$0xFFFFFFA0] =	vst v2;
	v2 =	vmax.f32 v7, $0.0e+00;
	v7 =	vld [tilespmem:s22+$0x0]  }
0x1b5: {  	[tilespmem:s22+$0xFFFFFFB0] =	vst v2;
	v2 =	vmax.f32 v6, $0.0e+00;
	v6 =	vld [tilespmem:s22+$0x10]  }
0x1b6: {  	[tilespmem:s22+$0xFFFFFFC0] =	vst v2;
	v2 =	vmax.f32 v4, $0.0e+00;
	v4 =	vld [tilespmem:s22+$0x20]  }
0x1b7: {  	[tilespmem:s22+$0xFFFFFFD0] =	vst v2;
	v2 =	vmax.f32 v5, $0.0e+00;
	v5 =	vld [tilespmem:s22+$0x30]  }
0x1b8: {  	[tilespmem:s22+$0xFFFFFFE0] =	vst v2;
	v2 =	vmax.f32 v3, $0.0e+00;
	v3 =	vld [tilespmem:s22+$0x40]  }
0x1b9: {  	[tilespmem:s22+$0xFFFFFFF0] =	vst v2;
	v2 =	vmax.f32 v7, $0.0e+00;
	v7 =	vld [tilespmem:s22+$0x50]  }
0x1ba: {  	[tilespmem:s22+$0x0] =	vst v2;
	v2 =	vmax.f32 v6, $0.0e+00;
	v6 =	vld [tilespmem:s22+$0x60]  }
0x1bb: {  	[tilespmem:s22+$0x10] =	vst v2;
	v2 =	vmax.f32 v4, $0.0e+00;
	v4 =	vld [tilespmem:s22+$0x70]  }
0x1bc: {  	[tilespmem:s22+$0x20] =	vst v2;
	v2 =	vmax.f32 v5, $0.0e+00;
	v5 =	vld [tilespmem:s22+$0x80]  }
0x1bd: {  	[tilespmem:s22+$0x30] =	vst v2;
	v2 =	vmax.f32 v3, $0.0e+00;
	v8 =	vld [tilespmem:s22+$0x90]  }
0x1be: {  	[tilespmem:s22+$0x40] =	vst v2;
	v2 =	vmax.f32 v7, $0.0e+00;
	v7 =	vld [tilespmem:s22+$0xA0]  }
.Ltmp3:
0x1bf: {  	[tilespmem:s22+$0x50] =	vst v2;
	v3 =	vmax.f32 v6, $0.0e+00;
	v2 =	vld [tilespmem:s22+$0xB0];
	(pc) =	sbr.rel @p0 .LBB2_8-.Ltmp3, $4  }
0x1c0: {  	[tilespmem:s22+$0x60] =	vst v3;
	v4 =	vmax.f32 v4, $0.0e+00;
	v3 =	vld [tilespmem:s22+$0xC0]  }
0x1c1: {  	[tilespmem:s22+$0x70] =	vst v4;
	v5 =	vmax.f32 v5, $0.0e+00;
	v4 =	vld [tilespmem:s22+$0xD0]  }
0x1c2: {  	[tilespmem:s22+$0x80] =	vst v5;
	v8 =	vmax.f32 v8, $0.0e+00;
	v5 =	vld [tilespmem:s22+$0xE0]  }
0x1c3: {  	s22 =	sadd.s32 $0x200, s22;
	v6 =	vld [tilespmem:s3+$0xFFFFFF00];
	[tilespmem:s3+$0x90] =	vst v8;
	v7 =	vmax.f32 v7, $0.0e+00  }
0x1c4: {  	[tilespmem:s3+$0xA0] =	vst v7;
	v2 =	vmax.f32 v2, $0.0e+00  }
0x1c5: {  	[tilespmem:s3+$0xB0] =	vst v2;
	v2 =	vmax.f32 v3, $0.0e+00  }
0x1c6: {  	[tilespmem:s3+$0xC0] =	vst v2;
	v2 =	vmax.f32 v4, $0.0e+00  }
0x1c7: {  	[tilespmem:s3+$0xD0] =	vst v2;
	v2 =	vmax.f32 v5, $0.0e+00  }
0x1c8: {  	v3 =	vmax.f32 v6, $0.0e+00;
	[tilespmem:s3+$0xE0] =	vst v2  }
0x1c9: {  	s4 =	simm.s32 $0x280;
	[tilespmem:s3+$0xFFFFFF00] =	vst v3  }
0x1ca: {  	[spmem:s25] =	stream.indirect.scatter.add.f32 [tilespmem:s0], [sflag:$0xF], $0x80, s4, s26, $0xb8;
	[tilespmem:$0x1BC78] =	vst v63  }
0x1cb: {  	s0 =	simm.s32 $0x280  }
0x1cc: {  	[spmem:s21] =	stream.indirect.scatter.add.f32 [tilespmem:s19], [sflag:$0x12], $0x1, s0, s26, $0xb8;
	[tilespmem:$0x1BC78] =	vst v63  }
0x1cd: {  	_ =	swait.ge [sflag:s29], $0x2800  }
0x1ce: {  	[sflag:s29] =	ssyncset.done $0x0  }
0x1cf: {  	[sflag:s29] =	ssyncadd.s32 $0xFFFFD800  }
0x1d0: {  	_ =	swait.ge [sflag:s5], $0x50  }
0x1d1: {  	s20 =	sld [smem:$0x7F9]  }
0x1d2: {  	[sflag:s5] =	ssyncset.done $0x0  }
0x1d3: {  	s22 =	sld [smem:$0x7FA];
	[sflag:s5] =	ssyncadd.s32 $0xFFFFFFB0  }
0x1d4: {  	[tilespmem:s28], [sflag:$0x2] =	stream.linear.gather [hbm4b:s20+s13], $0x2800, $0x38;
	[tilespmem:$0x1BC78] =	vst v63  }
0x1d5: {  	s23 =	sld [smem:$0x7FB]  }
0x1d6: {  	[tilespmem:s24], [sflag:$0x5] =	stream.linear.gather [hbm4b:s22+s13], $0x50, $0x38;
	[tilespmem:$0x1BC78] =	vst v63  }
0x1d7: {  	s3 =	simm.s32 $0x1  }
0x1d8: {  	[tilespmem:s30], [sflag:$0x8] =	stream.linear.gather [hbm4b:s23+s13], $0x50, $0x38;
	[tilespmem:$0x1BC78] =	vst v63  }
.LBB2_10:
0x1d9: {  	_ =	swait.ge [sflag:s31], $0x2800  }
0x1da: {  	[sflag:s31] =	ssyncset.done $0x0  }
0x1db: {  	[sflag:s31] =	ssyncadd.s32 $0xFFFFD800  }
0x1dc: {  	_ =	swait.ge [sflag:s6], $0x50  }
0x1dd: {  	[sflag:s6] =	ssyncset.done $0x0  }
0x1de: {  	[sflag:s6] =	ssyncadd.s32 $0xFFFFFFB0  }
0x1df: {  	_ =	swait.ge [sflag:s17], $0x50  }
0x1e0: {  	[sflag:s17] =	ssyncset.done $0x0  }
0x1e1: {  	[sflag:s17] =	ssyncadd.s32 $0xFFFFFFB0  }
0x1e2: {  	s20 =	rddreg [dreg:$0x0]  }
0x1e3: {  	[tilespmem:s28], [sflag:$0xB] =	stream.indirect.gather.add.f32 [hbm:s20], $0x80, s24, s26, $0xb8;
	[tilespmem:$0x1BC78] =	vst v63  }
0x1e4: {  	_ =	swait.ge [sflag:s18], $0x2800  }
0x1e5: {  	[sflag:s18] =	ssyncset.done $0x0  }
0x1e6: {  	s20 =	simm.s32 $0x400;
	[sflag:s18] =	ssyncadd.s32 $0xFFFFD800  }
0x1e7: {  	v2 =	vld [tilespmem:s20+$0xFFFFFF10]  }
0x1e8: {  	v8 =	vld [tilespmem:s20+$0xF0]  }
0x1e9: {  	v3 =	vld [tilespmem:s20+$0xFFFFFF20]  }
0x1ea: {  	v9 =	vld [tilespmem:s20+$0xFFFFFF80]  }
0x1eb: {  	v4 =	vld [tilespmem:s20+$0xFFFFFF30]  }
0x1ec: {  	v10 =	vld [tilespmem:s20+$0xFFFFFF90];
	v2 =	vmax.f32 v2, $0.0e+00  }
0x1ed: {  	v5 =	vld [tilespmem:s20+$0xFFFFFF40];
	v8 =	vmax.f32 v8, $0.0e+00;
	[tilespmem:s20+$0xFFFFFF10] =	vst v2  }
0x1ee: {  	v6 =	vld [tilespmem:s20+$0xFFFFFF50];
	v3 =	vmax.f32 v3, $0.0e+00;
	[tilespmem:s20+$0xF0] =	vst v8  }
0x1ef: {  	v7 =	vld [tilespmem:s20+$0xFFFFFF60];
	[tilespmem:s20+$0xFFFFFF20] =	vst v3;
	v3 =	vmax.f32 v9, $0.0e+00  }
0x1f0: {  	v2 =	vld [tilespmem:s20+$0xFFFFFF70];
	[tilespmem:s20+$0xFFFFFF80] =	vst v3;
	v3 =	vmax.f32 v4, $0.0e+00  }
0x1f1: {  	v11 =	vld [tilespmem:s20+$0xFFFFFFA0];
	[tilespmem:s20+$0xFFFFFF30] =	vst v3;
	v3 =	vmax.f32 v10, $0.0e+00  }
0x1f2: {  	v12 =	vld [tilespmem:s20+$0xFFFFFFB0];
	[tilespmem:s20+$0xFFFFFF90] =	vst v3;
	v3 =	vmax.f32 v5, $0.0e+00  }
0x1f3: {  	v8 =	vld [tilespmem:s20+$0xFFFFFFC0];
	[tilespmem:s20+$0xFFFFFF40] =	vst v3;
	v3 =	vmax.f32 v6, $0.0e+00  }
0x1f4: {  	v6 =	vld [tilespmem:s20+$0x0];
	[tilespmem:s20+$0xFFFFFF50] =	vst v3;
	v3 =	vmax.f32 v7, $0.0e+00  }
0x1f5: {  	v62 =	vld [tilespmem:s20+$0xFFFFFFD0];
	v2 =	vmax.f32 v2, $0.0e+00;
	[tilespmem:s20+$0xFFFFFF60] =	vst v3  }
0x1f6: {  	v3 =	vld [tilespmem:s20+$0x10];
	[tilespmem:s20+$0xFFFFFF70] =	vst v2;
	v2 =	vmax.f32 v11, $0.0e+00  }
0x1f7: {  	v4 =	vld [tilespmem:s20+$0xFFFFFFE0];
	[tilespmem:s20+$0xFFFFFFA0] =	vst v2;
	v2 =	vmax.f32 v12, $0.0e+00  }
0x1f8: {  	v5 =	vld [tilespmem:s20+$0xFFFFFFF0];
	[tilespmem:s20+$0xFFFFFFB0] =	vst v2;
	v2 =	vmax.f32 v8, $0.0e+00  }
0x1f9: {  	v7 =	vld [tilespmem:s20+$0x20];
	[tilespmem:s20+$0xFFFFFFC0] =	vst v2;
	v2 =	vmax.f32 v6, $0.0e+00  }
0x1fa: {  	v6 =	vld [tilespmem:s20+$0x50];
	[tilespmem:s20+$0x0] =	vst v2;
	v2 =	vmax.f32 v62, $0.0e+00  }
0x1fb: {  	v63 =	vld [tilespmem:s20+$0x30];
	[tilespmem:s20+$0xFFFFFFD0] =	vst v2;
	v2 =	vmax.f32 v3, $0.0e+00  }
0x1fc: {  	v8 =	vld [tilespmem:s20+$0x40];
	[tilespmem:s20+$0x10] =	vst v2;
	v2 =	vmax.f32 v4, $0.0e+00  }
0x1fd: {  	v3 =	vld [tilespmem:s20+$0x60];
	[tilespmem:s20+$0xFFFFFFE0] =	vst v2;
	v2 =	vmax.f32 v5, $0.0e+00  }
0x1fe: {  	v4 =	vld [tilespmem:s20+$0x80];
	[tilespmem:s20+$0xFFFFFFF0] =	vst v2;
	v2 =	vmax.f32 v7, $0.0e+00  }
0x1ff: {  	v5 =	vld [tilespmem:s20+$0x70];
	v6 =	vmax.f32 v6, $0.0e+00;
	[tilespmem:s20+$0x20] =	vst v2  }
0x200: {  	v7 =	vld [tilespmem:s20+$0x90];
	v2 =	vmax.f32 v63, $0.0e+00;
	[tilespmem:s20+$0x50] =	vst v6  }
0x201: {  	[tilespmem:s20+$0x30] =	vst v2;
	v2 =	vmax.f32 v8, $0.0e+00;
	v8 =	vld [tilespmem:s20+$0xA0]  }
0x202: {  	v6 =	vmax.f32 v3, $0.0e+00;
	[tilespmem:s20+$0x40] =	vst v2;
	v2 =	vld [tilespmem:s20+$0xB0]  }
0x203: {  	v3 =	vld [tilespmem:s20+$0xC0];
	[tilespmem:s20+$0x60] =	vst v6;
	v6 =	vmax.f32 v4, $0.0e+00  }
0x204: {  	v4 =	vld [tilespmem:s20+$0xD0];
	v5 =	vmax.f32 v5, $0.0e+00;
	[tilespmem:s20+$0x80] =	vst v6  }
0x205: {  	[tilespmem:s20+$0x70] =	vst v5;
	v7 =	vmax.f32 v7, $0.0e+00;
	v5 =	vld [tilespmem:s20+$0xE0]  }
0x206: {  	s22 =	simm.s32 $0x0;
	s23 =	simm.s32 $0x600;
	v6 =	vld [tilespmem:s20+$0xFFFFFF00];
	[tilespmem:s20+$0x90] =	vst v7;
	v7 =	vmax.f32 v8, $0.0e+00  }
.LBB2_11:
0x207: {  	v8 =	vld [tilespmem:s23+$0xF0];
	s22 =	sadd.s32 $0x4, s22;
	[tilespmem:s20+$0xA0] =	vst v7;
	v2 =	vmax.f32 v2, $0.0e+00  }
0x208: {  	v7 =	vld [tilespmem:s23+$0xFFFFFF10];
	p0 =	slt.u32 s22, $0x4C;
	[tilespmem:s20+$0xB0] =	vst v2;
	v2 =	vmax.f32 v3, $0.0e+00  }
0x209: {  	v3 =	vld [tilespmem:s23+$0xFFFFFF20];
	[tilespmem:s20+$0xC0] =	vst v2;
	v2 =	vmax.f32 v4, $0.0e+00  }
0x20a: {  	v4 =	vld [tilespmem:s23+$0xFFFFFF30];
	[tilespmem:s20+$0xD0] =	vst v2;
	v2 =	vmax.f32 v5, $0.0e+00  }
0x20b: {  	v5 =	vld [tilespmem:s23+$0xFFFFFF40];
	v6 =	vmax.f32 v6, $0.0e+00;
	[tilespmem:s20+$0xE0] =	vst v2  }
0x20c: {  	v2 =	vld [tilespmem:s23+$0xFFFFFF50];
	v8 =	vmax.f32 v8, $0.0e+00;
	[tilespmem:s20+$0xFFFFFF00] =	vst v6;
	s20 =	smov.u32 s23  }
0x20d: {  	v6 =	vmax.f32 v7, $0.0e+00;
	v7 =	vld [tilespmem:s23+$0xFFFFFF60];
	[tilespmem:s23+$0xF0] =	vst v8  }
0x20e: {  	[tilespmem:s23+$0xFFFFFF10] =	vst v6;
	v3 =	vmax.f32 v3, $0.0e+00;
	v6 =	vld [tilespmem:s23+$0xFFFFFF70]  }
0x20f: {  	[tilespmem:s23+$0xFFFFFF20] =	vst v3;
	v3 =	vmax.f32 v4, $0.0e+00;
	v4 =	vld [tilespmem:s23+$0xFFFFFF80]  }
0x210: {  	[tilespmem:s23+$0xFFFFFF30] =	vst v3;
	v3 =	vmax.f32 v5, $0.0e+00;
	v5 =	vld [tilespmem:s23+$0xFFFFFF90]  }
0x211: {  	[tilespmem:s23+$0xFFFFFF40] =	vst v3;
	v2 =	vmax.f32 v2, $0.0e+00;
	v3 =	vld [tilespmem:s23+$0xFFFFFFA0]  }
0x212: {  	[tilespmem:s23+$0xFFFFFF50] =	vst v2;
	v2 =	vmax.f32 v7, $0.0e+00;
	v7 =	vld [tilespmem:s23+$0xFFFFFFB0]  }
0x213: {  	[tilespmem:s23+$0xFFFFFF60] =	vst v2;
	v2 =	vmax.f32 v6, $0.0e+00;
	v6 =	vld [tilespmem:s23+$0xFFFFFFC0]  }
0x214: {  	[tilespmem:s23+$0xFFFFFF70] =	vst v2;
	v2 =	vmax.f32 v4, $0.0e+00;
	v4 =	vld [tilespmem:s23+$0xFFFFFFD0]  }
0x215: {  	[tilespmem:s23+$0xFFFFFF80] =	vst v2;
	v2 =	vmax.f32 v5, $0.0e+00;
	v5 =	vld [tilespmem:s23+$0xFFFFFFE0]  }
0x216: {  	[tilespmem:s23+$0xFFFFFF90] =	vst v2;
	v2 =	vmax.f32 v3, $0.0e+00;
	v3 =	vld [tilespmem:s23+$0xFFFFFFF0]  }
0x217: {  	[tilespmem:s23+$0xFFFFFFA0] =	vst v2;
	v2 =	vmax.f32 v7, $0.0e+00;
	v7 =	vld [tilespmem:s23+$0x0]  }
0x218: {  	[tilespmem:s23+$0xFFFFFFB0] =	vst v2;
	v2 =	vmax.f32 v6, $0.0e+00;
	v6 =	vld [tilespmem:s23+$0x10]  }
0x219: {  	[tilespmem:s23+$0xFFFFFFC0] =	vst v2;
	v2 =	vmax.f32 v4, $0.0e+00;
	v4 =	vld [tilespmem:s23+$0x20]  }
0x21a: {  	[tilespmem:s23+$0xFFFFFFD0] =	vst v2;
	v2 =	vmax.f32 v5, $0.0e+00;
	v5 =	vld [tilespmem:s23+$0x30]  }
0x21b: {  	[tilespmem:s23+$0xFFFFFFE0] =	vst v2;
	v2 =	vmax.f32 v3, $0.0e+00;
	v3 =	vld [tilespmem:s23+$0x40]  }
0x21c: {  	[tilespmem:s23+$0xFFFFFFF0] =	vst v2;
	v2 =	vmax.f32 v7, $0.0e+00;
	v7 =	vld [tilespmem:s23+$0x50]  }
0x21d: {  	[tilespmem:s23+$0x0] =	vst v2;
	v2 =	vmax.f32 v6, $0.0e+00;
	v6 =	vld [tilespmem:s23+$0x60]  }
0x21e: {  	[tilespmem:s23+$0x10] =	vst v2;
	v2 =	vmax.f32 v4, $0.0e+00;
	v4 =	vld [tilespmem:s23+$0x70]  }
0x21f: {  	[tilespmem:s23+$0x20] =	vst v2;
	v2 =	vmax.f32 v5, $0.0e+00;
	v5 =	vld [tilespmem:s23+$0x80]  }
0x220: {  	[tilespmem:s23+$0x30] =	vst v2;
	v2 =	vmax.f32 v3, $0.0e+00;
	v8 =	vld [tilespmem:s23+$0x90]  }
0x221: {  	[tilespmem:s23+$0x40] =	vst v2;
	v2 =	vmax.f32 v7, $0.0e+00;
	v7 =	vld [tilespmem:s23+$0xA0]  }
.Ltmp4:
0x222: {  	[tilespmem:s23+$0x50] =	vst v2;
	v3 =	vmax.f32 v6, $0.0e+00;
	v2 =	vld [tilespmem:s23+$0xB0];
	(pc) =	sbr.rel @p0 .LBB2_11-.Ltmp4, $4  }
0x223: {  	[tilespmem:s23+$0x60] =	vst v3;
	v4 =	vmax.f32 v4, $0.0e+00;
	v3 =	vld [tilespmem:s23+$0xC0]  }
0x224: {  	[tilespmem:s23+$0x70] =	vst v4;
	v5 =	vmax.f32 v5, $0.0e+00;
	v4 =	vld [tilespmem:s23+$0xD0]  }
0x225: {  	[tilespmem:s23+$0x80] =	vst v5;
	v8 =	vmax.f32 v8, $0.0e+00;
	v5 =	vld [tilespmem:s23+$0xE0]  }
0x226: {  	s23 =	sadd.s32 $0x200, s23;
	v6 =	vld [tilespmem:s20+$0xFFFFFF00];
	[tilespmem:s20+$0x90] =	vst v8;
	v7 =	vmax.f32 v7, $0.0e+00  }
0x227: {  	[tilespmem:s20+$0xA0] =	vst v7;
	v2 =	vmax.f32 v2, $0.0e+00  }
0x228: {  	[tilespmem:s20+$0xB0] =	vst v2;
	v2 =	vmax.f32 v3, $0.0e+00  }
0x229: {  	[tilespmem:s20+$0xC0] =	vst v2;
	v2 =	vmax.f32 v4, $0.0e+00  }
0x22a: {  	[tilespmem:s20+$0xD0] =	vst v2;
	v2 =	vmax.f32 v5, $0.0e+00  }
0x22b: {  	v3 =	vmax.f32 v6, $0.0e+00;
	[tilespmem:s20+$0xE0] =	vst v2  }
0x22c: {  	[tilespmem:s20+$0xFFFFFF00] =	vst v3  }
0x22d: {  	[spmem:s25] =	stream.indirect.scatter.add.f32 [tilespmem:s2], [sflag:$0xD], $0x80, s8, s26, $0xb8;
	[tilespmem:$0x1BC78] =	vst v63  }
0x22e: {  	s4 =	simm.s32 $0xF  }
0x22f: {  	[spmem:s21] =	stream.indirect.scatter.add.f32 [tilespmem:s19], [sflag:$0x10], $0x1, s8, s26, $0xb8;
	[tilespmem:$0x1BC78] =	vst v63  }
0x230: {  	_ =	swait.ge [sflag:s4], $0x2800  }
0x231: {  	[sflag:s4] =	ssyncset.done $0x0  }
0x232: {  	s24 =	simm.s32 $0x12;
	[sflag:s4] =	ssyncadd.s32 $0xFFFFD800  }
0x233: {  	s20 =	smul.u32 $0xF0, s3;
	_ =	swait.ge [sflag:s24], $0x50  }
0x234: {  	s22 =	rddreg [dreg:$0x1b]  }
0x235: {  	[sflag:s24] =	ssyncset.done $0x0;
	s22 =	sadd.s32 s20, s22  }
0x236: {  	[sflag:s24] =	ssyncadd.s32 $0xFFFFFFB0;
	s23 =	sshll.u32 s22, $0x4  }
0x237: {  	s24 =	simm.s32 $0x5300;
	s22 =	sshrl.u32 s22, $0x3;
	s23 =	sadd.s32 s14, s23  }
0x238: {  	[tilespmem:s24], [sflag:$0x3] =	stream.linear.gather [hbm4b:s23+s13], $0x2800, $0x38;
	[tilespmem:$0x1BC78] =	vst v63  }
0x239: {  	s4 =	simm.s32 $0x100;
	s23 =	sadd.s32 s15, s22  }
0x23a: {  	[tilespmem:s4], [sflag:$0x6] =	stream.linear.gather [hbm4b:s23+s13], $0x50, $0x38;
	[tilespmem:$0x1BC78] =	vst v63  }
0x23b: {  	s22 =	sadd.s32 s16, s22  }
0x23c: {  	[tilespmem:s0], [sflag:$0x9] =	stream.linear.gather [hbm4b:s22+s13], $0x50, $0x38;
	[tilespmem:$0x1BC78] =	vst v63  }
0x23d: {  	s22 =	simm.s32 $0x3  }
0x23e: {  	_ =	swait.ge [sflag:s22], $0x2800  }
0x23f: {  	[sflag:s22] =	ssyncset.done $0x0  }
0x240: {  	s23 =	simm.s32 $0x6;
	[sflag:s22] =	ssyncadd.s32 $0xFFFFD800  }
0x241: {  	_ =	swait.ge [sflag:s23], $0x50  }
0x242: {  	[sflag:s23] =	ssyncset.done $0x0  }
0x243: {  	s22 =	simm.s32 $0x9;
	[sflag:s23] =	ssyncadd.s32 $0xFFFFFFB0  }
0x244: {  	_ =	swait.ge [sflag:s22], $0x50  }
0x245: {  	[sflag:s22] =	ssyncset.done $0x0  }
0x246: {  	[sflag:s22] =	ssyncadd.s32 $0xFFFFFFB0  }
0x247: {  	s23 =	rddreg [dreg:$0x0]  }
0x248: {  	[tilespmem:s24], [sflag:$0xC] =	stream.indirect.gather.add.f32 [hbm:s23], $0x80, s4, s26, $0xb8;
	[tilespmem:$0x1BC78] =	vst v63  }
0x249: {  	_ =	swait.ge [sflag:s1], $0x2800  }
0x24a: {  	[sflag:s1] =	ssyncset.done $0x0  }
0x24b: {  	s22 =	simm.s32 $0x2C00;
	[sflag:s1] =	ssyncadd.s32 $0xFFFFD800  }
0x24c: {  	v2 =	vld [tilespmem:s22+$0xFFFFFF10]  }
0x24d: {  	v8 =	vld [tilespmem:s22+$0xF0]  }
0x24e: {  	v3 =	vld [tilespmem:s22+$0xFFFFFF20]  }
0x24f: {  	v9 =	vld [tilespmem:s22+$0xFFFFFF80]  }
0x250: {  	v4 =	vld [tilespmem:s22+$0xFFFFFF30]  }
0x251: {  	v10 =	vld [tilespmem:s22+$0xFFFFFF90];
	v2 =	vmax.f32 v2, $0.0e+00  }
0x252: {  	v5 =	vld [tilespmem:s22+$0xFFFFFF40];
	v8 =	vmax.f32 v8, $0.0e+00;
	[tilespmem:s22+$0xFFFFFF10] =	vst v2  }
0x253: {  	v6 =	vld [tilespmem:s22+$0xFFFFFF50];
	v3 =	vmax.f32 v3, $0.0e+00;
	[tilespmem:s22+$0xF0] =	vst v8  }
0x254: {  	v7 =	vld [tilespmem:s22+$0xFFFFFF60];
	[tilespmem:s22+$0xFFFFFF20] =	vst v3;
	v3 =	vmax.f32 v9, $0.0e+00  }
0x255: {  	v2 =	vld [tilespmem:s22+$0xFFFFFF70];
	[tilespmem:s22+$0xFFFFFF80] =	vst v3;
	v3 =	vmax.f32 v4, $0.0e+00  }
0x256: {  	v11 =	vld [tilespmem:s22+$0xFFFFFFA0];
	[tilespmem:s22+$0xFFFFFF30] =	vst v3;
	v3 =	vmax.f32 v10, $0.0e+00  }
0x257: {  	v12 =	vld [tilespmem:s22+$0xFFFFFFB0];
	[tilespmem:s22+$0xFFFFFF90] =	vst v3;
	v3 =	vmax.f32 v5, $0.0e+00  }
0x258: {  	v8 =	vld [tilespmem:s22+$0xFFFFFFC0];
	[tilespmem:s22+$0xFFFFFF40] =	vst v3;
	v3 =	vmax.f32 v6, $0.0e+00  }
0x259: {  	v6 =	vld [tilespmem:s22+$0x0];
	[tilespmem:s22+$0xFFFFFF50] =	vst v3;
	v3 =	vmax.f32 v7, $0.0e+00  }
0x25a: {  	v62 =	vld [tilespmem:s22+$0xFFFFFFD0];
	v2 =	vmax.f32 v2, $0.0e+00;
	[tilespmem:s22+$0xFFFFFF60] =	vst v3  }
0x25b: {  	v3 =	vld [tilespmem:s22+$0x10];
	[tilespmem:s22+$0xFFFFFF70] =	vst v2;
	v2 =	vmax.f32 v11, $0.0e+00  }
0x25c: {  	v4 =	vld [tilespmem:s22+$0xFFFFFFE0];
	[tilespmem:s22+$0xFFFFFFA0] =	vst v2;
	v2 =	vmax.f32 v12, $0.0e+00  }
0x25d: {  	v5 =	vld [tilespmem:s22+$0xFFFFFFF0];
	[tilespmem:s22+$0xFFFFFFB0] =	vst v2;
	v2 =	vmax.f32 v8, $0.0e+00  }
0x25e: {  	v7 =	vld [tilespmem:s22+$0x20];
	[tilespmem:s22+$0xFFFFFFC0] =	vst v2;
	v2 =	vmax.f32 v6, $0.0e+00  }
0x25f: {  	v6 =	vld [tilespmem:s22+$0x50];
	[tilespmem:s22+$0x0] =	vst v2;
	v2 =	vmax.f32 v62, $0.0e+00  }
0x260: {  	v63 =	vld [tilespmem:s22+$0x30];
	[tilespmem:s22+$0xFFFFFFD0] =	vst v2;
	v2 =	vmax.f32 v3, $0.0e+00  }
0x261: {  	v8 =	vld [tilespmem:s22+$0x40];
	[tilespmem:s22+$0x10] =	vst v2;
	v2 =	vmax.f32 v4, $0.0e+00  }
0x262: {  	v3 =	vld [tilespmem:s22+$0x60];
	[tilespmem:s22+$0xFFFFFFE0] =	vst v2;
	v2 =	vmax.f32 v5, $0.0e+00  }
0x263: {  	v4 =	vld [tilespmem:s22+$0x80];
	[tilespmem:s22+$0xFFFFFFF0] =	vst v2;
	v2 =	vmax.f32 v7, $0.0e+00  }
0x264: {  	v5 =	vld [tilespmem:s22+$0x70];
	v6 =	vmax.f32 v6, $0.0e+00;
	[tilespmem:s22+$0x20] =	vst v2  }
0x265: {  	v7 =	vld [tilespmem:s22+$0x90];
	v2 =	vmax.f32 v63, $0.0e+00;
	[tilespmem:s22+$0x50] =	vst v6  }
0x266: {  	[tilespmem:s22+$0x30] =	vst v2;
	v2 =	vmax.f32 v8, $0.0e+00;
	v8 =	vld [tilespmem:s22+$0xA0]  }
0x267: {  	v6 =	vmax.f32 v3, $0.0e+00;
	[tilespmem:s22+$0x40] =	vst v2;
	v2 =	vld [tilespmem:s22+$0xB0]  }
0x268: {  	v3 =	vld [tilespmem:s22+$0xC0];
	[tilespmem:s22+$0x60] =	vst v6;
	v6 =	vmax.f32 v4, $0.0e+00  }
0x269: {  	v4 =	vld [tilespmem:s22+$0xD0];
	v5 =	vmax.f32 v5, $0.0e+00;
	[tilespmem:s22+$0x80] =	vst v6  }
0x26a: {  	[tilespmem:s22+$0x70] =	vst v5;
	v7 =	vmax.f32 v7, $0.0e+00;
	v5 =	vld [tilespmem:s22+$0xE0]  }
0x26b: {  	s0 =	simm.s32 $0x5300;
	s23 =	simm.s32 $0x0;
	s24 =	simm.s32 $0x2E00;
	v6 =	vld [tilespmem:s22+$0xFFFFFF00];
	[tilespmem:s22+$0x90] =	vst v7;
	v7 =	vmax.f32 v8, $0.0e+00  }
.LBB2_13:
0x26c: {  	v8 =	vld [tilespmem:s24+$0xF0];
	s23 =	sadd.s32 $0x4, s23;
	[tilespmem:s22+$0xA0] =	vst v7;
	v2 =	vmax.f32 v2, $0.0e+00  }
0x26d: {  	v7 =	vld [tilespmem:s24+$0xFFFFFF10];
	p0 =	slt.u32 s23, $0x4C;
	[tilespmem:s22+$0xB0] =	vst v2;
	v2 =	vmax.f32 v3, $0.0e+00  }
0x26e: {  	v3 =	vld [tilespmem:s24+$0xFFFFFF20];
	[tilespmem:s22+$0xC0] =	vst v2;
	v2 =	vmax.f32 v4, $0.0e+00  }
0x26f: {  	v4 =	vld [tilespmem:s24+$0xFFFFFF30];
	[tilespmem:s22+$0xD0] =	vst v2;
	v2 =	vmax.f32 v5, $0.0e+00  }
0x270: {  	v5 =	vld [tilespmem:s24+$0xFFFFFF40];
	v6 =	vmax.f32 v6, $0.0e+00;
	[tilespmem:s22+$0xE0] =	vst v2  }
0x271: {  	v2 =	vld [tilespmem:s24+$0xFFFFFF50];
	v8 =	vmax.f32 v8, $0.0e+00;
	[tilespmem:s22+$0xFFFFFF00] =	vst v6;
	s22 =	smov.u32 s24  }
0x272: {  	v6 =	vmax.f32 v7, $0.0e+00;
	v7 =	vld [tilespmem:s24+$0xFFFFFF60];
	[tilespmem:s24+$0xF0] =	vst v8  }
0x273: {  	[tilespmem:s24+$0xFFFFFF10] =	vst v6;
	v3 =	vmax.f32 v3, $0.0e+00;
	v6 =	vld [tilespmem:s24+$0xFFFFFF70]  }
0x274: {  	[tilespmem:s24+$0xFFFFFF20] =	vst v3;
	v3 =	vmax.f32 v4, $0.0e+00;
	v4 =	vld [tilespmem:s24+$0xFFFFFF80]  }
0x275: {  	[tilespmem:s24+$0xFFFFFF30] =	vst v3;
	v3 =	vmax.f32 v5, $0.0e+00;
	v5 =	vld [tilespmem:s24+$0xFFFFFF90]  }
0x276: {  	[tilespmem:s24+$0xFFFFFF40] =	vst v3;
	v2 =	vmax.f32 v2, $0.0e+00;
	v3 =	vld [tilespmem:s24+$0xFFFFFFA0]  }
0x277: {  	[tilespmem:s24+$0xFFFFFF50] =	vst v2;
	v2 =	vmax.f32 v7, $0.0e+00;
	v7 =	vld [tilespmem:s24+$0xFFFFFFB0]  }
0x278: {  	[tilespmem:s24+$0xFFFFFF60] =	vst v2;
	v2 =	vmax.f32 v6, $0.0e+00;
	v6 =	vld [tilespmem:s24+$0xFFFFFFC0]  }
0x279: {  	[tilespmem:s24+$0xFFFFFF70] =	vst v2;
	v2 =	vmax.f32 v4, $0.0e+00;
	v4 =	vld [tilespmem:s24+$0xFFFFFFD0]  }
0x27a: {  	[tilespmem:s24+$0xFFFFFF80] =	vst v2;
	v2 =	vmax.f32 v5, $0.0e+00;
	v5 =	vld [tilespmem:s24+$0xFFFFFFE0]  }
0x27b: {  	[tilespmem:s24+$0xFFFFFF90] =	vst v2;
	v2 =	vmax.f32 v3, $0.0e+00;
	v3 =	vld [tilespmem:s24+$0xFFFFFFF0]  }
0x27c: {  	[tilespmem:s24+$0xFFFFFFA0] =	vst v2;
	v2 =	vmax.f32 v7, $0.0e+00;
	v7 =	vld [tilespmem:s24+$0x0]  }
0x27d: {  	[tilespmem:s24+$0xFFFFFFB0] =	vst v2;
	v2 =	vmax.f32 v6, $0.0e+00;
	v6 =	vld [tilespmem:s24+$0x10]  }
0x27e: {  	[tilespmem:s24+$0xFFFFFFC0] =	vst v2;
	v2 =	vmax.f32 v4, $0.0e+00;
	v4 =	vld [tilespmem:s24+$0x20]  }
0x27f: {  	[tilespmem:s24+$0xFFFFFFD0] =	vst v2;
	v2 =	vmax.f32 v5, $0.0e+00;
	v5 =	vld [tilespmem:s24+$0x30]  }
0x280: {  	[tilespmem:s24+$0xFFFFFFE0] =	vst v2;
	v2 =	vmax.f32 v3, $0.0e+00;
	v3 =	vld [tilespmem:s24+$0x40]  }
0x281: {  	[tilespmem:s24+$0xFFFFFFF0] =	vst v2;
	v2 =	vmax.f32 v7, $0.0e+00;
	v7 =	vld [tilespmem:s24+$0x50]  }
0x282: {  	[tilespmem:s24+$0x0] =	vst v2;
	v2 =	vmax.f32 v6, $0.0e+00;
	v6 =	vld [tilespmem:s24+$0x60]  }
0x283: {  	[tilespmem:s24+$0x10] =	vst v2;
	v2 =	vmax.f32 v4, $0.0e+00;
	v4 =	vld [tilespmem:s24+$0x70]  }
0x284: {  	[tilespmem:s24+$0x20] =	vst v2;
	v2 =	vmax.f32 v5, $0.0e+00;
	v5 =	vld [tilespmem:s24+$0x80]  }
0x285: {  	[tilespmem:s24+$0x30] =	vst v2;
	v2 =	vmax.f32 v3, $0.0e+00;
	v8 =	vld [tilespmem:s24+$0x90]  }
0x286: {  	[tilespmem:s24+$0x40] =	vst v2;
	v2 =	vmax.f32 v7, $0.0e+00;
	v7 =	vld [tilespmem:s24+$0xA0]  }
.Ltmp5:
0x287: {  	[tilespmem:s24+$0x50] =	vst v2;
	v3 =	vmax.f32 v6, $0.0e+00;
	v2 =	vld [tilespmem:s24+$0xB0];
	(pc) =	sbr.rel @p0 .LBB2_13-.Ltmp5, $4  }
0x288: {  	[tilespmem:s24+$0x60] =	vst v3;
	v4 =	vmax.f32 v4, $0.0e+00;
	v3 =	vld [tilespmem:s24+$0xC0]  }
0x289: {  	[tilespmem:s24+$0x70] =	vst v4;
	v5 =	vmax.f32 v5, $0.0e+00;
	v4 =	vld [tilespmem:s24+$0xD0]  }
0x28a: {  	[tilespmem:s24+$0x80] =	vst v5;
	v8 =	vmax.f32 v8, $0.0e+00;
	v5 =	vld [tilespmem:s24+$0xE0]  }
0x28b: {  	s24 =	sadd.s32 $0x200, s24;
	v6 =	vld [tilespmem:s22+$0xFFFFFF00];
	[tilespmem:s22+$0x90] =	vst v8;
	v7 =	vmax.f32 v7, $0.0e+00  }
0x28c: {  	[tilespmem:s22+$0xA0] =	vst v7;
	v2 =	vmax.f32 v2, $0.0e+00  }
0x28d: {  	[tilespmem:s22+$0xB0] =	vst v2;
	v2 =	vmax.f32 v3, $0.0e+00  }
0x28e: {  	[tilespmem:s22+$0xC0] =	vst v2;
	v2 =	vmax.f32 v4, $0.0e+00  }
0x28f: {  	[tilespmem:s22+$0xD0] =	vst v2;
	v2 =	vmax.f32 v5, $0.0e+00  }
0x290: {  	v3 =	vmax.f32 v6, $0.0e+00;
	[tilespmem:s22+$0xE0] =	vst v2  }
0x291: {  	[tilespmem:s22+$0xFFFFFF00] =	vst v3  }
0x292: {  	[spmem:s25] =	stream.indirect.scatter.add.f32 [tilespmem:s28], [sflag:$0xE], $0x80, s30, s26, $0xb8;
	[tilespmem:$0x1BC78] =	vst v63  }
0x293: {  	_ = 	snop  }
0x294: {  	[spmem:s21] =	stream.indirect.scatter.add.f32 [tilespmem:s19], [sflag:$0x11], $0x1, s30, s26, $0xb8;
	[tilespmem:$0x1BC78] =	vst v63  }
0x295: {  	_ =	swait.ge [sflag:s7], $0x2800  }
0x296: {  	[sflag:s7] =	ssyncset.done $0x0  }
0x297: {  	[sflag:s7] =	ssyncadd.s32 $0xFFFFD800  }
0x298: {  	_ =	swait.ge [sflag:s10], $0x50  }
0x299: {  	s24 =	rddreg [dreg:$0x1f]  }
0x29a: {  	s22 =	sadd.s32 s20, s24  }
0x29b: {  	[sflag:s10] =	ssyncset.done $0x0;
	s23 =	sshll.u32 s22, $0x4  }
0x29c: {  	[sflag:s10] =	ssyncadd.s32 $0xFFFFFFB0;
	s22 =	sshrl.u32 s22, $0x3;
	s23 =	sadd.s32 s14, s23  }
0x29d: {  	[tilespmem:s2], [sflag:$0x1] =	stream.linear.gather [hbm4b:s23+s13], $0x2800, $0x38;
	[tilespmem:$0x1BC78] =	vst v63  }
0x29e: {  	s4 =	sadd.s32 s15, s22  }
0x29f: {  	[tilespmem:s13], [sflag:$0x4] =	stream.linear.gather [hbm4b:s4+s13], $0x50, $0x38;
	[tilespmem:$0x1BC78] =	vst v63  }
0x2a0: {  	s22 =	sadd.s32 s16, s22  }
0x2a1: {  	[tilespmem:s8], [sflag:$0x7] =	stream.linear.gather [hbm4b:s22+s13], $0x50, $0x38;
	[tilespmem:$0x1BC78] =	vst v63  }
0x2a2: {  	_ =	swait.ge [sflag:s9], $0x2800  }
0x2a3: {  	[sflag:s9] =	ssyncset.done $0x0  }
0x2a4: {  	[sflag:s9] =	ssyncadd.s32 $0xFFFFD800  }
0x2a5: {  	_ =	swait.ge [sflag:s11], $0x50  }
0x2a6: {  	[sflag:s11] =	ssyncset.done $0x0  }
0x2a7: {  	[sflag:s11] =	ssyncadd.s32 $0xFFFFFFB0  }
0x2a8: {  	_ =	swait.ge [sflag:s12], $0x50  }
0x2a9: {  	[sflag:s12] =	ssyncset.done $0x0  }
0x2aa: {  	[sflag:s12] =	ssyncadd.s32 $0xFFFFFFB0  }
0x2ab: {  	s4 =	simm.s32 $0xC;
	s24 =	rddreg [dreg:$0x0]  }
0x2ac: {  	[tilespmem:s2], [sflag:$0xA] =	stream.indirect.gather.add.f32 [hbm:s24], $0x80, s13, s26, $0xb8;
	[tilespmem:$0x1BC78] =	vst v63  }
0x2ad: {  	_ =	swait.ge [sflag:s4], $0x2800  }
0x2ae: {  	[sflag:s4] =	ssyncset.done $0x0  }
0x2af: {  	s22 =	simm.s32 $0x5400;
	[sflag:s4] =	ssyncadd.s32 $0xFFFFD800  }
0x2b0: {  	v2 =	vld [tilespmem:s22+$0xFFFFFF10]  }
0x2b1: {  	v8 =	vld [tilespmem:s22+$0xF0]  }
0x2b2: {  	v3 =	vld [tilespmem:s22+$0xFFFFFF20]  }
0x2b3: {  	v9 =	vld [tilespmem:s22+$0xFFFFFF80]  }
0x2b4: {  	v4 =	vld [tilespmem:s22+$0xFFFFFF30]  }
0x2b5: {  	v10 =	vld [tilespmem:s22+$0xFFFFFF90];
	v2 =	vmax.f32 v2, $0.0e+00  }
0x2b6: {  	v5 =	vld [tilespmem:s22+$0xFFFFFF40];
	v8 =	vmax.f32 v8, $0.0e+00;
	[tilespmem:s22+$0xFFFFFF10] =	vst v2  }
0x2b7: {  	v6 =	vld [tilespmem:s22+$0xFFFFFF50];
	v3 =	vmax.f32 v3, $0.0e+00;
	[tilespmem:s22+$0xF0] =	vst v8  }
0x2b8: {  	v7 =	vld [tilespmem:s22+$0xFFFFFF60];
	[tilespmem:s22+$0xFFFFFF20] =	vst v3;
	v3 =	vmax.f32 v9, $0.0e+00  }
0x2b9: {  	v2 =	vld [tilespmem:s22+$0xFFFFFF70];
	[tilespmem:s22+$0xFFFFFF80] =	vst v3;
	v3 =	vmax.f32 v4, $0.0e+00  }
0x2ba: {  	v11 =	vld [tilespmem:s22+$0xFFFFFFA0];
	[tilespmem:s22+$0xFFFFFF30] =	vst v3;
	v3 =	vmax.f32 v10, $0.0e+00  }
0x2bb: {  	v12 =	vld [tilespmem:s22+$0xFFFFFFB0];
	[tilespmem:s22+$0xFFFFFF90] =	vst v3;
	v3 =	vmax.f32 v5, $0.0e+00  }
0x2bc: {  	v8 =	vld [tilespmem:s22+$0xFFFFFFC0];
	[tilespmem:s22+$0xFFFFFF40] =	vst v3;
	v3 =	vmax.f32 v6, $0.0e+00  }
0x2bd: {  	v6 =	vld [tilespmem:s22+$0x0];
	[tilespmem:s22+$0xFFFFFF50] =	vst v3;
	v3 =	vmax.f32 v7, $0.0e+00  }
0x2be: {  	v62 =	vld [tilespmem:s22+$0xFFFFFFD0];
	v2 =	vmax.f32 v2, $0.0e+00;
	[tilespmem:s22+$0xFFFFFF60] =	vst v3  }
0x2bf: {  	v3 =	vld [tilespmem:s22+$0x10];
	[tilespmem:s22+$0xFFFFFF70] =	vst v2;
	v2 =	vmax.f32 v11, $0.0e+00  }
0x2c0: {  	v4 =	vld [tilespmem:s22+$0xFFFFFFE0];
	[tilespmem:s22+$0xFFFFFFA0] =	vst v2;
	v2 =	vmax.f32 v12, $0.0e+00  }
0x2c1: {  	v5 =	vld [tilespmem:s22+$0xFFFFFFF0];
	[tilespmem:s22+$0xFFFFFFB0] =	vst v2;
	v2 =	vmax.f32 v8, $0.0e+00  }
0x2c2: {  	v7 =	vld [tilespmem:s22+$0x20];
	[tilespmem:s22+$0xFFFFFFC0] =	vst v2;
	v2 =	vmax.f32 v6, $0.0e+00  }
0x2c3: {  	v6 =	vld [tilespmem:s22+$0x50];
	[tilespmem:s22+$0x0] =	vst v2;
	v2 =	vmax.f32 v62, $0.0e+00  }
0x2c4: {  	v63 =	vld [tilespmem:s22+$0x30];
	[tilespmem:s22+$0xFFFFFFD0] =	vst v2;
	v2 =	vmax.f32 v3, $0.0e+00  }
0x2c5: {  	v8 =	vld [tilespmem:s22+$0x40];
	[tilespmem:s22+$0x10] =	vst v2;
	v2 =	vmax.f32 v4, $0.0e+00  }
0x2c6: {  	v3 =	vld [tilespmem:s22+$0x60];
	[tilespmem:s22+$0xFFFFFFE0] =	vst v2;
	v2 =	vmax.f32 v5, $0.0e+00  }
0x2c7: {  	v4 =	vld [tilespmem:s22+$0x80];
	[tilespmem:s22+$0xFFFFFFF0] =	vst v2;
	v2 =	vmax.f32 v7, $0.0e+00  }
0x2c8: {  	v5 =	vld [tilespmem:s22+$0x70];
	v6 =	vmax.f32 v6, $0.0e+00;
	[tilespmem:s22+$0x20] =	vst v2  }
0x2c9: {  	v7 =	vld [tilespmem:s22+$0x90];
	v2 =	vmax.f32 v63, $0.0e+00;
	[tilespmem:s22+$0x50] =	vst v6  }
0x2ca: {  	[tilespmem:s22+$0x30] =	vst v2;
	v2 =	vmax.f32 v8, $0.0e+00;
	v8 =	vld [tilespmem:s22+$0xA0]  }
0x2cb: {  	v6 =	vmax.f32 v3, $0.0e+00;
	[tilespmem:s22+$0x40] =	vst v2;
	v2 =	vld [tilespmem:s22+$0xB0]  }
0x2cc: {  	v3 =	vld [tilespmem:s22+$0xC0];
	[tilespmem:s22+$0x60] =	vst v6;
	v6 =	vmax.f32 v4, $0.0e+00  }
0x2cd: {  	v4 =	vld [tilespmem:s22+$0xD0];
	v5 =	vmax.f32 v5, $0.0e+00;
	[tilespmem:s22+$0x80] =	vst v6  }
0x2ce: {  	[tilespmem:s22+$0x70] =	vst v5;
	v7 =	vmax.f32 v7, $0.0e+00;
	v5 =	vld [tilespmem:s22+$0xE0]  }
0x2cf: {  	s23 =	simm.s32 $0x0;
	s24 =	simm.s32 $0x5600;
	v6 =	vld [tilespmem:s22+$0xFFFFFF00];
	[tilespmem:s22+$0x90] =	vst v7;
	v7 =	vmax.f32 v8, $0.0e+00  }
.LBB2_15:
0x2d0: {  	v8 =	vld [tilespmem:s24+$0xF0];
	s23 =	sadd.s32 $0x4, s23;
	[tilespmem:s22+$0xA0] =	vst v7;
	v2 =	vmax.f32 v2, $0.0e+00  }
0x2d1: {  	v7 =	vld [tilespmem:s24+$0xFFFFFF10];
	p0 =	slt.u32 s23, $0x4C;
	[tilespmem:s22+$0xB0] =	vst v2;
	v2 =	vmax.f32 v3, $0.0e+00  }
0x2d2: {  	v3 =	vld [tilespmem:s24+$0xFFFFFF20];
	[tilespmem:s22+$0xC0] =	vst v2;
	v2 =	vmax.f32 v4, $0.0e+00  }
0x2d3: {  	v4 =	vld [tilespmem:s24+$0xFFFFFF30];
	[tilespmem:s22+$0xD0] =	vst v2;
	v2 =	vmax.f32 v5, $0.0e+00  }
0x2d4: {  	v5 =	vld [tilespmem:s24+$0xFFFFFF40];
	v6 =	vmax.f32 v6, $0.0e+00;
	[tilespmem:s22+$0xE0] =	vst v2  }
0x2d5: {  	v2 =	vld [tilespmem:s24+$0xFFFFFF50];
	v8 =	vmax.f32 v8, $0.0e+00;
	[tilespmem:s22+$0xFFFFFF00] =	vst v6;
	s22 =	smov.u32 s24  }
0x2d6: {  	v6 =	vmax.f32 v7, $0.0e+00;
	v7 =	vld [tilespmem:s24+$0xFFFFFF60];
	[tilespmem:s24+$0xF0] =	vst v8  }
0x2d7: {  	[tilespmem:s24+$0xFFFFFF10] =	vst v6;
	v3 =	vmax.f32 v3, $0.0e+00;
	v6 =	vld [tilespmem:s24+$0xFFFFFF70]  }
0x2d8: {  	[tilespmem:s24+$0xFFFFFF20] =	vst v3;
	v3 =	vmax.f32 v4, $0.0e+00;
	v4 =	vld [tilespmem:s24+$0xFFFFFF80]  }
0x2d9: {  	[tilespmem:s24+$0xFFFFFF30] =	vst v3;
	v3 =	vmax.f32 v5, $0.0e+00;
	v5 =	vld [tilespmem:s24+$0xFFFFFF90]  }
0x2da: {  	[tilespmem:s24+$0xFFFFFF40] =	vst v3;
	v2 =	vmax.f32 v2, $0.0e+00;
	v3 =	vld [tilespmem:s24+$0xFFFFFFA0]  }
0x2db: {  	[tilespmem:s24+$0xFFFFFF50] =	vst v2;
	v2 =	vmax.f32 v7, $0.0e+00;
	v7 =	vld [tilespmem:s24+$0xFFFFFFB0]  }
0x2dc: {  	[tilespmem:s24+$0xFFFFFF60] =	vst v2;
	v2 =	vmax.f32 v6, $0.0e+00;
	v6 =	vld [tilespmem:s24+$0xFFFFFFC0]  }
0x2dd: {  	[tilespmem:s24+$0xFFFFFF70] =	vst v2;
	v2 =	vmax.f32 v4, $0.0e+00;
	v4 =	vld [tilespmem:s24+$0xFFFFFFD0]  }
0x2de: {  	[tilespmem:s24+$0xFFFFFF80] =	vst v2;
	v2 =	vmax.f32 v5, $0.0e+00;
	v5 =	vld [tilespmem:s24+$0xFFFFFFE0]  }
0x2df: {  	[tilespmem:s24+$0xFFFFFF90] =	vst v2;
	v2 =	vmax.f32 v3, $0.0e+00;
	v3 =	vld [tilespmem:s24+$0xFFFFFFF0]  }
0x2e0: {  	[tilespmem:s24+$0xFFFFFFA0] =	vst v2;
	v2 =	vmax.f32 v7, $0.0e+00;
	v7 =	vld [tilespmem:s24+$0x0]  }
0x2e1: {  	[tilespmem:s24+$0xFFFFFFB0] =	vst v2;
	v2 =	vmax.f32 v6, $0.0e+00;
	v6 =	vld [tilespmem:s24+$0x10]  }
0x2e2: {  	[tilespmem:s24+$0xFFFFFFC0] =	vst v2;
	v2 =	vmax.f32 v4, $0.0e+00;
	v4 =	vld [tilespmem:s24+$0x20]  }
0x2e3: {  	[tilespmem:s24+$0xFFFFFFD0] =	vst v2;
	v2 =	vmax.f32 v5, $0.0e+00;
	v5 =	vld [tilespmem:s24+$0x30]  }
0x2e4: {  	[tilespmem:s24+$0xFFFFFFE0] =	vst v2;
	v2 =	vmax.f32 v3, $0.0e+00;
	v3 =	vld [tilespmem:s24+$0x40]  }
0x2e5: {  	[tilespmem:s24+$0xFFFFFFF0] =	vst v2;
	v2 =	vmax.f32 v7, $0.0e+00;
	v7 =	vld [tilespmem:s24+$0x50]  }
0x2e6: {  	[tilespmem:s24+$0x0] =	vst v2;
	v2 =	vmax.f32 v6, $0.0e+00;
	v6 =	vld [tilespmem:s24+$0x60]  }
0x2e7: {  	[tilespmem:s24+$0x10] =	vst v2;
	v2 =	vmax.f32 v4, $0.0e+00;
	v4 =	vld [tilespmem:s24+$0x70]  }
0x2e8: {  	[tilespmem:s24+$0x20] =	vst v2;
	v2 =	vmax.f32 v5, $0.0e+00;
	v5 =	vld [tilespmem:s24+$0x80]  }
0x2e9: {  	[tilespmem:s24+$0x30] =	vst v2;
	v2 =	vmax.f32 v3, $0.0e+00;
	v8 =	vld [tilespmem:s24+$0x90]  }
0x2ea: {  	[tilespmem:s24+$0x40] =	vst v2;
	v2 =	vmax.f32 v7, $0.0e+00;
	v7 =	vld [tilespmem:s24+$0xA0]  }
.Ltmp6:
0x2eb: {  	[tilespmem:s24+$0x50] =	vst v2;
	v3 =	vmax.f32 v6, $0.0e+00;
	v2 =	vld [tilespmem:s24+$0xB0];
	(pc) =	sbr.rel @p0 .LBB2_15-.Ltmp6, $4  }
0x2ec: {  	[tilespmem:s24+$0x60] =	vst v3;
	v4 =	vmax.f32 v4, $0.0e+00;
	v3 =	vld [tilespmem:s24+$0xC0]  }
0x2ed: {  	[tilespmem:s24+$0x70] =	vst v4;
	v5 =	vmax.f32 v5, $0.0e+00;
	v4 =	vld [tilespmem:s24+$0xD0]  }
0x2ee: {  	[tilespmem:s24+$0x80] =	vst v5;
	v8 =	vmax.f32 v8, $0.0e+00;
	v5 =	vld [tilespmem:s24+$0xE0]  }
0x2ef: {  	s24 =	sadd.s32 $0x200, s24;
	v6 =	vld [tilespmem:s22+$0xFFFFFF00];
	[tilespmem:s22+$0x90] =	vst v8;
	v7 =	vmax.f32 v7, $0.0e+00  }
0x2f0: {  	[tilespmem:s22+$0xA0] =	vst v7;
	v2 =	vmax.f32 v2, $0.0e+00  }
0x2f1: {  	[tilespmem:s22+$0xB0] =	vst v2;
	v2 =	vmax.f32 v3, $0.0e+00  }
0x2f2: {  	[tilespmem:s22+$0xC0] =	vst v2;
	v2 =	vmax.f32 v4, $0.0e+00  }
0x2f3: {  	[tilespmem:s22+$0xD0] =	vst v2;
	v2 =	vmax.f32 v5, $0.0e+00  }
0x2f4: {  	v3 =	vmax.f32 v6, $0.0e+00;
	[tilespmem:s22+$0xE0] =	vst v2  }
0x2f5: {  	s4 =	simm.s32 $0x280;
	[tilespmem:s22+$0xFFFFFF00] =	vst v3  }
0x2f6: {  	[spmem:s25] =	stream.indirect.scatter.add.f32 [tilespmem:s0], [sflag:$0xF], $0x80, s4, s26, $0xb8;
	[tilespmem:$0x1BC78] =	vst v63  }
0x2f7: {  	s0 =	simm.s32 $0x280  }
0x2f8: {  	[spmem:s21] =	stream.indirect.scatter.add.f32 [tilespmem:s19], [sflag:$0x12], $0x1, s0, s26, $0xb8;
	[tilespmem:$0x1BC78] =	vst v63  }
0x2f9: {  	_ =	swait.ge [sflag:s29], $0x2800  }
0x2fa: {  	[sflag:s29] =	ssyncset.done $0x0  }
0x2fb: {  	[sflag:s29] =	ssyncadd.s32 $0xFFFFD800  }
0x2fc: {  	_ =	swait.ge [sflag:s5], $0x50  }
0x2fd: {  	s4 =	sld [smem:$0x7F8];
	_ =	sdelay $0x2  }
0x2fe: {  	s20 =	sadd.s32 s20, s4  }
0x2ff: {  	s3 =	sadd.s32 $0x1, s3;
	[sflag:s5] =	ssyncset.done $0x0;
	s22 =	sshll.u32 s20, $0x4  }
0x300: {  	p0 =	sne.s32 s3, $0x29;
	[sflag:s5] =	ssyncadd.s32 $0xFFFFFFB0;
	s22 =	sadd.s32 s14, s22  }
0x301: {  	[tilespmem:s28], [sflag:$0x2] =	stream.linear.gather [hbm4b:s22+s13], $0x2800, $0x38;
	[tilespmem:$0x1BC78] =	vst v63  }
.Ltmp7:
0x302: {  	s20 =	sshrl.u32 s20, $0x3;
	(pc) =	sbr.rel @p0 .LBB2_10-.Ltmp7, $4  }
0x303: {  	s24 =	simm.s32 $0x80;
	s23 =	sadd.s32 s15, s20  }
0x304: {  	[tilespmem:s24], [sflag:$0x5] =	stream.linear.gather [hbm4b:s23+s13], $0x50, $0x38;
	[tilespmem:$0x1BC78] =	vst v63  }
0x305: {  	s20 =	sadd.s32 s16, s20  }
0x306: {  	[tilespmem:s30], [sflag:$0x8] =	stream.linear.gather [hbm4b:s20+s13], $0x50, $0x38;
	[tilespmem:$0x1BC78] =	vst v63  }
0x307: {  	_ =	swait.ge [sflag:s31], $0x2800  }
0x308: {  	[sflag:s31] =	ssyncset.done $0x0  }
0x309: {  	[sflag:s31] =	ssyncadd.s32 $0xFFFFD800  }
0x30a: {  	_ =	swait.ge [sflag:s6], $0x50  }
0x30b: {  	[sflag:s6] =	ssyncset.done $0x0  }
0x30c: {  	[sflag:s6] =	ssyncadd.s32 $0xFFFFFFB0  }
0x30d: {  	_ =	swait.ge [sflag:s17], $0x50  }
0x30e: {  	[sflag:s17] =	ssyncset.done $0x0  }
0x30f: {  	[sflag:s17] =	ssyncadd.s32 $0xFFFFFFB0  }
0x310: {  	s3 =	rddreg [dreg:$0x0]  }
0x311: {  	[tilespmem:s28], [sflag:$0xB] =	stream.indirect.gather.add.f32 [hbm:s3], $0x80, s24, s26, $0xb8;
	[tilespmem:$0x1BC78] =	vst v63  }
0x312: {  	_ =	swait.ge [sflag:s18], $0x2800  }
0x313: {  	[sflag:s18] =	ssyncset.done $0x0  }
0x314: {  	s3 =	simm.s32 $0x400;
	[sflag:s18] =	ssyncadd.s32 $0xFFFFD800  }
0x315: {  	v2 =	vld [tilespmem:s3+$0xFFFFFF10]  }
0x316: {  	v8 =	vld [tilespmem:s3+$0xF0]  }
0x317: {  	v3 =	vld [tilespmem:s3+$0xFFFFFF20]  }
0x318: {  	v9 =	vld [tilespmem:s3+$0xFFFFFF80]  }
0x319: {  	v4 =	vld [tilespmem:s3+$0xFFFFFF30]  }
0x31a: {  	v10 =	vld [tilespmem:s3+$0xFFFFFF90];
	v2 =	vmax.f32 v2, $0.0e+00  }
0x31b: {  	v5 =	vld [tilespmem:s3+$0xFFFFFF40];
	v8 =	vmax.f32 v8, $0.0e+00;
	[tilespmem:s3+$0xFFFFFF10] =	vst v2  }
0x31c: {  	v6 =	vld [tilespmem:s3+$0xFFFFFF50];
	v3 =	vmax.f32 v3, $0.0e+00;
	[tilespmem:s3+$0xF0] =	vst v8  }
0x31d: {  	v7 =	vld [tilespmem:s3+$0xFFFFFF60];
	[tilespmem:s3+$0xFFFFFF20] =	vst v3;
	v3 =	vmax.f32 v9, $0.0e+00  }
0x31e: {  	v2 =	vld [tilespmem:s3+$0xFFFFFF70];
	[tilespmem:s3+$0xFFFFFF80] =	vst v3;
	v3 =	vmax.f32 v4, $0.0e+00  }
0x31f: {  	v11 =	vld [tilespmem:s3+$0xFFFFFFA0];
	[tilespmem:s3+$0xFFFFFF30] =	vst v3;
	v3 =	vmax.f32 v10, $0.0e+00  }
0x320: {  	v12 =	vld [tilespmem:s3+$0xFFFFFFB0];
	[tilespmem:s3+$0xFFFFFF90] =	vst v3;
	v3 =	vmax.f32 v5, $0.0e+00  }
0x321: {  	v8 =	vld [tilespmem:s3+$0xFFFFFFC0];
	[tilespmem:s3+$0xFFFFFF40] =	vst v3;
	v3 =	vmax.f32 v6, $0.0e+00  }
0x322: {  	v6 =	vld [tilespmem:s3+$0x0];
	[tilespmem:s3+$0xFFFFFF50] =	vst v3;
	v3 =	vmax.f32 v7, $0.0e+00  }
0x323: {  	v62 =	vld [tilespmem:s3+$0xFFFFFFD0];
	v2 =	vmax.f32 v2, $0.0e+00;
	[tilespmem:s3+$0xFFFFFF60] =	vst v3  }
0x324: {  	v3 =	vld [tilespmem:s3+$0x10];
	[tilespmem:s3+$0xFFFFFF70] =	vst v2;
	v2 =	vmax.f32 v11, $0.0e+00  }
0x325: {  	v4 =	vld [tilespmem:s3+$0xFFFFFFE0];
	[tilespmem:s3+$0xFFFFFFA0] =	vst v2;
	v2 =	vmax.f32 v12, $0.0e+00  }
0x326: {  	v5 =	vld [tilespmem:s3+$0xFFFFFFF0];
	[tilespmem:s3+$0xFFFFFFB0] =	vst v2;
	v2 =	vmax.f32 v8, $0.0e+00  }
0x327: {  	v7 =	vld [tilespmem:s3+$0x20];
	[tilespmem:s3+$0xFFFFFFC0] =	vst v2;
	v2 =	vmax.f32 v6, $0.0e+00  }
0x328: {  	v6 =	vld [tilespmem:s3+$0x50];
	[tilespmem:s3+$0x0] =	vst v2;
	v2 =	vmax.f32 v62, $0.0e+00  }
0x329: {  	v63 =	vld [tilespmem:s3+$0x30];
	[tilespmem:s3+$0xFFFFFFD0] =	vst v2;
	v2 =	vmax.f32 v3, $0.0e+00  }
0x32a: {  	v8 =	vld [tilespmem:s3+$0x40];
	[tilespmem:s3+$0x10] =	vst v2;
	v2 =	vmax.f32 v4, $0.0e+00  }
0x32b: {  	v3 =	vld [tilespmem:s3+$0x60];
	[tilespmem:s3+$0xFFFFFFE0] =	vst v2;
	v2 =	vmax.f32 v5, $0.0e+00  }
0x32c: {  	v4 =	vld [tilespmem:s3+$0x80];
	[tilespmem:s3+$0xFFFFFFF0] =	vst v2;
	v2 =	vmax.f32 v7, $0.0e+00  }
0x32d: {  	v5 =	vld [tilespmem:s3+$0x70];
	v6 =	vmax.f32 v6, $0.0e+00;
	[tilespmem:s3+$0x20] =	vst v2  }
0x32e: {  	v7 =	vld [tilespmem:s3+$0x90];
	v2 =	vmax.f32 v63, $0.0e+00;
	[tilespmem:s3+$0x50] =	vst v6  }
0x32f: {  	[tilespmem:s3+$0x30] =	vst v2;
	v2 =	vmax.f32 v8, $0.0e+00;
	v8 =	vld [tilespmem:s3+$0xA0]  }
0x330: {  	v6 =	vmax.f32 v3, $0.0e+00;
	[tilespmem:s3+$0x40] =	vst v2;
	v2 =	vld [tilespmem:s3+$0xB0]  }
0x331: {  	v3 =	vld [tilespmem:s3+$0xC0];
	[tilespmem:s3+$0x60] =	vst v6;
	v6 =	vmax.f32 v4, $0.0e+00  }
0x332: {  	v4 =	vld [tilespmem:s3+$0xD0];
	v5 =	vmax.f32 v5, $0.0e+00;
	[tilespmem:s3+$0x80] =	vst v6  }
0x333: {  	[tilespmem:s3+$0x70] =	vst v5;
	v7 =	vmax.f32 v7, $0.0e+00;
	v5 =	vld [tilespmem:s3+$0xE0]  }
0x334: {  	s20 =	simm.s32 $0x0;
	s22 =	simm.s32 $0x600;
	v6 =	vld [tilespmem:s3+$0xFFFFFF00];
	[tilespmem:s3+$0x90] =	vst v7;
	v7 =	vmax.f32 v8, $0.0e+00  }
.LBB2_18:
0x335: {  	v8 =	vld [tilespmem:s22+$0xF0];
	s20 =	sadd.s32 $0x4, s20;
	[tilespmem:s3+$0xA0] =	vst v7;
	v2 =	vmax.f32 v2, $0.0e+00  }
0x336: {  	v7 =	vld [tilespmem:s22+$0xFFFFFF10];
	p0 =	slt.u32 s20, $0x4C;
	[tilespmem:s3+$0xB0] =	vst v2;
	v2 =	vmax.f32 v3, $0.0e+00  }
0x337: {  	v3 =	vld [tilespmem:s22+$0xFFFFFF20];
	[tilespmem:s3+$0xC0] =	vst v2;
	v2 =	vmax.f32 v4, $0.0e+00  }
0x338: {  	v4 =	vld [tilespmem:s22+$0xFFFFFF30];
	[tilespmem:s3+$0xD0] =	vst v2;
	v2 =	vmax.f32 v5, $0.0e+00  }
0x339: {  	v5 =	vld [tilespmem:s22+$0xFFFFFF40];
	v6 =	vmax.f32 v6, $0.0e+00;
	[tilespmem:s3+$0xE0] =	vst v2  }
0x33a: {  	v2 =	vld [tilespmem:s22+$0xFFFFFF50];
	v8 =	vmax.f32 v8, $0.0e+00;
	[tilespmem:s3+$0xFFFFFF00] =	vst v6;
	s3 =	smov.u32 s22  }
0x33b: {  	v6 =	vmax.f32 v7, $0.0e+00;
	v7 =	vld [tilespmem:s22+$0xFFFFFF60];
	[tilespmem:s22+$0xF0] =	vst v8  }
0x33c: {  	[tilespmem:s22+$0xFFFFFF10] =	vst v6;
	v3 =	vmax.f32 v3, $0.0e+00;
	v6 =	vld [tilespmem:s22+$0xFFFFFF70]  }
0x33d: {  	[tilespmem:s22+$0xFFFFFF20] =	vst v3;
	v3 =	vmax.f32 v4, $0.0e+00;
	v4 =	vld [tilespmem:s22+$0xFFFFFF80]  }
0x33e: {  	[tilespmem:s22+$0xFFFFFF30] =	vst v3;
	v3 =	vmax.f32 v5, $0.0e+00;
	v5 =	vld [tilespmem:s22+$0xFFFFFF90]  }
0x33f: {  	[tilespmem:s22+$0xFFFFFF40] =	vst v3;
	v2 =	vmax.f32 v2, $0.0e+00;
	v3 =	vld [tilespmem:s22+$0xFFFFFFA0]  }
0x340: {  	[tilespmem:s22+$0xFFFFFF50] =	vst v2;
	v2 =	vmax.f32 v7, $0.0e+00;
	v7 =	vld [tilespmem:s22+$0xFFFFFFB0]  }
0x341: {  	[tilespmem:s22+$0xFFFFFF60] =	vst v2;
	v2 =	vmax.f32 v6, $0.0e+00;
	v6 =	vld [tilespmem:s22+$0xFFFFFFC0]  }
0x342: {  	[tilespmem:s22+$0xFFFFFF70] =	vst v2;
	v2 =	vmax.f32 v4, $0.0e+00;
	v4 =	vld [tilespmem:s22+$0xFFFFFFD0]  }
0x343: {  	[tilespmem:s22+$0xFFFFFF80] =	vst v2;
	v2 =	vmax.f32 v5, $0.0e+00;
	v5 =	vld [tilespmem:s22+$0xFFFFFFE0]  }
0x344: {  	[tilespmem:s22+$0xFFFFFF90] =	vst v2;
	v2 =	vmax.f32 v3, $0.0e+00;
	v3 =	vld [tilespmem:s22+$0xFFFFFFF0]  }
0x345: {  	[tilespmem:s22+$0xFFFFFFA0] =	vst v2;
	v2 =	vmax.f32 v7, $0.0e+00;
	v7 =	vld [tilespmem:s22+$0x0]  }
0x346: {  	[tilespmem:s22+$0xFFFFFFB0] =	vst v2;
	v2 =	vmax.f32 v6, $0.0e+00;
	v6 =	vld [tilespmem:s22+$0x10]  }
0x347: {  	[tilespmem:s22+$0xFFFFFFC0] =	vst v2;
	v2 =	vmax.f32 v4, $0.0e+00;
	v4 =	vld [tilespmem:s22+$0x20]  }
0x348: {  	[tilespmem:s22+$0xFFFFFFD0] =	vst v2;
	v2 =	vmax.f32 v5, $0.0e+00;
	v5 =	vld [tilespmem:s22+$0x30]  }
0x349: {  	[tilespmem:s22+$0xFFFFFFE0] =	vst v2;
	v2 =	vmax.f32 v3, $0.0e+00;
	v3 =	vld [tilespmem:s22+$0x40]  }
0x34a: {  	[tilespmem:s22+$0xFFFFFFF0] =	vst v2;
	v2 =	vmax.f32 v7, $0.0e+00;
	v7 =	vld [tilespmem:s22+$0x50]  }
0x34b: {  	[tilespmem:s22+$0x0] =	vst v2;
	v2 =	vmax.f32 v6, $0.0e+00;
	v6 =	vld [tilespmem:s22+$0x60]  }
0x34c: {  	[tilespmem:s22+$0x10] =	vst v2;
	v2 =	vmax.f32 v4, $0.0e+00;
	v4 =	vld [tilespmem:s22+$0x70]  }
0x34d: {  	[tilespmem:s22+$0x20] =	vst v2;
	v2 =	vmax.f32 v5, $0.0e+00;
	v5 =	vld [tilespmem:s22+$0x80]  }
0x34e: {  	[tilespmem:s22+$0x30] =	vst v2;
	v2 =	vmax.f32 v3, $0.0e+00;
	v8 =	vld [tilespmem:s22+$0x90]  }
0x34f: {  	[tilespmem:s22+$0x40] =	vst v2;
	v2 =	vmax.f32 v7, $0.0e+00;
	v7 =	vld [tilespmem:s22+$0xA0]  }
.Ltmp8:
0x350: {  	[tilespmem:s22+$0x50] =	vst v2;
	v3 =	vmax.f32 v6, $0.0e+00;
	v2 =	vld [tilespmem:s22+$0xB0];
	(pc) =	sbr.rel @p0 .LBB2_18-.Ltmp8, $4  }
0x351: {  	[tilespmem:s22+$0x60] =	vst v3;
	v4 =	vmax.f32 v4, $0.0e+00;
	v3 =	vld [tilespmem:s22+$0xC0]  }
0x352: {  	[tilespmem:s22+$0x70] =	vst v4;
	v5 =	vmax.f32 v5, $0.0e+00;
	v4 =	vld [tilespmem:s22+$0xD0]  }
0x353: {  	[tilespmem:s22+$0x80] =	vst v5;
	v8 =	vmax.f32 v8, $0.0e+00;
	v5 =	vld [tilespmem:s22+$0xE0]  }
0x354: {  	s22 =	sadd.s32 $0x200, s22;
	v6 =	vld [tilespmem:s3+$0xFFFFFF00];
	[tilespmem:s3+$0x90] =	vst v8;
	v7 =	vmax.f32 v7, $0.0e+00  }
0x355: {  	[tilespmem:s3+$0xA0] =	vst v7;
	v2 =	vmax.f32 v2, $0.0e+00  }
0x356: {  	[tilespmem:s3+$0xB0] =	vst v2;
	v2 =	vmax.f32 v3, $0.0e+00  }
0x357: {  	[tilespmem:s3+$0xC0] =	vst v2;
	v2 =	vmax.f32 v4, $0.0e+00  }
0x358: {  	[tilespmem:s3+$0xD0] =	vst v2;
	v2 =	vmax.f32 v5, $0.0e+00  }
0x359: {  	v3 =	vmax.f32 v6, $0.0e+00;
	[tilespmem:s3+$0xE0] =	vst v2  }
0x35a: {  	[tilespmem:s3+$0xFFFFFF00] =	vst v3  }
0x35b: {  	[spmem:s25] =	stream.indirect.scatter.add.f32 [tilespmem:s2], [sflag:$0xD], $0x80, s8, s26, $0xb8;
	[tilespmem:$0x1BC78] =	vst v63  }
0x35c: {  	s23 =	simm.s32 $0xF  }
0x35d: {  	[spmem:s21] =	stream.indirect.scatter.add.f32 [tilespmem:s19], [sflag:$0x10], $0x1, s8, s26, $0xb8;
	[tilespmem:$0x1BC78] =	vst v63  }
0x35e: {  	_ =	swait.ge [sflag:s23], $0x2800  }
0x35f: {  	[sflag:s23] =	ssyncset.done $0x0  }
0x360: {  	s24 =	simm.s32 $0x12;
	[sflag:s23] =	ssyncadd.s32 $0xFFFFD800  }
0x361: {  	_ =	swait.ge [sflag:s24], $0x50  }
0x362: {  	[sflag:s24] =	ssyncset.done $0x0  }
0x363: {  	[sflag:s24] =	ssyncadd.s32 $0xFFFFFFB0  }
0x364: {  	_ =	swait.ge [sflag:s1], $0x2800  }
0x365: {  	[sflag:s1] =	ssyncset.done $0x0  }
0x366: {  	s3 =	simm.s32 $0x2C00;
	[sflag:s1] =	ssyncadd.s32 $0xFFFFD800  }
0x367: {  	v2 =	vld [tilespmem:s3+$0xFFFFFF10]  }
0x368: {  	v8 =	vld [tilespmem:s3+$0xF0]  }
0x369: {  	v3 =	vld [tilespmem:s3+$0xFFFFFF20]  }
0x36a: {  	v9 =	vld [tilespmem:s3+$0xFFFFFF80]  }
0x36b: {  	v4 =	vld [tilespmem:s3+$0xFFFFFF30]  }
0x36c: {  	v10 =	vld [tilespmem:s3+$0xFFFFFF90];
	v2 =	vmax.f32 v2, $0.0e+00  }
0x36d: {  	v5 =	vld [tilespmem:s3+$0xFFFFFF40];
	v8 =	vmax.f32 v8, $0.0e+00;
	[tilespmem:s3+$0xFFFFFF10] =	vst v2  }
0x36e: {  	v6 =	vld [tilespmem:s3+$0xFFFFFF50];
	v3 =	vmax.f32 v3, $0.0e+00;
	[tilespmem:s3+$0xF0] =	vst v8  }
0x36f: {  	v7 =	vld [tilespmem:s3+$0xFFFFFF60];
	[tilespmem:s3+$0xFFFFFF20] =	vst v3;
	v3 =	vmax.f32 v9, $0.0e+00  }
0x370: {  	v2 =	vld [tilespmem:s3+$0xFFFFFF70];
	[tilespmem:s3+$0xFFFFFF80] =	vst v3;
	v3 =	vmax.f32 v4, $0.0e+00  }
0x371: {  	v11 =	vld [tilespmem:s3+$0xFFFFFFA0];
	[tilespmem:s3+$0xFFFFFF30] =	vst v3;
	v3 =	vmax.f32 v10, $0.0e+00  }
0x372: {  	v12 =	vld [tilespmem:s3+$0xFFFFFFB0];
	[tilespmem:s3+$0xFFFFFF90] =	vst v3;
	v3 =	vmax.f32 v5, $0.0e+00  }
0x373: {  	v8 =	vld [tilespmem:s3+$0xFFFFFFC0];
	[tilespmem:s3+$0xFFFFFF40] =	vst v3;
	v3 =	vmax.f32 v6, $0.0e+00  }
0x374: {  	v6 =	vld [tilespmem:s3+$0x0];
	[tilespmem:s3+$0xFFFFFF50] =	vst v3;
	v3 =	vmax.f32 v7, $0.0e+00  }
0x375: {  	v62 =	vld [tilespmem:s3+$0xFFFFFFD0];
	v2 =	vmax.f32 v2, $0.0e+00;
	[tilespmem:s3+$0xFFFFFF60] =	vst v3  }
0x376: {  	v3 =	vld [tilespmem:s3+$0x10];
	[tilespmem:s3+$0xFFFFFF70] =	vst v2;
	v2 =	vmax.f32 v11, $0.0e+00  }
0x377: {  	v4 =	vld [tilespmem:s3+$0xFFFFFFE0];
	[tilespmem:s3+$0xFFFFFFA0] =	vst v2;
	v2 =	vmax.f32 v12, $0.0e+00  }
0x378: {  	v5 =	vld [tilespmem:s3+$0xFFFFFFF0];
	[tilespmem:s3+$0xFFFFFFB0] =	vst v2;
	v2 =	vmax.f32 v8, $0.0e+00  }
0x379: {  	v7 =	vld [tilespmem:s3+$0x20];
	[tilespmem:s3+$0xFFFFFFC0] =	vst v2;
	v2 =	vmax.f32 v6, $0.0e+00  }
0x37a: {  	v6 =	vld [tilespmem:s3+$0x50];
	[tilespmem:s3+$0x0] =	vst v2;
	v2 =	vmax.f32 v62, $0.0e+00  }
0x37b: {  	v63 =	vld [tilespmem:s3+$0x30];
	[tilespmem:s3+$0xFFFFFFD0] =	vst v2;
	v2 =	vmax.f32 v3, $0.0e+00  }
0x37c: {  	v8 =	vld [tilespmem:s3+$0x40];
	[tilespmem:s3+$0x10] =	vst v2;
	v2 =	vmax.f32 v4, $0.0e+00  }
0x37d: {  	v3 =	vld [tilespmem:s3+$0x60];
	[tilespmem:s3+$0xFFFFFFE0] =	vst v2;
	v2 =	vmax.f32 v5, $0.0e+00  }
0x37e: {  	v4 =	vld [tilespmem:s3+$0x80];
	[tilespmem:s3+$0xFFFFFFF0] =	vst v2;
	v2 =	vmax.f32 v7, $0.0e+00  }
0x37f: {  	v5 =	vld [tilespmem:s3+$0x70];
	v6 =	vmax.f32 v6, $0.0e+00;
	[tilespmem:s3+$0x20] =	vst v2  }
0x380: {  	v7 =	vld [tilespmem:s3+$0x90];
	v2 =	vmax.f32 v63, $0.0e+00;
	[tilespmem:s3+$0x50] =	vst v6  }
0x381: {  	[tilespmem:s3+$0x30] =	vst v2;
	v2 =	vmax.f32 v8, $0.0e+00  }
0x382: {  	v8 =	vld [tilespmem:s3+$0xA0];
	v6 =	vmax.f32 v3, $0.0e+00;
	[tilespmem:s3+$0x40] =	vst v2  }
0x383: {  	v2 =	vld [tilespmem:s3+$0xB0];
	[tilespmem:s3+$0x60] =	vst v6;
	v6 =	vmax.f32 v4, $0.0e+00  }
0x384: {  	v3 =	vld [tilespmem:s3+$0xC0];
	v5 =	vmax.f32 v5, $0.0e+00;
	[tilespmem:s3+$0x80] =	vst v6  }
0x385: {  	v4 =	vld [tilespmem:s3+$0xD0];
	[tilespmem:s3+$0x70] =	vst v5;
	v7 =	vmax.f32 v7, $0.0e+00  }
0x386: {  	v5 =	vld [tilespmem:s3+$0xE0];
	[tilespmem:s3+$0x90] =	vst v7  }
0x387: {  	s20 =	simm.s32 $0x0;
	s22 =	simm.s32 $0x2E00;
	v6 =	vld [tilespmem:s3+$0xFFFFFF00];
	v7 =	vmax.f32 v8, $0.0e+00;
	s4 =	sld [smem:$0x7F3]  }
.LBB2_20:
0x388: {  	v8 =	vld [tilespmem:s22+$0xF0];
	s20 =	sadd.s32 $0x4, s20;
	[tilespmem:s3+$0xA0] =	vst v7;
	v2 =	vmax.f32 v2, $0.0e+00  }
0x389: {  	v7 =	vld [tilespmem:s22+$0xFFFFFF10];
	p0 =	slt.u32 s20, $0x4C;
	[tilespmem:s3+$0xB0] =	vst v2;
	v2 =	vmax.f32 v3, $0.0e+00  }
0x38a: {  	v3 =	vld [tilespmem:s22+$0xFFFFFF20];
	[tilespmem:s3+$0xC0] =	vst v2;
	v2 =	vmax.f32 v4, $0.0e+00  }
0x38b: {  	v4 =	vld [tilespmem:s22+$0xFFFFFF30];
	[tilespmem:s3+$0xD0] =	vst v2;
	v2 =	vmax.f32 v5, $0.0e+00  }
0x38c: {  	v5 =	vld [tilespmem:s22+$0xFFFFFF40];
	v6 =	vmax.f32 v6, $0.0e+00;
	[tilespmem:s3+$0xE0] =	vst v2  }
0x38d: {  	v2 =	vld [tilespmem:s22+$0xFFFFFF50];
	v8 =	vmax.f32 v8, $0.0e+00;
	[tilespmem:s3+$0xFFFFFF00] =	vst v6;
	s3 =	smov.u32 s22  }
0x38e: {  	v6 =	vmax.f32 v7, $0.0e+00;
	v7 =	vld [tilespmem:s22+$0xFFFFFF60];
	[tilespmem:s22+$0xF0] =	vst v8  }
0x38f: {  	[tilespmem:s22+$0xFFFFFF10] =	vst v6;
	v3 =	vmax.f32 v3, $0.0e+00;
	v6 =	vld [tilespmem:s22+$0xFFFFFF70]  }
0x390: {  	[tilespmem:s22+$0xFFFFFF20] =	vst v3;
	v3 =	vmax.f32 v4, $0.0e+00;
	v4 =	vld [tilespmem:s22+$0xFFFFFF80]  }
0x391: {  	[tilespmem:s22+$0xFFFFFF30] =	vst v3;
	v3 =	vmax.f32 v5, $0.0e+00;
	v5 =	vld [tilespmem:s22+$0xFFFFFF90]  }
0x392: {  	[tilespmem:s22+$0xFFFFFF40] =	vst v3;
	v2 =	vmax.f32 v2, $0.0e+00;
	v3 =	vld [tilespmem:s22+$0xFFFFFFA0]  }
0x393: {  	[tilespmem:s22+$0xFFFFFF50] =	vst v2;
	v2 =	vmax.f32 v7, $0.0e+00;
	v7 =	vld [tilespmem:s22+$0xFFFFFFB0]  }
0x394: {  	[tilespmem:s22+$0xFFFFFF60] =	vst v2;
	v2 =	vmax.f32 v6, $0.0e+00;
	v6 =	vld [tilespmem:s22+$0xFFFFFFC0]  }
0x395: {  	[tilespmem:s22+$0xFFFFFF70] =	vst v2;
	v2 =	vmax.f32 v4, $0.0e+00;
	v4 =	vld [tilespmem:s22+$0xFFFFFFD0]  }
0x396: {  	[tilespmem:s22+$0xFFFFFF80] =	vst v2;
	v2 =	vmax.f32 v5, $0.0e+00;
	v5 =	vld [tilespmem:s22+$0xFFFFFFE0]  }
0x397: {  	[tilespmem:s22+$0xFFFFFF90] =	vst v2;
	v2 =	vmax.f32 v3, $0.0e+00;
	v3 =	vld [tilespmem:s22+$0xFFFFFFF0]  }
0x398: {  	[tilespmem:s22+$0xFFFFFFA0] =	vst v2;
	v2 =	vmax.f32 v7, $0.0e+00;
	v7 =	vld [tilespmem:s22+$0x0]  }
0x399: {  	[tilespmem:s22+$0xFFFFFFB0] =	vst v2;
	v2 =	vmax.f32 v6, $0.0e+00;
	v6 =	vld [tilespmem:s22+$0x10]  }
0x39a: {  	[tilespmem:s22+$0xFFFFFFC0] =	vst v2;
	v2 =	vmax.f32 v4, $0.0e+00;
	v4 =	vld [tilespmem:s22+$0x20]  }
0x39b: {  	[tilespmem:s22+$0xFFFFFFD0] =	vst v2;
	v2 =	vmax.f32 v5, $0.0e+00;
	v5 =	vld [tilespmem:s22+$0x30]  }
0x39c: {  	[tilespmem:s22+$0xFFFFFFE0] =	vst v2;
	v2 =	vmax.f32 v3, $0.0e+00;
	v3 =	vld [tilespmem:s22+$0x40]  }
0x39d: {  	[tilespmem:s22+$0xFFFFFFF0] =	vst v2;
	v2 =	vmax.f32 v7, $0.0e+00;
	v7 =	vld [tilespmem:s22+$0x50]  }
0x39e: {  	[tilespmem:s22+$0x0] =	vst v2;
	v2 =	vmax.f32 v6, $0.0e+00;
	v6 =	vld [tilespmem:s22+$0x60]  }
0x39f: {  	[tilespmem:s22+$0x10] =	vst v2;
	v2 =	vmax.f32 v4, $0.0e+00;
	v4 =	vld [tilespmem:s22+$0x70]  }
0x3a0: {  	[tilespmem:s22+$0x20] =	vst v2;
	v2 =	vmax.f32 v5, $0.0e+00;
	v5 =	vld [tilespmem:s22+$0x80]  }
0x3a1: {  	[tilespmem:s22+$0x30] =	vst v2;
	v2 =	vmax.f32 v3, $0.0e+00;
	v8 =	vld [tilespmem:s22+$0x90]  }
0x3a2: {  	[tilespmem:s22+$0x40] =	vst v2;
	v2 =	vmax.f32 v7, $0.0e+00;
	v7 =	vld [tilespmem:s22+$0xA0]  }
.Ltmp9:
0x3a3: {  	[tilespmem:s22+$0x50] =	vst v2;
	v3 =	vmax.f32 v6, $0.0e+00;
	v2 =	vld [tilespmem:s22+$0xB0];
	(pc) =	sbr.rel @p0 .LBB2_20-.Ltmp9, $4  }
0x3a4: {  	[tilespmem:s22+$0x60] =	vst v3;
	v4 =	vmax.f32 v4, $0.0e+00;
	v3 =	vld [tilespmem:s22+$0xC0]  }
0x3a5: {  	[tilespmem:s22+$0x70] =	vst v4;
	v5 =	vmax.f32 v5, $0.0e+00;
	v4 =	vld [tilespmem:s22+$0xD0]  }
0x3a6: {  	[tilespmem:s22+$0x80] =	vst v5;
	v8 =	vmax.f32 v8, $0.0e+00;
	v5 =	vld [tilespmem:s22+$0xE0]  }
0x3a7: {  	s22 =	sadd.s32 $0x200, s22;
	v6 =	vld [tilespmem:s3+$0xFFFFFF00];
	[tilespmem:s3+$0x90] =	vst v8;
	v7 =	vmax.f32 v7, $0.0e+00  }
0x3a8: {  	[tilespmem:s3+$0xA0] =	vst v7;
	v2 =	vmax.f32 v2, $0.0e+00  }
0x3a9: {  	[tilespmem:s3+$0xB0] =	vst v2;
	v2 =	vmax.f32 v3, $0.0e+00  }
0x3aa: {  	[tilespmem:s3+$0xC0] =	vst v2;
	v2 =	vmax.f32 v4, $0.0e+00  }
0x3ab: {  	[tilespmem:s3+$0xD0] =	vst v2;
	v2 =	vmax.f32 v5, $0.0e+00  }
0x3ac: {  	v3 =	vmax.f32 v6, $0.0e+00;
	[tilespmem:s3+$0xE0] =	vst v2  }
0x3ad: {  	[tilespmem:s3+$0xFFFFFF00] =	vst v3  }
0x3ae: {  	[spmem:s25] =	stream.indirect.scatter.add.f32 [tilespmem:s28], [sflag:$0xE], $0x80, s30, s26, $0xb8;
	[tilespmem:$0x1BC78] =	vst v63  }
0x3af: {  	_ = 	snop  }
0x3b0: {  	[spmem:s21] =	stream.indirect.scatter.add.f32 [tilespmem:s19], [sflag:$0x11], $0x1, s30, s26, $0xb8;
	[tilespmem:$0x1BC78] =	vst v63  }
0x3b1: {  	_ =	swait.ge [sflag:s7], $0x2800  }
0x3b2: {  	[sflag:s7] =	ssyncset.done $0x0  }
0x3b3: {  	[sflag:s7] =	ssyncadd.s32 $0xFFFFD800  }
0x3b4: {  	_ =	swait.ge [sflag:s10], $0x50  }
0x3b5: {  	[sflag:s10] =	ssyncset.done $0x0  }
0x3b6: {  	[sflag:s10] =	ssyncadd.s32 $0xFFFFFFB0  }
0x3b7: {  	_ =	swait.ge [sflag:s29], $0x2800  }
0x3b8: {  	[sflag:s29] =	ssyncset.done $0x0  }
0x3b9: {  	[sflag:s29] =	ssyncadd.s32 $0xFFFFD800  }
0x3ba: {  	_ =	swait.ge [sflag:s5], $0x50  }
0x3bb: {  	[sflag:s5] =	ssyncset.done $0x0  }
0x3bc: {  	[sflag:s5] =	ssyncadd.s32 $0xFFFFFFB0  }
0x3bd: {  	[bflag:$0x0] =	sbarrier.arrive $0xFFFF  }
0x3be: {  	s20 =	simm.s32 $0x13;
	s22 =	rddreg [dreg:$0xd]  }
0x3bf: {  	[tilespmem:s2], [sflag:$0x13] =	stream.linear.gather [spmem:s22], $0x2800, $0x38;
	[tilespmem:$0x1BC78] =	vst v63  }
0x3c0: {  	_ =	swait.ge [sflag:s20], $0x2800  }
0x3c1: {  	[sflag:s20] =	ssyncset.done $0x0  }
0x3c2: {  	s24 =	rddreg [dreg:$0x5];
	[sflag:s20] =	ssyncadd.s32 $0xFFFFD800  }
0x3c3: {  	[hbm4b:s24+s13] =	stream.linear.scatter [tilespmem:s2], [sflag:$0x13], $0x2800, $0x38;
	[tilespmem:$0x1BC78] =	vst v63  }
0x3c4: {  	_ =	swait.ge [sflag:s20], $0x2800  }
0x3c5: {  	[sflag:s20] =	ssyncset.done $0x0  }
0x3c6: {  	s23 =	rddreg [dreg:$0xe];
	[sflag:s20] =	ssyncadd.s32 $0xFFFFD800  }
0x3c7: {  	[tilespmem:s2], [sflag:$0x13] =	stream.linear.gather [spmem:s23], $0x2800, $0x38;
	[tilespmem:$0x1BC78] =	vst v63  }
0x3c8: {  	_ =	swait.ge [sflag:s20], $0x2800  }
0x3c9: {  	[sflag:s20] =	ssyncset.done $0x0  }
0x3ca: {  	s24 =	rddreg [dreg:$0x6];
	[sflag:s20] =	ssyncadd.s32 $0xFFFFD800  }
0x3cb: {  	[hbm4b:s24+s13] =	stream.linear.scatter [tilespmem:s2], [sflag:$0x13], $0x2800, $0x38;
	[tilespmem:$0x1BC78] =	vst v63  }
0x3cc: {  	_ =	swait.ge [sflag:s20], $0x2800  }
0x3cd: {  	[sflag:s20] =	ssyncset.done $0x0  }
0x3ce: {  	s23 =	rddreg [dreg:$0xf];
	[sflag:s20] =	ssyncadd.s32 $0xFFFFD800  }
0x3cf: {  	[tilespmem:s2], [sflag:$0x13] =	stream.linear.gather [spmem:s23], $0x2800, $0x38;
	[tilespmem:$0x1BC78] =	vst v63  }
0x3d0: {  	_ =	swait.ge [sflag:s20], $0x2800  }
0x3d1: {  	[sflag:s20] =	ssyncset.done $0x0  }
0x3d2: {  	s24 =	rddreg [dreg:$0x7];
	[sflag:s20] =	ssyncadd.s32 $0xFFFFD800  }
0x3d3: {  	[hbm4b:s24+s13] =	stream.linear.scatter [tilespmem:s2], [sflag:$0x13], $0x2800, $0x38;
	[tilespmem:$0x1BC78] =	vst v63  }
0x3d4: {  	_ =	swait.ge [sflag:s20], $0x2800  }
0x3d5: {  	[sflag:s20] =	ssyncset.done $0x0  }
0x3d6: {  	s23 =	rddreg [dreg:$0x10];
	[sflag:s20] =	ssyncadd.s32 $0xFFFFD800  }
0x3d7: {  	[tilespmem:s2], [sflag:$0x13] =	stream.linear.gather [spmem:s23], $0x2800, $0x38;
	[tilespmem:$0x1BC78] =	vst v63  }
0x3d8: {  	_ =	swait.ge [sflag:s20], $0x2800  }
0x3d9: {  	[sflag:s20] =	ssyncset.done $0x0  }
0x3da: {  	s24 =	rddreg [dreg:$0x8];
	[sflag:s20] =	ssyncadd.s32 $0xFFFFD800  }
0x3db: {  	[hbm4b:s24+s13] =	stream.linear.scatter [tilespmem:s2], [sflag:$0x13], $0x2800, $0x38;
	[tilespmem:$0x1BC78] =	vst v63  }
0x3dc: {  	_ =	swait.ge [sflag:s20], $0x2800  }
0x3dd: {  	[sflag:s20] =	ssyncset.done $0x0  }
0x3de: {  	s23 =	rddreg [dreg:$0x11];
	[sflag:s20] =	ssyncadd.s32 $0xFFFFD800  }
0x3df: {  	[tilespmem:s2], [sflag:$0x13] =	stream.linear.gather [spmem:s23], $0x2800, $0x38;
	[tilespmem:$0x1BC78] =	vst v63  }
0x3e0: {  	_ =	swait.ge [sflag:s20], $0x2800  }
0x3e1: {  	[sflag:s20] =	ssyncset.done $0x0  }
0x3e2: {  	s24 =	rddreg [dreg:$0x9];
	[sflag:s20] =	ssyncadd.s32 $0xFFFFD800  }
0x3e3: {  	[hbm4b:s24+s13] =	stream.linear.scatter [tilespmem:s2], [sflag:$0x13], $0x2800, $0x38;
	[tilespmem:$0x1BC78] =	vst v63  }
0x3e4: {  	_ =	swait.ge [sflag:s20], $0x2800  }
0x3e5: {  	[sflag:s20] =	ssyncset.done $0x0  }
0x3e6: {  	s23 =	rddreg [dreg:$0x12];
	[sflag:s20] =	ssyncadd.s32 $0xFFFFD800  }
0x3e7: {  	[tilespmem:s2], [sflag:$0x13] =	stream.linear.gather [spmem:s23], $0x2800, $0x38;
	[tilespmem:$0x1BC78] =	vst v63  }
0x3e8: {  	_ =	swait.ge [sflag:s20], $0x2800  }
0x3e9: {  	[sflag:s20] =	ssyncset.done $0x0  }
0x3ea: {  	s24 =	rddreg [dreg:$0xa];
	[sflag:s20] =	ssyncadd.s32 $0xFFFFD800  }
0x3eb: {  	[hbm4b:s24+s13] =	stream.linear.scatter [tilespmem:s2], [sflag:$0x13], $0x2800, $0x38;
	[tilespmem:$0x1BC78] =	vst v63  }
0x3ec: {  	_ =	swait.ge [sflag:s20], $0x2800  }
0x3ed: {  	[sflag:s20] =	ssyncset.done $0x0  }
0x3ee: {  	s23 =	rddreg [dreg:$0x13];
	[sflag:s20] =	ssyncadd.s32 $0xFFFFD800  }
0x3ef: {  	[tilespmem:s2], [sflag:$0x13] =	stream.linear.gather [spmem:s23], $0x2800, $0x38;
	[tilespmem:$0x1BC78] =	vst v63  }
0x3f0: {  	_ =	swait.ge [sflag:s20], $0x2800  }
0x3f1: {  	[sflag:s20] =	ssyncset.done $0x0  }
0x3f2: {  	s24 =	rddreg [dreg:$0xb];
	[sflag:s20] =	ssyncadd.s32 $0xFFFFD800  }
0x3f3: {  	[hbm4b:s24+s13] =	stream.linear.scatter [tilespmem:s2], [sflag:$0x13], $0x2800, $0x38;
	[tilespmem:$0x1BC78] =	vst v63  }
0x3f4: {  	_ =	swait.ge [sflag:s20], $0x2800  }
0x3f5: {  	[sflag:s20] =	ssyncset.done $0x0  }
0x3f6: {  	s23 =	rddreg [dreg:$0x14];
	[sflag:s20] =	ssyncadd.s32 $0xFFFFD800  }
0x3f7: {  	[tilespmem:s2], [sflag:$0x13] =	stream.linear.gather [spmem:s23], $0x2400, $0x38;
	[tilespmem:$0x1BC78] =	vst v63  }
0x3f8: {  	_ =	swait.ge [sflag:s20], $0x2400  }
0x3f9: {  	[sflag:s20] =	ssyncset.done $0x0  }
0x3fa: {  	s24 =	rddreg [dreg:$0xc];
	[sflag:s20] =	ssyncadd.s32 $0xFFFFDC00  }
0x3fb: {  	[hbm4b:s24+s13] =	stream.linear.scatter [tilespmem:s2], [sflag:$0x13], $0x2400, $0x38;
	[tilespmem:$0x1BC78] =	vst v63  }
0x3fc: {  	_ =	swait.ge [sflag:s20], $0x2400  }
0x3fd: {  	[sflag:s20] =	ssyncset.done $0x0  }
0x3fe: {  	s24 =	simm.s32 $0x7B80;
	s23 =	rddreg [dreg:$0x15];
	[sflag:s20] =	ssyncadd.s32 $0xFFFFDC00  }
0x3ff: {  	[tilespmem:s24], [sflag:$0x13] =	stream.linear.gather [spmem:s23], $0x278, $0x38;
	[tilespmem:$0x1BC78] =	vst v63  }
0x400: {  	_ =	swait.ge [sflag:s20], $0x278  }
0x401: {  	s3 =	sld [smem:$0x7FC]  }
0x402: {  	[sflag:s20] =	ssyncset.done $0x0  }
0x403: {  	[sflag:s20] =	ssyncadd.s32 $0xFFFFFD88  }
0x404: {  	[hbm4b:s3+s13] =	stream.linear.scatter [tilespmem:s24], [sflag:$0x13], $0x278, $0x38;
	[tilespmem:$0x1BC78] =	vst v63  }
0x405: {  	_ =	swait.ge [sflag:s20], $0x278  }
0x406: {  	s24 =	sld [smem:$0x7FD];
	_ =	sdelay $0x1  }
0x407: {  	s4 =	sadd.s32 $0x1, s4  }
0x408: {  	p0 =	sne.s32 s4, s24  }
.Ltmp10:
0x409: {  	_ = 	snop;
	(pc) =	sbr.rel @p0 .LBB2_1-.Ltmp10, $3  }
0x40a: {  	_ =	sdelay $0x1  }
0x40b: {  	[sflag:s20] =	ssyncset.done $0x0  }
0x40c: {  	s23 =	simm.s32 $0x7B80;
	[sflag:s20] =	ssyncadd.s32 $0xFFFFFD88;
	s24 =	simm.s32 $0x80  }
0x40d: {  	_ =	sfence.sel $0x180000  }
0x40e: {  	[bflag:$0x0] =	sbarrier.arrive $0xFFFF  }
0x40f: {  	_ =	strace $0x90000047  }
0x410: {  	s0 =	stileid.u32;
	[bflag:$0x2] =	sbarrier.arrive $0xFFFF  }
0x411: {  	p0 =	sne.s32 s0, $0x0;
	s0 =	rddreg [dreg:$0x4]  }
0x412: {  	s0 =	sadd.s32 @!p0 $0x100000, s0  }
0x413: {  	[sflag:s0] =	ssyncadd.tile.s32 @!p0 $0x1;
	_ =	shalt  }
.Lfunc_end2:
_tile_overlayer_lowered:
.L_overlay_start_2:
0x414: {  	(tag) =	ssettag $0x2  }
0x415: {  	s0 =	rddreg [dreg:$0x0];
	s2 =	stileid.u32  }
0x416: {  	s1 =	rddreg [dreg:$0x1];
	p0 =	sne.s32 s2, $0x0  }
0x417: {  	s3 =	rddreg [dreg:$0x2];
	[bflag:$0x3] =	sbarrier.arrive $0xFFFF;
	s2 =	simm.s32 @!p0 $0x1C13  }
0x418: {  	[timem:s3], [sflag:s2] =	dma.local @!p0 [hbm:s0], s1  }
0x419: {  	s0 =	simm.s32 @!p0 $0x13  }
0x41a: {  	_ =	swait.ge @!p0 [sflag:s0], s1  }
0x41b: {  	s1 =	ssub.s32 @!p0 $0x0, s1;
	[sflag:s0] =	ssyncset.done @!p0 $0x0  }
0x41c: {  	[sflag:s0] =	ssyncadd.s32 @!p0 s1  }
0x41d: {  	[bflag:$0x3] =	sbarrier.arrive $0xFFFF  }
0x41e: {  	_ =	shalt  }

</sc_bundles>
